<compile_context>
chip_gen: v7x
topology: tpu7x:2x2x1
jax: 0.10.2.dev20260603
libtpu: 0.0.44.dev20260713+nightly
codegen_flags: <defaults>
</compile_context>

<pallas_src>
import jax
import jax.numpy as jnp
from jax import lax
from jax.experimental import pallas as pl
from jax.experimental.pallas import tpu as pltpu
from jax.experimental.pallas import tpu_sc as plsc

N_NODES = 10000
N_EDGES = 320000
BATCH = 4096
DIM = 128

NT = 16
EC = N_EDGES // NT
CB = 624
CH = 640
NV_N = N_NODES // 16
NV_E = EC // 16
NV_C = CH // 16
UB = BATCH // NT



def _contract1(row, mat):
    return lax.dot_general(row, mat, (((1,), (1,)), ((), ())),
                           preferred_element_type=jnp.float32)


def _prep_body(itab_ref, w1_ref, w2_ref, wlT_ref, b1_ref, b2_ref,
               g0_ref, svec_ref):
    wiT = wlT_ref[:, 128:256]
    w2iT = _contract1(wiT, w2_ref[...])
    w12T = _contract1(w2iT, w1_ref[...])
    g0_ref[...] = _contract1(w12T, itab_ref[...]).reshape(N_NODES)
    s1 = jnp.sum(b1_ref[...] * w2iT)
    s2 = jnp.sum(b2_ref[...] * wiT)
    col = lax.broadcasted_iota(jnp.int32, (1, 32), 1)
    svec_ref[...] = jnp.where(col < 16, s1, s2).reshape(32)


def _prep(i_table, W1, W2, WlT, b1_2d, b2_2d):
    return pl.pallas_call(
        _prep_body,
        out_shape=[
            jax.ShapeDtypeStruct((N_NODES,), jnp.float32),
            jax.ShapeDtypeStruct((32,), jnp.float32),
        ],
    )(i_table, W1, W2, WlT, b1_2d, b2_2d)



def _sc_body(src_hbm, dst_hbm, x_hbm, g0_hbm, svec_hbm, user_hbm, utab_hbm,
             v_out, uemb_out,
             b_src, b_dst, b_g, b_dinv, b_acc, b_x, b_chunk, b_chunk2,
             b_svec, b_uidx, b_urows, sh_all, sh_g, sem):
    core = lax.axis_index("c")
    tid = lax.axis_index("s")

    @pl.when(core == 1)
    def _():
        pltpu.sync_copy(user_hbm.at[tid], b_uidx)
        for j in range(UB // 128):
            pltpu.async_copy(utab_hbm.at[b_uidx.at[j]],
                             b_urows.at[pl.ds(j * 128, 128)], sem).wait()
        pltpu.sync_copy(b_urows, uemb_out.at[pl.ds(tid * UB, UB)])

    def zero_acc():
        @plsc.parallel_loop(0, NV_N, unroll=8)
        def _(i):
            b_acc[pl.ds(i * 16, 16)] = jnp.zeros((16,), jnp.float32)

    def my_row_off(t):
        return pl.multiple_of(t * N_NODES + tid * CB, 8)

    def combine_my_chunk():
        pltpu.sync_copy(sh_all.at[pl.ds(my_row_off(0), CH)], b_chunk)
        for t in range(1, NT):
            pltpu.sync_copy(sh_all.at[pl.ds(my_row_off(t), CH)], b_chunk2)

            def addrow(i, c):
                b_chunk[pl.ds(i * 16, 16)] = (
                    b_chunk[pl.ds(i * 16, 16)] + b_chunk2[pl.ds(i * 16, 16)])
                return c
            lax.fori_loop(0, NV_C, addrow, 0)

    @pl.when(core == 0)
    def _():
        pltpu.sync_copy(src_hbm.at[pl.ds(tid * EC, EC)], b_src)
        pltpu.sync_copy(dst_hbm.at[pl.ds(tid * EC, EC)], b_dst)
        pltpu.sync_copy(svec_hbm, b_svec)
        zero_acc()
        ones = jnp.full((16,), 1.0, jnp.float32)

        def deg_step(i, c):
            dv = b_dst[pl.ds(i * 16, 16)]
            plsc.addupdate_scatter(b_acc, [dv], ones)
            return c
        lax.fori_loop(0, NV_E, deg_step, 0, unroll=16)
        pltpu.sync_copy(
            b_acc,
            sh_all.at[pl.ds(pl.multiple_of(tid * N_NODES, 8), N_NODES)])
    plsc.subcore_barrier()

    @pl.when(core == 0)
    def _():
        combine_my_chunk()

        def newton(i, c):
            d = b_chunk[pl.ds(i * 16, 16)] + 1.0
            bi = plsc.bitcast(d, jnp.int32)
            bi = 0x5F3759DF - lax.shift_right_arithmetic(bi, 1)
            y = plsc.bitcast(bi, jnp.float32)
            y = y * (1.5 - 0.5 * d * y * y)
            y = y * (1.5 - 0.5 * d * y * y)
            y = y * (1.5 - 0.5 * d * y * y)
            b_chunk[pl.ds(i * 16, 16)] = y
            return c
        lax.fori_loop(0, NV_C, newton, 0)
        pltpu.sync_copy(b_chunk, sh_g.at[pl.ds(tid * CB, CH)])
    plsc.subcore_barrier()
    @pl.when(core == 0)
    def _():
        pltpu.sync_copy(sh_g, b_dinv)
    plsc.subcore_barrier()

    @pl.when(core == 0)
    def _():
        pltpu.sync_copy(g0_hbm, b_g)
        pltpu.sync_copy(x_hbm.at[pl.ds(tid * CB, CH)], b_x)

        @plsc.parallel_loop(0, NV_C, unroll=4)
        def _(i):
            xi = b_x[pl.ds(i * 16, 16)]
            d16 = b_dinv[pl.ds(tid * CB + i * 16, 16)]
            b_chunk[pl.ds(i * 16, 16)] = plsc.load_gather(b_g, [xi]) * d16
        pltpu.sync_copy(b_chunk, sh_g.at[pl.ds(tid * CB, CH)])
    plsc.subcore_barrier()

    def graph_round(s_off, write_hbm):
        @pl.when(core == 0)
        def _():
            pltpu.sync_copy(sh_g, b_g)
            zero_acc()

            def edge_step(i, c):
                sv = b_src[pl.ds(i * 16, 16)]
                dv = b_dst[pl.ds(i * 16, 16)]
                ps = plsc.load_gather(b_g, [sv])
                plsc.addupdate_scatter(b_acc, [dv], ps)
                return c
            lax.fori_loop(0, NV_E, edge_step, 0, unroll=16)
            pltpu.sync_copy(
                b_acc,
                sh_all.at[pl.ds(pl.multiple_of(tid * N_NODES, 8), N_NODES)])
        plsc.subcore_barrier()

        @pl.when(core == 0)
        def _():
            combine_my_chunk()
            sv = b_svec[pl.ds(s_off, 16)]

            @plsc.parallel_loop(0, NV_C, unroll=4)
            def _(i):
                p16 = b_g[pl.ds(tid * CB + i * 16, 16)]
                d16 = b_dinv[pl.ds(tid * CB + i * 16, 16)]
                g_new = (b_chunk[pl.ds(i * 16, 16)] + p16) * d16 + sv
                if write_hbm:
                    b_chunk[pl.ds(i * 16, 16)] = g_new
                else:
                    b_chunk[pl.ds(i * 16, 16)] = g_new * d16
            if write_hbm:
                pltpu.sync_copy(b_chunk, v_out.at[pl.ds(tid * CB, CH)])
            else:
                pltpu.sync_copy(b_chunk, sh_g.at[pl.ds(tid * CB, CH)])
        if not write_hbm:
            plsc.subcore_barrier()

    graph_round(0, False)
    graph_round(16, True)


def _sc_graph(src, dst, x, g0, svec, user_r, u_table):
    mesh = plsc.VectorSubcoreMesh(core_axis_name="c", subcore_axis_name="s")
    f = pl.kernel(
        _sc_body,
        out_type=[
            jax.ShapeDtypeStruct((N_NODES,), jnp.float32),
            jax.ShapeDtypeStruct((BATCH, DIM), jnp.float32),
        ],
        mesh=mesh,
        scratch_types=[
            pltpu.VMEM((EC,), jnp.int32),
            pltpu.VMEM((EC,), jnp.int32),
            pltpu.VMEM((N_NODES,), jnp.float32),
            pltpu.VMEM((N_NODES,), jnp.float32),
            pltpu.VMEM((N_NODES,), jnp.float32),
            pltpu.VMEM((CH,), jnp.int32),
            pltpu.VMEM((CH,), jnp.float32),
            pltpu.VMEM((CH,), jnp.float32),
            pltpu.VMEM((32,), jnp.float32),
            pltpu.VMEM((UB // 128, 128), jnp.int32),
            pltpu.VMEM((UB, DIM), jnp.float32),
            pltpu.VMEM_SHARED((NT * N_NODES,), jnp.float32),
            pltpu.VMEM_SHARED((N_NODES,), jnp.float32),
            pltpu.SemaphoreType.DMA,
        ],
        compiler_params=pltpu.CompilerParams(needs_layout_passes=False),
    )
    return f(src, dst, x, g0, svec, user_r, u_table)



_BN = 512
_GN = BATCH // _BN


def _final_body(itemT_ref, v_ref, uemb_ref, wu_ref, bl_ref, out_ref):
    vrow = v_ref[...].reshape(1, N_NODES)
    part = jnp.dot(vrow, itemT_ref[...], preferred_element_type=jnp.float32)
    su = lax.dot_general(wu_ref[...], uemb_ref[...],
                         (((1,), (1,)), ((), ())),
                         preferred_element_type=jnp.float32)
    out_ref[...] = jax.nn.sigmoid(part + su + bl_ref[0, 0])


def _final(itemT, v, uemb, wu2d, bl2d):
    return pl.pallas_call(
        _final_body,
        grid=(_GN,),
        in_specs=[
            pl.BlockSpec((N_NODES, _BN), lambda n: (0, n)),
            pl.BlockSpec((N_NODES,), lambda n: (0,)),
            pl.BlockSpec((_BN, DIM), lambda n: (n, 0)),
            pl.BlockSpec((1, DIM), lambda n: (0, 0)),
            pl.BlockSpec((1, 1), lambda n: (0, 0)),
        ],
        out_specs=pl.BlockSpec((1, _BN), lambda n: (0, n)),
        out_shape=jax.ShapeDtypeStruct((1, BATCH), jnp.float32),
        compiler_params=pltpu.CompilerParams(
            dimension_semantics=("arbitrary",),
            vmem_limit_bytes=50 * 1024 * 1024),
    )(itemT, v, uemb, wu2d, bl2d)



def kernel(user, item, x, edge_index, u_table, i_table, W1, b1, W2, b2,
           Wl, bl):
    WlT = Wl.reshape(1, 2 * DIM)
    g0, svec = _prep(i_table, W1, W2, WlT,
                     b1.reshape(1, DIM), b2.reshape(1, DIM))
    src = edge_index[0].astype(jnp.int32)
    dst = edge_index[1].astype(jnp.int32)
    user_r = user.astype(jnp.int32).reshape(NT, UB // 128, 128)
    v, uemb = _sc_graph(src, dst, x.astype(jnp.int32), g0, svec,
                        user_r, u_table)
    wu2d = WlT[:, :DIM]
    out_row = _final(item.T, v, uemb, wu2d, bl.reshape(1, 1))
    return out_row.reshape(BATCH, 1)

# --- scband reference (transcript-rebuilt; emitter-appended) ---
"""Pipeline reference for scband-model-60533269070089 (READ-ONLY COPY).

The authoritative reference and input builder live on the scoring server;
editing this copy changes nothing except your own understanding.
"""

import jax, jax.numpy as jnp
import numpy as np

N_USERS = 100000
N_NODES = 10000
N_EDGES = 320000
BATCH = 4096
DIM = 128
HID1 = 128
HID2 = 128


def setup_inputs(seed: int = 0) -> dict:
    key = jax.random.key(seed)
    ks = jax.random.split(key, 12)
    user = jax.random.randint(ks[0], (BATCH,), 0, N_USERS)
    item = jax.random.uniform(ks[1], (BATCH, N_NODES), dtype=jnp.float32)
    x = jnp.arange(N_NODES, dtype=jnp.int64) if jax.config.read('jax_enable_x64') else jnp.arange(N_NODES, dtype=jnp.int32)
    edge_index = jax.random.randint(ks[2], (2, N_EDGES), 0, N_NODES)
    u_table = jax.random.normal(ks[3], (N_USERS, DIM), dtype=jnp.float32) * 0.05
    i_table = jax.random.normal(ks[4], (N_NODES, HID1), dtype=jnp.float32) * 0.05
    W1 = jax.random.normal(ks[5], (HID1, HID2), dtype=jnp.float32) * (1.0 / np.sqrt(HID1))
    b1 = jnp.zeros((HID2,), dtype=jnp.float32)
    W2 = jax.random.normal(ks[6], (HID2, DIM), dtype=jnp.float32) * (1.0 / np.sqrt(HID2))
    b2 = jnp.zeros((DIM,), dtype=jnp.float32)
    Wl = jax.random.normal(ks[7], (DIM + DIM, 1), dtype=jnp.float32) * (1.0 / np.sqrt(DIM + DIM))
    bl = jnp.zeros((1,), dtype=jnp.float32)
    return {"user": user, "item": item, "x": x, "edge_index": edge_index,
            "u_table": u_table, "i_table": i_table,
            "W1": W1, "b1": b1, "W2": W2, "b2": b2, "Wl": Wl, "bl": bl}


def reference(user, item, x, edge_index, u_table, i_table, W1, b1, W2, b2, Wl, bl):
    N = i_table.shape[0]
    # i_embedding lookup (graph.x node ids)
    h = jnp.take(i_table, x, axis=0)
    src = edge_index[0]
    dst = edge_index[1]
    # GCNConv: add self-loops, symmetric normalization
    loop = jnp.arange(N)
    src_f = jnp.concatenate([src, loop])
    dst_f = jnp.concatenate([dst, loop])
    deg = jnp.zeros((N,), dtype=jnp.float32).at[dst_f].add(1.0)
    dinv = 1.0 / jnp.sqrt(jnp.clip(deg, 1.0))
    norm = dinv[src_f] * dinv[dst_f]
    for W, b in ((W1, b1), (W2, b2)):
        hw = h @ W
        msg = jnp.take(hw, src_f, axis=0) * norm[:, None]
        h = jax.ops.segment_sum(msg, dst_f, num_segments=N) + b
    # item is a dense selection/weight matrix over nodes
    i_out = item @ h  # [B, DIM]
    u_emb = jnp.take(u_table, user, axis=0)  # [B, DIM]
    out = jnp.concatenate([u_emb, i_out], axis=1)
    out = out @ Wl + bl
    return jax.nn.sigmoid(out)

if __name__ == "__main__":
    import jax
    _d = setup_inputs()
    print(jax.jit(kernel)(*tuple(_d.values())))

</pallas_src>

<mosaic_0001>
#map = affine_map<(d0, d1) -> (0)>
#map1 = affine_map<(d0, d1) -> (0, 0, 0)>
#map2 = affine_map<(d0, d1) -> (0, 0)>
module attributes {stable_mosaic.version = 14 : i64} {
  func.func @_sc_body(%arg0: i32, %arg1: i32, %arg2: memref<320000xi32, #tpu.memory_space<hbm>>, %arg3: memref<320000xi32, #tpu.memory_space<hbm>>, %arg4: memref<10000xi32, #tpu.memory_space<hbm>>, %arg5: memref<10000xf32, #tpu.memory_space<hbm>>, %arg6: memref<32xf32, #tpu.memory_space<hbm>>, %arg7: memref<16x2x128xi32, #tpu.memory_space<hbm>>, %arg8: memref<100000x128xf32, #tpu.memory_space<hbm>>, %arg9: memref<10000xf32, #tpu.memory_space<hbm>>, %arg10: memref<4096x128xf32, #tpu.memory_space<hbm>>, %arg11: memref<20000xi32, #tpu.memory_space<vmem>>, %arg12: memref<20000xi32, #tpu.memory_space<vmem>>, %arg13: memref<10000xf32, #tpu.memory_space<vmem>>, %arg14: memref<10000xf32, #tpu.memory_space<vmem>>, %arg15: memref<10000xf32, #tpu.memory_space<vmem>>, %arg16: memref<640xi32, #tpu.memory_space<vmem>>, %arg17: memref<640xf32, #tpu.memory_space<vmem>>, %arg18: memref<640xf32, #tpu.memory_space<vmem>>, %arg19: memref<32xf32, #tpu.memory_space<vmem>>, %arg20: memref<2x128xi32, #tpu.memory_space<vmem>>, %arg21: memref<256x128xf32, #tpu.memory_space<vmem>>, %arg22: memref<160000xf32, #tpu.memory_space<vmem_shared>>, %arg23: memref<10000xf32, #tpu.memory_space<vmem_shared>>, %arg24: memref<!tpu.dma_semaphore, #tpu.memory_space<semaphore_mem>>) attributes {dimension_semantics = [#tpu.dimension_semantics<core_parallel>, #tpu.dimension_semantics<subcore_parallel>], iteration_bounds = array<i64: 2, 16>, scalar_prefetch = 0 : i64, scratch_operands = 14 : i64, tpu.core_type = #tpu.core_type<sc_vector_subcore>, window_params = [{transform_indices = #map}, {transform_indices = #map}, {transform_indices = #map}, {transform_indices = #map}, {transform_indices = #map}, {transform_indices = #map1}, {transform_indices = #map2}, {transform_indices = #map}, {transform_indices = #map2}]} {
    %eq3A = arith.constant 1 : i32
    %eq3A_0 = arith.cmpi eq, %arg0, %eq3A : i32
    %convert_element_type3A = arith.extui %eq3A_0 : i1 to i32
    %cond3A = arith.constant 0 : i32
    %cond3A_1 = arith.cmpi ne, %convert_element_type3A, %cond3A : i32
    scf.if %cond3A_1 {
      "tpu.region"() ({
        %run_scoped3A = tpu.sem_alloc : memref<!tpu.dma_semaphore, #tpu.memory_space<semaphore_mem>>
        %dma_start3A_87 = arith.constant 0 : i32
        %dma_start3A_88 = arith.constant 0 : i32
        %dma_start3A_89 = tpu.memref_slice %arg7[%arg1, %dma_start3A_87, %dma_start3A_88] : memref<16x2x128xi32, #tpu.memory_space<hbm>> -> memref<1x2x128xi32, #tpu.memory_space<hbm>>
        %dma_start3A_90 = tpu.memref_squeeze %dma_start3A_89 : memref<1x2x128xi32, #tpu.memory_space<hbm>> -> memref<2x128xi32, #tpu.memory_space<hbm>>
        %dma_start3A_91 = arith.constant 0 : i32
        %dma_start3A_92 = arith.constant 0 : i32
        %dma_start3A_93 = tpu.memref_slice %arg7[%arg1, %dma_start3A_91, %dma_start3A_92] : memref<16x2x128xi32, #tpu.memory_space<hbm>> -> memref<1x2x128xi32, #tpu.memory_space<hbm>>
        %dma_start3A_94 = tpu.memref_squeeze %dma_start3A_93 : memref<1x2x128xi32, #tpu.memory_space<hbm>> -> memref<2x128xi32, #tpu.memory_space<hbm>>
        tpu.enqueue_dma source(%dma_start3A_94 : memref<2x128xi32, #tpu.memory_space<hbm>>) target(%arg20 : memref<2x128xi32, #tpu.memory_space<vmem>>) target_semaphore(%run_scoped3A : memref<!tpu.dma_semaphore, #tpu.memory_space<semaphore_mem>>)
        %dma_wait3A_95 = arith.constant 0 : i32
        %dma_wait3A_96 = arith.constant 0 : i32
        %dma_wait3A_97 = tpu.memref_slice %arg7[%arg1, %dma_wait3A_95, %dma_wait3A_96] : memref<16x2x128xi32, #tpu.memory_space<hbm>> -> memref<1x2x128xi32, #tpu.memory_space<hbm>>
        %dma_wait3A_98 = tpu.memref_squeeze %dma_wait3A_97 : memref<1x2x128xi32, #tpu.memory_space<hbm>> -> memref<2x128xi32, #tpu.memory_space<hbm>>
        %dma_wait3A_99 = arith.constant 0 : i32
        %dma_wait3A_100 = arith.constant 0 : i32
        %dma_wait3A_101 = tpu.memref_slice %arg7[%arg1, %dma_wait3A_99, %dma_wait3A_100] : memref<16x2x128xi32, #tpu.memory_space<hbm>> -> memref<1x2x128xi32, #tpu.memory_space<hbm>>
        %dma_wait3A_102 = tpu.memref_squeeze %dma_wait3A_101 : memref<1x2x128xi32, #tpu.memory_space<hbm>> -> memref<2x128xi32, #tpu.memory_space<hbm>>
        tpu.wait_dma2 semaphore(%run_scoped3A : memref<!tpu.dma_semaphore, #tpu.memory_space<semaphore_mem>>) src(%dma_wait3A_102 : memref<2x128xi32, #tpu.memory_space<hbm>>) dst(%arg20 : memref<2x128xi32, #tpu.memory_space<vmem>>)
        tpu.yield
      }) : () -> ()
      %dma_start3A = arith.constant 0 : i32
      %dma_start3A_48 = arith.constant 0 : i32
      %dma_start3A_49 = arith.constant 0 : i32
      %dma_start3A_50 = tpu.memref_slice %arg21[%dma_start3A_48, %dma_start3A_49] : memref<256x128xf32, #tpu.memory_space<vmem>> -> memref<128x128xf32, #tpu.memory_space<vmem>>
      %dma_start3A_51 = arith.constant 0 : i32
      %dma_start3A_52 = tpu.memref_slice %arg20[%dma_start3A, %dma_start3A_51] : memref<2x128xi32, #tpu.memory_space<vmem>> -> memref<1x128xi32, #tpu.memory_space<vmem>>
      %dma_start3A_53 = tpu.memref_squeeze %dma_start3A_52 : memref<1x128xi32, #tpu.memory_space<vmem>> -> memref<128xi32, #tpu.memory_space<vmem>>
      %dma_start3A_54 = arith.constant 0 : i32
      %dma_start3A_55 = arith.constant 0 : i32
      %dma_start3A_56 = tpu.memref_slice %arg8[%dma_start3A_54, %dma_start3A_55] : memref<100000x128xf32, #tpu.memory_space<hbm>> -> memref<100000x128xf32, #tpu.memory_space<hbm>>
      tpu.enqueue_indirect_dma source(%dma_start3A_56 : memref<100000x128xf32, #tpu.memory_space<hbm>>) target(%dma_start3A_50 : memref<128x128xf32, #tpu.memory_space<vmem>>) offsets(%dma_start3A_53 : memref<128xi32, #tpu.memory_space<vmem>>) semaphore(%arg24 : memref<!tpu.dma_semaphore, #tpu.memory_space<semaphore_mem>>)
      %dma_wait3A = arith.constant 0 : i32
      %dma_wait3A_57 = arith.constant 0 : i32
      %dma_wait3A_58 = arith.constant 0 : i32
      %dma_wait3A_59 = tpu.memref_slice %arg21[%dma_wait3A_57, %dma_wait3A_58] : memref<256x128xf32, #tpu.memory_space<vmem>> -> memref<128x128xf32, #tpu.memory_space<vmem>>
      %dma_wait3A_60 = arith.constant 0 : i32
      %dma_wait3A_61 = tpu.memref_slice %arg20[%dma_wait3A, %dma_wait3A_60] : memref<2x128xi32, #tpu.memory_space<vmem>> -> memref<1x128xi32, #tpu.memory_space<vmem>>
      %dma_wait3A_62 = tpu.memref_squeeze %dma_wait3A_61 : memref<1x128xi32, #tpu.memory_space<vmem>> -> memref<128xi32, #tpu.memory_space<vmem>>
      %dma_wait3A_63 = arith.constant 0 : i32
      %dma_wait3A_64 = arith.constant 0 : i32
      %dma_wait3A_65 = tpu.memref_slice %arg8[%dma_wait3A_63, %dma_wait3A_64] : memref<100000x128xf32, #tpu.memory_space<hbm>> -> memref<100000x128xf32, #tpu.memory_space<hbm>>
      tpu.wait_indirect_dma semaphore(%arg24 : memref<!tpu.dma_semaphore, #tpu.memory_space<semaphore_mem>>) src(%dma_wait3A_65 : memref<100000x128xf32, #tpu.memory_space<hbm>>) dst(%dma_wait3A_59 : memref<128x128xf32, #tpu.memory_space<vmem>>)
      %dma_start3A_66 = arith.constant 1 : i32
      %dma_start3A_67 = arith.constant 128 : i32
      %dma_start3A_68 = arith.constant 0 : i32
      %dma_start3A_69 = tpu.memref_slice %arg21[%dma_start3A_67, %dma_start3A_68] : memref<256x128xf32, #tpu.memory_space<vmem>> -> memref<128x128xf32, #tpu.memory_space<vmem>>
      %dma_start3A_70 = arith.constant 0 : i32
      %dma_start3A_71 = tpu.memref_slice %arg20[%dma_start3A_66, %dma_start3A_70] : memref<2x128xi32, #tpu.memory_space<vmem>> -> memref<1x128xi32, #tpu.memory_space<vmem>>
      %dma_start3A_72 = tpu.memref_squeeze %dma_start3A_71 : memref<1x128xi32, #tpu.memory_space<vmem>> -> memref<128xi32, #tpu.memory_space<vmem>>
      %dma_start3A_73 = arith.constant 0 : i32
      %dma_start3A_74 = arith.constant 0 : i32
      %dma_start3A_75 = tpu.memref_slice %arg8[%dma_start3A_73, %dma_start3A_74] : memref<100000x128xf32, #tpu.memory_space<hbm>> -> memref<100000x128xf32, #tpu.memory_space<hbm>>
      tpu.enqueue_indirect_dma source(%dma_start3A_75 : memref<100000x128xf32, #tpu.memory_space<hbm>>) target(%dma_start3A_69 : memref<128x128xf32, #tpu.memory_space<vmem>>) offsets(%dma_start3A_72 : memref<128xi32, #tpu.memory_space<vmem>>) semaphore(%arg24 : memref<!tpu.dma_semaphore, #tpu.memory_space<semaphore_mem>>)
      %dma_wait3A_76 = arith.constant 1 : i32
      %dma_wait3A_77 = arith.constant 128 : i32
      %dma_wait3A_78 = arith.constant 0 : i32
      %dma_wait3A_79 = tpu.memref_slice %arg21[%dma_wait3A_77, %dma_wait3A_78] : memref<256x128xf32, #tpu.memory_space<vmem>> -> memref<128x128xf32, #tpu.memory_space<vmem>>
      %dma_wait3A_80 = arith.constant 0 : i32
      %dma_wait3A_81 = tpu.memref_slice %arg20[%dma_wait3A_76, %dma_wait3A_80] : memref<2x128xi32, #tpu.memory_space<vmem>> -> memref<1x128xi32, #tpu.memory_space<vmem>>
      %dma_wait3A_82 = tpu.memref_squeeze %dma_wait3A_81 : memref<1x128xi32, #tpu.memory_space<vmem>> -> memref<128xi32, #tpu.memory_space<vmem>>
      %dma_wait3A_83 = arith.constant 0 : i32
      %dma_wait3A_84 = arith.constant 0 : i32
      %dma_wait3A_85 = tpu.memref_slice %arg8[%dma_wait3A_83, %dma_wait3A_84] : memref<100000x128xf32, #tpu.memory_space<hbm>> -> memref<100000x128xf32, #tpu.memory_space<hbm>>
      tpu.wait_indirect_dma semaphore(%arg24 : memref<!tpu.dma_semaphore, #tpu.memory_space<semaphore_mem>>) src(%dma_wait3A_85 : memref<100000x128xf32, #tpu.memory_space<hbm>>) dst(%dma_wait3A_79 : memref<128x128xf32, #tpu.memory_space<vmem>>)
      %mul3A = arith.constant 256 : i32
      %mul3A_86 = arith.muli %arg1, %mul3A : i32
      "tpu.region"() ({
        %run_scoped3A = tpu.sem_alloc : memref<!tpu.dma_semaphore, #tpu.memory_space<semaphore_mem>>
        %dma_start3A_87 = arith.constant 0 : i32
        %dma_start3A_88 = tpu.memref_slice %arg10[%mul3A_86, %dma_start3A_87] : memref<4096x128xf32, #tpu.memory_space<hbm>> -> memref<256x128xf32, #tpu.memory_space<hbm>>
        %dma_start3A_89 = arith.constant 0 : i32
        %dma_start3A_90 = tpu.memref_slice %arg10[%mul3A_86, %dma_start3A_89] : memref<4096x128xf32, #tpu.memory_space<hbm>> -> memref<256x128xf32, #tpu.memory_space<hbm>>
        tpu.enqueue_dma source(%arg21 : memref<256x128xf32, #tpu.memory_space<vmem>>) target(%dma_start3A_90 : memref<256x128xf32, #tpu.memory_space<hbm>>) target_semaphore(%run_scoped3A : memref<!tpu.dma_semaphore, #tpu.memory_space<semaphore_mem>>)
        %dma_wait3A_91 = arith.constant 0 : i32
        %dma_wait3A_92 = tpu.memref_slice %arg10[%mul3A_86, %dma_wait3A_91] : memref<4096x128xf32, #tpu.memory_space<hbm>> -> memref<256x128xf32, #tpu.memory_space<hbm>>
        %dma_wait3A_93 = arith.constant 0 : i32
        %dma_wait3A_94 = tpu.memref_slice %arg10[%mul3A_86, %dma_wait3A_93] : memref<4096x128xf32, #tpu.memory_space<hbm>> -> memref<256x128xf32, #tpu.memory_space<hbm>>
        tpu.wait_dma2 semaphore(%run_scoped3A : memref<!tpu.dma_semaphore, #tpu.memory_space<semaphore_mem>>) src(%arg21 : memref<256x128xf32, #tpu.memory_space<vmem>>) dst(%dma_wait3A_94 : memref<256x128xf32, #tpu.memory_space<hbm>>)
        tpu.yield
      }) : () -> ()
    } else {
    }
    %eq3A_2 = arith.constant 0 : i32
    %eq3A_3 = arith.cmpi eq, %arg0, %eq3A_2 : i32
    %convert_element_type3A_4 = arith.extui %eq3A_3 : i1 to i32
    %cond3A_5 = arith.constant 0 : i32
    %cond3A_6 = arith.cmpi ne, %convert_element_type3A_4, %cond3A_5 : i32
    scf.if %cond3A_6 {
      %mul3A = arith.constant 20000 : i32
      %mul3A_48 = arith.muli %arg1, %mul3A : i32
      "tpu.region"() ({
        %run_scoped3A = tpu.sem_alloc : memref<!tpu.dma_semaphore, #tpu.memory_space<semaphore_mem>>
        %dma_start3A = tpu.memref_slice %arg2[%mul3A_48] : memref<320000xi32, #tpu.memory_space<hbm>> -> memref<20000xi32, #tpu.memory_space<hbm>>
        %dma_start3A_72 = tpu.memref_slice %arg2[%mul3A_48] : memref<320000xi32, #tpu.memory_space<hbm>> -> memref<20000xi32, #tpu.memory_space<hbm>>
        tpu.enqueue_dma source(%dma_start3A_72 : memref<20000xi32, #tpu.memory_space<hbm>>) target(%arg11 : memref<20000xi32, #tpu.memory_space<vmem>>) target_semaphore(%run_scoped3A : memref<!tpu.dma_semaphore, #tpu.memory_space<semaphore_mem>>)
        %dma_wait3A = tpu.memref_slice %arg2[%mul3A_48] : memref<320000xi32, #tpu.memory_space<hbm>> -> memref<20000xi32, #tpu.memory_space<hbm>>
        %dma_wait3A_73 = tpu.memref_slice %arg2[%mul3A_48] : memref<320000xi32, #tpu.memory_space<hbm>> -> memref<20000xi32, #tpu.memory_space<hbm>>
        tpu.wait_dma2 semaphore(%run_scoped3A : memref<!tpu.dma_semaphore, #tpu.memory_space<semaphore_mem>>) src(%dma_wait3A_73 : memref<20000xi32, #tpu.memory_space<hbm>>) dst(%arg11 : memref<20000xi32, #tpu.memory_space<vmem>>)
        tpu.yield
      }) : () -> ()
      %mul3A_49 = arith.constant 20000 : i32
      %mul3A_50 = arith.muli %arg1, %mul3A_49 : i32
      "tpu.region"() ({
        %run_scoped3A = tpu.sem_alloc : memref<!tpu.dma_semaphore, #tpu.memory_space<semaphore_mem>>
        %dma_start3A = tpu.memref_slice %arg3[%mul3A_50] : memref<320000xi32, #tpu.memory_space<hbm>> -> memref<20000xi32, #tpu.memory_space<hbm>>
        %dma_start3A_72 = tpu.memref_slice %arg3[%mul3A_50] : memref<320000xi32, #tpu.memory_space<hbm>> -> memref<20000xi32, #tpu.memory_space<hbm>>
        tpu.enqueue_dma source(%dma_start3A_72 : memref<20000xi32, #tpu.memory_space<hbm>>) target(%arg12 : memref<20000xi32, #tpu.memory_space<vmem>>) target_semaphore(%run_scoped3A : memref<!tpu.dma_semaphore, #tpu.memory_space<semaphore_mem>>)
        %dma_wait3A = tpu.memref_slice %arg3[%mul3A_50] : memref<320000xi32, #tpu.memory_space<hbm>> -> memref<20000xi32, #tpu.memory_space<hbm>>
        %dma_wait3A_73 = tpu.memref_slice %arg3[%mul3A_50] : memref<320000xi32, #tpu.memory_space<hbm>> -> memref<20000xi32, #tpu.memory_space<hbm>>
        tpu.wait_dma2 semaphore(%run_scoped3A : memref<!tpu.dma_semaphore, #tpu.memory_space<semaphore_mem>>) src(%dma_wait3A_73 : memref<20000xi32, #tpu.memory_space<hbm>>) dst(%arg12 : memref<20000xi32, #tpu.memory_space<vmem>>)
        tpu.yield
      }) : () -> ()
      "tpu.region"() ({
        %run_scoped3A = tpu.sem_alloc : memref<!tpu.dma_semaphore, #tpu.memory_space<semaphore_mem>>
        tpu.enqueue_dma source(%arg6 : memref<32xf32, #tpu.memory_space<hbm>>) target(%arg19 : memref<32xf32, #tpu.memory_space<vmem>>) target_semaphore(%run_scoped3A : memref<!tpu.dma_semaphore, #tpu.memory_space<semaphore_mem>>)
        tpu.wait_dma2 semaphore(%run_scoped3A : memref<!tpu.dma_semaphore, #tpu.memory_space<semaphore_mem>>) src(%arg6 : memref<32xf32, #tpu.memory_space<hbm>>) dst(%arg19 : memref<32xf32, #tpu.memory_space<vmem>>)
        tpu.yield
      }) : () -> ()
      %parallel_loop3A = arith.constant 0 : i32
      %parallel_loop3A_51 = arith.constant 625 : i32
      %parallel_loop3A_52 = arith.constant 1 : i32
      scf.for %parallel_loop3A_72 = %parallel_loop3A to %parallel_loop3A_51 step %parallel_loop3A_52  : i32 {
        %parallel_loop3A_73 = arith.constant 0.000000e+00 : f32
        %parallel_loop3A_74 = vector.broadcast %parallel_loop3A_73 : f32 to vector<16xf32>
        %parallel_loop3A_75 = arith.constant 16 : i32
        %parallel_loop3A_76 = arith.muli %parallel_loop3A_72, %parallel_loop3A_75 : i32
        %parallel_loop3A_77 = arith.index_cast %parallel_loop3A_76 : i32 to index
        %parallel_loop3A_78 = tpu.vector_load %arg15[%parallel_loop3A_77] {strides = array<i32>} : memref<10000xf32, #tpu.memory_space<vmem>>, vector<16xf32>,
        tpu.vector_store %arg15[%parallel_loop3A_77], %parallel_loop3A_74 {strides = array<i32>} : memref<10000xf32, #tpu.memory_space<vmem>>, vector<16xf32>,
      } {sc.loop_unroll_factor = 8 : i64, sc.parallel_access}
      %broadcast_in_dim3A = arith.constant 1.000000e+00 : f32
      %broadcast_in_dim3A_53 = vector.broadcast %broadcast_in_dim3A : f32 to vector<16xf32>
      %scan3A = arith.constant 0 : i32
      %scan3A_54 = arith.constant 0 : i32
      %scan3A_55 = arith.constant 1248 : i32
      %scan3A_56 = arith.addi %scan3A_54, %scan3A_55 : i32
      %scan3A_57 = arith.constant 16 : i32
      scf.for %scan3A_72 = %scan3A_54 to %scan3A_56 step %scan3A_57  : i32 {
        %mul3A_73 = arith.constant 16 : i32
        %mul3A_74 = arith.muli %scan3A_72, %mul3A_73 : i32
        %get3A_75 = arith.index_cast %mul3A_74 : i32 to index
        %get3A_76 = tpu.vector_load %arg12[%get3A_75] {strides = array<i32>} : memref<20000xi32, #tpu.memory_space<vmem>>, vector<16xi32>,
        tpu.vector_store_idx %arg15[%get3A_76], %broadcast_in_dim3A_53 {add = true} : memref<10000xf32, #tpu.memory_space<vmem>>[vector<16xi32>], vector<16xf32>,
        %scan3A_77 = arith.constant 1 : i32
        %scan3A_78 = arith.addi %scan3A_72, %scan3A_77 : i32
        %mul3A_79 = arith.constant 16 : i32
        %mul3A_80 = arith.muli %scan3A_78, %mul3A_79 : i32
        %get3A_81 = arith.index_cast %mul3A_80 : i32 to index
        %get3A_82 = tpu.vector_load %arg12[%get3A_81] {strides = array<i32>} : memref<20000xi32, #tpu.memory_space<vmem>>, vector<16xi32>,
        tpu.vector_store_idx %arg15[%get3A_82], %broadcast_in_dim3A_53 {add = true} : memref<10000xf32, #tpu.memory_space<vmem>>[vector<16xi32>], vector<16xf32>,
        %scan3A_83 = arith.constant 2 : i32
        %scan3A_84 = arith.addi %scan3A_72, %scan3A_83 : i32
        %mul3A_85 = arith.constant 16 : i32
        %mul3A_86 = arith.muli %scan3A_84, %mul3A_85 : i32
        %get3A_87 = arith.index_cast %mul3A_86 : i32 to index
        %get3A_88 = tpu.vector_load %arg12[%get3A_87] {strides = array<i32>} : memref<20000xi32, #tpu.memory_space<vmem>>, vector<16xi32>,
        tpu.vector_store_idx %arg15[%get3A_88], %broadcast_in_dim3A_53 {add = true} : memref<10000xf32, #tpu.memory_space<vmem>>[vector<16xi32>], vector<16xf32>,
        %scan3A_89 = arith.constant 3 : i32
        %scan3A_90 = arith.addi %scan3A_72, %scan3A_89 : i32
        %mul3A_91 = arith.constant 16 : i32
        %mul3A_92 = arith.muli %scan3A_90, %mul3A_91 : i32
        %get3A_93 = arith.index_cast %mul3A_92 : i32 to index
        %get3A_94 = tpu.vector_load %arg12[%get3A_93] {strides = array<i32>} : memref<20000xi32, #tpu.memory_space<vmem>>, vector<16xi32>,
        tpu.vector_store_idx %arg15[%get3A_94], %broadcast_in_dim3A_53 {add = true} : memref<10000xf32, #tpu.memory_space<vmem>>[vector<16xi32>], vector<16xf32>,
        %scan3A_95 = arith.constant 4 : i32
        %scan3A_96 = arith.addi %scan3A_72, %scan3A_95 : i32
        %mul3A_97 = arith.constant 16 : i32
        %mul3A_98 = arith.muli %scan3A_96, %mul3A_97 : i32
        %get3A_99 = arith.index_cast %mul3A_98 : i32 to index
        %get3A_100 = tpu.vector_load %arg12[%get3A_99] {strides = array<i32>} : memref<20000xi32, #tpu.memory_space<vmem>>, vector<16xi32>,
        tpu.vector_store_idx %arg15[%get3A_100], %broadcast_in_dim3A_53 {add = true} : memref<10000xf32, #tpu.memory_space<vmem>>[vector<16xi32>], vector<16xf32>,
        %scan3A_101 = arith.constant 5 : i32
        %scan3A_102 = arith.addi %scan3A_72, %scan3A_101 : i32
        %mul3A_103 = arith.constant 16 : i32
        %mul3A_104 = arith.muli %scan3A_102, %mul3A_103 : i32
        %get3A_105 = arith.index_cast %mul3A_104 : i32 to index
        %get3A_106 = tpu.vector_load %arg12[%get3A_105] {strides = array<i32>} : memref<20000xi32, #tpu.memory_space<vmem>>, vector<16xi32>,
        tpu.vector_store_idx %arg15[%get3A_106], %broadcast_in_dim3A_53 {add = true} : memref<10000xf32, #tpu.memory_space<vmem>>[vector<16xi32>], vector<16xf32>,
        %scan3A_107 = arith.constant 6 : i32
        %scan3A_108 = arith.addi %scan3A_72, %scan3A_107 : i32
        %mul3A_109 = arith.constant 16 : i32
        %mul3A_110 = arith.muli %scan3A_108, %mul3A_109 : i32
        %get3A_111 = arith.index_cast %mul3A_110 : i32 to index
        %get3A_112 = tpu.vector_load %arg12[%get3A_111] {strides = array<i32>} : memref<20000xi32, #tpu.memory_space<vmem>>, vector<16xi32>,
        tpu.vector_store_idx %arg15[%get3A_112], %broadcast_in_dim3A_53 {add = true} : memref<10000xf32, #tpu.memory_space<vmem>>[vector<16xi32>], vector<16xf32>,
        %scan3A_113 = arith.constant 7 : i32
        %scan3A_114 = arith.addi %scan3A_72, %scan3A_113 : i32
        %mul3A_115 = arith.constant 16 : i32
        %mul3A_116 = arith.muli %scan3A_114, %mul3A_115 : i32
        %get3A_117 = arith.index_cast %mul3A_116 : i32 to index
        %get3A_118 = tpu.vector_load %arg12[%get3A_117] {strides = array<i32>} : memref<20000xi32, #tpu.memory_space<vmem>>, vector<16xi32>,
        tpu.vector_store_idx %arg15[%get3A_118], %broadcast_in_dim3A_53 {add = true} : memref<10000xf32, #tpu.memory_space<vmem>>[vector<16xi32>], vector<16xf32>,
        %scan3A_119 = arith.constant 8 : i32
        %scan3A_120 = arith.addi %scan3A_72, %scan3A_119 : i32
        %mul3A_121 = arith.constant 16 : i32
        %mul3A_122 = arith.muli %scan3A_120, %mul3A_121 : i32
        %get3A_123 = arith.index_cast %mul3A_122 : i32 to index
        %get3A_124 = tpu.vector_load %arg12[%get3A_123] {strides = array<i32>} : memref<20000xi32, #tpu.memory_space<vmem>>, vector<16xi32>,
        tpu.vector_store_idx %arg15[%get3A_124], %broadcast_in_dim3A_53 {add = true} : memref<10000xf32, #tpu.memory_space<vmem>>[vector<16xi32>], vector<16xf32>,
        %scan3A_125 = arith.constant 9 : i32
        %scan3A_126 = arith.addi %scan3A_72, %scan3A_125 : i32
        %mul3A_127 = arith.constant 16 : i32
        %mul3A_128 = arith.muli %scan3A_126, %mul3A_127 : i32
        %get3A_129 = arith.index_cast %mul3A_128 : i32 to index
        %get3A_130 = tpu.vector_load %arg12[%get3A_129] {strides = array<i32>} : memref<20000xi32, #tpu.memory_space<vmem>>, vector<16xi32>,
        tpu.vector_store_idx %arg15[%get3A_130], %broadcast_in_dim3A_53 {add = true} : memref<10000xf32, #tpu.memory_space<vmem>>[vector<16xi32>], vector<16xf32>,
        %scan3A_131 = arith.constant 10 : i32
        %scan3A_132 = arith.addi %scan3A_72, %scan3A_131 : i32
        %mul3A_133 = arith.constant 16 : i32
        %mul3A_134 = arith.muli %scan3A_132, %mul3A_133 : i32
        %get3A_135 = arith.index_cast %mul3A_134 : i32 to index
        %get3A_136 = tpu.vector_load %arg12[%get3A_135] {strides = array<i32>} : memref<20000xi32, #tpu.memory_space<vmem>>, vector<16xi32>,
        tpu.vector_store_idx %arg15[%get3A_136], %broadcast_in_dim3A_53 {add = true} : memref<10000xf32, #tpu.memory_space<vmem>>[vector<16xi32>], vector<16xf32>,
        %scan3A_137 = arith.constant 11 : i32
        %scan3A_138 = arith.addi %scan3A_72, %scan3A_137 : i32
        %mul3A_139 = arith.constant 16 : i32
        %mul3A_140 = arith.muli %scan3A_138, %mul3A_139 : i32
        %get3A_141 = arith.index_cast %mul3A_140 : i32 to index
        %get3A_142 = tpu.vector_load %arg12[%get3A_141] {strides = array<i32>} : memref<20000xi32, #tpu.memory_space<vmem>>, vector<16xi32>,
        tpu.vector_store_idx %arg15[%get3A_142], %broadcast_in_dim3A_53 {add = true} : memref<10000xf32, #tpu.memory_space<vmem>>[vector<16xi32>], vector<16xf32>,
        %scan3A_143 = arith.constant 12 : i32
        %scan3A_144 = arith.addi %scan3A_72, %scan3A_143 : i32
        %mul3A_145 = arith.constant 16 : i32
        %mul3A_146 = arith.muli %scan3A_144, %mul3A_145 : i32
        %get3A_147 = arith.index_cast %mul3A_146 : i32 to index
        %get3A_148 = tpu.vector_load %arg12[%get3A_147] {strides = array<i32>} : memref<20000xi32, #tpu.memory_space<vmem>>, vector<16xi32>,
        tpu.vector_store_idx %arg15[%get3A_148], %broadcast_in_dim3A_53 {add = true} : memref<10000xf32, #tpu.memory_space<vmem>>[vector<16xi32>], vector<16xf32>,
        %scan3A_149 = arith.constant 13 : i32
        %scan3A_150 = arith.addi %scan3A_72, %scan3A_149 : i32
        %mul3A_151 = arith.constant 16 : i32
        %mul3A_152 = arith.muli %scan3A_150, %mul3A_151 : i32
        %get3A_153 = arith.index_cast %mul3A_152 : i32 to index
        %get3A_154 = tpu.vector_load %arg12[%get3A_153] {strides = array<i32>} : memref<20000xi32, #tpu.memory_space<vmem>>, vector<16xi32>,
        tpu.vector_store_idx %arg15[%get3A_154], %broadcast_in_dim3A_53 {add = true} : memref<10000xf32, #tpu.memory_space<vmem>>[vector<16xi32>], vector<16xf32>,
        %scan3A_155 = arith.constant 14 : i32
        %scan3A_156 = arith.addi %scan3A_72, %scan3A_155 : i32
        %mul3A_157 = arith.constant 16 : i32
        %mul3A_158 = arith.muli %scan3A_156, %mul3A_157 : i32
        %get3A_159 = arith.index_cast %mul3A_158 : i32 to index
        %get3A_160 = tpu.vector_load %arg12[%get3A_159] {strides = array<i32>} : memref<20000xi32, #tpu.memory_space<vmem>>, vector<16xi32>,
        tpu.vector_store_idx %arg15[%get3A_160], %broadcast_in_dim3A_53 {add = true} : memref<10000xf32, #tpu.memory_space<vmem>>[vector<16xi32>], vector<16xf32>,
        %scan3A_161 = arith.constant 15 : i32
        %scan3A_162 = arith.addi %scan3A_72, %scan3A_161 : i32
        %mul3A_163 = arith.constant 16 : i32
        %mul3A_164 = arith.muli %scan3A_162, %mul3A_163 : i32
        %get3A_165 = arith.index_cast %mul3A_164 : i32 to index
        %get3A_166 = tpu.vector_load %arg12[%get3A_165] {strides = array<i32>} : memref<20000xi32, #tpu.memory_space<vmem>>, vector<16xi32>,
        tpu.vector_store_idx %arg15[%get3A_166], %broadcast_in_dim3A_53 {add = true} : memref<10000xf32, #tpu.memory_space<vmem>>[vector<16xi32>], vector<16xf32>,
      }
      %scan3A_58 = arith.constant 1248 : i32
      %scan3A_59 = arith.addi %scan3A_54, %scan3A_58 : i32
      %mul3A_60 = arith.constant 16 : i32
      %mul3A_61 = arith.muli %scan3A_59, %mul3A_60 : i32
      %get3A = arith.index_cast %mul3A_61 : i32 to index
      %get3A_62 = tpu.vector_load %arg12[%get3A] {strides = array<i32>} : memref<20000xi32, #tpu.memory_space<vmem>>, vector<16xi32>,
      tpu.vector_store_idx %arg15[%get3A_62], %broadcast_in_dim3A_53 {add = true} : memref<10000xf32, #tpu.memory_space<vmem>>[vector<16xi32>], vector<16xf32>,
      %scan3A_63 = arith.constant 1249 : i32
      %scan3A_64 = arith.addi %scan3A_54, %scan3A_63 : i32
      %mul3A_65 = arith.constant 16 : i32
      %mul3A_66 = arith.muli %scan3A_64, %mul3A_65 : i32
      %get3A_67 = arith.index_cast %mul3A_66 : i32 to index
      %get3A_68 = tpu.vector_load %arg12[%get3A_67] {strides = array<i32>} : memref<20000xi32, #tpu.memory_space<vmem>>, vector<16xi32>,
      tpu.vector_store_idx %arg15[%get3A_68], %broadcast_in_dim3A_53 {add = true} : memref<10000xf32, #tpu.memory_space<vmem>>[vector<16xi32>], vector<16xf32>,
      %scan3A_69 = arith.constant 1250 : i32
      %mul3A_70 = arith.constant 10000 : i32
      %mul3A_71 = arith.muli %arg1, %mul3A_70 : i32
      %multiple_of3A = tpu.assume_multiple %mul3A_71, 8 : i32
      "tpu.region"() ({
        %run_scoped3A = tpu.sem_alloc : memref<!tpu.dma_semaphore, #tpu.memory_space<semaphore_mem>>
        %dma_start3A = tpu.memref_slice %arg22[%multiple_of3A] : memref<160000xf32, #tpu.memory_space<vmem_shared>> -> memref<10000xf32, #tpu.memory_space<vmem_shared>>
        %dma_start3A_72 = tpu.memref_slice %arg22[%multiple_of3A] : memref<160000xf32, #tpu.memory_space<vmem_shared>> -> memref<10000xf32, #tpu.memory_space<vmem_shared>>
        tpu.enqueue_dma source(%arg15 : memref<10000xf32, #tpu.memory_space<vmem>>) target(%dma_start3A_72 : memref<10000xf32, #tpu.memory_space<vmem_shared>>) target_semaphore(%run_scoped3A : memref<!tpu.dma_semaphore, #tpu.memory_space<semaphore_mem>>)
        %dma_wait3A = tpu.memref_slice %arg22[%multiple_of3A] : memref<160000xf32, #tpu.memory_space<vmem_shared>> -> memref<10000xf32, #tpu.memory_space<vmem_shared>>
        %dma_wait3A_73 = tpu.memref_slice %arg22[%multiple_of3A] : memref<160000xf32, #tpu.memory_space<vmem_shared>> -> memref<10000xf32, #tpu.memory_space<vmem_shared>>
        tpu.wait_dma2 semaphore(%run_scoped3A : memref<!tpu.dma_semaphore, #tpu.memory_space<semaphore_mem>>) src(%arg15 : memref<10000xf32, #tpu.memory_space<vmem>>) dst(%dma_wait3A_73 : memref<10000xf32, #tpu.memory_space<vmem_shared>>)
        tpu.yield
      }) : () -> ()
    } else {
    }
    %barrier3A = arith.constant 0 : index
    tpu.barrier barrier_id(%barrier3A)
    %eq3A_7 = arith.constant 0 : i32
    %eq3A_8 = arith.cmpi eq, %arg0, %eq3A_7 : i32
    %convert_element_type3A_9 = arith.extui %eq3A_8 : i1 to i32
    %cond3A_10 = arith.constant 0 : i32
    %cond3A_11 = arith.cmpi ne, %convert_element_type3A_9, %cond3A_10 : i32
    scf.if %cond3A_11 {
      %mul3A = arith.constant 624 : i32
      %mul3A_48 = arith.muli %arg1, %mul3A : i32
      %add3A = arith.constant 0 : i32
      %add3A_49 = arith.addi %add3A, %mul3A_48 : i32
      %multiple_of3A = tpu.assume_multiple %add3A_49, 8 : i32
      "tpu.region"() ({
        %run_scoped3A = tpu.sem_alloc : memref<!tpu.dma_semaphore, #tpu.memory_space<semaphore_mem>>
        %dma_start3A = tpu.memref_slice %arg22[%multiple_of3A] : memref<160000xf32, #tpu.memory_space<vmem_shared>> -> memref<640xf32, #tpu.memory_space<vmem_shared>>
        %dma_start3A_222 = tpu.memref_slice %arg22[%multiple_of3A] : memref<160000xf32, #tpu.memory_space<vmem_shared>> -> memref<640xf32, #tpu.memory_space<vmem_shared>>
        tpu.enqueue_dma source(%dma_start3A_222 : memref<640xf32, #tpu.memory_space<vmem_shared>>) target(%arg17 : memref<640xf32, #tpu.memory_space<vmem>>) target_semaphore(%run_scoped3A : memref<!tpu.dma_semaphore, #tpu.memory_space<semaphore_mem>>)
        %dma_wait3A = tpu.memref_slice %arg22[%multiple_of3A] : memref<160000xf32, #tpu.memory_space<vmem_shared>> -> memref<640xf32, #tpu.memory_space<vmem_shared>>
        %dma_wait3A_223 = tpu.memref_slice %arg22[%multiple_of3A] : memref<160000xf32, #tpu.memory_space<vmem_shared>> -> memref<640xf32, #tpu.memory_space<vmem_shared>>
        tpu.wait_dma2 semaphore(%run_scoped3A : memref<!tpu.dma_semaphore, #tpu.memory_space<semaphore_mem>>) src(%dma_wait3A_223 : memref<640xf32, #tpu.memory_space<vmem_shared>>) dst(%arg17 : memref<640xf32, #tpu.memory_space<vmem>>)
        tpu.yield
      }) : () -> ()
      %mul3A_50 = arith.constant 624 : i32
      %mul3A_51 = arith.muli %arg1, %mul3A_50 : i32
      %add3A_52 = arith.constant 10000 : i32
      %add3A_53 = arith.addi %add3A_52, %mul3A_51 : i32
      %multiple_of3A_54 = tpu.assume_multiple %add3A_53, 8 : i32
      "tpu.region"() ({
        %run_scoped3A = tpu.sem_alloc : memref<!tpu.dma_semaphore, #tpu.memory_space<semaphore_mem>>
        %dma_start3A = tpu.memref_slice %arg22[%multiple_of3A_54] : memref<160000xf32, #tpu.memory_space<vmem_shared>> -> memref<640xf32, #tpu.memory_space<vmem_shared>>
        %dma_start3A_222 = tpu.memref_slice %arg22[%multiple_of3A_54] : memref<160000xf32, #tpu.memory_space<vmem_shared>> -> memref<640xf32, #tpu.memory_space<vmem_shared>>
        tpu.enqueue_dma source(%dma_start3A_222 : memref<640xf32, #tpu.memory_space<vmem_shared>>) target(%arg18 : memref<640xf32, #tpu.memory_space<vmem>>) target_semaphore(%run_scoped3A : memref<!tpu.dma_semaphore, #tpu.memory_space<semaphore_mem>>)
        %dma_wait3A = tpu.memref_slice %arg22[%multiple_of3A_54] : memref<160000xf32, #tpu.memory_space<vmem_shared>> -> memref<640xf32, #tpu.memory_space<vmem_shared>>
        %dma_wait3A_223 = tpu.memref_slice %arg22[%multiple_of3A_54] : memref<160000xf32, #tpu.memory_space<vmem_shared>> -> memref<640xf32, #tpu.memory_space<vmem_shared>>
        tpu.wait_dma2 semaphore(%run_scoped3A : memref<!tpu.dma_semaphore, #tpu.memory_space<semaphore_mem>>) src(%dma_wait3A_223 : memref<640xf32, #tpu.memory_space<vmem_shared>>) dst(%arg18 : memref<640xf32, #tpu.memory_space<vmem>>)
        tpu.yield
      }) : () -> ()
      %scan3A = arith.constant 0 : i32
      %scan3A_55 = arith.constant 0 : i32
      %scan3A_56 = arith.constant 40 : i32
      %scan3A_57 = arith.addi %scan3A_55, %scan3A_56 : i32
      %scan3A_58 = arith.constant 1 : i32
      scf.for %scan3A_222 = %scan3A_55 to %scan3A_57 step %scan3A_58  : i32 {
        %mul3A_223 = arith.constant 16 : i32
        %mul3A_224 = arith.muli %scan3A_222, %mul3A_223 : i32
        %get3A = arith.index_cast %mul3A_224 : i32 to index
        %get3A_225 = tpu.vector_load %arg17[%get3A] {strides = array<i32>} : memref<640xf32, #tpu.memory_space<vmem>>, vector<16xf32>,
        %mul3A_226 = arith.constant 16 : i32
        %mul3A_227 = arith.muli %scan3A_222, %mul3A_226 : i32
        %get3A_228 = arith.index_cast %mul3A_227 : i32 to index
        %get3A_229 = tpu.vector_load %arg18[%get3A_228] {strides = array<i32>} : memref<640xf32, #tpu.memory_space<vmem>>, vector<16xf32>,
        %add3A_230 = arith.addf %get3A_225, %get3A_229 : vector<16xf32>
        %mul3A_231 = arith.constant 16 : i32
        %mul3A_232 = arith.muli %scan3A_222, %mul3A_231 : i32
        %swap3A = arith.index_cast %mul3A_232 : i32 to index
        %swap3A_233 = tpu.vector_load %arg17[%swap3A] {strides = array<i32>} : memref<640xf32, #tpu.memory_space<vmem>>, vector<16xf32>,
        tpu.vector_store %arg17[%swap3A], %add3A_230 {strides = array<i32>} : memref<640xf32, #tpu.memory_space<vmem>>, vector<16xf32>,
      }
      %scan3A_59 = arith.constant 40 : i32
      %mul3A_60 = arith.constant 624 : i32
      %mul3A_61 = arith.muli %arg1, %mul3A_60 : i32
      %add3A_62 = arith.constant 20000 : i32
      %add3A_63 = arith.addi %add3A_62, %mul3A_61 : i32
      %multiple_of3A_64 = tpu.assume_multiple %add3A_63, 8 : i32
      "tpu.region"() ({
        %run_scoped3A = tpu.sem_alloc : memref<!tpu.dma_semaphore, #tpu.memory_space<semaphore_mem>>
        %dma_start3A = tpu.memref_slice %arg22[%multiple_of3A_64] : memref<160000xf32, #tpu.memory_space<vmem_shared>> -> memref<640xf32, #tpu.memory_space<vmem_shared>>
        %dma_start3A_222 = tpu.memref_slice %arg22[%multiple_of3A_64] : memref<160000xf32, #tpu.memory_space<vmem_shared>> -> memref<640xf32, #tpu.memory_space<vmem_shared>>
        tpu.enqueue_dma source(%dma_start3A_222 : memref<640xf32, #tpu.memory_space<vmem_shared>>) target(%arg18 : memref<640xf32, #tpu.memory_space<vmem>>) target_semaphore(%run_scoped3A : memref<!tpu.dma_semaphore, #tpu.memory_space<semaphore_mem>>)
        %dma_wait3A = tpu.memref_slice %arg22[%multiple_of3A_64] : memref<160000xf32, #tpu.memory_space<vmem_shared>> -> memref<640xf32, #tpu.memory_space<vmem_shared>>
        %dma_wait3A_223 = tpu.memref_slice %arg22[%multiple_of3A_64] : memref<160000xf32, #tpu.memory_space<vmem_shared>> -> memref<640xf32, #tpu.memory_space<vmem_shared>>
        tpu.wait_dma2 semaphore(%run_scoped3A : memref<!tpu.dma_semaphore, #tpu.memory_space<semaphore_mem>>) src(%dma_wait3A_223 : memref<640xf32, #tpu.memory_space<vmem_shared>>) dst(%arg18 : memref<640xf32, #tpu.memory_space<vmem>>)
        tpu.yield
      }) : () -> ()
      %scan3A_65 = arith.constant 0 : i32
      %scan3A_66 = arith.constant 0 : i32
      %scan3A_67 = arith.constant 40 : i32
      %scan3A_68 = arith.addi %scan3A_66, %scan3A_67 : i32
      %scan3A_69 = arith.constant 1 : i32
      scf.for %scan3A_222 = %scan3A_66 to %scan3A_68 step %scan3A_69  : i32 {
        %mul3A_223 = arith.constant 16 : i32
        %mul3A_224 = arith.muli %scan3A_222, %mul3A_223 : i32
        %get3A = arith.index_cast %mul3A_224 : i32 to index
        %get3A_225 = tpu.vector_load %arg17[%get3A] {strides = array<i32>} : memref<640xf32, #tpu.memory_space<vmem>>, vector<16xf32>,
        %mul3A_226 = arith.constant 16 : i32
        %mul3A_227 = arith.muli %scan3A_222, %mul3A_226 : i32
        %get3A_228 = arith.index_cast %mul3A_227 : i32 to index
        %get3A_229 = tpu.vector_load %arg18[%get3A_228] {strides = array<i32>} : memref<640xf32, #tpu.memory_space<vmem>>, vector<16xf32>,
        %add3A_230 = arith.addf %get3A_225, %get3A_229 : vector<16xf32>
        %mul3A_231 = arith.constant 16 : i32
        %mul3A_232 = arith.muli %scan3A_222, %mul3A_231 : i32
        %swap3A = arith.index_cast %mul3A_232 : i32 to index
        %swap3A_233 = tpu.vector_load %arg17[%swap3A] {strides = array<i32>} : memref<640xf32, #tpu.memory_space<vmem>>, vector<16xf32>,
        tpu.vector_store %arg17[%swap3A], %add3A_230 {strides = array<i32>} : memref<640xf32, #tpu.memory_space<vmem>>, vector<16xf32>,
      }
      %scan3A_70 = arith.constant 40 : i32
      %mul3A_71 = arith.constant 624 : i32
      %mul3A_72 = arith.muli %arg1, %mul3A_71 : i32
      %add3A_73 = arith.constant 30000 : i32
      %add3A_74 = arith.addi %add3A_73, %mul3A_72 : i32
      %multiple_of3A_75 = tpu.assume_multiple %add3A_74, 8 : i32
      "tpu.region"() ({
        %run_scoped3A = tpu.sem_alloc : memref<!tpu.dma_semaphore, #tpu.memory_space<semaphore_mem>>
        %dma_start3A = tpu.memref_slice %arg22[%multiple_of3A_75] : memref<160000xf32, #tpu.memory_space<vmem_shared>> -> memref<640xf32, #tpu.memory_space<vmem_shared>>
        %dma_start3A_222 = tpu.memref_slice %arg22[%multiple_of3A_75] : memref<160000xf32, #tpu.memory_space<vmem_shared>> -> memref<640xf32, #tpu.memory_space<vmem_shared>>
        tpu.enqueue_dma source(%dma_start3A_222 : memref<640xf32, #tpu.memory_space<vmem_shared>>) target(%arg18 : memref<640xf32, #tpu.memory_space<vmem>>) target_semaphore(%run_scoped3A : memref<!tpu.dma_semaphore, #tpu.memory_space<semaphore_mem>>)
        %dma_wait3A = tpu.memref_slice %arg22[%multiple_of3A_75] : memref<160000xf32, #tpu.memory_space<vmem_shared>> -> memref<640xf32, #tpu.memory_space<vmem_shared>>
        %dma_wait3A_223 = tpu.memref_slice %arg22[%multiple_of3A_75] : memref<160000xf32, #tpu.memory_space<vmem_shared>> -> memref<640xf32, #tpu.memory_space<vmem_shared>>
        tpu.wait_dma2 semaphore(%run_scoped3A : memref<!tpu.dma_semaphore, #tpu.memory_space<semaphore_mem>>) src(%dma_wait3A_223 : memref<640xf32, #tpu.memory_space<vmem_shared>>) dst(%arg18 : memref<640xf32, #tpu.memory_space<vmem>>)
        tpu.yield
      }) : () -> ()
      %scan3A_76 = arith.constant 0 : i32
      %scan3A_77 = arith.constant 0 : i32
      %scan3A_78 = arith.constant 40 : i32
      %scan3A_79 = arith.addi %scan3A_77, %scan3A_78 : i32
      %scan3A_80 = arith.constant 1 : i32
      scf.for %scan3A_222 = %scan3A_77 to %scan3A_79 step %scan3A_80  : i32 {
        %mul3A_223 = arith.constant 16 : i32
        %mul3A_224 = arith.muli %scan3A_222, %mul3A_223 : i32
        %get3A = arith.index_cast %mul3A_224 : i32 to index
        %get3A_225 = tpu.vector_load %arg17[%get3A] {strides = array<i32>} : memref<640xf32, #tpu.memory_space<vmem>>, vector<16xf32>,
        %mul3A_226 = arith.constant 16 : i32
        %mul3A_227 = arith.muli %scan3A_222, %mul3A_226 : i32
        %get3A_228 = arith.index_cast %mul3A_227 : i32 to index
        %get3A_229 = tpu.vector_load %arg18[%get3A_228] {strides = array<i32>} : memref<640xf32, #tpu.memory_space<vmem>>, vector<16xf32>,
        %add3A_230 = arith.addf %get3A_225, %get3A_229 : vector<16xf32>
        %mul3A_231 = arith.constant 16 : i32
        %mul3A_232 = arith.muli %scan3A_222, %mul3A_231 : i32
        %swap3A = arith.index_cast %mul3A_232 : i32 to index
        %swap3A_233 = tpu.vector_load %arg17[%swap3A] {strides = array<i32>} : memref<640xf32, #tpu.memory_space<vmem>>, vector<16xf32>,
        tpu.vector_store %arg17[%swap3A], %add3A_230 {strides = array<i32>} : memref<640xf32, #tpu.memory_space<vmem>>, vector<16xf32>,
      }
      %scan3A_81 = arith.constant 40 : i32
      %mul3A_82 = arith.constant 624 : i32
      %mul3A_83 = arith.muli %arg1, %mul3A_82 : i32
      %add3A_84 = arith.constant 40000 : i32
      %add3A_85 = arith.addi %add3A_84, %mul3A_83 : i32
      %multiple_of3A_86 = tpu.assume_multiple %add3A_85, 8 : i32
      "tpu.region"() ({
        %run_scoped3A = tpu.sem_alloc : memref<!tpu.dma_semaphore, #tpu.memory_space<semaphore_mem>>
        %dma_start3A = tpu.memref_slice %arg22[%multiple_of3A_86] : memref<160000xf32, #tpu.memory_space<vmem_shared>> -> memref<640xf32, #tpu.memory_space<vmem_shared>>
        %dma_start3A_222 = tpu.memref_slice %arg22[%multiple_of3A_86] : memref<160000xf32, #tpu.memory_space<vmem_shared>> -> memref<640xf32, #tpu.memory_space<vmem_shared>>
        tpu.enqueue_dma source(%dma_start3A_222 : memref<640xf32, #tpu.memory_space<vmem_shared>>) target(%arg18 : memref<640xf32, #tpu.memory_space<vmem>>) target_semaphore(%run_scoped3A : memref<!tpu.dma_semaphore, #tpu.memory_space<semaphore_mem>>)
        %dma_wait3A = tpu.memref_slice %arg22[%multiple_of3A_86] : memref<160000xf32, #tpu.memory_space<vmem_shared>> -> memref<640xf32, #tpu.memory_space<vmem_shared>>
        %dma_wait3A_223 = tpu.memref_slice %arg22[%multiple_of3A_86] : memref<160000xf32, #tpu.memory_space<vmem_shared>> -> memref<640xf32, #tpu.memory_space<vmem_shared>>
        tpu.wait_dma2 semaphore(%run_scoped3A : memref<!tpu.dma_semaphore, #tpu.memory_space<semaphore_mem>>) src(%dma_wait3A_223 : memref<640xf32, #tpu.memory_space<vmem_shared>>) dst(%arg18 : memref<640xf32, #tpu.memory_space<vmem>>)
        tpu.yield
      }) : () -> ()
      %scan3A_87 = arith.constant 0 : i32
      %scan3A_88 = arith.constant 0 : i32
      %scan3A_89 = arith.constant 40 : i32
      %scan3A_90 = arith.addi %scan3A_88, %scan3A_89 : i32
      %scan3A_91 = arith.constant 1 : i32
      scf.for %scan3A_222 = %scan3A_88 to %scan3A_90 step %scan3A_91  : i32 {
        %mul3A_223 = arith.constant 16 : i32
        %mul3A_224 = arith.muli %scan3A_222, %mul3A_223 : i32
        %get3A = arith.index_cast %mul3A_224 : i32 to index
        %get3A_225 = tpu.vector_load %arg17[%get3A] {strides = array<i32>} : memref<640xf32, #tpu.memory_space<vmem>>, vector<16xf32>,
        %mul3A_226 = arith.constant 16 : i32
        %mul3A_227 = arith.muli %scan3A_222, %mul3A_226 : i32
        %get3A_228 = arith.index_cast %mul3A_227 : i32 to index
        %get3A_229 = tpu.vector_load %arg18[%get3A_228] {strides = array<i32>} : memref<640xf32, #tpu.memory_space<vmem>>, vector<16xf32>,
        %add3A_230 = arith.addf %get3A_225, %get3A_229 : vector<16xf32>
        %mul3A_231 = arith.constant 16 : i32
        %mul3A_232 = arith.muli %scan3A_222, %mul3A_231 : i32
        %swap3A = arith.index_cast %mul3A_232 : i32 to index
        %swap3A_233 = tpu.vector_load %arg17[%swap3A] {strides = array<i32>} : memref<640xf32, #tpu.memory_space<vmem>>, vector<16xf32>,
        tpu.vector_store %arg17[%swap3A], %add3A_230 {strides = array<i32>} : memref<640xf32, #tpu.memory_space<vmem>>, vector<16xf32>,
      }
      %scan3A_92 = arith.constant 40 : i32
      %mul3A_93 = arith.constant 624 : i32
      %mul3A_94 = arith.muli %arg1, %mul3A_93 : i32
      %add3A_95 = arith.constant 50000 : i32
      %add3A_96 = arith.addi %add3A_95, %mul3A_94 : i32
      %multiple_of3A_97 = tpu.assume_multiple %add3A_96, 8 : i32
      "tpu.region"() ({
        %run_scoped3A = tpu.sem_alloc : memref<!tpu.dma_semaphore, #tpu.memory_space<semaphore_mem>>
        %dma_start3A = tpu.memref_slice %arg22[%multiple_of3A_97] : memref<160000xf32, #tpu.memory_space<vmem_shared>> -> memref<640xf32, #tpu.memory_space<vmem_shared>>
        %dma_start3A_222 = tpu.memref_slice %arg22[%multiple_of3A_97] : memref<160000xf32, #tpu.memory_space<vmem_shared>> -> memref<640xf32, #tpu.memory_space<vmem_shared>>
        tpu.enqueue_dma source(%dma_start3A_222 : memref<640xf32, #tpu.memory_space<vmem_shared>>) target(%arg18 : memref<640xf32, #tpu.memory_space<vmem>>) target_semaphore(%run_scoped3A : memref<!tpu.dma_semaphore, #tpu.memory_space<semaphore_mem>>)
        %dma_wait3A = tpu.memref_slice %arg22[%multiple_of3A_97] : memref<160000xf32, #tpu.memory_space<vmem_shared>> -> memref<640xf32, #tpu.memory_space<vmem_shared>>
        %dma_wait3A_223 = tpu.memref_slice %arg22[%multiple_of3A_97] : memref<160000xf32, #tpu.memory_space<vmem_shared>> -> memref<640xf32, #tpu.memory_space<vmem_shared>>
        tpu.wait_dma2 semaphore(%run_scoped3A : memref<!tpu.dma_semaphore, #tpu.memory_space<semaphore_mem>>) src(%dma_wait3A_223 : memref<640xf32, #tpu.memory_space<vmem_shared>>) dst(%arg18 : memref<640xf32, #tpu.memory_space<vmem>>)
        tpu.yield
      }) : () -> ()
      %scan3A_98 = arith.constant 0 : i32
      %scan3A_99 = arith.constant 0 : i32
      %scan3A_100 = arith.constant 40 : i32
      %scan3A_101 = arith.addi %scan3A_99, %scan3A_100 : i32
      %scan3A_102 = arith.constant 1 : i32
      scf.for %scan3A_222 = %scan3A_99 to %scan3A_101 step %scan3A_102  : i32 {
        %mul3A_223 = arith.constant 16 : i32
        %mul3A_224 = arith.muli %scan3A_222, %mul3A_223 : i32
        %get3A = arith.index_cast %mul3A_224 : i32 to index
        %get3A_225 = tpu.vector_load %arg17[%get3A] {strides = array<i32>} : memref<640xf32, #tpu.memory_space<vmem>>, vector<16xf32>,
        %mul3A_226 = arith.constant 16 : i32
        %mul3A_227 = arith.muli %scan3A_222, %mul3A_226 : i32
        %get3A_228 = arith.index_cast %mul3A_227 : i32 to index
        %get3A_229 = tpu.vector_load %arg18[%get3A_228] {strides = array<i32>} : memref<640xf32, #tpu.memory_space<vmem>>, vector<16xf32>,
        %add3A_230 = arith.addf %get3A_225, %get3A_229 : vector<16xf32>
        %mul3A_231 = arith.constant 16 : i32
        %mul3A_232 = arith.muli %scan3A_222, %mul3A_231 : i32
        %swap3A = arith.index_cast %mul3A_232 : i32 to index
        %swap3A_233 = tpu.vector_load %arg17[%swap3A] {strides = array<i32>} : memref<640xf32, #tpu.memory_space<vmem>>, vector<16xf32>,
        tpu.vector_store %arg17[%swap3A], %add3A_230 {strides = array<i32>} : memref<640xf32, #tpu.memory_space<vmem>>, vector<16xf32>,
      }
      %scan3A_103 = arith.constant 40 : i32
      %mul3A_104 = arith.constant 624 : i32
      %mul3A_105 = arith.muli %arg1, %mul3A_104 : i32
      %add3A_106 = arith.constant 60000 : i32
      %add3A_107 = arith.addi %add3A_106, %mul3A_105 : i32
      %multiple_of3A_108 = tpu.assume_multiple %add3A_107, 8 : i32
      "tpu.region"() ({
        %run_scoped3A = tpu.sem_alloc : memref<!tpu.dma_semaphore, #tpu.memory_space<semaphore_mem>>
        %dma_start3A = tpu.memref_slice %arg22[%multiple_of3A_108] : memref<160000xf32, #tpu.memory_space<vmem_shared>> -> memref<640xf32, #tpu.memory_space<vmem_shared>>
        %dma_start3A_222 = tpu.memref_slice %arg22[%multiple_of3A_108] : memref<160000xf32, #tpu.memory_space<vmem_shared>> -> memref<640xf32, #tpu.memory_space<vmem_shared>>
        tpu.enqueue_dma source(%dma_start3A_222 : memref<640xf32, #tpu.memory_space<vmem_shared>>) target(%arg18 : memref<640xf32, #tpu.memory_space<vmem>>) target_semaphore(%run_scoped3A : memref<!tpu.dma_semaphore, #tpu.memory_space<semaphore_mem>>)
        %dma_wait3A = tpu.memref_slice %arg22[%multiple_of3A_108] : memref<160000xf32, #tpu.memory_space<vmem_shared>> -> memref<640xf32, #tpu.memory_space<vmem_shared>>
        %dma_wait3A_223 = tpu.memref_slice %arg22[%multiple_of3A_108] : memref<160000xf32, #tpu.memory_space<vmem_shared>> -> memref<640xf32, #tpu.memory_space<vmem_shared>>
        tpu.wait_dma2 semaphore(%run_scoped3A : memref<!tpu.dma_semaphore, #tpu.memory_space<semaphore_mem>>) src(%dma_wait3A_223 : memref<640xf32, #tpu.memory_space<vmem_shared>>) dst(%arg18 : memref<640xf32, #tpu.memory_space<vmem>>)
        tpu.yield
      }) : () -> ()
      %scan3A_109 = arith.constant 0 : i32
      %scan3A_110 = arith.constant 0 : i32
      %scan3A_111 = arith.constant 40 : i32
      %scan3A_112 = arith.addi %scan3A_110, %scan3A_111 : i32
      %scan3A_113 = arith.constant 1 : i32
      scf.for %scan3A_222 = %scan3A_110 to %scan3A_112 step %scan3A_113  : i32 {
        %mul3A_223 = arith.constant 16 : i32
        %mul3A_224 = arith.muli %scan3A_222, %mul3A_223 : i32
        %get3A = arith.index_cast %mul3A_224 : i32 to index
        %get3A_225 = tpu.vector_load %arg17[%get3A] {strides = array<i32>} : memref<640xf32, #tpu.memory_space<vmem>>, vector<16xf32>,
        %mul3A_226 = arith.constant 16 : i32
        %mul3A_227 = arith.muli %scan3A_222, %mul3A_226 : i32
        %get3A_228 = arith.index_cast %mul3A_227 : i32 to index
        %get3A_229 = tpu.vector_load %arg18[%get3A_228] {strides = array<i32>} : memref<640xf32, #tpu.memory_space<vmem>>, vector<16xf32>,
        %add3A_230 = arith.addf %get3A_225, %get3A_229 : vector<16xf32>
        %mul3A_231 = arith.constant 16 : i32
        %mul3A_232 = arith.muli %scan3A_222, %mul3A_231 : i32
        %swap3A = arith.index_cast %mul3A_232 : i32 to index
        %swap3A_233 = tpu.vector_load %arg17[%swap3A] {strides = array<i32>} : memref<640xf32, #tpu.memory_space<vmem>>, vector<16xf32>,
        tpu.vector_store %arg17[%swap3A], %add3A_230 {strides = array<i32>} : memref<640xf32, #tpu.memory_space<vmem>>, vector<16xf32>,
      }
      %scan3A_114 = arith.constant 40 : i32
      %mul3A_115 = arith.constant 624 : i32
      %mul3A_116 = arith.muli %arg1, %mul3A_115 : i32
      %add3A_117 = arith.constant 70000 : i32
      %add3A_118 = arith.addi %add3A_117, %mul3A_116 : i32
      %multiple_of3A_119 = tpu.assume_multiple %add3A_118, 8 : i32
      "tpu.region"() ({
        %run_scoped3A = tpu.sem_alloc : memref<!tpu.dma_semaphore, #tpu.memory_space<semaphore_mem>>
        %dma_start3A = tpu.memref_slice %arg22[%multiple_of3A_119] : memref<160000xf32, #tpu.memory_space<vmem_shared>> -> memref<640xf32, #tpu.memory_space<vmem_shared>>
        %dma_start3A_222 = tpu.memref_slice %arg22[%multiple_of3A_119] : memref<160000xf32, #tpu.memory_space<vmem_shared>> -> memref<640xf32, #tpu.memory_space<vmem_shared>>
        tpu.enqueue_dma source(%dma_start3A_222 : memref<640xf32, #tpu.memory_space<vmem_shared>>) target(%arg18 : memref<640xf32, #tpu.memory_space<vmem>>) target_semaphore(%run_scoped3A : memref<!tpu.dma_semaphore, #tpu.memory_space<semaphore_mem>>)
        %dma_wait3A = tpu.memref_slice %arg22[%multiple_of3A_119] : memref<160000xf32, #tpu.memory_space<vmem_shared>> -> memref<640xf32, #tpu.memory_space<vmem_shared>>
        %dma_wait3A_223 = tpu.memref_slice %arg22[%multiple_of3A_119] : memref<160000xf32, #tpu.memory_space<vmem_shared>> -> memref<640xf32, #tpu.memory_space<vmem_shared>>
        tpu.wait_dma2 semaphore(%run_scoped3A : memref<!tpu.dma_semaphore, #tpu.memory_space<semaphore_mem>>) src(%dma_wait3A_223 : memref<640xf32, #tpu.memory_space<vmem_shared>>) dst(%arg18 : memref<640xf32, #tpu.memory_space<vmem>>)
        tpu.yield
      }) : () -> ()
      %scan3A_120 = arith.constant 0 : i32
      %scan3A_121 = arith.constant 0 : i32
      %scan3A_122 = arith.constant 40 : i32
      %scan3A_123 = arith.addi %scan3A_121, %scan3A_122 : i32
      %scan3A_124 = arith.constant 1 : i32
      scf.for %scan3A_222 = %scan3A_121 to %scan3A_123 step %scan3A_124  : i32 {
        %mul3A_223 = arith.constant 16 : i32
        %mul3A_224 = arith.muli %scan3A_222, %mul3A_223 : i32
        %get3A = arith.index_cast %mul3A_224 : i32 to index
        %get3A_225 = tpu.vector_load %arg17[%get3A] {strides = array<i32>} : memref<640xf32, #tpu.memory_space<vmem>>, vector<16xf32>,
        %mul3A_226 = arith.constant 16 : i32
        %mul3A_227 = arith.muli %scan3A_222, %mul3A_226 : i32
        %get3A_228 = arith.index_cast %mul3A_227 : i32 to index
        %get3A_229 = tpu.vector_load %arg18[%get3A_228] {strides = array<i32>} : memref<640xf32, #tpu.memory_space<vmem>>, vector<16xf32>,
        %add3A_230 = arith.addf %get3A_225, %get3A_229 : vector<16xf32>
        %mul3A_231 = arith.constant 16 : i32
        %mul3A_232 = arith.muli %scan3A_222, %mul3A_231 : i32
        %swap3A = arith.index_cast %mul3A_232 : i32 to index
        %swap3A_233 = tpu.vector_load %arg17[%swap3A] {strides = array<i32>} : memref<640xf32, #tpu.memory_space<vmem>>, vector<16xf32>,
        tpu.vector_store %arg17[%swap3A], %add3A_230 {strides = array<i32>} : memref<640xf32, #tpu.memory_space<vmem>>, vector<16xf32>,
      }
      %scan3A_125 = arith.constant 40 : i32
      %mul3A_126 = arith.constant 624 : i32
      %mul3A_127 = arith.muli %arg1, %mul3A_126 : i32
      %add3A_128 = arith.constant 80000 : i32
      %add3A_129 = arith.addi %add3A_128, %mul3A_127 : i32
      %multiple_of3A_130 = tpu.assume_multiple %add3A_129, 8 : i32
      "tpu.region"() ({
        %run_scoped3A = tpu.sem_alloc : memref<!tpu.dma_semaphore, #tpu.memory_space<semaphore_mem>>
        %dma_start3A = tpu.memref_slice %arg22[%multiple_of3A_130] : memref<160000xf32, #tpu.memory_space<vmem_shared>> -> memref<640xf32, #tpu.memory_space<vmem_shared>>
        %dma_start3A_222 = tpu.memref_slice %arg22[%multiple_of3A_130] : memref<160000xf32, #tpu.memory_space<vmem_shared>> -> memref<640xf32, #tpu.memory_space<vmem_shared>>
        tpu.enqueue_dma source(%dma_start3A_222 : memref<640xf32, #tpu.memory_space<vmem_shared>>) target(%arg18 : memref<640xf32, #tpu.memory_space<vmem>>) target_semaphore(%run_scoped3A : memref<!tpu.dma_semaphore, #tpu.memory_space<semaphore_mem>>)
        %dma_wait3A = tpu.memref_slice %arg22[%multiple_of3A_130] : memref<160000xf32, #tpu.memory_space<vmem_shared>> -> memref<640xf32, #tpu.memory_space<vmem_shared>>
        %dma_wait3A_223 = tpu.memref_slice %arg22[%multiple_of3A_130] : memref<160000xf32, #tpu.memory_space<vmem_shared>> -> memref<640xf32, #tpu.memory_space<vmem_shared>>
        tpu.wait_dma2 semaphore(%run_scoped3A : memref<!tpu.dma_semaphore, #tpu.memory_space<semaphore_mem>>) src(%dma_wait3A_223 : memref<640xf32, #tpu.memory_space<vmem_shared>>) dst(%arg18 : memref<640xf32, #tpu.memory_space<vmem>>)
        tpu.yield
      }) : () -> ()
      %scan3A_131 = arith.constant 0 : i32
      %scan3A_132 = arith.constant 0 : i32
      %scan3A_133 = arith.constant 40 : i32
      %scan3A_134 = arith.addi %scan3A_132, %scan3A_133 : i32
      %scan3A_135 = arith.constant 1 : i32
      scf.for %scan3A_222 = %scan3A_132 to %scan3A_134 step %scan3A_135  : i32 {
        %mul3A_223 = arith.constant 16 : i32
        %mul3A_224 = arith.muli %scan3A_222, %mul3A_223 : i32
        %get3A = arith.index_cast %mul3A_224 : i32 to index
        %get3A_225 = tpu.vector_load %arg17[%get3A] {strides = array<i32>} : memref<640xf32, #tpu.memory_space<vmem>>, vector<16xf32>,
        %mul3A_226 = arith.constant 16 : i32
        %mul3A_227 = arith.muli %scan3A_222, %mul3A_226 : i32
        %get3A_228 = arith.index_cast %mul3A_227 : i32 to index
        %get3A_229 = tpu.vector_load %arg18[%get3A_228] {strides = array<i32>} : memref<640xf32, #tpu.memory_space<vmem>>, vector<16xf32>,
        %add3A_230 = arith.addf %get3A_225, %get3A_229 : vector<16xf32>
        %mul3A_231 = arith.constant 16 : i32
        %mul3A_232 = arith.muli %scan3A_222, %mul3A_231 : i32
        %swap3A = arith.index_cast %mul3A_232 : i32 to index
        %swap3A_233 = tpu.vector_load %arg17[%swap3A] {strides = array<i32>} : memref<640xf32, #tpu.memory_space<vmem>>, vector<16xf32>,
        tpu.vector_store %arg17[%swap3A], %add3A_230 {strides = array<i32>} : memref<640xf32, #tpu.memory_space<vmem>>, vector<16xf32>,
      }
      %scan3A_136 = arith.constant 40 : i32
      %mul3A_137 = arith.constant 624 : i32
      %mul3A_138 = arith.muli %arg1, %mul3A_137 : i32
      %add3A_139 = arith.constant 90000 : i32
      %add3A_140 = arith.addi %add3A_139, %mul3A_138 : i32
      %multiple_of3A_141 = tpu.assume_multiple %add3A_140, 8 : i32
      "tpu.region"() ({
        %run_scoped3A = tpu.sem_alloc : memref<!tpu.dma_semaphore, #tpu.memory_space<semaphore_mem>>
        %dma_start3A = tpu.memref_slice %arg22[%multiple_of3A_141] : memref<160000xf32, #tpu.memory_space<vmem_shared>> -> memref<640xf32, #tpu.memory_space<vmem_shared>>
        %dma_start3A_222 = tpu.memref_slice %arg22[%multiple_of3A_141] : memref<160000xf32, #tpu.memory_space<vmem_shared>> -> memref<640xf32, #tpu.memory_space<vmem_shared>>
        tpu.enqueue_dma source(%dma_start3A_222 : memref<640xf32, #tpu.memory_space<vmem_shared>>) target(%arg18 : memref<640xf32, #tpu.memory_space<vmem>>) target_semaphore(%run_scoped3A : memref<!tpu.dma_semaphore, #tpu.memory_space<semaphore_mem>>)
        %dma_wait3A = tpu.memref_slice %arg22[%multiple_of3A_141] : memref<160000xf32, #tpu.memory_space<vmem_shared>> -> memref<640xf32, #tpu.memory_space<vmem_shared>>
        %dma_wait3A_223 = tpu.memref_slice %arg22[%multiple_of3A_141] : memref<160000xf32, #tpu.memory_space<vmem_shared>> -> memref<640xf32, #tpu.memory_space<vmem_shared>>
        tpu.wait_dma2 semaphore(%run_scoped3A : memref<!tpu.dma_semaphore, #tpu.memory_space<semaphore_mem>>) src(%dma_wait3A_223 : memref<640xf32, #tpu.memory_space<vmem_shared>>) dst(%arg18 : memref<640xf32, #tpu.memory_space<vmem>>)
        tpu.yield
      }) : () -> ()
      %scan3A_142 = arith.constant 0 : i32
      %scan3A_143 = arith.constant 0 : i32
      %scan3A_144 = arith.constant 40 : i32
      %scan3A_145 = arith.addi %scan3A_143, %scan3A_144 : i32
      %scan3A_146 = arith.constant 1 : i32
      scf.for %scan3A_222 = %scan3A_143 to %scan3A_145 step %scan3A_146  : i32 {
        %mul3A_223 = arith.constant 16 : i32
        %mul3A_224 = arith.muli %scan3A_222, %mul3A_223 : i32
        %get3A = arith.index_cast %mul3A_224 : i32 to index
        %get3A_225 = tpu.vector_load %arg17[%get3A] {strides = array<i32>} : memref<640xf32, #tpu.memory_space<vmem>>, vector<16xf32>,
        %mul3A_226 = arith.constant 16 : i32
        %mul3A_227 = arith.muli %scan3A_222, %mul3A_226 : i32
        %get3A_228 = arith.index_cast %mul3A_227 : i32 to index
        %get3A_229 = tpu.vector_load %arg18[%get3A_228] {strides = array<i32>} : memref<640xf32, #tpu.memory_space<vmem>>, vector<16xf32>,
        %add3A_230 = arith.addf %get3A_225, %get3A_229 : vector<16xf32>
        %mul3A_231 = arith.constant 16 : i32
        %mul3A_232 = arith.muli %scan3A_222, %mul3A_231 : i32
        %swap3A = arith.index_cast %mul3A_232 : i32 to index
        %swap3A_233 = tpu.vector_load %arg17[%swap3A] {strides = array<i32>} : memref<640xf32, #tpu.memory_space<vmem>>, vector<16xf32>,
        tpu.vector_store %arg17[%swap3A], %add3A_230 {strides = array<i32>} : memref<640xf32, #tpu.memory_space<vmem>>, vector<16xf32>,
      }
      %scan3A_147 = arith.constant 40 : i32
      %mul3A_148 = arith.constant 624 : i32
      %mul3A_149 = arith.muli %arg1, %mul3A_148 : i32
      %add3A_150 = arith.constant 100000 : i32
      %add3A_151 = arith.addi %add3A_150, %mul3A_149 : i32
      %multiple_of3A_152 = tpu.assume_multiple %add3A_151, 8 : i32
      "tpu.region"() ({
        %run_scoped3A = tpu.sem_alloc : memref<!tpu.dma_semaphore, #tpu.memory_space<semaphore_mem>>
        %dma_start3A = tpu.memref_slice %arg22[%multiple_of3A_152] : memref<160000xf32, #tpu.memory_space<vmem_shared>> -> memref<640xf32, #tpu.memory_space<vmem_shared>>
        %dma_start3A_222 = tpu.memref_slice %arg22[%multiple_of3A_152] : memref<160000xf32, #tpu.memory_space<vmem_shared>> -> memref<640xf32, #tpu.memory_space<vmem_shared>>
        tpu.enqueue_dma source(%dma_start3A_222 : memref<640xf32, #tpu.memory_space<vmem_shared>>) target(%arg18 : memref<640xf32, #tpu.memory_space<vmem>>) target_semaphore(%run_scoped3A : memref<!tpu.dma_semaphore, #tpu.memory_space<semaphore_mem>>)
        %dma_wait3A = tpu.memref_slice %arg22[%multiple_of3A_152] : memref<160000xf32, #tpu.memory_space<vmem_shared>> -> memref<640xf32, #tpu.memory_space<vmem_shared>>
        %dma_wait3A_223 = tpu.memref_slice %arg22[%multiple_of3A_152] : memref<160000xf32, #tpu.memory_space<vmem_shared>> -> memref<640xf32, #tpu.memory_space<vmem_shared>>
        tpu.wait_dma2 semaphore(%run_scoped3A : memref<!tpu.dma_semaphore, #tpu.memory_space<semaphore_mem>>) src(%dma_wait3A_223 : memref<640xf32, #tpu.memory_space<vmem_shared>>) dst(%arg18 : memref<640xf32, #tpu.memory_space<vmem>>)
        tpu.yield
      }) : () -> ()
      %scan3A_153 = arith.constant 0 : i32
      %scan3A_154 = arith.constant 0 : i32
      %scan3A_155 = arith.constant 40 : i32
      %scan3A_156 = arith.addi %scan3A_154, %scan3A_155 : i32
      %scan3A_157 = arith.constant 1 : i32
      scf.for %scan3A_222 = %scan3A_154 to %scan3A_156 step %scan3A_157  : i32 {
        %mul3A_223 = arith.constant 16 : i32
        %mul3A_224 = arith.muli %scan3A_222, %mul3A_223 : i32
        %get3A = arith.index_cast %mul3A_224 : i32 to index
        %get3A_225 = tpu.vector_load %arg17[%get3A] {strides = array<i32>} : memref<640xf32, #tpu.memory_space<vmem>>, vector<16xf32>,
        %mul3A_226 = arith.constant 16 : i32
        %mul3A_227 = arith.muli %scan3A_222, %mul3A_226 : i32
        %get3A_228 = arith.index_cast %mul3A_227 : i32 to index
        %get3A_229 = tpu.vector_load %arg18[%get3A_228] {strides = array<i32>} : memref<640xf32, #tpu.memory_space<vmem>>, vector<16xf32>,
        %add3A_230 = arith.addf %get3A_225, %get3A_229 : vector<16xf32>
        %mul3A_231 = arith.constant 16 : i32
        %mul3A_232 = arith.muli %scan3A_222, %mul3A_231 : i32
        %swap3A = arith.index_cast %mul3A_232 : i32 to index
        %swap3A_233 = tpu.vector_load %arg17[%swap3A] {strides = array<i32>} : memref<640xf32, #tpu.memory_space<vmem>>, vector<16xf32>,
        tpu.vector_store %arg17[%swap3A], %add3A_230 {strides = array<i32>} : memref<640xf32, #tpu.memory_space<vmem>>, vector<16xf32>,
      }
      %scan3A_158 = arith.constant 40 : i32
      %mul3A_159 = arith.constant 624 : i32
      %mul3A_160 = arith.muli %arg1, %mul3A_159 : i32
      %add3A_161 = arith.constant 110000 : i32
      %add3A_162 = arith.addi %add3A_161, %mul3A_160 : i32
      %multiple_of3A_163 = tpu.assume_multiple %add3A_162, 8 : i32
      "tpu.region"() ({
        %run_scoped3A = tpu.sem_alloc : memref<!tpu.dma_semaphore, #tpu.memory_space<semaphore_mem>>
        %dma_start3A = tpu.memref_slice %arg22[%multiple_of3A_163] : memref<160000xf32, #tpu.memory_space<vmem_shared>> -> memref<640xf32, #tpu.memory_space<vmem_shared>>
        %dma_start3A_222 = tpu.memref_slice %arg22[%multiple_of3A_163] : memref<160000xf32, #tpu.memory_space<vmem_shared>> -> memref<640xf32, #tpu.memory_space<vmem_shared>>
        tpu.enqueue_dma source(%dma_start3A_222 : memref<640xf32, #tpu.memory_space<vmem_shared>>) target(%arg18 : memref<640xf32, #tpu.memory_space<vmem>>) target_semaphore(%run_scoped3A : memref<!tpu.dma_semaphore, #tpu.memory_space<semaphore_mem>>)
        %dma_wait3A = tpu.memref_slice %arg22[%multiple_of3A_163] : memref<160000xf32, #tpu.memory_space<vmem_shared>> -> memref<640xf32, #tpu.memory_space<vmem_shared>>
        %dma_wait3A_223 = tpu.memref_slice %arg22[%multiple_of3A_163] : memref<160000xf32, #tpu.memory_space<vmem_shared>> -> memref<640xf32, #tpu.memory_space<vmem_shared>>
        tpu.wait_dma2 semaphore(%run_scoped3A : memref<!tpu.dma_semaphore, #tpu.memory_space<semaphore_mem>>) src(%dma_wait3A_223 : memref<640xf32, #tpu.memory_space<vmem_shared>>) dst(%arg18 : memref<640xf32, #tpu.memory_space<vmem>>)
        tpu.yield
      }) : () -> ()
      %scan3A_164 = arith.constant 0 : i32
      %scan3A_165 = arith.constant 0 : i32
      %scan3A_166 = arith.constant 40 : i32
      %scan3A_167 = arith.addi %scan3A_165, %scan3A_166 : i32
      %scan3A_168 = arith.constant 1 : i32
      scf.for %scan3A_222 = %scan3A_165 to %scan3A_167 step %scan3A_168  : i32 {
        %mul3A_223 = arith.constant 16 : i32
        %mul3A_224 = arith.muli %scan3A_222, %mul3A_223 : i32
        %get3A = arith.index_cast %mul3A_224 : i32 to index
        %get3A_225 = tpu.vector_load %arg17[%get3A] {strides = array<i32>} : memref<640xf32, #tpu.memory_space<vmem>>, vector<16xf32>,
        %mul3A_226 = arith.constant 16 : i32
        %mul3A_227 = arith.muli %scan3A_222, %mul3A_226 : i32
        %get3A_228 = arith.index_cast %mul3A_227 : i32 to index
        %get3A_229 = tpu.vector_load %arg18[%get3A_228] {strides = array<i32>} : memref<640xf32, #tpu.memory_space<vmem>>, vector<16xf32>,
        %add3A_230 = arith.addf %get3A_225, %get3A_229 : vector<16xf32>
        %mul3A_231 = arith.constant 16 : i32
        %mul3A_232 = arith.muli %scan3A_222, %mul3A_231 : i32
        %swap3A = arith.index_cast %mul3A_232 : i32 to index
        %swap3A_233 = tpu.vector_load %arg17[%swap3A] {strides = array<i32>} : memref<640xf32, #tpu.memory_space<vmem>>, vector<16xf32>,
        tpu.vector_store %arg17[%swap3A], %add3A_230 {strides = array<i32>} : memref<640xf32, #tpu.memory_space<vmem>>, vector<16xf32>,
      }
      %scan3A_169 = arith.constant 40 : i32
      %mul3A_170 = arith.constant 624 : i32
      %mul3A_171 = arith.muli %arg1, %mul3A_170 : i32
      %add3A_172 = arith.constant 120000 : i32
      %add3A_173 = arith.addi %add3A_172, %mul3A_171 : i32
      %multiple_of3A_174 = tpu.assume_multiple %add3A_173, 8 : i32
      "tpu.region"() ({
        %run_scoped3A = tpu.sem_alloc : memref<!tpu.dma_semaphore, #tpu.memory_space<semaphore_mem>>
        %dma_start3A = tpu.memref_slice %arg22[%multiple_of3A_174] : memref<160000xf32, #tpu.memory_space<vmem_shared>> -> memref<640xf32, #tpu.memory_space<vmem_shared>>
        %dma_start3A_222 = tpu.memref_slice %arg22[%multiple_of3A_174] : memref<160000xf32, #tpu.memory_space<vmem_shared>> -> memref<640xf32, #tpu.memory_space<vmem_shared>>
        tpu.enqueue_dma source(%dma_start3A_222 : memref<640xf32, #tpu.memory_space<vmem_shared>>) target(%arg18 : memref<640xf32, #tpu.memory_space<vmem>>) target_semaphore(%run_scoped3A : memref<!tpu.dma_semaphore, #tpu.memory_space<semaphore_mem>>)
        %dma_wait3A = tpu.memref_slice %arg22[%multiple_of3A_174] : memref<160000xf32, #tpu.memory_space<vmem_shared>> -> memref<640xf32, #tpu.memory_space<vmem_shared>>
        %dma_wait3A_223 = tpu.memref_slice %arg22[%multiple_of3A_174] : memref<160000xf32, #tpu.memory_space<vmem_shared>> -> memref<640xf32, #tpu.memory_space<vmem_shared>>
        tpu.wait_dma2 semaphore(%run_scoped3A : memref<!tpu.dma_semaphore, #tpu.memory_space<semaphore_mem>>) src(%dma_wait3A_223 : memref<640xf32, #tpu.memory_space<vmem_shared>>) dst(%arg18 : memref<640xf32, #tpu.memory_space<vmem>>)
        tpu.yield
      }) : () -> ()
      %scan3A_175 = arith.constant 0 : i32
      %scan3A_176 = arith.constant 0 : i32
      %scan3A_177 = arith.constant 40 : i32
      %scan3A_178 = arith.addi %scan3A_176, %scan3A_177 : i32
      %scan3A_179 = arith.constant 1 : i32
      scf.for %scan3A_222 = %scan3A_176 to %scan3A_178 step %scan3A_179  : i32 {
        %mul3A_223 = arith.constant 16 : i32
        %mul3A_224 = arith.muli %scan3A_222, %mul3A_223 : i32
        %get3A = arith.index_cast %mul3A_224 : i32 to index
        %get3A_225 = tpu.vector_load %arg17[%get3A] {strides = array<i32>} : memref<640xf32, #tpu.memory_space<vmem>>, vector<16xf32>,
        %mul3A_226 = arith.constant 16 : i32
        %mul3A_227 = arith.muli %scan3A_222, %mul3A_226 : i32
        %get3A_228 = arith.index_cast %mul3A_227 : i32 to index
        %get3A_229 = tpu.vector_load %arg18[%get3A_228] {strides = array<i32>} : memref<640xf32, #tpu.memory_space<vmem>>, vector<16xf32>,
        %add3A_230 = arith.addf %get3A_225, %get3A_229 : vector<16xf32>
        %mul3A_231 = arith.constant 16 : i32
        %mul3A_232 = arith.muli %scan3A_222, %mul3A_231 : i32
        %swap3A = arith.index_cast %mul3A_232 : i32 to index
        %swap3A_233 = tpu.vector_load %arg17[%swap3A] {strides = array<i32>} : memref<640xf32, #tpu.memory_space<vmem>>, vector<16xf32>,
        tpu.vector_store %arg17[%swap3A], %add3A_230 {strides = array<i32>} : memref<640xf32, #tpu.memory_space<vmem>>, vector<16xf32>,
      }
      %scan3A_180 = arith.constant 40 : i32
      %mul3A_181 = arith.constant 624 : i32
      %mul3A_182 = arith.muli %arg1, %mul3A_181 : i32
      %add3A_183 = arith.constant 130000 : i32
      %add3A_184 = arith.addi %add3A_183, %mul3A_182 : i32
      %multiple_of3A_185 = tpu.assume_multiple %add3A_184, 8 : i32
      "tpu.region"() ({
        %run_scoped3A = tpu.sem_alloc : memref<!tpu.dma_semaphore, #tpu.memory_space<semaphore_mem>>
        %dma_start3A = tpu.memref_slice %arg22[%multiple_of3A_185] : memref<160000xf32, #tpu.memory_space<vmem_shared>> -> memref<640xf32, #tpu.memory_space<vmem_shared>>
        %dma_start3A_222 = tpu.memref_slice %arg22[%multiple_of3A_185] : memref<160000xf32, #tpu.memory_space<vmem_shared>> -> memref<640xf32, #tpu.memory_space<vmem_shared>>
        tpu.enqueue_dma source(%dma_start3A_222 : memref<640xf32, #tpu.memory_space<vmem_shared>>) target(%arg18 : memref<640xf32, #tpu.memory_space<vmem>>) target_semaphore(%run_scoped3A : memref<!tpu.dma_semaphore, #tpu.memory_space<semaphore_mem>>)
        %dma_wait3A = tpu.memref_slice %arg22[%multiple_of3A_185] : memref<160000xf32, #tpu.memory_space<vmem_shared>> -> memref<640xf32, #tpu.memory_space<vmem_shared>>
        %dma_wait3A_223 = tpu.memref_slice %arg22[%multiple_of3A_185] : memref<160000xf32, #tpu.memory_space<vmem_shared>> -> memref<640xf32, #tpu.memory_space<vmem_shared>>
        tpu.wait_dma2 semaphore(%run_scoped3A : memref<!tpu.dma_semaphore, #tpu.memory_space<semaphore_mem>>) src(%dma_wait3A_223 : memref<640xf32, #tpu.memory_space<vmem_shared>>) dst(%arg18 : memref<640xf32, #tpu.memory_space<vmem>>)
        tpu.yield
      }) : () -> ()
      %scan3A_186 = arith.constant 0 : i32
      %scan3A_187 = arith.constant 0 : i32
      %scan3A_188 = arith.constant 40 : i32
      %scan3A_189 = arith.addi %scan3A_187, %scan3A_188 : i32
      %scan3A_190 = arith.constant 1 : i32
      scf.for %scan3A_222 = %scan3A_187 to %scan3A_189 step %scan3A_190  : i32 {
        %mul3A_223 = arith.constant 16 : i32
        %mul3A_224 = arith.muli %scan3A_222, %mul3A_223 : i32
        %get3A = arith.index_cast %mul3A_224 : i32 to index
        %get3A_225 = tpu.vector_load %arg17[%get3A] {strides = array<i32>} : memref<640xf32, #tpu.memory_space<vmem>>, vector<16xf32>,
        %mul3A_226 = arith.constant 16 : i32
        %mul3A_227 = arith.muli %scan3A_222, %mul3A_226 : i32
        %get3A_228 = arith.index_cast %mul3A_227 : i32 to index
        %get3A_229 = tpu.vector_load %arg18[%get3A_228] {strides = array<i32>} : memref<640xf32, #tpu.memory_space<vmem>>, vector<16xf32>,
        %add3A_230 = arith.addf %get3A_225, %get3A_229 : vector<16xf32>
        %mul3A_231 = arith.constant 16 : i32
        %mul3A_232 = arith.muli %scan3A_222, %mul3A_231 : i32
        %swap3A = arith.index_cast %mul3A_232 : i32 to index
        %swap3A_233 = tpu.vector_load %arg17[%swap3A] {strides = array<i32>} : memref<640xf32, #tpu.memory_space<vmem>>, vector<16xf32>,
        tpu.vector_store %arg17[%swap3A], %add3A_230 {strides = array<i32>} : memref<640xf32, #tpu.memory_space<vmem>>, vector<16xf32>,
      }
      %scan3A_191 = arith.constant 40 : i32
      %mul3A_192 = arith.constant 624 : i32
      %mul3A_193 = arith.muli %arg1, %mul3A_192 : i32
      %add3A_194 = arith.constant 140000 : i32
      %add3A_195 = arith.addi %add3A_194, %mul3A_193 : i32
      %multiple_of3A_196 = tpu.assume_multiple %add3A_195, 8 : i32
      "tpu.region"() ({
        %run_scoped3A = tpu.sem_alloc : memref<!tpu.dma_semaphore, #tpu.memory_space<semaphore_mem>>
        %dma_start3A = tpu.memref_slice %arg22[%multiple_of3A_196] : memref<160000xf32, #tpu.memory_space<vmem_shared>> -> memref<640xf32, #tpu.memory_space<vmem_shared>>
        %dma_start3A_222 = tpu.memref_slice %arg22[%multiple_of3A_196] : memref<160000xf32, #tpu.memory_space<vmem_shared>> -> memref<640xf32, #tpu.memory_space<vmem_shared>>
        tpu.enqueue_dma source(%dma_start3A_222 : memref<640xf32, #tpu.memory_space<vmem_shared>>) target(%arg18 : memref<640xf32, #tpu.memory_space<vmem>>) target_semaphore(%run_scoped3A : memref<!tpu.dma_semaphore, #tpu.memory_space<semaphore_mem>>)
        %dma_wait3A = tpu.memref_slice %arg22[%multiple_of3A_196] : memref<160000xf32, #tpu.memory_space<vmem_shared>> -> memref<640xf32, #tpu.memory_space<vmem_shared>>
        %dma_wait3A_223 = tpu.memref_slice %arg22[%multiple_of3A_196] : memref<160000xf32, #tpu.memory_space<vmem_shared>> -> memref<640xf32, #tpu.memory_space<vmem_shared>>
        tpu.wait_dma2 semaphore(%run_scoped3A : memref<!tpu.dma_semaphore, #tpu.memory_space<semaphore_mem>>) src(%dma_wait3A_223 : memref<640xf32, #tpu.memory_space<vmem_shared>>) dst(%arg18 : memref<640xf32, #tpu.memory_space<vmem>>)
        tpu.yield
      }) : () -> ()
      %scan3A_197 = arith.constant 0 : i32
      %scan3A_198 = arith.constant 0 : i32
      %scan3A_199 = arith.constant 40 : i32
      %scan3A_200 = arith.addi %scan3A_198, %scan3A_199 : i32
      %scan3A_201 = arith.constant 1 : i32
      scf.for %scan3A_222 = %scan3A_198 to %scan3A_200 step %scan3A_201  : i32 {
        %mul3A_223 = arith.constant 16 : i32
        %mul3A_224 = arith.muli %scan3A_222, %mul3A_223 : i32
        %get3A = arith.index_cast %mul3A_224 : i32 to index
        %get3A_225 = tpu.vector_load %arg17[%get3A] {strides = array<i32>} : memref<640xf32, #tpu.memory_space<vmem>>, vector<16xf32>,
        %mul3A_226 = arith.constant 16 : i32
        %mul3A_227 = arith.muli %scan3A_222, %mul3A_226 : i32
        %get3A_228 = arith.index_cast %mul3A_227 : i32 to index
        %get3A_229 = tpu.vector_load %arg18[%get3A_228] {strides = array<i32>} : memref<640xf32, #tpu.memory_space<vmem>>, vector<16xf32>,
        %add3A_230 = arith.addf %get3A_225, %get3A_229 : vector<16xf32>
        %mul3A_231 = arith.constant 16 : i32
        %mul3A_232 = arith.muli %scan3A_222, %mul3A_231 : i32
        %swap3A = arith.index_cast %mul3A_232 : i32 to index
        %swap3A_233 = tpu.vector_load %arg17[%swap3A] {strides = array<i32>} : memref<640xf32, #tpu.memory_space<vmem>>, vector<16xf32>,
        tpu.vector_store %arg17[%swap3A], %add3A_230 {strides = array<i32>} : memref<640xf32, #tpu.memory_space<vmem>>, vector<16xf32>,
      }
      %scan3A_202 = arith.constant 40 : i32
      %mul3A_203 = arith.constant 624 : i32
      %mul3A_204 = arith.muli %arg1, %mul3A_203 : i32
      %add3A_205 = arith.constant 150000 : i32
      %add3A_206 = arith.addi %add3A_205, %mul3A_204 : i32
      %multiple_of3A_207 = tpu.assume_multiple %add3A_206, 8 : i32
      "tpu.region"() ({
        %run_scoped3A = tpu.sem_alloc : memref<!tpu.dma_semaphore, #tpu.memory_space<semaphore_mem>>
        %dma_start3A = tpu.memref_slice %arg22[%multiple_of3A_207] : memref<160000xf32, #tpu.memory_space<vmem_shared>> -> memref<640xf32, #tpu.memory_space<vmem_shared>>
        %dma_start3A_222 = tpu.memref_slice %arg22[%multiple_of3A_207] : memref<160000xf32, #tpu.memory_space<vmem_shared>> -> memref<640xf32, #tpu.memory_space<vmem_shared>>
        tpu.enqueue_dma source(%dma_start3A_222 : memref<640xf32, #tpu.memory_space<vmem_shared>>) target(%arg18 : memref<640xf32, #tpu.memory_space<vmem>>) target_semaphore(%run_scoped3A : memref<!tpu.dma_semaphore, #tpu.memory_space<semaphore_mem>>)
        %dma_wait3A = tpu.memref_slice %arg22[%multiple_of3A_207] : memref<160000xf32, #tpu.memory_space<vmem_shared>> -> memref<640xf32, #tpu.memory_space<vmem_shared>>
        %dma_wait3A_223 = tpu.memref_slice %arg22[%multiple_of3A_207] : memref<160000xf32, #tpu.memory_space<vmem_shared>> -> memref<640xf32, #tpu.memory_space<vmem_shared>>
        tpu.wait_dma2 semaphore(%run_scoped3A : memref<!tpu.dma_semaphore, #tpu.memory_space<semaphore_mem>>) src(%dma_wait3A_223 : memref<640xf32, #tpu.memory_space<vmem_shared>>) dst(%arg18 : memref<640xf32, #tpu.memory_space<vmem>>)
        tpu.yield
      }) : () -> ()
      %scan3A_208 = arith.constant 0 : i32
      %scan3A_209 = arith.constant 0 : i32
      %scan3A_210 = arith.constant 40 : i32
      %scan3A_211 = arith.addi %scan3A_209, %scan3A_210 : i32
      %scan3A_212 = arith.constant 1 : i32
      scf.for %scan3A_222 = %scan3A_209 to %scan3A_211 step %scan3A_212  : i32 {
        %mul3A_223 = arith.constant 16 : i32
        %mul3A_224 = arith.muli %scan3A_222, %mul3A_223 : i32
        %get3A = arith.index_cast %mul3A_224 : i32 to index
        %get3A_225 = tpu.vector_load %arg17[%get3A] {strides = array<i32>} : memref<640xf32, #tpu.memory_space<vmem>>, vector<16xf32>,
        %mul3A_226 = arith.constant 16 : i32
        %mul3A_227 = arith.muli %scan3A_222, %mul3A_226 : i32
        %get3A_228 = arith.index_cast %mul3A_227 : i32 to index
        %get3A_229 = tpu.vector_load %arg18[%get3A_228] {strides = array<i32>} : memref<640xf32, #tpu.memory_space<vmem>>, vector<16xf32>,
        %add3A_230 = arith.addf %get3A_225, %get3A_229 : vector<16xf32>
        %mul3A_231 = arith.constant 16 : i32
        %mul3A_232 = arith.muli %scan3A_222, %mul3A_231 : i32
        %swap3A = arith.index_cast %mul3A_232 : i32 to index
        %swap3A_233 = tpu.vector_load %arg17[%swap3A] {strides = array<i32>} : memref<640xf32, #tpu.memory_space<vmem>>, vector<16xf32>,
        tpu.vector_store %arg17[%swap3A], %add3A_230 {strides = array<i32>} : memref<640xf32, #tpu.memory_space<vmem>>, vector<16xf32>,
      }
      %scan3A_213 = arith.constant 40 : i32
      %scan3A_214 = arith.constant 0 : i32
      %scan3A_215 = arith.constant 0 : i32
      %scan3A_216 = arith.constant 40 : i32
      %scan3A_217 = arith.addi %scan3A_215, %scan3A_216 : i32
      %scan3A_218 = arith.constant 1 : i32
      scf.for %scan3A_222 = %scan3A_215 to %scan3A_217 step %scan3A_218  : i32 {
        %mul3A_223 = arith.constant 16 : i32
        %mul3A_224 = arith.muli %scan3A_222, %mul3A_223 : i32
        %get3A = arith.index_cast %mul3A_224 : i32 to index
        %get3A_225 = tpu.vector_load %arg17[%get3A] {strides = array<i32>} : memref<640xf32, #tpu.memory_space<vmem>>, vector<16xf32>,
        %add3A_226 = arith.constant 1.000000e+00 : f32
        %add3A_227 = vector.broadcast %add3A_226 : f32 to vector<16xf32>
        %add3A_228 = arith.addf %get3A_225, %add3A_227 : vector<16xf32>
        %bitcast3A = vector.bitcast %add3A_228 : vector<16xf32> to vector<16xi32>
        %shift_right_arithmetic3A = arith.constant 1 : i32
        %shift_right_arithmetic3A_229 = vector.broadcast %shift_right_arithmetic3A : i32 to vector<16xi32>
        %shift_right_arithmetic3A_230 = arith.shrsi %bitcast3A, %shift_right_arithmetic3A_229 : vector<16xi32>
        %sub3A = arith.constant 1597463007 : i32
        %sub3A_231 = vector.broadcast %sub3A : i32 to vector<16xi32>
        %sub3A_232 = arith.subi %sub3A_231, %shift_right_arithmetic3A_230 : vector<16xi32>
        %bitcast3A_233 = vector.bitcast %sub3A_232 : vector<16xi32> to vector<16xf32>
        %mul3A_234 = arith.constant 5.000000e-01 : f32
        %mul3A_235 = vector.broadcast %mul3A_234 : f32 to vector<16xf32>
        %mul3A_236 = arith.mulf %mul3A_235, %add3A_228 : vector<16xf32>
        %mul3A_237 = arith.mulf %mul3A_236, %bitcast3A_233 : vector<16xf32>
        %mul3A_238 = arith.mulf %mul3A_237, %bitcast3A_233 : vector<16xf32>
        %sub3A_239 = arith.constant 1.500000e+00 : f32
        %sub3A_240 = vector.broadcast %sub3A_239 : f32 to vector<16xf32>
        %sub3A_241 = arith.subf %sub3A_240, %mul3A_238 : vector<16xf32>
        %mul3A_242 = arith.mulf %bitcast3A_233, %sub3A_241 : vector<16xf32>
        %mul3A_243 = arith.constant 5.000000e-01 : f32
        %mul3A_244 = vector.broadcast %mul3A_243 : f32 to vector<16xf32>
        %mul3A_245 = arith.mulf %mul3A_244, %add3A_228 : vector<16xf32>
        %mul3A_246 = arith.mulf %mul3A_245, %mul3A_242 : vector<16xf32>
        %mul3A_247 = arith.mulf %mul3A_246, %mul3A_242 : vector<16xf32>
        %sub3A_248 = arith.constant 1.500000e+00 : f32
        %sub3A_249 = vector.broadcast %sub3A_248 : f32 to vector<16xf32>
        %sub3A_250 = arith.subf %sub3A_249, %mul3A_247 : vector<16xf32>
        %mul3A_251 = arith.mulf %mul3A_242, %sub3A_250 : vector<16xf32>
        %mul3A_252 = arith.constant 5.000000e-01 : f32
        %mul3A_253 = vector.broadcast %mul3A_252 : f32 to vector<16xf32>
        %mul3A_254 = arith.mulf %mul3A_253, %add3A_228 : vector<16xf32>
        %mul3A_255 = arith.mulf %mul3A_254, %mul3A_251 : vector<16xf32>
        %mul3A_256 = arith.mulf %mul3A_255, %mul3A_251 : vector<16xf32>
        %sub3A_257 = arith.constant 1.500000e+00 : f32
        %sub3A_258 = vector.broadcast %sub3A_257 : f32 to vector<16xf32>
        %sub3A_259 = arith.subf %sub3A_258, %mul3A_256 : vector<16xf32>
        %mul3A_260 = arith.mulf %mul3A_251, %sub3A_259 : vector<16xf32>
        %mul3A_261 = arith.constant 16 : i32
        %mul3A_262 = arith.muli %scan3A_222, %mul3A_261 : i32
        %swap3A = arith.index_cast %mul3A_262 : i32 to index
        %swap3A_263 = tpu.vector_load %arg17[%swap3A] {strides = array<i32>} : memref<640xf32, #tpu.memory_space<vmem>>, vector<16xf32>,
        tpu.vector_store %arg17[%swap3A], %mul3A_260 {strides = array<i32>} : memref<640xf32, #tpu.memory_space<vmem>>, vector<16xf32>,
      }
      %scan3A_219 = arith.constant 40 : i32
      %mul3A_220 = arith.constant 624 : i32
      %mul3A_221 = arith.muli %arg1, %mul3A_220 : i32
      "tpu.region"() ({
        %run_scoped3A = tpu.sem_alloc : memref<!tpu.dma_semaphore, #tpu.memory_space<semaphore_mem>>
        %dma_start3A = tpu.memref_slice %arg23[%mul3A_221] : memref<10000xf32, #tpu.memory_space<vmem_shared>> -> memref<640xf32, #tpu.memory_space<vmem_shared>>
        %dma_start3A_222 = tpu.memref_slice %arg23[%mul3A_221] : memref<10000xf32, #tpu.memory_space<vmem_shared>> -> memref<640xf32, #tpu.memory_space<vmem_shared>>
        tpu.enqueue_dma source(%arg17 : memref<640xf32, #tpu.memory_space<vmem>>) target(%dma_start3A_222 : memref<640xf32, #tpu.memory_space<vmem_shared>>) target_semaphore(%run_scoped3A : memref<!tpu.dma_semaphore, #tpu.memory_space<semaphore_mem>>)
        %dma_wait3A = tpu.memref_slice %arg23[%mul3A_221] : memref<10000xf32, #tpu.memory_space<vmem_shared>> -> memref<640xf32, #tpu.memory_space<vmem_shared>>
        %dma_wait3A_223 = tpu.memref_slice %arg23[%mul3A_221] : memref<10000xf32, #tpu.memory_space<vmem_shared>> -> memref<640xf32, #tpu.memory_space<vmem_shared>>
        tpu.wait_dma2 semaphore(%run_scoped3A : memref<!tpu.dma_semaphore, #tpu.memory_space<semaphore_mem>>) src(%arg17 : memref<640xf32, #tpu.memory_space<vmem>>) dst(%dma_wait3A_223 : memref<640xf32, #tpu.memory_space<vmem_shared>>)
        tpu.yield
      }) : () -> ()
    } else {
    }
    %barrier3A_12 = arith.constant 0 : index
    tpu.barrier barrier_id(%barrier3A_12)
    %eq3A_13 = arith.constant 0 : i32
    %eq3A_14 = arith.cmpi eq, %arg0, %eq3A_13 : i32
    %convert_element_type3A_15 = arith.extui %eq3A_14 : i1 to i32
    %cond3A_16 = arith.constant 0 : i32
    %cond3A_17 = arith.cmpi ne, %convert_element_type3A_15, %cond3A_16 : i32
    scf.if %cond3A_17 {
      "tpu.region"() ({
        %run_scoped3A = tpu.sem_alloc : memref<!tpu.dma_semaphore, #tpu.memory_space<semaphore_mem>>
        tpu.enqueue_dma source(%arg23 : memref<10000xf32, #tpu.memory_space<vmem_shared>>) target(%arg14 : memref<10000xf32, #tpu.memory_space<vmem>>) target_semaphore(%run_scoped3A : memref<!tpu.dma_semaphore, #tpu.memory_space<semaphore_mem>>)
        tpu.wait_dma2 semaphore(%run_scoped3A : memref<!tpu.dma_semaphore, #tpu.memory_space<semaphore_mem>>) src(%arg23 : memref<10000xf32, #tpu.memory_space<vmem_shared>>) dst(%arg14 : memref<10000xf32, #tpu.memory_space<vmem>>)
        tpu.yield
      }) : () -> ()
    } else {
    }
    %barrier3A_18 = arith.constant 0 : index
    tpu.barrier barrier_id(%barrier3A_18)
    %eq3A_19 = arith.constant 0 : i32
    %eq3A_20 = arith.cmpi eq, %arg0, %eq3A_19 : i32
    %convert_element_type3A_21 = arith.extui %eq3A_20 : i1 to i32
    %cond3A_22 = arith.constant 0 : i32
    %cond3A_23 = arith.cmpi ne, %convert_element_type3A_21, %cond3A_22 : i32
    scf.if %cond3A_23 {
      "tpu.region"() ({
        %run_scoped3A = tpu.sem_alloc : memref<!tpu.dma_semaphore, #tpu.memory_space<semaphore_mem>>
        tpu.enqueue_dma source(%arg5 : memref<10000xf32, #tpu.memory_space<hbm>>) target(%arg13 : memref<10000xf32, #tpu.memory_space<vmem>>) target_semaphore(%run_scoped3A : memref<!tpu.dma_semaphore, #tpu.memory_space<semaphore_mem>>)
        tpu.wait_dma2 semaphore(%run_scoped3A : memref<!tpu.dma_semaphore, #tpu.memory_space<semaphore_mem>>) src(%arg5 : memref<10000xf32, #tpu.memory_space<hbm>>) dst(%arg13 : memref<10000xf32, #tpu.memory_space<vmem>>)
        tpu.yield
      }) : () -> ()
      %mul3A = arith.constant 624 : i32
      %mul3A_48 = arith.muli %arg1, %mul3A : i32
      "tpu.region"() ({
        %run_scoped3A = tpu.sem_alloc : memref<!tpu.dma_semaphore, #tpu.memory_space<semaphore_mem>>
        %dma_start3A = tpu.memref_slice %arg4[%mul3A_48] : memref<10000xi32, #tpu.memory_space<hbm>> -> memref<640xi32, #tpu.memory_space<hbm>>
        %dma_start3A_53 = tpu.memref_slice %arg4[%mul3A_48] : memref<10000xi32, #tpu.memory_space<hbm>> -> memref<640xi32, #tpu.memory_space<hbm>>
        tpu.enqueue_dma source(%dma_start3A_53 : memref<640xi32, #tpu.memory_space<hbm>>) target(%arg16 : memref<640xi32, #tpu.memory_space<vmem>>) target_semaphore(%run_scoped3A : memref<!tpu.dma_semaphore, #tpu.memory_space<semaphore_mem>>)
        %dma_wait3A = tpu.memref_slice %arg4[%mul3A_48] : memref<10000xi32, #tpu.memory_space<hbm>> -> memref<640xi32, #tpu.memory_space<hbm>>
        %dma_wait3A_54 = tpu.memref_slice %arg4[%mul3A_48] : memref<10000xi32, #tpu.memory_space<hbm>> -> memref<640xi32, #tpu.memory_space<hbm>>
        tpu.wait_dma2 semaphore(%run_scoped3A : memref<!tpu.dma_semaphore, #tpu.memory_space<semaphore_mem>>) src(%dma_wait3A_54 : memref<640xi32, #tpu.memory_space<hbm>>) dst(%arg16 : memref<640xi32, #tpu.memory_space<vmem>>)
        tpu.yield
      }) : () -> ()
      %parallel_loop3A = arith.constant 0 : i32
      %parallel_loop3A_49 = arith.constant 40 : i32
      %parallel_loop3A_50 = arith.constant 1 : i32
      scf.for %parallel_loop3A_53 = %parallel_loop3A to %parallel_loop3A_49 step %parallel_loop3A_50  : i32 {
        %parallel_loop3A_54 = arith.constant 16 : i32
        %parallel_loop3A_55 = arith.muli %parallel_loop3A_53, %parallel_loop3A_54 : i32
        %parallel_loop3A_56 = arith.index_cast %parallel_loop3A_55 : i32 to index
        %parallel_loop3A_57 = tpu.vector_load %arg16[%parallel_loop3A_56] {strides = array<i32>} : memref<640xi32, #tpu.memory_space<vmem>>, vector<16xi32>,
        %parallel_loop3A_58 = arith.constant 624 : i32
        %parallel_loop3A_59 = arith.muli %arg1, %parallel_loop3A_58 : i32
        %parallel_loop3A_60 = arith.constant 16 : i32
        %parallel_loop3A_61 = arith.muli %parallel_loop3A_53, %parallel_loop3A_60 : i32
        %parallel_loop3A_62 = arith.addi %parallel_loop3A_59, %parallel_loop3A_61 : i32
        %parallel_loop3A_63 = arith.index_cast %parallel_loop3A_62 : i32 to index
        %parallel_loop3A_64 = tpu.vector_load %arg14[%parallel_loop3A_63] {strides = array<i32>} : memref<10000xf32, #tpu.memory_space<vmem>>, vector<16xf32>,
        %parallel_loop3A_65 = tpu.vector_load_idx %arg13[%parallel_loop3A_57] : memref<10000xf32, #tpu.memory_space<vmem>>[vector<16xi32>], vector<16xf32>,
        %parallel_loop3A_66 = arith.mulf %parallel_loop3A_65, %parallel_loop3A_64 : vector<16xf32>
        %parallel_loop3A_67 = arith.constant 16 : i32
        %parallel_loop3A_68 = arith.muli %parallel_loop3A_53, %parallel_loop3A_67 : i32
        %parallel_loop3A_69 = arith.index_cast %parallel_loop3A_68 : i32 to index
        %parallel_loop3A_70 = tpu.vector_load %arg17[%parallel_loop3A_69] {strides = array<i32>} : memref<640xf32, #tpu.memory_space<vmem>>, vector<16xf32>,
        tpu.vector_store %arg17[%parallel_loop3A_69], %parallel_loop3A_66 {strides = array<i32>} : memref<640xf32, #tpu.memory_space<vmem>>, vector<16xf32>,
      } {sc.loop_unroll_factor = 4 : i64, sc.parallel_access}
      %mul3A_51 = arith.constant 624 : i32
      %mul3A_52 = arith.muli %arg1, %mul3A_51 : i32
      "tpu.region"() ({
        %run_scoped3A = tpu.sem_alloc : memref<!tpu.dma_semaphore, #tpu.memory_space<semaphore_mem>>
        %dma_start3A = tpu.memref_slice %arg23[%mul3A_52] : memref<10000xf32, #tpu.memory_space<vmem_shared>> -> memref<640xf32, #tpu.memory_space<vmem_shared>>
        %dma_start3A_53 = tpu.memref_slice %arg23[%mul3A_52] : memref<10000xf32, #tpu.memory_space<vmem_shared>> -> memref<640xf32, #tpu.memory_space<vmem_shared>>
        tpu.enqueue_dma source(%arg17 : memref<640xf32, #tpu.memory_space<vmem>>) target(%dma_start3A_53 : memref<640xf32, #tpu.memory_space<vmem_shared>>) target_semaphore(%run_scoped3A : memref<!tpu.dma_semaphore, #tpu.memory_space<semaphore_mem>>)
        %dma_wait3A = tpu.memref_slice %arg23[%mul3A_52] : memref<10000xf32, #tpu.memory_space<vmem_shared>> -> memref<640xf32, #tpu.memory_space<vmem_shared>>
        %dma_wait3A_54 = tpu.memref_slice %arg23[%mul3A_52] : memref<10000xf32, #tpu.memory_space<vmem_shared>> -> memref<640xf32, #tpu.memory_space<vmem_shared>>
        tpu.wait_dma2 semaphore(%run_scoped3A : memref<!tpu.dma_semaphore, #tpu.memory_space<semaphore_mem>>) src(%arg17 : memref<640xf32, #tpu.memory_space<vmem>>) dst(%dma_wait3A_54 : memref<640xf32, #tpu.memory_space<vmem_shared>>)
        tpu.yield
      }) : () -> ()
    } else {
    }
    %barrier3A_24 = arith.constant 0 : index
    tpu.barrier barrier_id(%barrier3A_24)
    %eq3A_25 = arith.constant 0 : i32
    %eq3A_26 = arith.cmpi eq, %arg0, %eq3A_25 : i32
    %convert_element_type3A_27 = arith.extui %eq3A_26 : i1 to i32
    %cond3A_28 = arith.constant 0 : i32
    %cond3A_29 = arith.cmpi ne, %convert_element_type3A_27, %cond3A_28 : i32
    scf.if %cond3A_29 {
      "tpu.region"() ({
        %run_scoped3A = tpu.sem_alloc : memref<!tpu.dma_semaphore, #tpu.memory_space<semaphore_mem>>
        tpu.enqueue_dma source(%arg23 : memref<10000xf32, #tpu.memory_space<vmem_shared>>) target(%arg13 : memref<10000xf32, #tpu.memory_space<vmem>>) target_semaphore(%run_scoped3A : memref<!tpu.dma_semaphore, #tpu.memory_space<semaphore_mem>>)
        tpu.wait_dma2 semaphore(%run_scoped3A : memref<!tpu.dma_semaphore, #tpu.memory_space<semaphore_mem>>) src(%arg23 : memref<10000xf32, #tpu.memory_space<vmem_shared>>) dst(%arg13 : memref<10000xf32, #tpu.memory_space<vmem>>)
        tpu.yield
      }) : () -> ()
      %parallel_loop3A = arith.constant 0 : i32
      %parallel_loop3A_48 = arith.constant 625 : i32
      %parallel_loop3A_49 = arith.constant 1 : i32
      scf.for %parallel_loop3A_76 = %parallel_loop3A to %parallel_loop3A_48 step %parallel_loop3A_49  : i32 {
        %parallel_loop3A_77 = arith.constant 0.000000e+00 : f32
        %parallel_loop3A_78 = vector.broadcast %parallel_loop3A_77 : f32 to vector<16xf32>
        %parallel_loop3A_79 = arith.constant 16 : i32
        %parallel_loop3A_80 = arith.muli %parallel_loop3A_76, %parallel_loop3A_79 : i32
        %parallel_loop3A_81 = arith.index_cast %parallel_loop3A_80 : i32 to index
        %parallel_loop3A_82 = tpu.vector_load %arg15[%parallel_loop3A_81] {strides = array<i32>} : memref<10000xf32, #tpu.memory_space<vmem>>, vector<16xf32>,
        tpu.vector_store %arg15[%parallel_loop3A_81], %parallel_loop3A_78 {strides = array<i32>} : memref<10000xf32, #tpu.memory_space<vmem>>, vector<16xf32>,
      } {sc.loop_unroll_factor = 8 : i64, sc.parallel_access}
      %scan3A = arith.constant 0 : i32
      %scan3A_50 = arith.constant 0 : i32
      %scan3A_51 = arith.constant 1248 : i32
      %scan3A_52 = arith.addi %scan3A_50, %scan3A_51 : i32
      %scan3A_53 = arith.constant 16 : i32
      scf.for %scan3A_76 = %scan3A_50 to %scan3A_52 step %scan3A_53  : i32 {
        %mul3A_77 = arith.constant 16 : i32
        %mul3A_78 = arith.muli %scan3A_76, %mul3A_77 : i32
        %get3A_79 = arith.index_cast %mul3A_78 : i32 to index
        %get3A_80 = tpu.vector_load %arg11[%get3A_79] {strides = array<i32>} : memref<20000xi32, #tpu.memory_space<vmem>>, vector<16xi32>,
        %mul3A_81 = arith.constant 16 : i32
        %mul3A_82 = arith.muli %scan3A_76, %mul3A_81 : i32
        %get3A_83 = arith.index_cast %mul3A_82 : i32 to index
        %get3A_84 = tpu.vector_load %arg12[%get3A_83] {strides = array<i32>} : memref<20000xi32, #tpu.memory_space<vmem>>, vector<16xi32>,
        %gather3A_85 = tpu.vector_load_idx %arg13[%get3A_80] : memref<10000xf32, #tpu.memory_space<vmem>>[vector<16xi32>], vector<16xf32>,
        tpu.vector_store_idx %arg15[%get3A_84], %gather3A_85 {add = true} : memref<10000xf32, #tpu.memory_space<vmem>>[vector<16xi32>], vector<16xf32>,
        %scan3A_86 = arith.constant 1 : i32
        %scan3A_87 = arith.addi %scan3A_76, %scan3A_86 : i32
        %mul3A_88 = arith.constant 16 : i32
        %mul3A_89 = arith.muli %scan3A_87, %mul3A_88 : i32
        %get3A_90 = arith.index_cast %mul3A_89 : i32 to index
        %get3A_91 = tpu.vector_load %arg11[%get3A_90] {strides = array<i32>} : memref<20000xi32, #tpu.memory_space<vmem>>, vector<16xi32>,
        %mul3A_92 = arith.constant 16 : i32
        %mul3A_93 = arith.muli %scan3A_87, %mul3A_92 : i32
        %get3A_94 = arith.index_cast %mul3A_93 : i32 to index
        %get3A_95 = tpu.vector_load %arg12[%get3A_94] {strides = array<i32>} : memref<20000xi32, #tpu.memory_space<vmem>>, vector<16xi32>,
        %gather3A_96 = tpu.vector_load_idx %arg13[%get3A_91] : memref<10000xf32, #tpu.memory_space<vmem>>[vector<16xi32>], vector<16xf32>,
        tpu.vector_store_idx %arg15[%get3A_95], %gather3A_96 {add = true} : memref<10000xf32, #tpu.memory_space<vmem>>[vector<16xi32>], vector<16xf32>,
        %scan3A_97 = arith.constant 2 : i32
        %scan3A_98 = arith.addi %scan3A_76, %scan3A_97 : i32
        %mul3A_99 = arith.constant 16 : i32
        %mul3A_100 = arith.muli %scan3A_98, %mul3A_99 : i32
        %get3A_101 = arith.index_cast %mul3A_100 : i32 to index
        %get3A_102 = tpu.vector_load %arg11[%get3A_101] {strides = array<i32>} : memref<20000xi32, #tpu.memory_space<vmem>>, vector<16xi32>,
        %mul3A_103 = arith.constant 16 : i32
        %mul3A_104 = arith.muli %scan3A_98, %mul3A_103 : i32
        %get3A_105 = arith.index_cast %mul3A_104 : i32 to index
        %get3A_106 = tpu.vector_load %arg12[%get3A_105] {strides = array<i32>} : memref<20000xi32, #tpu.memory_space<vmem>>, vector<16xi32>,
        %gather3A_107 = tpu.vector_load_idx %arg13[%get3A_102] : memref<10000xf32, #tpu.memory_space<vmem>>[vector<16xi32>], vector<16xf32>,
        tpu.vector_store_idx %arg15[%get3A_106], %gather3A_107 {add = true} : memref<10000xf32, #tpu.memory_space<vmem>>[vector<16xi32>], vector<16xf32>,
        %scan3A_108 = arith.constant 3 : i32
        %scan3A_109 = arith.addi %scan3A_76, %scan3A_108 : i32
        %mul3A_110 = arith.constant 16 : i32
        %mul3A_111 = arith.muli %scan3A_109, %mul3A_110 : i32
        %get3A_112 = arith.index_cast %mul3A_111 : i32 to index
        %get3A_113 = tpu.vector_load %arg11[%get3A_112] {strides = array<i32>} : memref<20000xi32, #tpu.memory_space<vmem>>, vector<16xi32>,
        %mul3A_114 = arith.constant 16 : i32
        %mul3A_115 = arith.muli %scan3A_109, %mul3A_114 : i32
        %get3A_116 = arith.index_cast %mul3A_115 : i32 to index
        %get3A_117 = tpu.vector_load %arg12[%get3A_116] {strides = array<i32>} : memref<20000xi32, #tpu.memory_space<vmem>>, vector<16xi32>,
        %gather3A_118 = tpu.vector_load_idx %arg13[%get3A_113] : memref<10000xf32, #tpu.memory_space<vmem>>[vector<16xi32>], vector<16xf32>,
        tpu.vector_store_idx %arg15[%get3A_117], %gather3A_118 {add = true} : memref<10000xf32, #tpu.memory_space<vmem>>[vector<16xi32>], vector<16xf32>,
        %scan3A_119 = arith.constant 4 : i32
        %scan3A_120 = arith.addi %scan3A_76, %scan3A_119 : i32
        %mul3A_121 = arith.constant 16 : i32
        %mul3A_122 = arith.muli %scan3A_120, %mul3A_121 : i32
        %get3A_123 = arith.index_cast %mul3A_122 : i32 to index
        %get3A_124 = tpu.vector_load %arg11[%get3A_123] {strides = array<i32>} : memref<20000xi32, #tpu.memory_space<vmem>>, vector<16xi32>,
        %mul3A_125 = arith.constant 16 : i32
        %mul3A_126 = arith.muli %scan3A_120, %mul3A_125 : i32
        %get3A_127 = arith.index_cast %mul3A_126 : i32 to index
        %get3A_128 = tpu.vector_load %arg12[%get3A_127] {strides = array<i32>} : memref<20000xi32, #tpu.memory_space<vmem>>, vector<16xi32>,
        %gather3A_129 = tpu.vector_load_idx %arg13[%get3A_124] : memref<10000xf32, #tpu.memory_space<vmem>>[vector<16xi32>], vector<16xf32>,
        tpu.vector_store_idx %arg15[%get3A_128], %gather3A_129 {add = true} : memref<10000xf32, #tpu.memory_space<vmem>>[vector<16xi32>], vector<16xf32>,
        %scan3A_130 = arith.constant 5 : i32
        %scan3A_131 = arith.addi %scan3A_76, %scan3A_130 : i32
        %mul3A_132 = arith.constant 16 : i32
        %mul3A_133 = arith.muli %scan3A_131, %mul3A_132 : i32
        %get3A_134 = arith.index_cast %mul3A_133 : i32 to index
        %get3A_135 = tpu.vector_load %arg11[%get3A_134] {strides = array<i32>} : memref<20000xi32, #tpu.memory_space<vmem>>, vector<16xi32>,
        %mul3A_136 = arith.constant 16 : i32
        %mul3A_137 = arith.muli %scan3A_131, %mul3A_136 : i32
        %get3A_138 = arith.index_cast %mul3A_137 : i32 to index
        %get3A_139 = tpu.vector_load %arg12[%get3A_138] {strides = array<i32>} : memref<20000xi32, #tpu.memory_space<vmem>>, vector<16xi32>,
        %gather3A_140 = tpu.vector_load_idx %arg13[%get3A_135] : memref<10000xf32, #tpu.memory_space<vmem>>[vector<16xi32>], vector<16xf32>,
        tpu.vector_store_idx %arg15[%get3A_139], %gather3A_140 {add = true} : memref<10000xf32, #tpu.memory_space<vmem>>[vector<16xi32>], vector<16xf32>,
        %scan3A_141 = arith.constant 6 : i32
        %scan3A_142 = arith.addi %scan3A_76, %scan3A_141 : i32
        %mul3A_143 = arith.constant 16 : i32
        %mul3A_144 = arith.muli %scan3A_142, %mul3A_143 : i32
        %get3A_145 = arith.index_cast %mul3A_144 : i32 to index
        %get3A_146 = tpu.vector_load %arg11[%get3A_145] {strides = array<i32>} : memref<20000xi32, #tpu.memory_space<vmem>>, vector<16xi32>,
        %mul3A_147 = arith.constant 16 : i32
        %mul3A_148 = arith.muli %scan3A_142, %mul3A_147 : i32
        %get3A_149 = arith.index_cast %mul3A_148 : i32 to index
        %get3A_150 = tpu.vector_load %arg12[%get3A_149] {strides = array<i32>} : memref<20000xi32, #tpu.memory_space<vmem>>, vector<16xi32>,
        %gather3A_151 = tpu.vector_load_idx %arg13[%get3A_146] : memref<10000xf32, #tpu.memory_space<vmem>>[vector<16xi32>], vector<16xf32>,
        tpu.vector_store_idx %arg15[%get3A_150], %gather3A_151 {add = true} : memref<10000xf32, #tpu.memory_space<vmem>>[vector<16xi32>], vector<16xf32>,
        %scan3A_152 = arith.constant 7 : i32
        %scan3A_153 = arith.addi %scan3A_76, %scan3A_152 : i32
        %mul3A_154 = arith.constant 16 : i32
        %mul3A_155 = arith.muli %scan3A_153, %mul3A_154 : i32
        %get3A_156 = arith.index_cast %mul3A_155 : i32 to index
        %get3A_157 = tpu.vector_load %arg11[%get3A_156] {strides = array<i32>} : memref<20000xi32, #tpu.memory_space<vmem>>, vector<16xi32>,
        %mul3A_158 = arith.constant 16 : i32
        %mul3A_159 = arith.muli %scan3A_153, %mul3A_158 : i32
        %get3A_160 = arith.index_cast %mul3A_159 : i32 to index
        %get3A_161 = tpu.vector_load %arg12[%get3A_160] {strides = array<i32>} : memref<20000xi32, #tpu.memory_space<vmem>>, vector<16xi32>,
        %gather3A_162 = tpu.vector_load_idx %arg13[%get3A_157] : memref<10000xf32, #tpu.memory_space<vmem>>[vector<16xi32>], vector<16xf32>,
        tpu.vector_store_idx %arg15[%get3A_161], %gather3A_162 {add = true} : memref<10000xf32, #tpu.memory_space<vmem>>[vector<16xi32>], vector<16xf32>,
        %scan3A_163 = arith.constant 8 : i32
        %scan3A_164 = arith.addi %scan3A_76, %scan3A_163 : i32
        %mul3A_165 = arith.constant 16 : i32
        %mul3A_166 = arith.muli %scan3A_164, %mul3A_165 : i32
        %get3A_167 = arith.index_cast %mul3A_166 : i32 to index
        %get3A_168 = tpu.vector_load %arg11[%get3A_167] {strides = array<i32>} : memref<20000xi32, #tpu.memory_space<vmem>>, vector<16xi32>,
        %mul3A_169 = arith.constant 16 : i32
        %mul3A_170 = arith.muli %scan3A_164, %mul3A_169 : i32
        %get3A_171 = arith.index_cast %mul3A_170 : i32 to index
        %get3A_172 = tpu.vector_load %arg12[%get3A_171] {strides = array<i32>} : memref<20000xi32, #tpu.memory_space<vmem>>, vector<16xi32>,
        %gather3A_173 = tpu.vector_load_idx %arg13[%get3A_168] : memref<10000xf32, #tpu.memory_space<vmem>>[vector<16xi32>], vector<16xf32>,
        tpu.vector_store_idx %arg15[%get3A_172], %gather3A_173 {add = true} : memref<10000xf32, #tpu.memory_space<vmem>>[vector<16xi32>], vector<16xf32>,
        %scan3A_174 = arith.constant 9 : i32
        %scan3A_175 = arith.addi %scan3A_76, %scan3A_174 : i32
        %mul3A_176 = arith.constant 16 : i32
        %mul3A_177 = arith.muli %scan3A_175, %mul3A_176 : i32
        %get3A_178 = arith.index_cast %mul3A_177 : i32 to index
        %get3A_179 = tpu.vector_load %arg11[%get3A_178] {strides = array<i32>} : memref<20000xi32, #tpu.memory_space<vmem>>, vector<16xi32>,
        %mul3A_180 = arith.constant 16 : i32
        %mul3A_181 = arith.muli %scan3A_175, %mul3A_180 : i32
        %get3A_182 = arith.index_cast %mul3A_181 : i32 to index
        %get3A_183 = tpu.vector_load %arg12[%get3A_182] {strides = array<i32>} : memref<20000xi32, #tpu.memory_space<vmem>>, vector<16xi32>,
        %gather3A_184 = tpu.vector_load_idx %arg13[%get3A_179] : memref<10000xf32, #tpu.memory_space<vmem>>[vector<16xi32>], vector<16xf32>,
        tpu.vector_store_idx %arg15[%get3A_183], %gather3A_184 {add = true} : memref<10000xf32, #tpu.memory_space<vmem>>[vector<16xi32>], vector<16xf32>,
        %scan3A_185 = arith.constant 10 : i32
        %scan3A_186 = arith.addi %scan3A_76, %scan3A_185 : i32
        %mul3A_187 = arith.constant 16 : i32
        %mul3A_188 = arith.muli %scan3A_186, %mul3A_187 : i32
        %get3A_189 = arith.index_cast %mul3A_188 : i32 to index
        %get3A_190 = tpu.vector_load %arg11[%get3A_189] {strides = array<i32>} : memref<20000xi32, #tpu.memory_space<vmem>>, vector<16xi32>,
        %mul3A_191 = arith.constant 16 : i32
        %mul3A_192 = arith.muli %scan3A_186, %mul3A_191 : i32
        %get3A_193 = arith.index_cast %mul3A_192 : i32 to index
        %get3A_194 = tpu.vector_load %arg12[%get3A_193] {strides = array<i32>} : memref<20000xi32, #tpu.memory_space<vmem>>, vector<16xi32>,
        %gather3A_195 = tpu.vector_load_idx %arg13[%get3A_190] : memref<10000xf32, #tpu.memory_space<vmem>>[vector<16xi32>], vector<16xf32>,
        tpu.vector_store_idx %arg15[%get3A_194], %gather3A_195 {add = true} : memref<10000xf32, #tpu.memory_space<vmem>>[vector<16xi32>], vector<16xf32>,
        %scan3A_196 = arith.constant 11 : i32
        %scan3A_197 = arith.addi %scan3A_76, %scan3A_196 : i32
        %mul3A_198 = arith.constant 16 : i32
        %mul3A_199 = arith.muli %scan3A_197, %mul3A_198 : i32
        %get3A_200 = arith.index_cast %mul3A_199 : i32 to index
        %get3A_201 = tpu.vector_load %arg11[%get3A_200] {strides = array<i32>} : memref<20000xi32, #tpu.memory_space<vmem>>, vector<16xi32>,
        %mul3A_202 = arith.constant 16 : i32
        %mul3A_203 = arith.muli %scan3A_197, %mul3A_202 : i32
        %get3A_204 = arith.index_cast %mul3A_203 : i32 to index
        %get3A_205 = tpu.vector_load %arg12[%get3A_204] {strides = array<i32>} : memref<20000xi32, #tpu.memory_space<vmem>>, vector<16xi32>,
        %gather3A_206 = tpu.vector_load_idx %arg13[%get3A_201] : memref<10000xf32, #tpu.memory_space<vmem>>[vector<16xi32>], vector<16xf32>,
        tpu.vector_store_idx %arg15[%get3A_205], %gather3A_206 {add = true} : memref<10000xf32, #tpu.memory_space<vmem>>[vector<16xi32>], vector<16xf32>,
        %scan3A_207 = arith.constant 12 : i32
        %scan3A_208 = arith.addi %scan3A_76, %scan3A_207 : i32
        %mul3A_209 = arith.constant 16 : i32
        %mul3A_210 = arith.muli %scan3A_208, %mul3A_209 : i32
        %get3A_211 = arith.index_cast %mul3A_210 : i32 to index
        %get3A_212 = tpu.vector_load %arg11[%get3A_211] {strides = array<i32>} : memref<20000xi32, #tpu.memory_space<vmem>>, vector<16xi32>,
        %mul3A_213 = arith.constant 16 : i32
        %mul3A_214 = arith.muli %scan3A_208, %mul3A_213 : i32
        %get3A_215 = arith.index_cast %mul3A_214 : i32 to index
        %get3A_216 = tpu.vector_load %arg12[%get3A_215] {strides = array<i32>} : memref<20000xi32, #tpu.memory_space<vmem>>, vector<16xi32>,
        %gather3A_217 = tpu.vector_load_idx %arg13[%get3A_212] : memref<10000xf32, #tpu.memory_space<vmem>>[vector<16xi32>], vector<16xf32>,
        tpu.vector_store_idx %arg15[%get3A_216], %gather3A_217 {add = true} : memref<10000xf32, #tpu.memory_space<vmem>>[vector<16xi32>], vector<16xf32>,
        %scan3A_218 = arith.constant 13 : i32
        %scan3A_219 = arith.addi %scan3A_76, %scan3A_218 : i32
        %mul3A_220 = arith.constant 16 : i32
        %mul3A_221 = arith.muli %scan3A_219, %mul3A_220 : i32
        %get3A_222 = arith.index_cast %mul3A_221 : i32 to index
        %get3A_223 = tpu.vector_load %arg11[%get3A_222] {strides = array<i32>} : memref<20000xi32, #tpu.memory_space<vmem>>, vector<16xi32>,
        %mul3A_224 = arith.constant 16 : i32
        %mul3A_225 = arith.muli %scan3A_219, %mul3A_224 : i32
        %get3A_226 = arith.index_cast %mul3A_225 : i32 to index
        %get3A_227 = tpu.vector_load %arg12[%get3A_226] {strides = array<i32>} : memref<20000xi32, #tpu.memory_space<vmem>>, vector<16xi32>,
        %gather3A_228 = tpu.vector_load_idx %arg13[%get3A_223] : memref<10000xf32, #tpu.memory_space<vmem>>[vector<16xi32>], vector<16xf32>,
        tpu.vector_store_idx %arg15[%get3A_227], %gather3A_228 {add = true} : memref<10000xf32, #tpu.memory_space<vmem>>[vector<16xi32>], vector<16xf32>,
        %scan3A_229 = arith.constant 14 : i32
        %scan3A_230 = arith.addi %scan3A_76, %scan3A_229 : i32
        %mul3A_231 = arith.constant 16 : i32
        %mul3A_232 = arith.muli %scan3A_230, %mul3A_231 : i32
        %get3A_233 = arith.index_cast %mul3A_232 : i32 to index
        %get3A_234 = tpu.vector_load %arg11[%get3A_233] {strides = array<i32>} : memref<20000xi32, #tpu.memory_space<vmem>>, vector<16xi32>,
        %mul3A_235 = arith.constant 16 : i32
        %mul3A_236 = arith.muli %scan3A_230, %mul3A_235 : i32
        %get3A_237 = arith.index_cast %mul3A_236 : i32 to index
        %get3A_238 = tpu.vector_load %arg12[%get3A_237] {strides = array<i32>} : memref<20000xi32, #tpu.memory_space<vmem>>, vector<16xi32>,
        %gather3A_239 = tpu.vector_load_idx %arg13[%get3A_234] : memref<10000xf32, #tpu.memory_space<vmem>>[vector<16xi32>], vector<16xf32>,
        tpu.vector_store_idx %arg15[%get3A_238], %gather3A_239 {add = true} : memref<10000xf32, #tpu.memory_space<vmem>>[vector<16xi32>], vector<16xf32>,
        %scan3A_240 = arith.constant 15 : i32
        %scan3A_241 = arith.addi %scan3A_76, %scan3A_240 : i32
        %mul3A_242 = arith.constant 16 : i32
        %mul3A_243 = arith.muli %scan3A_241, %mul3A_242 : i32
        %get3A_244 = arith.index_cast %mul3A_243 : i32 to index
        %get3A_245 = tpu.vector_load %arg11[%get3A_244] {strides = array<i32>} : memref<20000xi32, #tpu.memory_space<vmem>>, vector<16xi32>,
        %mul3A_246 = arith.constant 16 : i32
        %mul3A_247 = arith.muli %scan3A_241, %mul3A_246 : i32
        %get3A_248 = arith.index_cast %mul3A_247 : i32 to index
        %get3A_249 = tpu.vector_load %arg12[%get3A_248] {strides = array<i32>} : memref<20000xi32, #tpu.memory_space<vmem>>, vector<16xi32>,
        %gather3A_250 = tpu.vector_load_idx %arg13[%get3A_245] : memref<10000xf32, #tpu.memory_space<vmem>>[vector<16xi32>], vector<16xf32>,
        tpu.vector_store_idx %arg15[%get3A_249], %gather3A_250 {add = true} : memref<10000xf32, #tpu.memory_space<vmem>>[vector<16xi32>], vector<16xf32>,
      }
      %scan3A_54 = arith.constant 1248 : i32
      %scan3A_55 = arith.addi %scan3A_50, %scan3A_54 : i32
      %mul3A = arith.constant 16 : i32
      %mul3A_56 = arith.muli %scan3A_55, %mul3A : i32
      %get3A = arith.index_cast %mul3A_56 : i32 to index
      %get3A_57 = tpu.vector_load %arg11[%get3A] {strides = array<i32>} : memref<20000xi32, #tpu.memory_space<vmem>>, vector<16xi32>,
      %mul3A_58 = arith.constant 16 : i32
      %mul3A_59 = arith.muli %scan3A_55, %mul3A_58 : i32
      %get3A_60 = arith.index_cast %mul3A_59 : i32 to index
      %get3A_61 = tpu.vector_load %arg12[%get3A_60] {strides = array<i32>} : memref<20000xi32, #tpu.memory_space<vmem>>, vector<16xi32>,
      %gather3A = tpu.vector_load_idx %arg13[%get3A_57] : memref<10000xf32, #tpu.memory_space<vmem>>[vector<16xi32>], vector<16xf32>,
      tpu.vector_store_idx %arg15[%get3A_61], %gather3A {add = true} : memref<10000xf32, #tpu.memory_space<vmem>>[vector<16xi32>], vector<16xf32>,
      %scan3A_62 = arith.constant 1249 : i32
      %scan3A_63 = arith.addi %scan3A_50, %scan3A_62 : i32
      %mul3A_64 = arith.constant 16 : i32
      %mul3A_65 = arith.muli %scan3A_63, %mul3A_64 : i32
      %get3A_66 = arith.index_cast %mul3A_65 : i32 to index
      %get3A_67 = tpu.vector_load %arg11[%get3A_66] {strides = array<i32>} : memref<20000xi32, #tpu.memory_space<vmem>>, vector<16xi32>,
      %mul3A_68 = arith.constant 16 : i32
      %mul3A_69 = arith.muli %scan3A_63, %mul3A_68 : i32
      %get3A_70 = arith.index_cast %mul3A_69 : i32 to index
      %get3A_71 = tpu.vector_load %arg12[%get3A_70] {strides = array<i32>} : memref<20000xi32, #tpu.memory_space<vmem>>, vector<16xi32>,
      %gather3A_72 = tpu.vector_load_idx %arg13[%get3A_67] : memref<10000xf32, #tpu.memory_space<vmem>>[vector<16xi32>], vector<16xf32>,
      tpu.vector_store_idx %arg15[%get3A_71], %gather3A_72 {add = true} : memref<10000xf32, #tpu.memory_space<vmem>>[vector<16xi32>], vector<16xf32>,
      %scan3A_73 = arith.constant 1250 : i32
      %mul3A_74 = arith.constant 10000 : i32
      %mul3A_75 = arith.muli %arg1, %mul3A_74 : i32
      %multiple_of3A = tpu.assume_multiple %mul3A_75, 8 : i32
      "tpu.region"() ({
        %run_scoped3A = tpu.sem_alloc : memref<!tpu.dma_semaphore, #tpu.memory_space<semaphore_mem>>
        %dma_start3A = tpu.memref_slice %arg22[%multiple_of3A] : memref<160000xf32, #tpu.memory_space<vmem_shared>> -> memref<10000xf32, #tpu.memory_space<vmem_shared>>
        %dma_start3A_76 = tpu.memref_slice %arg22[%multiple_of3A] : memref<160000xf32, #tpu.memory_space<vmem_shared>> -> memref<10000xf32, #tpu.memory_space<vmem_shared>>
        tpu.enqueue_dma source(%arg15 : memref<10000xf32, #tpu.memory_space<vmem>>) target(%dma_start3A_76 : memref<10000xf32, #tpu.memory_space<vmem_shared>>) target_semaphore(%run_scoped3A : memref<!tpu.dma_semaphore, #tpu.memory_space<semaphore_mem>>)
        %dma_wait3A = tpu.memref_slice %arg22[%multiple_of3A] : memref<160000xf32, #tpu.memory_space<vmem_shared>> -> memref<10000xf32, #tpu.memory_space<vmem_shared>>
        %dma_wait3A_77 = tpu.memref_slice %arg22[%multiple_of3A] : memref<160000xf32, #tpu.memory_space<vmem_shared>> -> memref<10000xf32, #tpu.memory_space<vmem_shared>>
        tpu.wait_dma2 semaphore(%run_scoped3A : memref<!tpu.dma_semaphore, #tpu.memory_space<semaphore_mem>>) src(%arg15 : memref<10000xf32, #tpu.memory_space<vmem>>) dst(%dma_wait3A_77 : memref<10000xf32, #tpu.memory_space<vmem_shared>>)
        tpu.yield
      }) : () -> ()
    } else {
    }
    %barrier3A_30 = arith.constant 0 : index
    tpu.barrier barrier_id(%barrier3A_30)
    %eq3A_31 = arith.constant 0 : i32
    %eq3A_32 = arith.cmpi eq, %arg0, %eq3A_31 : i32
    %convert_element_type3A_33 = arith.extui %eq3A_32 : i1 to i32
    %cond3A_34 = arith.constant 0 : i32
    %cond3A_35 = arith.cmpi ne, %convert_element_type3A_33, %cond3A_34 : i32
    scf.if %cond3A_35 {
      %mul3A = arith.constant 624 : i32
      %mul3A_48 = arith.muli %arg1, %mul3A : i32
      %add3A = arith.constant 0 : i32
      %add3A_49 = arith.addi %add3A, %mul3A_48 : i32
      %multiple_of3A = tpu.assume_multiple %add3A_49, 8 : i32
      "tpu.region"() ({
        %run_scoped3A = tpu.sem_alloc : memref<!tpu.dma_semaphore, #tpu.memory_space<semaphore_mem>>
        %dma_start3A = tpu.memref_slice %arg22[%multiple_of3A] : memref<160000xf32, #tpu.memory_space<vmem_shared>> -> memref<640xf32, #tpu.memory_space<vmem_shared>>
        %dma_start3A_219 = tpu.memref_slice %arg22[%multiple_of3A] : memref<160000xf32, #tpu.memory_space<vmem_shared>> -> memref<640xf32, #tpu.memory_space<vmem_shared>>
        tpu.enqueue_dma source(%dma_start3A_219 : memref<640xf32, #tpu.memory_space<vmem_shared>>) target(%arg17 : memref<640xf32, #tpu.memory_space<vmem>>) target_semaphore(%run_scoped3A : memref<!tpu.dma_semaphore, #tpu.memory_space<semaphore_mem>>)
        %dma_wait3A = tpu.memref_slice %arg22[%multiple_of3A] : memref<160000xf32, #tpu.memory_space<vmem_shared>> -> memref<640xf32, #tpu.memory_space<vmem_shared>>
        %dma_wait3A_220 = tpu.memref_slice %arg22[%multiple_of3A] : memref<160000xf32, #tpu.memory_space<vmem_shared>> -> memref<640xf32, #tpu.memory_space<vmem_shared>>
        tpu.wait_dma2 semaphore(%run_scoped3A : memref<!tpu.dma_semaphore, #tpu.memory_space<semaphore_mem>>) src(%dma_wait3A_220 : memref<640xf32, #tpu.memory_space<vmem_shared>>) dst(%arg17 : memref<640xf32, #tpu.memory_space<vmem>>)
        tpu.yield
      }) : () -> ()
      %mul3A_50 = arith.constant 624 : i32
      %mul3A_51 = arith.muli %arg1, %mul3A_50 : i32
      %add3A_52 = arith.constant 10000 : i32
      %add3A_53 = arith.addi %add3A_52, %mul3A_51 : i32
      %multiple_of3A_54 = tpu.assume_multiple %add3A_53, 8 : i32
      "tpu.region"() ({
        %run_scoped3A = tpu.sem_alloc : memref<!tpu.dma_semaphore, #tpu.memory_space<semaphore_mem>>
        %dma_start3A = tpu.memref_slice %arg22[%multiple_of3A_54] : memref<160000xf32, #tpu.memory_space<vmem_shared>> -> memref<640xf32, #tpu.memory_space<vmem_shared>>
        %dma_start3A_219 = tpu.memref_slice %arg22[%multiple_of3A_54] : memref<160000xf32, #tpu.memory_space<vmem_shared>> -> memref<640xf32, #tpu.memory_space<vmem_shared>>
        tpu.enqueue_dma source(%dma_start3A_219 : memref<640xf32, #tpu.memory_space<vmem_shared>>) target(%arg18 : memref<640xf32, #tpu.memory_space<vmem>>) target_semaphore(%run_scoped3A : memref<!tpu.dma_semaphore, #tpu.memory_space<semaphore_mem>>)
        %dma_wait3A = tpu.memref_slice %arg22[%multiple_of3A_54] : memref<160000xf32, #tpu.memory_space<vmem_shared>> -> memref<640xf32, #tpu.memory_space<vmem_shared>>
        %dma_wait3A_220 = tpu.memref_slice %arg22[%multiple_of3A_54] : memref<160000xf32, #tpu.memory_space<vmem_shared>> -> memref<640xf32, #tpu.memory_space<vmem_shared>>
        tpu.wait_dma2 semaphore(%run_scoped3A : memref<!tpu.dma_semaphore, #tpu.memory_space<semaphore_mem>>) src(%dma_wait3A_220 : memref<640xf32, #tpu.memory_space<vmem_shared>>) dst(%arg18 : memref<640xf32, #tpu.memory_space<vmem>>)
        tpu.yield
      }) : () -> ()
      %scan3A = arith.constant 0 : i32
      %scan3A_55 = arith.constant 0 : i32
      %scan3A_56 = arith.constant 40 : i32
      %scan3A_57 = arith.addi %scan3A_55, %scan3A_56 : i32
      %scan3A_58 = arith.constant 1 : i32
      scf.for %scan3A_219 = %scan3A_55 to %scan3A_57 step %scan3A_58  : i32 {
        %mul3A_220 = arith.constant 16 : i32
        %mul3A_221 = arith.muli %scan3A_219, %mul3A_220 : i32
        %get3A_222 = arith.index_cast %mul3A_221 : i32 to index
        %get3A_223 = tpu.vector_load %arg17[%get3A_222] {strides = array<i32>} : memref<640xf32, #tpu.memory_space<vmem>>, vector<16xf32>,
        %mul3A_224 = arith.constant 16 : i32
        %mul3A_225 = arith.muli %scan3A_219, %mul3A_224 : i32
        %get3A_226 = arith.index_cast %mul3A_225 : i32 to index
        %get3A_227 = tpu.vector_load %arg18[%get3A_226] {strides = array<i32>} : memref<640xf32, #tpu.memory_space<vmem>>, vector<16xf32>,
        %add3A_228 = arith.addf %get3A_223, %get3A_227 : vector<16xf32>
        %mul3A_229 = arith.constant 16 : i32
        %mul3A_230 = arith.muli %scan3A_219, %mul3A_229 : i32
        %swap3A = arith.index_cast %mul3A_230 : i32 to index
        %swap3A_231 = tpu.vector_load %arg17[%swap3A] {strides = array<i32>} : memref<640xf32, #tpu.memory_space<vmem>>, vector<16xf32>,
        tpu.vector_store %arg17[%swap3A], %add3A_228 {strides = array<i32>} : memref<640xf32, #tpu.memory_space<vmem>>, vector<16xf32>,
      }
      %scan3A_59 = arith.constant 40 : i32
      %mul3A_60 = arith.constant 624 : i32
      %mul3A_61 = arith.muli %arg1, %mul3A_60 : i32
      %add3A_62 = arith.constant 20000 : i32
      %add3A_63 = arith.addi %add3A_62, %mul3A_61 : i32
      %multiple_of3A_64 = tpu.assume_multiple %add3A_63, 8 : i32
      "tpu.region"() ({
        %run_scoped3A = tpu.sem_alloc : memref<!tpu.dma_semaphore, #tpu.memory_space<semaphore_mem>>
        %dma_start3A = tpu.memref_slice %arg22[%multiple_of3A_64] : memref<160000xf32, #tpu.memory_space<vmem_shared>> -> memref<640xf32, #tpu.memory_space<vmem_shared>>
        %dma_start3A_219 = tpu.memref_slice %arg22[%multiple_of3A_64] : memref<160000xf32, #tpu.memory_space<vmem_shared>> -> memref<640xf32, #tpu.memory_space<vmem_shared>>
        tpu.enqueue_dma source(%dma_start3A_219 : memref<640xf32, #tpu.memory_space<vmem_shared>>) target(%arg18 : memref<640xf32, #tpu.memory_space<vmem>>) target_semaphore(%run_scoped3A : memref<!tpu.dma_semaphore, #tpu.memory_space<semaphore_mem>>)
        %dma_wait3A = tpu.memref_slice %arg22[%multiple_of3A_64] : memref<160000xf32, #tpu.memory_space<vmem_shared>> -> memref<640xf32, #tpu.memory_space<vmem_shared>>
        %dma_wait3A_220 = tpu.memref_slice %arg22[%multiple_of3A_64] : memref<160000xf32, #tpu.memory_space<vmem_shared>> -> memref<640xf32, #tpu.memory_space<vmem_shared>>
        tpu.wait_dma2 semaphore(%run_scoped3A : memref<!tpu.dma_semaphore, #tpu.memory_space<semaphore_mem>>) src(%dma_wait3A_220 : memref<640xf32, #tpu.memory_space<vmem_shared>>) dst(%arg18 : memref<640xf32, #tpu.memory_space<vmem>>)
        tpu.yield
      }) : () -> ()
      %scan3A_65 = arith.constant 0 : i32
      %scan3A_66 = arith.constant 0 : i32
      %scan3A_67 = arith.constant 40 : i32
      %scan3A_68 = arith.addi %scan3A_66, %scan3A_67 : i32
      %scan3A_69 = arith.constant 1 : i32
      scf.for %scan3A_219 = %scan3A_66 to %scan3A_68 step %scan3A_69  : i32 {
        %mul3A_220 = arith.constant 16 : i32
        %mul3A_221 = arith.muli %scan3A_219, %mul3A_220 : i32
        %get3A_222 = arith.index_cast %mul3A_221 : i32 to index
        %get3A_223 = tpu.vector_load %arg17[%get3A_222] {strides = array<i32>} : memref<640xf32, #tpu.memory_space<vmem>>, vector<16xf32>,
        %mul3A_224 = arith.constant 16 : i32
        %mul3A_225 = arith.muli %scan3A_219, %mul3A_224 : i32
        %get3A_226 = arith.index_cast %mul3A_225 : i32 to index
        %get3A_227 = tpu.vector_load %arg18[%get3A_226] {strides = array<i32>} : memref<640xf32, #tpu.memory_space<vmem>>, vector<16xf32>,
        %add3A_228 = arith.addf %get3A_223, %get3A_227 : vector<16xf32>
        %mul3A_229 = arith.constant 16 : i32
        %mul3A_230 = arith.muli %scan3A_219, %mul3A_229 : i32
        %swap3A = arith.index_cast %mul3A_230 : i32 to index
        %swap3A_231 = tpu.vector_load %arg17[%swap3A] {strides = array<i32>} : memref<640xf32, #tpu.memory_space<vmem>>, vector<16xf32>,
        tpu.vector_store %arg17[%swap3A], %add3A_228 {strides = array<i32>} : memref<640xf32, #tpu.memory_space<vmem>>, vector<16xf32>,
      }
      %scan3A_70 = arith.constant 40 : i32
      %mul3A_71 = arith.constant 624 : i32
      %mul3A_72 = arith.muli %arg1, %mul3A_71 : i32
      %add3A_73 = arith.constant 30000 : i32
      %add3A_74 = arith.addi %add3A_73, %mul3A_72 : i32
      %multiple_of3A_75 = tpu.assume_multiple %add3A_74, 8 : i32
      "tpu.region"() ({
        %run_scoped3A = tpu.sem_alloc : memref<!tpu.dma_semaphore, #tpu.memory_space<semaphore_mem>>
        %dma_start3A = tpu.memref_slice %arg22[%multiple_of3A_75] : memref<160000xf32, #tpu.memory_space<vmem_shared>> -> memref<640xf32, #tpu.memory_space<vmem_shared>>
        %dma_start3A_219 = tpu.memref_slice %arg22[%multiple_of3A_75] : memref<160000xf32, #tpu.memory_space<vmem_shared>> -> memref<640xf32, #tpu.memory_space<vmem_shared>>
        tpu.enqueue_dma source(%dma_start3A_219 : memref<640xf32, #tpu.memory_space<vmem_shared>>) target(%arg18 : memref<640xf32, #tpu.memory_space<vmem>>) target_semaphore(%run_scoped3A : memref<!tpu.dma_semaphore, #tpu.memory_space<semaphore_mem>>)
        %dma_wait3A = tpu.memref_slice %arg22[%multiple_of3A_75] : memref<160000xf32, #tpu.memory_space<vmem_shared>> -> memref<640xf32, #tpu.memory_space<vmem_shared>>
        %dma_wait3A_220 = tpu.memref_slice %arg22[%multiple_of3A_75] : memref<160000xf32, #tpu.memory_space<vmem_shared>> -> memref<640xf32, #tpu.memory_space<vmem_shared>>
        tpu.wait_dma2 semaphore(%run_scoped3A : memref<!tpu.dma_semaphore, #tpu.memory_space<semaphore_mem>>) src(%dma_wait3A_220 : memref<640xf32, #tpu.memory_space<vmem_shared>>) dst(%arg18 : memref<640xf32, #tpu.memory_space<vmem>>)
        tpu.yield
      }) : () -> ()
      %scan3A_76 = arith.constant 0 : i32
      %scan3A_77 = arith.constant 0 : i32
      %scan3A_78 = arith.constant 40 : i32
      %scan3A_79 = arith.addi %scan3A_77, %scan3A_78 : i32
      %scan3A_80 = arith.constant 1 : i32
      scf.for %scan3A_219 = %scan3A_77 to %scan3A_79 step %scan3A_80  : i32 {
        %mul3A_220 = arith.constant 16 : i32
        %mul3A_221 = arith.muli %scan3A_219, %mul3A_220 : i32
        %get3A_222 = arith.index_cast %mul3A_221 : i32 to index
        %get3A_223 = tpu.vector_load %arg17[%get3A_222] {strides = array<i32>} : memref<640xf32, #tpu.memory_space<vmem>>, vector<16xf32>,
        %mul3A_224 = arith.constant 16 : i32
        %mul3A_225 = arith.muli %scan3A_219, %mul3A_224 : i32
        %get3A_226 = arith.index_cast %mul3A_225 : i32 to index
        %get3A_227 = tpu.vector_load %arg18[%get3A_226] {strides = array<i32>} : memref<640xf32, #tpu.memory_space<vmem>>, vector<16xf32>,
        %add3A_228 = arith.addf %get3A_223, %get3A_227 : vector<16xf32>
        %mul3A_229 = arith.constant 16 : i32
        %mul3A_230 = arith.muli %scan3A_219, %mul3A_229 : i32
        %swap3A = arith.index_cast %mul3A_230 : i32 to index
        %swap3A_231 = tpu.vector_load %arg17[%swap3A] {strides = array<i32>} : memref<640xf32, #tpu.memory_space<vmem>>, vector<16xf32>,
        tpu.vector_store %arg17[%swap3A], %add3A_228 {strides = array<i32>} : memref<640xf32, #tpu.memory_space<vmem>>, vector<16xf32>,
      }
      %scan3A_81 = arith.constant 40 : i32
      %mul3A_82 = arith.constant 624 : i32
      %mul3A_83 = arith.muli %arg1, %mul3A_82 : i32
      %add3A_84 = arith.constant 40000 : i32
      %add3A_85 = arith.addi %add3A_84, %mul3A_83 : i32
      %multiple_of3A_86 = tpu.assume_multiple %add3A_85, 8 : i32
      "tpu.region"() ({
        %run_scoped3A = tpu.sem_alloc : memref<!tpu.dma_semaphore, #tpu.memory_space<semaphore_mem>>
        %dma_start3A = tpu.memref_slice %arg22[%multiple_of3A_86] : memref<160000xf32, #tpu.memory_space<vmem_shared>> -> memref<640xf32, #tpu.memory_space<vmem_shared>>
        %dma_start3A_219 = tpu.memref_slice %arg22[%multiple_of3A_86] : memref<160000xf32, #tpu.memory_space<vmem_shared>> -> memref<640xf32, #tpu.memory_space<vmem_shared>>
        tpu.enqueue_dma source(%dma_start3A_219 : memref<640xf32, #tpu.memory_space<vmem_shared>>) target(%arg18 : memref<640xf32, #tpu.memory_space<vmem>>) target_semaphore(%run_scoped3A : memref<!tpu.dma_semaphore, #tpu.memory_space<semaphore_mem>>)
        %dma_wait3A = tpu.memref_slice %arg22[%multiple_of3A_86] : memref<160000xf32, #tpu.memory_space<vmem_shared>> -> memref<640xf32, #tpu.memory_space<vmem_shared>>
        %dma_wait3A_220 = tpu.memref_slice %arg22[%multiple_of3A_86] : memref<160000xf32, #tpu.memory_space<vmem_shared>> -> memref<640xf32, #tpu.memory_space<vmem_shared>>
        tpu.wait_dma2 semaphore(%run_scoped3A : memref<!tpu.dma_semaphore, #tpu.memory_space<semaphore_mem>>) src(%dma_wait3A_220 : memref<640xf32, #tpu.memory_space<vmem_shared>>) dst(%arg18 : memref<640xf32, #tpu.memory_space<vmem>>)
        tpu.yield
      }) : () -> ()
      %scan3A_87 = arith.constant 0 : i32
      %scan3A_88 = arith.constant 0 : i32
      %scan3A_89 = arith.constant 40 : i32
      %scan3A_90 = arith.addi %scan3A_88, %scan3A_89 : i32
      %scan3A_91 = arith.constant 1 : i32
      scf.for %scan3A_219 = %scan3A_88 to %scan3A_90 step %scan3A_91  : i32 {
        %mul3A_220 = arith.constant 16 : i32
        %mul3A_221 = arith.muli %scan3A_219, %mul3A_220 : i32
        %get3A_222 = arith.index_cast %mul3A_221 : i32 to index
        %get3A_223 = tpu.vector_load %arg17[%get3A_222] {strides = array<i32>} : memref<640xf32, #tpu.memory_space<vmem>>, vector<16xf32>,
        %mul3A_224 = arith.constant 16 : i32
        %mul3A_225 = arith.muli %scan3A_219, %mul3A_224 : i32
        %get3A_226 = arith.index_cast %mul3A_225 : i32 to index
        %get3A_227 = tpu.vector_load %arg18[%get3A_226] {strides = array<i32>} : memref<640xf32, #tpu.memory_space<vmem>>, vector<16xf32>,
        %add3A_228 = arith.addf %get3A_223, %get3A_227 : vector<16xf32>
        %mul3A_229 = arith.constant 16 : i32
        %mul3A_230 = arith.muli %scan3A_219, %mul3A_229 : i32
        %swap3A = arith.index_cast %mul3A_230 : i32 to index
        %swap3A_231 = tpu.vector_load %arg17[%swap3A] {strides = array<i32>} : memref<640xf32, #tpu.memory_space<vmem>>, vector<16xf32>,
        tpu.vector_store %arg17[%swap3A], %add3A_228 {strides = array<i32>} : memref<640xf32, #tpu.memory_space<vmem>>, vector<16xf32>,
      }
      %scan3A_92 = arith.constant 40 : i32
      %mul3A_93 = arith.constant 624 : i32
      %mul3A_94 = arith.muli %arg1, %mul3A_93 : i32
      %add3A_95 = arith.constant 50000 : i32
      %add3A_96 = arith.addi %add3A_95, %mul3A_94 : i32
      %multiple_of3A_97 = tpu.assume_multiple %add3A_96, 8 : i32
      "tpu.region"() ({
        %run_scoped3A = tpu.sem_alloc : memref<!tpu.dma_semaphore, #tpu.memory_space<semaphore_mem>>
        %dma_start3A = tpu.memref_slice %arg22[%multiple_of3A_97] : memref<160000xf32, #tpu.memory_space<vmem_shared>> -> memref<640xf32, #tpu.memory_space<vmem_shared>>
        %dma_start3A_219 = tpu.memref_slice %arg22[%multiple_of3A_97] : memref<160000xf32, #tpu.memory_space<vmem_shared>> -> memref<640xf32, #tpu.memory_space<vmem_shared>>
        tpu.enqueue_dma source(%dma_start3A_219 : memref<640xf32, #tpu.memory_space<vmem_shared>>) target(%arg18 : memref<640xf32, #tpu.memory_space<vmem>>) target_semaphore(%run_scoped3A : memref<!tpu.dma_semaphore, #tpu.memory_space<semaphore_mem>>)
        %dma_wait3A = tpu.memref_slice %arg22[%multiple_of3A_97] : memref<160000xf32, #tpu.memory_space<vmem_shared>> -> memref<640xf32, #tpu.memory_space<vmem_shared>>
        %dma_wait3A_220 = tpu.memref_slice %arg22[%multiple_of3A_97] : memref<160000xf32, #tpu.memory_space<vmem_shared>> -> memref<640xf32, #tpu.memory_space<vmem_shared>>
        tpu.wait_dma2 semaphore(%run_scoped3A : memref<!tpu.dma_semaphore, #tpu.memory_space<semaphore_mem>>) src(%dma_wait3A_220 : memref<640xf32, #tpu.memory_space<vmem_shared>>) dst(%arg18 : memref<640xf32, #tpu.memory_space<vmem>>)
        tpu.yield
      }) : () -> ()
      %scan3A_98 = arith.constant 0 : i32
      %scan3A_99 = arith.constant 0 : i32
      %scan3A_100 = arith.constant 40 : i32
      %scan3A_101 = arith.addi %scan3A_99, %scan3A_100 : i32
      %scan3A_102 = arith.constant 1 : i32
      scf.for %scan3A_219 = %scan3A_99 to %scan3A_101 step %scan3A_102  : i32 {
        %mul3A_220 = arith.constant 16 : i32
        %mul3A_221 = arith.muli %scan3A_219, %mul3A_220 : i32
        %get3A_222 = arith.index_cast %mul3A_221 : i32 to index
        %get3A_223 = tpu.vector_load %arg17[%get3A_222] {strides = array<i32>} : memref<640xf32, #tpu.memory_space<vmem>>, vector<16xf32>,
        %mul3A_224 = arith.constant 16 : i32
        %mul3A_225 = arith.muli %scan3A_219, %mul3A_224 : i32
        %get3A_226 = arith.index_cast %mul3A_225 : i32 to index
        %get3A_227 = tpu.vector_load %arg18[%get3A_226] {strides = array<i32>} : memref<640xf32, #tpu.memory_space<vmem>>, vector<16xf32>,
        %add3A_228 = arith.addf %get3A_223, %get3A_227 : vector<16xf32>
        %mul3A_229 = arith.constant 16 : i32
        %mul3A_230 = arith.muli %scan3A_219, %mul3A_229 : i32
        %swap3A = arith.index_cast %mul3A_230 : i32 to index
        %swap3A_231 = tpu.vector_load %arg17[%swap3A] {strides = array<i32>} : memref<640xf32, #tpu.memory_space<vmem>>, vector<16xf32>,
        tpu.vector_store %arg17[%swap3A], %add3A_228 {strides = array<i32>} : memref<640xf32, #tpu.memory_space<vmem>>, vector<16xf32>,
      }
      %scan3A_103 = arith.constant 40 : i32
      %mul3A_104 = arith.constant 624 : i32
      %mul3A_105 = arith.muli %arg1, %mul3A_104 : i32
      %add3A_106 = arith.constant 60000 : i32
      %add3A_107 = arith.addi %add3A_106, %mul3A_105 : i32
      %multiple_of3A_108 = tpu.assume_multiple %add3A_107, 8 : i32
      "tpu.region"() ({
        %run_scoped3A = tpu.sem_alloc : memref<!tpu.dma_semaphore, #tpu.memory_space<semaphore_mem>>
        %dma_start3A = tpu.memref_slice %arg22[%multiple_of3A_108] : memref<160000xf32, #tpu.memory_space<vmem_shared>> -> memref<640xf32, #tpu.memory_space<vmem_shared>>
        %dma_start3A_219 = tpu.memref_slice %arg22[%multiple_of3A_108] : memref<160000xf32, #tpu.memory_space<vmem_shared>> -> memref<640xf32, #tpu.memory_space<vmem_shared>>
        tpu.enqueue_dma source(%dma_start3A_219 : memref<640xf32, #tpu.memory_space<vmem_shared>>) target(%arg18 : memref<640xf32, #tpu.memory_space<vmem>>) target_semaphore(%run_scoped3A : memref<!tpu.dma_semaphore, #tpu.memory_space<semaphore_mem>>)
        %dma_wait3A = tpu.memref_slice %arg22[%multiple_of3A_108] : memref<160000xf32, #tpu.memory_space<vmem_shared>> -> memref<640xf32, #tpu.memory_space<vmem_shared>>
        %dma_wait3A_220 = tpu.memref_slice %arg22[%multiple_of3A_108] : memref<160000xf32, #tpu.memory_space<vmem_shared>> -> memref<640xf32, #tpu.memory_space<vmem_shared>>
        tpu.wait_dma2 semaphore(%run_scoped3A : memref<!tpu.dma_semaphore, #tpu.memory_space<semaphore_mem>>) src(%dma_wait3A_220 : memref<640xf32, #tpu.memory_space<vmem_shared>>) dst(%arg18 : memref<640xf32, #tpu.memory_space<vmem>>)
        tpu.yield
      }) : () -> ()
      %scan3A_109 = arith.constant 0 : i32
      %scan3A_110 = arith.constant 0 : i32
      %scan3A_111 = arith.constant 40 : i32
      %scan3A_112 = arith.addi %scan3A_110, %scan3A_111 : i32
      %scan3A_113 = arith.constant 1 : i32
      scf.for %scan3A_219 = %scan3A_110 to %scan3A_112 step %scan3A_113  : i32 {
        %mul3A_220 = arith.constant 16 : i32
        %mul3A_221 = arith.muli %scan3A_219, %mul3A_220 : i32
        %get3A_222 = arith.index_cast %mul3A_221 : i32 to index
        %get3A_223 = tpu.vector_load %arg17[%get3A_222] {strides = array<i32>} : memref<640xf32, #tpu.memory_space<vmem>>, vector<16xf32>,
        %mul3A_224 = arith.constant 16 : i32
        %mul3A_225 = arith.muli %scan3A_219, %mul3A_224 : i32
        %get3A_226 = arith.index_cast %mul3A_225 : i32 to index
        %get3A_227 = tpu.vector_load %arg18[%get3A_226] {strides = array<i32>} : memref<640xf32, #tpu.memory_space<vmem>>, vector<16xf32>,
        %add3A_228 = arith.addf %get3A_223, %get3A_227 : vector<16xf32>
        %mul3A_229 = arith.constant 16 : i32
        %mul3A_230 = arith.muli %scan3A_219, %mul3A_229 : i32
        %swap3A = arith.index_cast %mul3A_230 : i32 to index
        %swap3A_231 = tpu.vector_load %arg17[%swap3A] {strides = array<i32>} : memref<640xf32, #tpu.memory_space<vmem>>, vector<16xf32>,
        tpu.vector_store %arg17[%swap3A], %add3A_228 {strides = array<i32>} : memref<640xf32, #tpu.memory_space<vmem>>, vector<16xf32>,
      }
      %scan3A_114 = arith.constant 40 : i32
      %mul3A_115 = arith.constant 624 : i32
      %mul3A_116 = arith.muli %arg1, %mul3A_115 : i32
      %add3A_117 = arith.constant 70000 : i32
      %add3A_118 = arith.addi %add3A_117, %mul3A_116 : i32
      %multiple_of3A_119 = tpu.assume_multiple %add3A_118, 8 : i32
      "tpu.region"() ({
        %run_scoped3A = tpu.sem_alloc : memref<!tpu.dma_semaphore, #tpu.memory_space<semaphore_mem>>
        %dma_start3A = tpu.memref_slice %arg22[%multiple_of3A_119] : memref<160000xf32, #tpu.memory_space<vmem_shared>> -> memref<640xf32, #tpu.memory_space<vmem_shared>>
        %dma_start3A_219 = tpu.memref_slice %arg22[%multiple_of3A_119] : memref<160000xf32, #tpu.memory_space<vmem_shared>> -> memref<640xf32, #tpu.memory_space<vmem_shared>>
        tpu.enqueue_dma source(%dma_start3A_219 : memref<640xf32, #tpu.memory_space<vmem_shared>>) target(%arg18 : memref<640xf32, #tpu.memory_space<vmem>>) target_semaphore(%run_scoped3A : memref<!tpu.dma_semaphore, #tpu.memory_space<semaphore_mem>>)
        %dma_wait3A = tpu.memref_slice %arg22[%multiple_of3A_119] : memref<160000xf32, #tpu.memory_space<vmem_shared>> -> memref<640xf32, #tpu.memory_space<vmem_shared>>
        %dma_wait3A_220 = tpu.memref_slice %arg22[%multiple_of3A_119] : memref<160000xf32, #tpu.memory_space<vmem_shared>> -> memref<640xf32, #tpu.memory_space<vmem_shared>>
        tpu.wait_dma2 semaphore(%run_scoped3A : memref<!tpu.dma_semaphore, #tpu.memory_space<semaphore_mem>>) src(%dma_wait3A_220 : memref<640xf32, #tpu.memory_space<vmem_shared>>) dst(%arg18 : memref<640xf32, #tpu.memory_space<vmem>>)
        tpu.yield
      }) : () -> ()
      %scan3A_120 = arith.constant 0 : i32
      %scan3A_121 = arith.constant 0 : i32
      %scan3A_122 = arith.constant 40 : i32
      %scan3A_123 = arith.addi %scan3A_121, %scan3A_122 : i32
      %scan3A_124 = arith.constant 1 : i32
      scf.for %scan3A_219 = %scan3A_121 to %scan3A_123 step %scan3A_124  : i32 {
        %mul3A_220 = arith.constant 16 : i32
        %mul3A_221 = arith.muli %scan3A_219, %mul3A_220 : i32
        %get3A_222 = arith.index_cast %mul3A_221 : i32 to index
        %get3A_223 = tpu.vector_load %arg17[%get3A_222] {strides = array<i32>} : memref<640xf32, #tpu.memory_space<vmem>>, vector<16xf32>,
        %mul3A_224 = arith.constant 16 : i32
        %mul3A_225 = arith.muli %scan3A_219, %mul3A_224 : i32
        %get3A_226 = arith.index_cast %mul3A_225 : i32 to index
        %get3A_227 = tpu.vector_load %arg18[%get3A_226] {strides = array<i32>} : memref<640xf32, #tpu.memory_space<vmem>>, vector<16xf32>,
        %add3A_228 = arith.addf %get3A_223, %get3A_227 : vector<16xf32>
        %mul3A_229 = arith.constant 16 : i32
        %mul3A_230 = arith.muli %scan3A_219, %mul3A_229 : i32
        %swap3A = arith.index_cast %mul3A_230 : i32 to index
        %swap3A_231 = tpu.vector_load %arg17[%swap3A] {strides = array<i32>} : memref<640xf32, #tpu.memory_space<vmem>>, vector<16xf32>,
        tpu.vector_store %arg17[%swap3A], %add3A_228 {strides = array<i32>} : memref<640xf32, #tpu.memory_space<vmem>>, vector<16xf32>,
      }
      %scan3A_125 = arith.constant 40 : i32
      %mul3A_126 = arith.constant 624 : i32
      %mul3A_127 = arith.muli %arg1, %mul3A_126 : i32
      %add3A_128 = arith.constant 80000 : i32
      %add3A_129 = arith.addi %add3A_128, %mul3A_127 : i32
      %multiple_of3A_130 = tpu.assume_multiple %add3A_129, 8 : i32
      "tpu.region"() ({
        %run_scoped3A = tpu.sem_alloc : memref<!tpu.dma_semaphore, #tpu.memory_space<semaphore_mem>>
        %dma_start3A = tpu.memref_slice %arg22[%multiple_of3A_130] : memref<160000xf32, #tpu.memory_space<vmem_shared>> -> memref<640xf32, #tpu.memory_space<vmem_shared>>
        %dma_start3A_219 = tpu.memref_slice %arg22[%multiple_of3A_130] : memref<160000xf32, #tpu.memory_space<vmem_shared>> -> memref<640xf32, #tpu.memory_space<vmem_shared>>
        tpu.enqueue_dma source(%dma_start3A_219 : memref<640xf32, #tpu.memory_space<vmem_shared>>) target(%arg18 : memref<640xf32, #tpu.memory_space<vmem>>) target_semaphore(%run_scoped3A : memref<!tpu.dma_semaphore, #tpu.memory_space<semaphore_mem>>)
        %dma_wait3A = tpu.memref_slice %arg22[%multiple_of3A_130] : memref<160000xf32, #tpu.memory_space<vmem_shared>> -> memref<640xf32, #tpu.memory_space<vmem_shared>>
        %dma_wait3A_220 = tpu.memref_slice %arg22[%multiple_of3A_130] : memref<160000xf32, #tpu.memory_space<vmem_shared>> -> memref<640xf32, #tpu.memory_space<vmem_shared>>
        tpu.wait_dma2 semaphore(%run_scoped3A : memref<!tpu.dma_semaphore, #tpu.memory_space<semaphore_mem>>) src(%dma_wait3A_220 : memref<640xf32, #tpu.memory_space<vmem_shared>>) dst(%arg18 : memref<640xf32, #tpu.memory_space<vmem>>)
        tpu.yield
      }) : () -> ()
      %scan3A_131 = arith.constant 0 : i32
      %scan3A_132 = arith.constant 0 : i32
      %scan3A_133 = arith.constant 40 : i32
      %scan3A_134 = arith.addi %scan3A_132, %scan3A_133 : i32
      %scan3A_135 = arith.constant 1 : i32
      scf.for %scan3A_219 = %scan3A_132 to %scan3A_134 step %scan3A_135  : i32 {
        %mul3A_220 = arith.constant 16 : i32
        %mul3A_221 = arith.muli %scan3A_219, %mul3A_220 : i32
        %get3A_222 = arith.index_cast %mul3A_221 : i32 to index
        %get3A_223 = tpu.vector_load %arg17[%get3A_222] {strides = array<i32>} : memref<640xf32, #tpu.memory_space<vmem>>, vector<16xf32>,
        %mul3A_224 = arith.constant 16 : i32
        %mul3A_225 = arith.muli %scan3A_219, %mul3A_224 : i32
        %get3A_226 = arith.index_cast %mul3A_225 : i32 to index
        %get3A_227 = tpu.vector_load %arg18[%get3A_226] {strides = array<i32>} : memref<640xf32, #tpu.memory_space<vmem>>, vector<16xf32>,
        %add3A_228 = arith.addf %get3A_223, %get3A_227 : vector<16xf32>
        %mul3A_229 = arith.constant 16 : i32
        %mul3A_230 = arith.muli %scan3A_219, %mul3A_229 : i32
        %swap3A = arith.index_cast %mul3A_230 : i32 to index
        %swap3A_231 = tpu.vector_load %arg17[%swap3A] {strides = array<i32>} : memref<640xf32, #tpu.memory_space<vmem>>, vector<16xf32>,
        tpu.vector_store %arg17[%swap3A], %add3A_228 {strides = array<i32>} : memref<640xf32, #tpu.memory_space<vmem>>, vector<16xf32>,
      }
      %scan3A_136 = arith.constant 40 : i32
      %mul3A_137 = arith.constant 624 : i32
      %mul3A_138 = arith.muli %arg1, %mul3A_137 : i32
      %add3A_139 = arith.constant 90000 : i32
      %add3A_140 = arith.addi %add3A_139, %mul3A_138 : i32
      %multiple_of3A_141 = tpu.assume_multiple %add3A_140, 8 : i32
      "tpu.region"() ({
        %run_scoped3A = tpu.sem_alloc : memref<!tpu.dma_semaphore, #tpu.memory_space<semaphore_mem>>
        %dma_start3A = tpu.memref_slice %arg22[%multiple_of3A_141] : memref<160000xf32, #tpu.memory_space<vmem_shared>> -> memref<640xf32, #tpu.memory_space<vmem_shared>>
        %dma_start3A_219 = tpu.memref_slice %arg22[%multiple_of3A_141] : memref<160000xf32, #tpu.memory_space<vmem_shared>> -> memref<640xf32, #tpu.memory_space<vmem_shared>>
        tpu.enqueue_dma source(%dma_start3A_219 : memref<640xf32, #tpu.memory_space<vmem_shared>>) target(%arg18 : memref<640xf32, #tpu.memory_space<vmem>>) target_semaphore(%run_scoped3A : memref<!tpu.dma_semaphore, #tpu.memory_space<semaphore_mem>>)
        %dma_wait3A = tpu.memref_slice %arg22[%multiple_of3A_141] : memref<160000xf32, #tpu.memory_space<vmem_shared>> -> memref<640xf32, #tpu.memory_space<vmem_shared>>
        %dma_wait3A_220 = tpu.memref_slice %arg22[%multiple_of3A_141] : memref<160000xf32, #tpu.memory_space<vmem_shared>> -> memref<640xf32, #tpu.memory_space<vmem_shared>>
        tpu.wait_dma2 semaphore(%run_scoped3A : memref<!tpu.dma_semaphore, #tpu.memory_space<semaphore_mem>>) src(%dma_wait3A_220 : memref<640xf32, #tpu.memory_space<vmem_shared>>) dst(%arg18 : memref<640xf32, #tpu.memory_space<vmem>>)
        tpu.yield
      }) : () -> ()
      %scan3A_142 = arith.constant 0 : i32
      %scan3A_143 = arith.constant 0 : i32
      %scan3A_144 = arith.constant 40 : i32
      %scan3A_145 = arith.addi %scan3A_143, %scan3A_144 : i32
      %scan3A_146 = arith.constant 1 : i32
      scf.for %scan3A_219 = %scan3A_143 to %scan3A_145 step %scan3A_146  : i32 {
        %mul3A_220 = arith.constant 16 : i32
        %mul3A_221 = arith.muli %scan3A_219, %mul3A_220 : i32
        %get3A_222 = arith.index_cast %mul3A_221 : i32 to index
        %get3A_223 = tpu.vector_load %arg17[%get3A_222] {strides = array<i32>} : memref<640xf32, #tpu.memory_space<vmem>>, vector<16xf32>,
        %mul3A_224 = arith.constant 16 : i32
        %mul3A_225 = arith.muli %scan3A_219, %mul3A_224 : i32
        %get3A_226 = arith.index_cast %mul3A_225 : i32 to index
        %get3A_227 = tpu.vector_load %arg18[%get3A_226] {strides = array<i32>} : memref<640xf32, #tpu.memory_space<vmem>>, vector<16xf32>,
        %add3A_228 = arith.addf %get3A_223, %get3A_227 : vector<16xf32>
        %mul3A_229 = arith.constant 16 : i32
        %mul3A_230 = arith.muli %scan3A_219, %mul3A_229 : i32
        %swap3A = arith.index_cast %mul3A_230 : i32 to index
        %swap3A_231 = tpu.vector_load %arg17[%swap3A] {strides = array<i32>} : memref<640xf32, #tpu.memory_space<vmem>>, vector<16xf32>,
        tpu.vector_store %arg17[%swap3A], %add3A_228 {strides = array<i32>} : memref<640xf32, #tpu.memory_space<vmem>>, vector<16xf32>,
      }
      %scan3A_147 = arith.constant 40 : i32
      %mul3A_148 = arith.constant 624 : i32
      %mul3A_149 = arith.muli %arg1, %mul3A_148 : i32
      %add3A_150 = arith.constant 100000 : i32
      %add3A_151 = arith.addi %add3A_150, %mul3A_149 : i32
      %multiple_of3A_152 = tpu.assume_multiple %add3A_151, 8 : i32
      "tpu.region"() ({
        %run_scoped3A = tpu.sem_alloc : memref<!tpu.dma_semaphore, #tpu.memory_space<semaphore_mem>>
        %dma_start3A = tpu.memref_slice %arg22[%multiple_of3A_152] : memref<160000xf32, #tpu.memory_space<vmem_shared>> -> memref<640xf32, #tpu.memory_space<vmem_shared>>
        %dma_start3A_219 = tpu.memref_slice %arg22[%multiple_of3A_152] : memref<160000xf32, #tpu.memory_space<vmem_shared>> -> memref<640xf32, #tpu.memory_space<vmem_shared>>
        tpu.enqueue_dma source(%dma_start3A_219 : memref<640xf32, #tpu.memory_space<vmem_shared>>) target(%arg18 : memref<640xf32, #tpu.memory_space<vmem>>) target_semaphore(%run_scoped3A : memref<!tpu.dma_semaphore, #tpu.memory_space<semaphore_mem>>)
        %dma_wait3A = tpu.memref_slice %arg22[%multiple_of3A_152] : memref<160000xf32, #tpu.memory_space<vmem_shared>> -> memref<640xf32, #tpu.memory_space<vmem_shared>>
        %dma_wait3A_220 = tpu.memref_slice %arg22[%multiple_of3A_152] : memref<160000xf32, #tpu.memory_space<vmem_shared>> -> memref<640xf32, #tpu.memory_space<vmem_shared>>
        tpu.wait_dma2 semaphore(%run_scoped3A : memref<!tpu.dma_semaphore, #tpu.memory_space<semaphore_mem>>) src(%dma_wait3A_220 : memref<640xf32, #tpu.memory_space<vmem_shared>>) dst(%arg18 : memref<640xf32, #tpu.memory_space<vmem>>)
        tpu.yield
      }) : () -> ()
      %scan3A_153 = arith.constant 0 : i32
      %scan3A_154 = arith.constant 0 : i32
      %scan3A_155 = arith.constant 40 : i32
      %scan3A_156 = arith.addi %scan3A_154, %scan3A_155 : i32
      %scan3A_157 = arith.constant 1 : i32
      scf.for %scan3A_219 = %scan3A_154 to %scan3A_156 step %scan3A_157  : i32 {
        %mul3A_220 = arith.constant 16 : i32
        %mul3A_221 = arith.muli %scan3A_219, %mul3A_220 : i32
        %get3A_222 = arith.index_cast %mul3A_221 : i32 to index
        %get3A_223 = tpu.vector_load %arg17[%get3A_222] {strides = array<i32>} : memref<640xf32, #tpu.memory_space<vmem>>, vector<16xf32>,
        %mul3A_224 = arith.constant 16 : i32
        %mul3A_225 = arith.muli %scan3A_219, %mul3A_224 : i32
        %get3A_226 = arith.index_cast %mul3A_225 : i32 to index
        %get3A_227 = tpu.vector_load %arg18[%get3A_226] {strides = array<i32>} : memref<640xf32, #tpu.memory_space<vmem>>, vector<16xf32>,
        %add3A_228 = arith.addf %get3A_223, %get3A_227 : vector<16xf32>
        %mul3A_229 = arith.constant 16 : i32
        %mul3A_230 = arith.muli %scan3A_219, %mul3A_229 : i32
        %swap3A = arith.index_cast %mul3A_230 : i32 to index
        %swap3A_231 = tpu.vector_load %arg17[%swap3A] {strides = array<i32>} : memref<640xf32, #tpu.memory_space<vmem>>, vector<16xf32>,
        tpu.vector_store %arg17[%swap3A], %add3A_228 {strides = array<i32>} : memref<640xf32, #tpu.memory_space<vmem>>, vector<16xf32>,
      }
      %scan3A_158 = arith.constant 40 : i32
      %mul3A_159 = arith.constant 624 : i32
      %mul3A_160 = arith.muli %arg1, %mul3A_159 : i32
      %add3A_161 = arith.constant 110000 : i32
      %add3A_162 = arith.addi %add3A_161, %mul3A_160 : i32
      %multiple_of3A_163 = tpu.assume_multiple %add3A_162, 8 : i32
      "tpu.region"() ({
        %run_scoped3A = tpu.sem_alloc : memref<!tpu.dma_semaphore, #tpu.memory_space<semaphore_mem>>
        %dma_start3A = tpu.memref_slice %arg22[%multiple_of3A_163] : memref<160000xf32, #tpu.memory_space<vmem_shared>> -> memref<640xf32, #tpu.memory_space<vmem_shared>>
        %dma_start3A_219 = tpu.memref_slice %arg22[%multiple_of3A_163] : memref<160000xf32, #tpu.memory_space<vmem_shared>> -> memref<640xf32, #tpu.memory_space<vmem_shared>>
        tpu.enqueue_dma source(%dma_start3A_219 : memref<640xf32, #tpu.memory_space<vmem_shared>>) target(%arg18 : memref<640xf32, #tpu.memory_space<vmem>>) target_semaphore(%run_scoped3A : memref<!tpu.dma_semaphore, #tpu.memory_space<semaphore_mem>>)
        %dma_wait3A = tpu.memref_slice %arg22[%multiple_of3A_163] : memref<160000xf32, #tpu.memory_space<vmem_shared>> -> memref<640xf32, #tpu.memory_space<vmem_shared>>
        %dma_wait3A_220 = tpu.memref_slice %arg22[%multiple_of3A_163] : memref<160000xf32, #tpu.memory_space<vmem_shared>> -> memref<640xf32, #tpu.memory_space<vmem_shared>>
        tpu.wait_dma2 semaphore(%run_scoped3A : memref<!tpu.dma_semaphore, #tpu.memory_space<semaphore_mem>>) src(%dma_wait3A_220 : memref<640xf32, #tpu.memory_space<vmem_shared>>) dst(%arg18 : memref<640xf32, #tpu.memory_space<vmem>>)
        tpu.yield
      }) : () -> ()
      %scan3A_164 = arith.constant 0 : i32
      %scan3A_165 = arith.constant 0 : i32
      %scan3A_166 = arith.constant 40 : i32
      %scan3A_167 = arith.addi %scan3A_165, %scan3A_166 : i32
      %scan3A_168 = arith.constant 1 : i32
      scf.for %scan3A_219 = %scan3A_165 to %scan3A_167 step %scan3A_168  : i32 {
        %mul3A_220 = arith.constant 16 : i32
        %mul3A_221 = arith.muli %scan3A_219, %mul3A_220 : i32
        %get3A_222 = arith.index_cast %mul3A_221 : i32 to index
        %get3A_223 = tpu.vector_load %arg17[%get3A_222] {strides = array<i32>} : memref<640xf32, #tpu.memory_space<vmem>>, vector<16xf32>,
        %mul3A_224 = arith.constant 16 : i32
        %mul3A_225 = arith.muli %scan3A_219, %mul3A_224 : i32
        %get3A_226 = arith.index_cast %mul3A_225 : i32 to index
        %get3A_227 = tpu.vector_load %arg18[%get3A_226] {strides = array<i32>} : memref<640xf32, #tpu.memory_space<vmem>>, vector<16xf32>,
        %add3A_228 = arith.addf %get3A_223, %get3A_227 : vector<16xf32>
        %mul3A_229 = arith.constant 16 : i32
        %mul3A_230 = arith.muli %scan3A_219, %mul3A_229 : i32
        %swap3A = arith.index_cast %mul3A_230 : i32 to index
        %swap3A_231 = tpu.vector_load %arg17[%swap3A] {strides = array<i32>} : memref<640xf32, #tpu.memory_space<vmem>>, vector<16xf32>,
        tpu.vector_store %arg17[%swap3A], %add3A_228 {strides = array<i32>} : memref<640xf32, #tpu.memory_space<vmem>>, vector<16xf32>,
      }
      %scan3A_169 = arith.constant 40 : i32
      %mul3A_170 = arith.constant 624 : i32
      %mul3A_171 = arith.muli %arg1, %mul3A_170 : i32
      %add3A_172 = arith.constant 120000 : i32
      %add3A_173 = arith.addi %add3A_172, %mul3A_171 : i32
      %multiple_of3A_174 = tpu.assume_multiple %add3A_173, 8 : i32
      "tpu.region"() ({
        %run_scoped3A = tpu.sem_alloc : memref<!tpu.dma_semaphore, #tpu.memory_space<semaphore_mem>>
        %dma_start3A = tpu.memref_slice %arg22[%multiple_of3A_174] : memref<160000xf32, #tpu.memory_space<vmem_shared>> -> memref<640xf32, #tpu.memory_space<vmem_shared>>
        %dma_start3A_219 = tpu.memref_slice %arg22[%multiple_of3A_174] : memref<160000xf32, #tpu.memory_space<vmem_shared>> -> memref<640xf32, #tpu.memory_space<vmem_shared>>
        tpu.enqueue_dma source(%dma_start3A_219 : memref<640xf32, #tpu.memory_space<vmem_shared>>) target(%arg18 : memref<640xf32, #tpu.memory_space<vmem>>) target_semaphore(%run_scoped3A : memref<!tpu.dma_semaphore, #tpu.memory_space<semaphore_mem>>)
        %dma_wait3A = tpu.memref_slice %arg22[%multiple_of3A_174] : memref<160000xf32, #tpu.memory_space<vmem_shared>> -> memref<640xf32, #tpu.memory_space<vmem_shared>>
        %dma_wait3A_220 = tpu.memref_slice %arg22[%multiple_of3A_174] : memref<160000xf32, #tpu.memory_space<vmem_shared>> -> memref<640xf32, #tpu.memory_space<vmem_shared>>
        tpu.wait_dma2 semaphore(%run_scoped3A : memref<!tpu.dma_semaphore, #tpu.memory_space<semaphore_mem>>) src(%dma_wait3A_220 : memref<640xf32, #tpu.memory_space<vmem_shared>>) dst(%arg18 : memref<640xf32, #tpu.memory_space<vmem>>)
        tpu.yield
      }) : () -> ()
      %scan3A_175 = arith.constant 0 : i32
      %scan3A_176 = arith.constant 0 : i32
      %scan3A_177 = arith.constant 40 : i32
      %scan3A_178 = arith.addi %scan3A_176, %scan3A_177 : i32
      %scan3A_179 = arith.constant 1 : i32
      scf.for %scan3A_219 = %scan3A_176 to %scan3A_178 step %scan3A_179  : i32 {
        %mul3A_220 = arith.constant 16 : i32
        %mul3A_221 = arith.muli %scan3A_219, %mul3A_220 : i32
        %get3A_222 = arith.index_cast %mul3A_221 : i32 to index
        %get3A_223 = tpu.vector_load %arg17[%get3A_222] {strides = array<i32>} : memref<640xf32, #tpu.memory_space<vmem>>, vector<16xf32>,
        %mul3A_224 = arith.constant 16 : i32
        %mul3A_225 = arith.muli %scan3A_219, %mul3A_224 : i32
        %get3A_226 = arith.index_cast %mul3A_225 : i32 to index
        %get3A_227 = tpu.vector_load %arg18[%get3A_226] {strides = array<i32>} : memref<640xf32, #tpu.memory_space<vmem>>, vector<16xf32>,
        %add3A_228 = arith.addf %get3A_223, %get3A_227 : vector<16xf32>
        %mul3A_229 = arith.constant 16 : i32
        %mul3A_230 = arith.muli %scan3A_219, %mul3A_229 : i32
        %swap3A = arith.index_cast %mul3A_230 : i32 to index
        %swap3A_231 = tpu.vector_load %arg17[%swap3A] {strides = array<i32>} : memref<640xf32, #tpu.memory_space<vmem>>, vector<16xf32>,
        tpu.vector_store %arg17[%swap3A], %add3A_228 {strides = array<i32>} : memref<640xf32, #tpu.memory_space<vmem>>, vector<16xf32>,
      }
      %scan3A_180 = arith.constant 40 : i32
      %mul3A_181 = arith.constant 624 : i32
      %mul3A_182 = arith.muli %arg1, %mul3A_181 : i32
      %add3A_183 = arith.constant 130000 : i32
      %add3A_184 = arith.addi %add3A_183, %mul3A_182 : i32
      %multiple_of3A_185 = tpu.assume_multiple %add3A_184, 8 : i32
      "tpu.region"() ({
        %run_scoped3A = tpu.sem_alloc : memref<!tpu.dma_semaphore, #tpu.memory_space<semaphore_mem>>
        %dma_start3A = tpu.memref_slice %arg22[%multiple_of3A_185] : memref<160000xf32, #tpu.memory_space<vmem_shared>> -> memref<640xf32, #tpu.memory_space<vmem_shared>>
        %dma_start3A_219 = tpu.memref_slice %arg22[%multiple_of3A_185] : memref<160000xf32, #tpu.memory_space<vmem_shared>> -> memref<640xf32, #tpu.memory_space<vmem_shared>>
        tpu.enqueue_dma source(%dma_start3A_219 : memref<640xf32, #tpu.memory_space<vmem_shared>>) target(%arg18 : memref<640xf32, #tpu.memory_space<vmem>>) target_semaphore(%run_scoped3A : memref<!tpu.dma_semaphore, #tpu.memory_space<semaphore_mem>>)
        %dma_wait3A = tpu.memref_slice %arg22[%multiple_of3A_185] : memref<160000xf32, #tpu.memory_space<vmem_shared>> -> memref<640xf32, #tpu.memory_space<vmem_shared>>
        %dma_wait3A_220 = tpu.memref_slice %arg22[%multiple_of3A_185] : memref<160000xf32, #tpu.memory_space<vmem_shared>> -> memref<640xf32, #tpu.memory_space<vmem_shared>>
        tpu.wait_dma2 semaphore(%run_scoped3A : memref<!tpu.dma_semaphore, #tpu.memory_space<semaphore_mem>>) src(%dma_wait3A_220 : memref<640xf32, #tpu.memory_space<vmem_shared>>) dst(%arg18 : memref<640xf32, #tpu.memory_space<vmem>>)
        tpu.yield
      }) : () -> ()
      %scan3A_186 = arith.constant 0 : i32
      %scan3A_187 = arith.constant 0 : i32
      %scan3A_188 = arith.constant 40 : i32
      %scan3A_189 = arith.addi %scan3A_187, %scan3A_188 : i32
      %scan3A_190 = arith.constant 1 : i32
      scf.for %scan3A_219 = %scan3A_187 to %scan3A_189 step %scan3A_190  : i32 {
        %mul3A_220 = arith.constant 16 : i32
        %mul3A_221 = arith.muli %scan3A_219, %mul3A_220 : i32
        %get3A_222 = arith.index_cast %mul3A_221 : i32 to index
        %get3A_223 = tpu.vector_load %arg17[%get3A_222] {strides = array<i32>} : memref<640xf32, #tpu.memory_space<vmem>>, vector<16xf32>,
        %mul3A_224 = arith.constant 16 : i32
        %mul3A_225 = arith.muli %scan3A_219, %mul3A_224 : i32
        %get3A_226 = arith.index_cast %mul3A_225 : i32 to index
        %get3A_227 = tpu.vector_load %arg18[%get3A_226] {strides = array<i32>} : memref<640xf32, #tpu.memory_space<vmem>>, vector<16xf32>,
        %add3A_228 = arith.addf %get3A_223, %get3A_227 : vector<16xf32>
        %mul3A_229 = arith.constant 16 : i32
        %mul3A_230 = arith.muli %scan3A_219, %mul3A_229 : i32
        %swap3A = arith.index_cast %mul3A_230 : i32 to index
        %swap3A_231 = tpu.vector_load %arg17[%swap3A] {strides = array<i32>} : memref<640xf32, #tpu.memory_space<vmem>>, vector<16xf32>,
        tpu.vector_store %arg17[%swap3A], %add3A_228 {strides = array<i32>} : memref<640xf32, #tpu.memory_space<vmem>>, vector<16xf32>,
      }
      %scan3A_191 = arith.constant 40 : i32
      %mul3A_192 = arith.constant 624 : i32
      %mul3A_193 = arith.muli %arg1, %mul3A_192 : i32
      %add3A_194 = arith.constant 140000 : i32
      %add3A_195 = arith.addi %add3A_194, %mul3A_193 : i32
      %multiple_of3A_196 = tpu.assume_multiple %add3A_195, 8 : i32
      "tpu.region"() ({
        %run_scoped3A = tpu.sem_alloc : memref<!tpu.dma_semaphore, #tpu.memory_space<semaphore_mem>>
        %dma_start3A = tpu.memref_slice %arg22[%multiple_of3A_196] : memref<160000xf32, #tpu.memory_space<vmem_shared>> -> memref<640xf32, #tpu.memory_space<vmem_shared>>
        %dma_start3A_219 = tpu.memref_slice %arg22[%multiple_of3A_196] : memref<160000xf32, #tpu.memory_space<vmem_shared>> -> memref<640xf32, #tpu.memory_space<vmem_shared>>
        tpu.enqueue_dma source(%dma_start3A_219 : memref<640xf32, #tpu.memory_space<vmem_shared>>) target(%arg18 : memref<640xf32, #tpu.memory_space<vmem>>) target_semaphore(%run_scoped3A : memref<!tpu.dma_semaphore, #tpu.memory_space<semaphore_mem>>)
        %dma_wait3A = tpu.memref_slice %arg22[%multiple_of3A_196] : memref<160000xf32, #tpu.memory_space<vmem_shared>> -> memref<640xf32, #tpu.memory_space<vmem_shared>>
        %dma_wait3A_220 = tpu.memref_slice %arg22[%multiple_of3A_196] : memref<160000xf32, #tpu.memory_space<vmem_shared>> -> memref<640xf32, #tpu.memory_space<vmem_shared>>
        tpu.wait_dma2 semaphore(%run_scoped3A : memref<!tpu.dma_semaphore, #tpu.memory_space<semaphore_mem>>) src(%dma_wait3A_220 : memref<640xf32, #tpu.memory_space<vmem_shared>>) dst(%arg18 : memref<640xf32, #tpu.memory_space<vmem>>)
        tpu.yield
      }) : () -> ()
      %scan3A_197 = arith.constant 0 : i32
      %scan3A_198 = arith.constant 0 : i32
      %scan3A_199 = arith.constant 40 : i32
      %scan3A_200 = arith.addi %scan3A_198, %scan3A_199 : i32
      %scan3A_201 = arith.constant 1 : i32
      scf.for %scan3A_219 = %scan3A_198 to %scan3A_200 step %scan3A_201  : i32 {
        %mul3A_220 = arith.constant 16 : i32
        %mul3A_221 = arith.muli %scan3A_219, %mul3A_220 : i32
        %get3A_222 = arith.index_cast %mul3A_221 : i32 to index
        %get3A_223 = tpu.vector_load %arg17[%get3A_222] {strides = array<i32>} : memref<640xf32, #tpu.memory_space<vmem>>, vector<16xf32>,
        %mul3A_224 = arith.constant 16 : i32
        %mul3A_225 = arith.muli %scan3A_219, %mul3A_224 : i32
        %get3A_226 = arith.index_cast %mul3A_225 : i32 to index
        %get3A_227 = tpu.vector_load %arg18[%get3A_226] {strides = array<i32>} : memref<640xf32, #tpu.memory_space<vmem>>, vector<16xf32>,
        %add3A_228 = arith.addf %get3A_223, %get3A_227 : vector<16xf32>
        %mul3A_229 = arith.constant 16 : i32
        %mul3A_230 = arith.muli %scan3A_219, %mul3A_229 : i32
        %swap3A = arith.index_cast %mul3A_230 : i32 to index
        %swap3A_231 = tpu.vector_load %arg17[%swap3A] {strides = array<i32>} : memref<640xf32, #tpu.memory_space<vmem>>, vector<16xf32>,
        tpu.vector_store %arg17[%swap3A], %add3A_228 {strides = array<i32>} : memref<640xf32, #tpu.memory_space<vmem>>, vector<16xf32>,
      }
      %scan3A_202 = arith.constant 40 : i32
      %mul3A_203 = arith.constant 624 : i32
      %mul3A_204 = arith.muli %arg1, %mul3A_203 : i32
      %add3A_205 = arith.constant 150000 : i32
      %add3A_206 = arith.addi %add3A_205, %mul3A_204 : i32
      %multiple_of3A_207 = tpu.assume_multiple %add3A_206, 8 : i32
      "tpu.region"() ({
        %run_scoped3A = tpu.sem_alloc : memref<!tpu.dma_semaphore, #tpu.memory_space<semaphore_mem>>
        %dma_start3A = tpu.memref_slice %arg22[%multiple_of3A_207] : memref<160000xf32, #tpu.memory_space<vmem_shared>> -> memref<640xf32, #tpu.memory_space<vmem_shared>>
        %dma_start3A_219 = tpu.memref_slice %arg22[%multiple_of3A_207] : memref<160000xf32, #tpu.memory_space<vmem_shared>> -> memref<640xf32, #tpu.memory_space<vmem_shared>>
        tpu.enqueue_dma source(%dma_start3A_219 : memref<640xf32, #tpu.memory_space<vmem_shared>>) target(%arg18 : memref<640xf32, #tpu.memory_space<vmem>>) target_semaphore(%run_scoped3A : memref<!tpu.dma_semaphore, #tpu.memory_space<semaphore_mem>>)
        %dma_wait3A = tpu.memref_slice %arg22[%multiple_of3A_207] : memref<160000xf32, #tpu.memory_space<vmem_shared>> -> memref<640xf32, #tpu.memory_space<vmem_shared>>
        %dma_wait3A_220 = tpu.memref_slice %arg22[%multiple_of3A_207] : memref<160000xf32, #tpu.memory_space<vmem_shared>> -> memref<640xf32, #tpu.memory_space<vmem_shared>>
        tpu.wait_dma2 semaphore(%run_scoped3A : memref<!tpu.dma_semaphore, #tpu.memory_space<semaphore_mem>>) src(%dma_wait3A_220 : memref<640xf32, #tpu.memory_space<vmem_shared>>) dst(%arg18 : memref<640xf32, #tpu.memory_space<vmem>>)
        tpu.yield
      }) : () -> ()
      %scan3A_208 = arith.constant 0 : i32
      %scan3A_209 = arith.constant 0 : i32
      %scan3A_210 = arith.constant 40 : i32
      %scan3A_211 = arith.addi %scan3A_209, %scan3A_210 : i32
      %scan3A_212 = arith.constant 1 : i32
      scf.for %scan3A_219 = %scan3A_209 to %scan3A_211 step %scan3A_212  : i32 {
        %mul3A_220 = arith.constant 16 : i32
        %mul3A_221 = arith.muli %scan3A_219, %mul3A_220 : i32
        %get3A_222 = arith.index_cast %mul3A_221 : i32 to index
        %get3A_223 = tpu.vector_load %arg17[%get3A_222] {strides = array<i32>} : memref<640xf32, #tpu.memory_space<vmem>>, vector<16xf32>,
        %mul3A_224 = arith.constant 16 : i32
        %mul3A_225 = arith.muli %scan3A_219, %mul3A_224 : i32
        %get3A_226 = arith.index_cast %mul3A_225 : i32 to index
        %get3A_227 = tpu.vector_load %arg18[%get3A_226] {strides = array<i32>} : memref<640xf32, #tpu.memory_space<vmem>>, vector<16xf32>,
        %add3A_228 = arith.addf %get3A_223, %get3A_227 : vector<16xf32>
        %mul3A_229 = arith.constant 16 : i32
        %mul3A_230 = arith.muli %scan3A_219, %mul3A_229 : i32
        %swap3A = arith.index_cast %mul3A_230 : i32 to index
        %swap3A_231 = tpu.vector_load %arg17[%swap3A] {strides = array<i32>} : memref<640xf32, #tpu.memory_space<vmem>>, vector<16xf32>,
        tpu.vector_store %arg17[%swap3A], %add3A_228 {strides = array<i32>} : memref<640xf32, #tpu.memory_space<vmem>>, vector<16xf32>,
      }
      %scan3A_213 = arith.constant 40 : i32
      %get3A = arith.constant 0 : index
      %get3A_214 = tpu.vector_load %arg19[%get3A] {strides = array<i32>} : memref<32xf32, #tpu.memory_space<vmem>>, vector<16xf32>,
      %parallel_loop3A = arith.constant 0 : i32
      %parallel_loop3A_215 = arith.constant 40 : i32
      %parallel_loop3A_216 = arith.constant 1 : i32
      scf.for %parallel_loop3A_219 = %parallel_loop3A to %parallel_loop3A_215 step %parallel_loop3A_216  : i32 {
        %parallel_loop3A_220 = arith.constant 624 : i32
        %parallel_loop3A_221 = arith.muli %arg1, %parallel_loop3A_220 : i32
        %parallel_loop3A_222 = arith.constant 16 : i32
        %parallel_loop3A_223 = arith.muli %parallel_loop3A_219, %parallel_loop3A_222 : i32
        %parallel_loop3A_224 = arith.addi %parallel_loop3A_221, %parallel_loop3A_223 : i32
        %parallel_loop3A_225 = arith.index_cast %parallel_loop3A_224 : i32 to index
        %parallel_loop3A_226 = tpu.vector_load %arg13[%parallel_loop3A_225] {strides = array<i32>} : memref<10000xf32, #tpu.memory_space<vmem>>, vector<16xf32>,
        %parallel_loop3A_227 = arith.constant 624 : i32
        %parallel_loop3A_228 = arith.muli %arg1, %parallel_loop3A_227 : i32
        %parallel_loop3A_229 = arith.constant 16 : i32
        %parallel_loop3A_230 = arith.muli %parallel_loop3A_219, %parallel_loop3A_229 : i32
        %parallel_loop3A_231 = arith.addi %parallel_loop3A_228, %parallel_loop3A_230 : i32
        %parallel_loop3A_232 = arith.index_cast %parallel_loop3A_231 : i32 to index
        %parallel_loop3A_233 = tpu.vector_load %arg14[%parallel_loop3A_232] {strides = array<i32>} : memref<10000xf32, #tpu.memory_space<vmem>>, vector<16xf32>,
        %parallel_loop3A_234 = arith.constant 16 : i32
        %parallel_loop3A_235 = arith.muli %parallel_loop3A_219, %parallel_loop3A_234 : i32
        %parallel_loop3A_236 = arith.index_cast %parallel_loop3A_235 : i32 to index
        %parallel_loop3A_237 = tpu.vector_load %arg17[%parallel_loop3A_236] {strides = array<i32>} : memref<640xf32, #tpu.memory_space<vmem>>, vector<16xf32>,
        %parallel_loop3A_238 = arith.addf %parallel_loop3A_237, %parallel_loop3A_226 : vector<16xf32>
        %parallel_loop3A_239 = arith.mulf %parallel_loop3A_238, %parallel_loop3A_233 : vector<16xf32>
        %parallel_loop3A_240 = arith.addf %parallel_loop3A_239, %get3A_214 : vector<16xf32>
        %parallel_loop3A_241 = arith.mulf %parallel_loop3A_240, %parallel_loop3A_233 : vector<16xf32>
        %parallel_loop3A_242 = arith.constant 16 : i32
        %parallel_loop3A_243 = arith.muli %parallel_loop3A_219, %parallel_loop3A_242 : i32
        %parallel_loop3A_244 = arith.index_cast %parallel_loop3A_243 : i32 to index
        %parallel_loop3A_245 = tpu.vector_load %arg17[%parallel_loop3A_244] {strides = array<i32>} : memref<640xf32, #tpu.memory_space<vmem>>, vector<16xf32>,
        tpu.vector_store %arg17[%parallel_loop3A_244], %parallel_loop3A_241 {strides = array<i32>} : memref<640xf32, #tpu.memory_space<vmem>>, vector<16xf32>,
      } {sc.loop_unroll_factor = 4 : i64, sc.parallel_access}
      %mul3A_217 = arith.constant 624 : i32
      %mul3A_218 = arith.muli %arg1, %mul3A_217 : i32
      "tpu.region"() ({
        %run_scoped3A = tpu.sem_alloc : memref<!tpu.dma_semaphore, #tpu.memory_space<semaphore_mem>>
        %dma_start3A = tpu.memref_slice %arg23[%mul3A_218] : memref<10000xf32, #tpu.memory_space<vmem_shared>> -> memref<640xf32, #tpu.memory_space<vmem_shared>>
        %dma_start3A_219 = tpu.memref_slice %arg23[%mul3A_218] : memref<10000xf32, #tpu.memory_space<vmem_shared>> -> memref<640xf32, #tpu.memory_space<vmem_shared>>
        tpu.enqueue_dma source(%arg17 : memref<640xf32, #tpu.memory_space<vmem>>) target(%dma_start3A_219 : memref<640xf32, #tpu.memory_space<vmem_shared>>) target_semaphore(%run_scoped3A : memref<!tpu.dma_semaphore, #tpu.memory_space<semaphore_mem>>)
        %dma_wait3A = tpu.memref_slice %arg23[%mul3A_218] : memref<10000xf32, #tpu.memory_space<vmem_shared>> -> memref<640xf32, #tpu.memory_space<vmem_shared>>
        %dma_wait3A_220 = tpu.memref_slice %arg23[%mul3A_218] : memref<10000xf32, #tpu.memory_space<vmem_shared>> -> memref<640xf32, #tpu.memory_space<vmem_shared>>
        tpu.wait_dma2 semaphore(%run_scoped3A : memref<!tpu.dma_semaphore, #tpu.memory_space<semaphore_mem>>) src(%arg17 : memref<640xf32, #tpu.memory_space<vmem>>) dst(%dma_wait3A_220 : memref<640xf32, #tpu.memory_space<vmem_shared>>)
        tpu.yield
      }) : () -> ()
    } else {
    }
    %barrier3A_36 = arith.constant 0 : index
    tpu.barrier barrier_id(%barrier3A_36)
    %eq3A_37 = arith.constant 0 : i32
    %eq3A_38 = arith.cmpi eq, %arg0, %eq3A_37 : i32
    %convert_element_type3A_39 = arith.extui %eq3A_38 : i1 to i32
    %cond3A_40 = arith.constant 0 : i32
    %cond3A_41 = arith.cmpi ne, %convert_element_type3A_39, %cond3A_40 : i32
    scf.if %cond3A_41 {
      "tpu.region"() ({
        %run_scoped3A = tpu.sem_alloc : memref<!tpu.dma_semaphore, #tpu.memory_space<semaphore_mem>>
        tpu.enqueue_dma source(%arg23 : memref<10000xf32, #tpu.memory_space<vmem_shared>>) target(%arg13 : memref<10000xf32, #tpu.memory_space<vmem>>) target_semaphore(%run_scoped3A : memref<!tpu.dma_semaphore, #tpu.memory_space<semaphore_mem>>)
        tpu.wait_dma2 semaphore(%run_scoped3A : memref<!tpu.dma_semaphore, #tpu.memory_space<semaphore_mem>>) src(%arg23 : memref<10000xf32, #tpu.memory_space<vmem_shared>>) dst(%arg13 : memref<10000xf32, #tpu.memory_space<vmem>>)
        tpu.yield
      }) : () -> ()
      %parallel_loop3A = arith.constant 0 : i32
      %parallel_loop3A_48 = arith.constant 625 : i32
      %parallel_loop3A_49 = arith.constant 1 : i32
      scf.for %parallel_loop3A_76 = %parallel_loop3A to %parallel_loop3A_48 step %parallel_loop3A_49  : i32 {
        %parallel_loop3A_77 = arith.constant 0.000000e+00 : f32
        %parallel_loop3A_78 = vector.broadcast %parallel_loop3A_77 : f32 to vector<16xf32>
        %parallel_loop3A_79 = arith.constant 16 : i32
        %parallel_loop3A_80 = arith.muli %parallel_loop3A_76, %parallel_loop3A_79 : i32
        %parallel_loop3A_81 = arith.index_cast %parallel_loop3A_80 : i32 to index
        %parallel_loop3A_82 = tpu.vector_load %arg15[%parallel_loop3A_81] {strides = array<i32>} : memref<10000xf32, #tpu.memory_space<vmem>>, vector<16xf32>,
        tpu.vector_store %arg15[%parallel_loop3A_81], %parallel_loop3A_78 {strides = array<i32>} : memref<10000xf32, #tpu.memory_space<vmem>>, vector<16xf32>,
      } {sc.loop_unroll_factor = 8 : i64, sc.parallel_access}
      %scan3A = arith.constant 0 : i32
      %scan3A_50 = arith.constant 0 : i32
      %scan3A_51 = arith.constant 1248 : i32
      %scan3A_52 = arith.addi %scan3A_50, %scan3A_51 : i32
      %scan3A_53 = arith.constant 16 : i32
      scf.for %scan3A_76 = %scan3A_50 to %scan3A_52 step %scan3A_53  : i32 {
        %mul3A_77 = arith.constant 16 : i32
        %mul3A_78 = arith.muli %scan3A_76, %mul3A_77 : i32
        %get3A_79 = arith.index_cast %mul3A_78 : i32 to index
        %get3A_80 = tpu.vector_load %arg11[%get3A_79] {strides = array<i32>} : memref<20000xi32, #tpu.memory_space<vmem>>, vector<16xi32>,
        %mul3A_81 = arith.constant 16 : i32
        %mul3A_82 = arith.muli %scan3A_76, %mul3A_81 : i32
        %get3A_83 = arith.index_cast %mul3A_82 : i32 to index
        %get3A_84 = tpu.vector_load %arg12[%get3A_83] {strides = array<i32>} : memref<20000xi32, #tpu.memory_space<vmem>>, vector<16xi32>,
        %gather3A_85 = tpu.vector_load_idx %arg13[%get3A_80] : memref<10000xf32, #tpu.memory_space<vmem>>[vector<16xi32>], vector<16xf32>,
        tpu.vector_store_idx %arg15[%get3A_84], %gather3A_85 {add = true} : memref<10000xf32, #tpu.memory_space<vmem>>[vector<16xi32>], vector<16xf32>,
        %scan3A_86 = arith.constant 1 : i32
        %scan3A_87 = arith.addi %scan3A_76, %scan3A_86 : i32
        %mul3A_88 = arith.constant 16 : i32
        %mul3A_89 = arith.muli %scan3A_87, %mul3A_88 : i32
        %get3A_90 = arith.index_cast %mul3A_89 : i32 to index
        %get3A_91 = tpu.vector_load %arg11[%get3A_90] {strides = array<i32>} : memref<20000xi32, #tpu.memory_space<vmem>>, vector<16xi32>,
        %mul3A_92 = arith.constant 16 : i32
        %mul3A_93 = arith.muli %scan3A_87, %mul3A_92 : i32
        %get3A_94 = arith.index_cast %mul3A_93 : i32 to index
        %get3A_95 = tpu.vector_load %arg12[%get3A_94] {strides = array<i32>} : memref<20000xi32, #tpu.memory_space<vmem>>, vector<16xi32>,
        %gather3A_96 = tpu.vector_load_idx %arg13[%get3A_91] : memref<10000xf32, #tpu.memory_space<vmem>>[vector<16xi32>], vector<16xf32>,
        tpu.vector_store_idx %arg15[%get3A_95], %gather3A_96 {add = true} : memref<10000xf32, #tpu.memory_space<vmem>>[vector<16xi32>], vector<16xf32>,
        %scan3A_97 = arith.constant 2 : i32
        %scan3A_98 = arith.addi %scan3A_76, %scan3A_97 : i32
        %mul3A_99 = arith.constant 16 : i32
        %mul3A_100 = arith.muli %scan3A_98, %mul3A_99 : i32
        %get3A_101 = arith.index_cast %mul3A_100 : i32 to index
        %get3A_102 = tpu.vector_load %arg11[%get3A_101] {strides = array<i32>} : memref<20000xi32, #tpu.memory_space<vmem>>, vector<16xi32>,
        %mul3A_103 = arith.constant 16 : i32
        %mul3A_104 = arith.muli %scan3A_98, %mul3A_103 : i32
        %get3A_105 = arith.index_cast %mul3A_104 : i32 to index
        %get3A_106 = tpu.vector_load %arg12[%get3A_105] {strides = array<i32>} : memref<20000xi32, #tpu.memory_space<vmem>>, vector<16xi32>,
        %gather3A_107 = tpu.vector_load_idx %arg13[%get3A_102] : memref<10000xf32, #tpu.memory_space<vmem>>[vector<16xi32>], vector<16xf32>,
        tpu.vector_store_idx %arg15[%get3A_106], %gather3A_107 {add = true} : memref<10000xf32, #tpu.memory_space<vmem>>[vector<16xi32>], vector<16xf32>,
        %scan3A_108 = arith.constant 3 : i32
        %scan3A_109 = arith.addi %scan3A_76, %scan3A_108 : i32
        %mul3A_110 = arith.constant 16 : i32
        %mul3A_111 = arith.muli %scan3A_109, %mul3A_110 : i32
        %get3A_112 = arith.index_cast %mul3A_111 : i32 to index
        %get3A_113 = tpu.vector_load %arg11[%get3A_112] {strides = array<i32>} : memref<20000xi32, #tpu.memory_space<vmem>>, vector<16xi32>,
        %mul3A_114 = arith.constant 16 : i32
        %mul3A_115 = arith.muli %scan3A_109, %mul3A_114 : i32
        %get3A_116 = arith.index_cast %mul3A_115 : i32 to index
        %get3A_117 = tpu.vector_load %arg12[%get3A_116] {strides = array<i32>} : memref<20000xi32, #tpu.memory_space<vmem>>, vector<16xi32>,
        %gather3A_118 = tpu.vector_load_idx %arg13[%get3A_113] : memref<10000xf32, #tpu.memory_space<vmem>>[vector<16xi32>], vector<16xf32>,
        tpu.vector_store_idx %arg15[%get3A_117], %gather3A_118 {add = true} : memref<10000xf32, #tpu.memory_space<vmem>>[vector<16xi32>], vector<16xf32>,
        %scan3A_119 = arith.constant 4 : i32
        %scan3A_120 = arith.addi %scan3A_76, %scan3A_119 : i32
        %mul3A_121 = arith.constant 16 : i32
        %mul3A_122 = arith.muli %scan3A_120, %mul3A_121 : i32
        %get3A_123 = arith.index_cast %mul3A_122 : i32 to index
        %get3A_124 = tpu.vector_load %arg11[%get3A_123] {strides = array<i32>} : memref<20000xi32, #tpu.memory_space<vmem>>, vector<16xi32>,
        %mul3A_125 = arith.constant 16 : i32
        %mul3A_126 = arith.muli %scan3A_120, %mul3A_125 : i32
        %get3A_127 = arith.index_cast %mul3A_126 : i32 to index
        %get3A_128 = tpu.vector_load %arg12[%get3A_127] {strides = array<i32>} : memref<20000xi32, #tpu.memory_space<vmem>>, vector<16xi32>,
        %gather3A_129 = tpu.vector_load_idx %arg13[%get3A_124] : memref<10000xf32, #tpu.memory_space<vmem>>[vector<16xi32>], vector<16xf32>,
        tpu.vector_store_idx %arg15[%get3A_128], %gather3A_129 {add = true} : memref<10000xf32, #tpu.memory_space<vmem>>[vector<16xi32>], vector<16xf32>,
        %scan3A_130 = arith.constant 5 : i32
        %scan3A_131 = arith.addi %scan3A_76, %scan3A_130 : i32
        %mul3A_132 = arith.constant 16 : i32
        %mul3A_133 = arith.muli %scan3A_131, %mul3A_132 : i32
        %get3A_134 = arith.index_cast %mul3A_133 : i32 to index
        %get3A_135 = tpu.vector_load %arg11[%get3A_134] {strides = array<i32>} : memref<20000xi32, #tpu.memory_space<vmem>>, vector<16xi32>,
        %mul3A_136 = arith.constant 16 : i32
        %mul3A_137 = arith.muli %scan3A_131, %mul3A_136 : i32
        %get3A_138 = arith.index_cast %mul3A_137 : i32 to index
        %get3A_139 = tpu.vector_load %arg12[%get3A_138] {strides = array<i32>} : memref<20000xi32, #tpu.memory_space<vmem>>, vector<16xi32>,
        %gather3A_140 = tpu.vector_load_idx %arg13[%get3A_135] : memref<10000xf32, #tpu.memory_space<vmem>>[vector<16xi32>], vector<16xf32>,
        tpu.vector_store_idx %arg15[%get3A_139], %gather3A_140 {add = true} : memref<10000xf32, #tpu.memory_space<vmem>>[vector<16xi32>], vector<16xf32>,
        %scan3A_141 = arith.constant 6 : i32
        %scan3A_142 = arith.addi %scan3A_76, %scan3A_141 : i32
        %mul3A_143 = arith.constant 16 : i32
        %mul3A_144 = arith.muli %scan3A_142, %mul3A_143 : i32
        %get3A_145 = arith.index_cast %mul3A_144 : i32 to index
        %get3A_146 = tpu.vector_load %arg11[%get3A_145] {strides = array<i32>} : memref<20000xi32, #tpu.memory_space<vmem>>, vector<16xi32>,
        %mul3A_147 = arith.constant 16 : i32
        %mul3A_148 = arith.muli %scan3A_142, %mul3A_147 : i32
        %get3A_149 = arith.index_cast %mul3A_148 : i32 to index
        %get3A_150 = tpu.vector_load %arg12[%get3A_149] {strides = array<i32>} : memref<20000xi32, #tpu.memory_space<vmem>>, vector<16xi32>,
        %gather3A_151 = tpu.vector_load_idx %arg13[%get3A_146] : memref<10000xf32, #tpu.memory_space<vmem>>[vector<16xi32>], vector<16xf32>,
        tpu.vector_store_idx %arg15[%get3A_150], %gather3A_151 {add = true} : memref<10000xf32, #tpu.memory_space<vmem>>[vector<16xi32>], vector<16xf32>,
        %scan3A_152 = arith.constant 7 : i32
        %scan3A_153 = arith.addi %scan3A_76, %scan3A_152 : i32
        %mul3A_154 = arith.constant 16 : i32
        %mul3A_155 = arith.muli %scan3A_153, %mul3A_154 : i32
        %get3A_156 = arith.index_cast %mul3A_155 : i32 to index
        %get3A_157 = tpu.vector_load %arg11[%get3A_156] {strides = array<i32>} : memref<20000xi32, #tpu.memory_space<vmem>>, vector<16xi32>,
        %mul3A_158 = arith.constant 16 : i32
        %mul3A_159 = arith.muli %scan3A_153, %mul3A_158 : i32
        %get3A_160 = arith.index_cast %mul3A_159 : i32 to index
        %get3A_161 = tpu.vector_load %arg12[%get3A_160] {strides = array<i32>} : memref<20000xi32, #tpu.memory_space<vmem>>, vector<16xi32>,
        %gather3A_162 = tpu.vector_load_idx %arg13[%get3A_157] : memref<10000xf32, #tpu.memory_space<vmem>>[vector<16xi32>], vector<16xf32>,
        tpu.vector_store_idx %arg15[%get3A_161], %gather3A_162 {add = true} : memref<10000xf32, #tpu.memory_space<vmem>>[vector<16xi32>], vector<16xf32>,
        %scan3A_163 = arith.constant 8 : i32
        %scan3A_164 = arith.addi %scan3A_76, %scan3A_163 : i32
        %mul3A_165 = arith.constant 16 : i32
        %mul3A_166 = arith.muli %scan3A_164, %mul3A_165 : i32
        %get3A_167 = arith.index_cast %mul3A_166 : i32 to index
        %get3A_168 = tpu.vector_load %arg11[%get3A_167] {strides = array<i32>} : memref<20000xi32, #tpu.memory_space<vmem>>, vector<16xi32>,
        %mul3A_169 = arith.constant 16 : i32
        %mul3A_170 = arith.muli %scan3A_164, %mul3A_169 : i32
        %get3A_171 = arith.index_cast %mul3A_170 : i32 to index
        %get3A_172 = tpu.vector_load %arg12[%get3A_171] {strides = array<i32>} : memref<20000xi32, #tpu.memory_space<vmem>>, vector<16xi32>,
        %gather3A_173 = tpu.vector_load_idx %arg13[%get3A_168] : memref<10000xf32, #tpu.memory_space<vmem>>[vector<16xi32>], vector<16xf32>,
        tpu.vector_store_idx %arg15[%get3A_172], %gather3A_173 {add = true} : memref<10000xf32, #tpu.memory_space<vmem>>[vector<16xi32>], vector<16xf32>,
        %scan3A_174 = arith.constant 9 : i32
        %scan3A_175 = arith.addi %scan3A_76, %scan3A_174 : i32
        %mul3A_176 = arith.constant 16 : i32
        %mul3A_177 = arith.muli %scan3A_175, %mul3A_176 : i32
        %get3A_178 = arith.index_cast %mul3A_177 : i32 to index
        %get3A_179 = tpu.vector_load %arg11[%get3A_178] {strides = array<i32>} : memref<20000xi32, #tpu.memory_space<vmem>>, vector<16xi32>,
        %mul3A_180 = arith.constant 16 : i32
        %mul3A_181 = arith.muli %scan3A_175, %mul3A_180 : i32
        %get3A_182 = arith.index_cast %mul3A_181 : i32 to index
        %get3A_183 = tpu.vector_load %arg12[%get3A_182] {strides = array<i32>} : memref<20000xi32, #tpu.memory_space<vmem>>, vector<16xi32>,
        %gather3A_184 = tpu.vector_load_idx %arg13[%get3A_179] : memref<10000xf32, #tpu.memory_space<vmem>>[vector<16xi32>], vector<16xf32>,
        tpu.vector_store_idx %arg15[%get3A_183], %gather3A_184 {add = true} : memref<10000xf32, #tpu.memory_space<vmem>>[vector<16xi32>], vector<16xf32>,
        %scan3A_185 = arith.constant 10 : i32
        %scan3A_186 = arith.addi %scan3A_76, %scan3A_185 : i32
        %mul3A_187 = arith.constant 16 : i32
        %mul3A_188 = arith.muli %scan3A_186, %mul3A_187 : i32
        %get3A_189 = arith.index_cast %mul3A_188 : i32 to index
        %get3A_190 = tpu.vector_load %arg11[%get3A_189] {strides = array<i32>} : memref<20000xi32, #tpu.memory_space<vmem>>, vector<16xi32>,
        %mul3A_191 = arith.constant 16 : i32
        %mul3A_192 = arith.muli %scan3A_186, %mul3A_191 : i32
        %get3A_193 = arith.index_cast %mul3A_192 : i32 to index
        %get3A_194 = tpu.vector_load %arg12[%get3A_193] {strides = array<i32>} : memref<20000xi32, #tpu.memory_space<vmem>>, vector<16xi32>,
        %gather3A_195 = tpu.vector_load_idx %arg13[%get3A_190] : memref<10000xf32, #tpu.memory_space<vmem>>[vector<16xi32>], vector<16xf32>,
        tpu.vector_store_idx %arg15[%get3A_194], %gather3A_195 {add = true} : memref<10000xf32, #tpu.memory_space<vmem>>[vector<16xi32>], vector<16xf32>,
        %scan3A_196 = arith.constant 11 : i32
        %scan3A_197 = arith.addi %scan3A_76, %scan3A_196 : i32
        %mul3A_198 = arith.constant 16 : i32
        %mul3A_199 = arith.muli %scan3A_197, %mul3A_198 : i32
        %get3A_200 = arith.index_cast %mul3A_199 : i32 to index
        %get3A_201 = tpu.vector_load %arg11[%get3A_200] {strides = array<i32>} : memref<20000xi32, #tpu.memory_space<vmem>>, vector<16xi32>,
        %mul3A_202 = arith.constant 16 : i32
        %mul3A_203 = arith.muli %scan3A_197, %mul3A_202 : i32
        %get3A_204 = arith.index_cast %mul3A_203 : i32 to index
        %get3A_205 = tpu.vector_load %arg12[%get3A_204] {strides = array<i32>} : memref<20000xi32, #tpu.memory_space<vmem>>, vector<16xi32>,
        %gather3A_206 = tpu.vector_load_idx %arg13[%get3A_201] : memref<10000xf32, #tpu.memory_space<vmem>>[vector<16xi32>], vector<16xf32>,
        tpu.vector_store_idx %arg15[%get3A_205], %gather3A_206 {add = true} : memref<10000xf32, #tpu.memory_space<vmem>>[vector<16xi32>], vector<16xf32>,
        %scan3A_207 = arith.constant 12 : i32
        %scan3A_208 = arith.addi %scan3A_76, %scan3A_207 : i32
        %mul3A_209 = arith.constant 16 : i32
        %mul3A_210 = arith.muli %scan3A_208, %mul3A_209 : i32
        %get3A_211 = arith.index_cast %mul3A_210 : i32 to index
        %get3A_212 = tpu.vector_load %arg11[%get3A_211] {strides = array<i32>} : memref<20000xi32, #tpu.memory_space<vmem>>, vector<16xi32>,
        %mul3A_213 = arith.constant 16 : i32
        %mul3A_214 = arith.muli %scan3A_208, %mul3A_213 : i32
        %get3A_215 = arith.index_cast %mul3A_214 : i32 to index
        %get3A_216 = tpu.vector_load %arg12[%get3A_215] {strides = array<i32>} : memref<20000xi32, #tpu.memory_space<vmem>>, vector<16xi32>,
        %gather3A_217 = tpu.vector_load_idx %arg13[%get3A_212] : memref<10000xf32, #tpu.memory_space<vmem>>[vector<16xi32>], vector<16xf32>,
        tpu.vector_store_idx %arg15[%get3A_216], %gather3A_217 {add = true} : memref<10000xf32, #tpu.memory_space<vmem>>[vector<16xi32>], vector<16xf32>,
        %scan3A_218 = arith.constant 13 : i32
        %scan3A_219 = arith.addi %scan3A_76, %scan3A_218 : i32
        %mul3A_220 = arith.constant 16 : i32
        %mul3A_221 = arith.muli %scan3A_219, %mul3A_220 : i32
        %get3A_222 = arith.index_cast %mul3A_221 : i32 to index
        %get3A_223 = tpu.vector_load %arg11[%get3A_222] {strides = array<i32>} : memref<20000xi32, #tpu.memory_space<vmem>>, vector<16xi32>,
        %mul3A_224 = arith.constant 16 : i32
        %mul3A_225 = arith.muli %scan3A_219, %mul3A_224 : i32
        %get3A_226 = arith.index_cast %mul3A_225 : i32 to index
        %get3A_227 = tpu.vector_load %arg12[%get3A_226] {strides = array<i32>} : memref<20000xi32, #tpu.memory_space<vmem>>, vector<16xi32>,
        %gather3A_228 = tpu.vector_load_idx %arg13[%get3A_223] : memref<10000xf32, #tpu.memory_space<vmem>>[vector<16xi32>], vector<16xf32>,
        tpu.vector_store_idx %arg15[%get3A_227], %gather3A_228 {add = true} : memref<10000xf32, #tpu.memory_space<vmem>>[vector<16xi32>], vector<16xf32>,
        %scan3A_229 = arith.constant 14 : i32
        %scan3A_230 = arith.addi %scan3A_76, %scan3A_229 : i32
        %mul3A_231 = arith.constant 16 : i32
        %mul3A_232 = arith.muli %scan3A_230, %mul3A_231 : i32
        %get3A_233 = arith.index_cast %mul3A_232 : i32 to index
        %get3A_234 = tpu.vector_load %arg11[%get3A_233] {strides = array<i32>} : memref<20000xi32, #tpu.memory_space<vmem>>, vector<16xi32>,
        %mul3A_235 = arith.constant 16 : i32
        %mul3A_236 = arith.muli %scan3A_230, %mul3A_235 : i32
        %get3A_237 = arith.index_cast %mul3A_236 : i32 to index
        %get3A_238 = tpu.vector_load %arg12[%get3A_237] {strides = array<i32>} : memref<20000xi32, #tpu.memory_space<vmem>>, vector<16xi32>,
        %gather3A_239 = tpu.vector_load_idx %arg13[%get3A_234] : memref<10000xf32, #tpu.memory_space<vmem>>[vector<16xi32>], vector<16xf32>,
        tpu.vector_store_idx %arg15[%get3A_238], %gather3A_239 {add = true} : memref<10000xf32, #tpu.memory_space<vmem>>[vector<16xi32>], vector<16xf32>,
        %scan3A_240 = arith.constant 15 : i32
        %scan3A_241 = arith.addi %scan3A_76, %scan3A_240 : i32
        %mul3A_242 = arith.constant 16 : i32
        %mul3A_243 = arith.muli %scan3A_241, %mul3A_242 : i32
        %get3A_244 = arith.index_cast %mul3A_243 : i32 to index
        %get3A_245 = tpu.vector_load %arg11[%get3A_244] {strides = array<i32>} : memref<20000xi32, #tpu.memory_space<vmem>>, vector<16xi32>,
        %mul3A_246 = arith.constant 16 : i32
        %mul3A_247 = arith.muli %scan3A_241, %mul3A_246 : i32
        %get3A_248 = arith.index_cast %mul3A_247 : i32 to index
        %get3A_249 = tpu.vector_load %arg12[%get3A_248] {strides = array<i32>} : memref<20000xi32, #tpu.memory_space<vmem>>, vector<16xi32>,
        %gather3A_250 = tpu.vector_load_idx %arg13[%get3A_245] : memref<10000xf32, #tpu.memory_space<vmem>>[vector<16xi32>], vector<16xf32>,
        tpu.vector_store_idx %arg15[%get3A_249], %gather3A_250 {add = true} : memref<10000xf32, #tpu.memory_space<vmem>>[vector<16xi32>], vector<16xf32>,
      }
      %scan3A_54 = arith.constant 1248 : i32
      %scan3A_55 = arith.addi %scan3A_50, %scan3A_54 : i32
      %mul3A = arith.constant 16 : i32
      %mul3A_56 = arith.muli %scan3A_55, %mul3A : i32
      %get3A = arith.index_cast %mul3A_56 : i32 to index
      %get3A_57 = tpu.vector_load %arg11[%get3A] {strides = array<i32>} : memref<20000xi32, #tpu.memory_space<vmem>>, vector<16xi32>,
      %mul3A_58 = arith.constant 16 : i32
      %mul3A_59 = arith.muli %scan3A_55, %mul3A_58 : i32
      %get3A_60 = arith.index_cast %mul3A_59 : i32 to index
      %get3A_61 = tpu.vector_load %arg12[%get3A_60] {strides = array<i32>} : memref<20000xi32, #tpu.memory_space<vmem>>, vector<16xi32>,
      %gather3A = tpu.vector_load_idx %arg13[%get3A_57] : memref<10000xf32, #tpu.memory_space<vmem>>[vector<16xi32>], vector<16xf32>,
      tpu.vector_store_idx %arg15[%get3A_61], %gather3A {add = true} : memref<10000xf32, #tpu.memory_space<vmem>>[vector<16xi32>], vector<16xf32>,
      %scan3A_62 = arith.constant 1249 : i32
      %scan3A_63 = arith.addi %scan3A_50, %scan3A_62 : i32
      %mul3A_64 = arith.constant 16 : i32
      %mul3A_65 = arith.muli %scan3A_63, %mul3A_64 : i32
      %get3A_66 = arith.index_cast %mul3A_65 : i32 to index
      %get3A_67 = tpu.vector_load %arg11[%get3A_66] {strides = array<i32>} : memref<20000xi32, #tpu.memory_space<vmem>>, vector<16xi32>,
      %mul3A_68 = arith.constant 16 : i32
      %mul3A_69 = arith.muli %scan3A_63, %mul3A_68 : i32
      %get3A_70 = arith.index_cast %mul3A_69 : i32 to index
      %get3A_71 = tpu.vector_load %arg12[%get3A_70] {strides = array<i32>} : memref<20000xi32, #tpu.memory_space<vmem>>, vector<16xi32>,
      %gather3A_72 = tpu.vector_load_idx %arg13[%get3A_67] : memref<10000xf32, #tpu.memory_space<vmem>>[vector<16xi32>], vector<16xf32>,
      tpu.vector_store_idx %arg15[%get3A_71], %gather3A_72 {add = true} : memref<10000xf32, #tpu.memory_space<vmem>>[vector<16xi32>], vector<16xf32>,
      %scan3A_73 = arith.constant 1250 : i32
      %mul3A_74 = arith.constant 10000 : i32
      %mul3A_75 = arith.muli %arg1, %mul3A_74 : i32
      %multiple_of3A = tpu.assume_multiple %mul3A_75, 8 : i32
      "tpu.region"() ({
        %run_scoped3A = tpu.sem_alloc : memref<!tpu.dma_semaphore, #tpu.memory_space<semaphore_mem>>
        %dma_start3A = tpu.memref_slice %arg22[%multiple_of3A] : memref<160000xf32, #tpu.memory_space<vmem_shared>> -> memref<10000xf32, #tpu.memory_space<vmem_shared>>
        %dma_start3A_76 = tpu.memref_slice %arg22[%multiple_of3A] : memref<160000xf32, #tpu.memory_space<vmem_shared>> -> memref<10000xf32, #tpu.memory_space<vmem_shared>>
        tpu.enqueue_dma source(%arg15 : memref<10000xf32, #tpu.memory_space<vmem>>) target(%dma_start3A_76 : memref<10000xf32, #tpu.memory_space<vmem_shared>>) target_semaphore(%run_scoped3A : memref<!tpu.dma_semaphore, #tpu.memory_space<semaphore_mem>>)
        %dma_wait3A = tpu.memref_slice %arg22[%multiple_of3A] : memref<160000xf32, #tpu.memory_space<vmem_shared>> -> memref<10000xf32, #tpu.memory_space<vmem_shared>>
        %dma_wait3A_77 = tpu.memref_slice %arg22[%multiple_of3A] : memref<160000xf32, #tpu.memory_space<vmem_shared>> -> memref<10000xf32, #tpu.memory_space<vmem_shared>>
        tpu.wait_dma2 semaphore(%run_scoped3A : memref<!tpu.dma_semaphore, #tpu.memory_space<semaphore_mem>>) src(%arg15 : memref<10000xf32, #tpu.memory_space<vmem>>) dst(%dma_wait3A_77 : memref<10000xf32, #tpu.memory_space<vmem_shared>>)
        tpu.yield
      }) : () -> ()
    } else {
    }
    %barrier3A_42 = arith.constant 0 : index
    tpu.barrier barrier_id(%barrier3A_42)
    %eq3A_43 = arith.constant 0 : i32
    %eq3A_44 = arith.cmpi eq, %arg0, %eq3A_43 : i32
    %convert_element_type3A_45 = arith.extui %eq3A_44 : i1 to i32
    %cond3A_46 = arith.constant 0 : i32
    %cond3A_47 = arith.cmpi ne, %convert_element_type3A_45, %cond3A_46 : i32
    scf.if %cond3A_47 {
      %mul3A = arith.constant 624 : i32
      %mul3A_48 = arith.muli %arg1, %mul3A : i32
      %add3A = arith.constant 0 : i32
      %add3A_49 = arith.addi %add3A, %mul3A_48 : i32
      %multiple_of3A = tpu.assume_multiple %add3A_49, 8 : i32
      "tpu.region"() ({
        %run_scoped3A = tpu.sem_alloc : memref<!tpu.dma_semaphore, #tpu.memory_space<semaphore_mem>>
        %dma_start3A = tpu.memref_slice %arg22[%multiple_of3A] : memref<160000xf32, #tpu.memory_space<vmem_shared>> -> memref<640xf32, #tpu.memory_space<vmem_shared>>
        %dma_start3A_219 = tpu.memref_slice %arg22[%multiple_of3A] : memref<160000xf32, #tpu.memory_space<vmem_shared>> -> memref<640xf32, #tpu.memory_space<vmem_shared>>
        tpu.enqueue_dma source(%dma_start3A_219 : memref<640xf32, #tpu.memory_space<vmem_shared>>) target(%arg17 : memref<640xf32, #tpu.memory_space<vmem>>) target_semaphore(%run_scoped3A : memref<!tpu.dma_semaphore, #tpu.memory_space<semaphore_mem>>)
        %dma_wait3A = tpu.memref_slice %arg22[%multiple_of3A] : memref<160000xf32, #tpu.memory_space<vmem_shared>> -> memref<640xf32, #tpu.memory_space<vmem_shared>>
        %dma_wait3A_220 = tpu.memref_slice %arg22[%multiple_of3A] : memref<160000xf32, #tpu.memory_space<vmem_shared>> -> memref<640xf32, #tpu.memory_space<vmem_shared>>
        tpu.wait_dma2 semaphore(%run_scoped3A : memref<!tpu.dma_semaphore, #tpu.memory_space<semaphore_mem>>) src(%dma_wait3A_220 : memref<640xf32, #tpu.memory_space<vmem_shared>>) dst(%arg17 : memref<640xf32, #tpu.memory_space<vmem>>)
        tpu.yield
      }) : () -> ()
      %mul3A_50 = arith.constant 624 : i32
      %mul3A_51 = arith.muli %arg1, %mul3A_50 : i32
      %add3A_52 = arith.constant 10000 : i32
      %add3A_53 = arith.addi %add3A_52, %mul3A_51 : i32
      %multiple_of3A_54 = tpu.assume_multiple %add3A_53, 8 : i32
      "tpu.region"() ({
        %run_scoped3A = tpu.sem_alloc : memref<!tpu.dma_semaphore, #tpu.memory_space<semaphore_mem>>
        %dma_start3A = tpu.memref_slice %arg22[%multiple_of3A_54] : memref<160000xf32, #tpu.memory_space<vmem_shared>> -> memref<640xf32, #tpu.memory_space<vmem_shared>>
        %dma_start3A_219 = tpu.memref_slice %arg22[%multiple_of3A_54] : memref<160000xf32, #tpu.memory_space<vmem_shared>> -> memref<640xf32, #tpu.memory_space<vmem_shared>>
        tpu.enqueue_dma source(%dma_start3A_219 : memref<640xf32, #tpu.memory_space<vmem_shared>>) target(%arg18 : memref<640xf32, #tpu.memory_space<vmem>>) target_semaphore(%run_scoped3A : memref<!tpu.dma_semaphore, #tpu.memory_space<semaphore_mem>>)
        %dma_wait3A = tpu.memref_slice %arg22[%multiple_of3A_54] : memref<160000xf32, #tpu.memory_space<vmem_shared>> -> memref<640xf32, #tpu.memory_space<vmem_shared>>
        %dma_wait3A_220 = tpu.memref_slice %arg22[%multiple_of3A_54] : memref<160000xf32, #tpu.memory_space<vmem_shared>> -> memref<640xf32, #tpu.memory_space<vmem_shared>>
        tpu.wait_dma2 semaphore(%run_scoped3A : memref<!tpu.dma_semaphore, #tpu.memory_space<semaphore_mem>>) src(%dma_wait3A_220 : memref<640xf32, #tpu.memory_space<vmem_shared>>) dst(%arg18 : memref<640xf32, #tpu.memory_space<vmem>>)
        tpu.yield
      }) : () -> ()
      %scan3A = arith.constant 0 : i32
      %scan3A_55 = arith.constant 0 : i32
      %scan3A_56 = arith.constant 40 : i32
      %scan3A_57 = arith.addi %scan3A_55, %scan3A_56 : i32
      %scan3A_58 = arith.constant 1 : i32
      scf.for %scan3A_219 = %scan3A_55 to %scan3A_57 step %scan3A_58  : i32 {
        %mul3A_220 = arith.constant 16 : i32
        %mul3A_221 = arith.muli %scan3A_219, %mul3A_220 : i32
        %get3A_222 = arith.index_cast %mul3A_221 : i32 to index
        %get3A_223 = tpu.vector_load %arg17[%get3A_222] {strides = array<i32>} : memref<640xf32, #tpu.memory_space<vmem>>, vector<16xf32>,
        %mul3A_224 = arith.constant 16 : i32
        %mul3A_225 = arith.muli %scan3A_219, %mul3A_224 : i32
        %get3A_226 = arith.index_cast %mul3A_225 : i32 to index
        %get3A_227 = tpu.vector_load %arg18[%get3A_226] {strides = array<i32>} : memref<640xf32, #tpu.memory_space<vmem>>, vector<16xf32>,
        %add3A_228 = arith.addf %get3A_223, %get3A_227 : vector<16xf32>
        %mul3A_229 = arith.constant 16 : i32
        %mul3A_230 = arith.muli %scan3A_219, %mul3A_229 : i32
        %swap3A = arith.index_cast %mul3A_230 : i32 to index
        %swap3A_231 = tpu.vector_load %arg17[%swap3A] {strides = array<i32>} : memref<640xf32, #tpu.memory_space<vmem>>, vector<16xf32>,
        tpu.vector_store %arg17[%swap3A], %add3A_228 {strides = array<i32>} : memref<640xf32, #tpu.memory_space<vmem>>, vector<16xf32>,
      }
      %scan3A_59 = arith.constant 40 : i32
      %mul3A_60 = arith.constant 624 : i32
      %mul3A_61 = arith.muli %arg1, %mul3A_60 : i32
      %add3A_62 = arith.constant 20000 : i32
      %add3A_63 = arith.addi %add3A_62, %mul3A_61 : i32
      %multiple_of3A_64 = tpu.assume_multiple %add3A_63, 8 : i32
      "tpu.region"() ({
        %run_scoped3A = tpu.sem_alloc : memref<!tpu.dma_semaphore, #tpu.memory_space<semaphore_mem>>
        %dma_start3A = tpu.memref_slice %arg22[%multiple_of3A_64] : memref<160000xf32, #tpu.memory_space<vmem_shared>> -> memref<640xf32, #tpu.memory_space<vmem_shared>>
        %dma_start3A_219 = tpu.memref_slice %arg22[%multiple_of3A_64] : memref<160000xf32, #tpu.memory_space<vmem_shared>> -> memref<640xf32, #tpu.memory_space<vmem_shared>>
        tpu.enqueue_dma source(%dma_start3A_219 : memref<640xf32, #tpu.memory_space<vmem_shared>>) target(%arg18 : memref<640xf32, #tpu.memory_space<vmem>>) target_semaphore(%run_scoped3A : memref<!tpu.dma_semaphore, #tpu.memory_space<semaphore_mem>>)
        %dma_wait3A = tpu.memref_slice %arg22[%multiple_of3A_64] : memref<160000xf32, #tpu.memory_space<vmem_shared>> -> memref<640xf32, #tpu.memory_space<vmem_shared>>
        %dma_wait3A_220 = tpu.memref_slice %arg22[%multiple_of3A_64] : memref<160000xf32, #tpu.memory_space<vmem_shared>> -> memref<640xf32, #tpu.memory_space<vmem_shared>>
        tpu.wait_dma2 semaphore(%run_scoped3A : memref<!tpu.dma_semaphore, #tpu.memory_space<semaphore_mem>>) src(%dma_wait3A_220 : memref<640xf32, #tpu.memory_space<vmem_shared>>) dst(%arg18 : memref<640xf32, #tpu.memory_space<vmem>>)
        tpu.yield
      }) : () -> ()
      %scan3A_65 = arith.constant 0 : i32
      %scan3A_66 = arith.constant 0 : i32
      %scan3A_67 = arith.constant 40 : i32
      %scan3A_68 = arith.addi %scan3A_66, %scan3A_67 : i32
      %scan3A_69 = arith.constant 1 : i32
      scf.for %scan3A_219 = %scan3A_66 to %scan3A_68 step %scan3A_69  : i32 {
        %mul3A_220 = arith.constant 16 : i32
        %mul3A_221 = arith.muli %scan3A_219, %mul3A_220 : i32
        %get3A_222 = arith.index_cast %mul3A_221 : i32 to index
        %get3A_223 = tpu.vector_load %arg17[%get3A_222] {strides = array<i32>} : memref<640xf32, #tpu.memory_space<vmem>>, vector<16xf32>,
        %mul3A_224 = arith.constant 16 : i32
        %mul3A_225 = arith.muli %scan3A_219, %mul3A_224 : i32
        %get3A_226 = arith.index_cast %mul3A_225 : i32 to index
        %get3A_227 = tpu.vector_load %arg18[%get3A_226] {strides = array<i32>} : memref<640xf32, #tpu.memory_space<vmem>>, vector<16xf32>,
        %add3A_228 = arith.addf %get3A_223, %get3A_227 : vector<16xf32>
        %mul3A_229 = arith.constant 16 : i32
        %mul3A_230 = arith.muli %scan3A_219, %mul3A_229 : i32
        %swap3A = arith.index_cast %mul3A_230 : i32 to index
        %swap3A_231 = tpu.vector_load %arg17[%swap3A] {strides = array<i32>} : memref<640xf32, #tpu.memory_space<vmem>>, vector<16xf32>,
        tpu.vector_store %arg17[%swap3A], %add3A_228 {strides = array<i32>} : memref<640xf32, #tpu.memory_space<vmem>>, vector<16xf32>,
      }
      %scan3A_70 = arith.constant 40 : i32
      %mul3A_71 = arith.constant 624 : i32
      %mul3A_72 = arith.muli %arg1, %mul3A_71 : i32
      %add3A_73 = arith.constant 30000 : i32
      %add3A_74 = arith.addi %add3A_73, %mul3A_72 : i32
      %multiple_of3A_75 = tpu.assume_multiple %add3A_74, 8 : i32
      "tpu.region"() ({
        %run_scoped3A = tpu.sem_alloc : memref<!tpu.dma_semaphore, #tpu.memory_space<semaphore_mem>>
        %dma_start3A = tpu.memref_slice %arg22[%multiple_of3A_75] : memref<160000xf32, #tpu.memory_space<vmem_shared>> -> memref<640xf32, #tpu.memory_space<vmem_shared>>
        %dma_start3A_219 = tpu.memref_slice %arg22[%multiple_of3A_75] : memref<160000xf32, #tpu.memory_space<vmem_shared>> -> memref<640xf32, #tpu.memory_space<vmem_shared>>
        tpu.enqueue_dma source(%dma_start3A_219 : memref<640xf32, #tpu.memory_space<vmem_shared>>) target(%arg18 : memref<640xf32, #tpu.memory_space<vmem>>) target_semaphore(%run_scoped3A : memref<!tpu.dma_semaphore, #tpu.memory_space<semaphore_mem>>)
        %dma_wait3A = tpu.memref_slice %arg22[%multiple_of3A_75] : memref<160000xf32, #tpu.memory_space<vmem_shared>> -> memref<640xf32, #tpu.memory_space<vmem_shared>>
        %dma_wait3A_220 = tpu.memref_slice %arg22[%multiple_of3A_75] : memref<160000xf32, #tpu.memory_space<vmem_shared>> -> memref<640xf32, #tpu.memory_space<vmem_shared>>
        tpu.wait_dma2 semaphore(%run_scoped3A : memref<!tpu.dma_semaphore, #tpu.memory_space<semaphore_mem>>) src(%dma_wait3A_220 : memref<640xf32, #tpu.memory_space<vmem_shared>>) dst(%arg18 : memref<640xf32, #tpu.memory_space<vmem>>)
        tpu.yield
      }) : () -> ()
      %scan3A_76 = arith.constant 0 : i32
      %scan3A_77 = arith.constant 0 : i32
      %scan3A_78 = arith.constant 40 : i32
      %scan3A_79 = arith.addi %scan3A_77, %scan3A_78 : i32
      %scan3A_80 = arith.constant 1 : i32
      scf.for %scan3A_219 = %scan3A_77 to %scan3A_79 step %scan3A_80  : i32 {
        %mul3A_220 = arith.constant 16 : i32
        %mul3A_221 = arith.muli %scan3A_219, %mul3A_220 : i32
        %get3A_222 = arith.index_cast %mul3A_221 : i32 to index
        %get3A_223 = tpu.vector_load %arg17[%get3A_222] {strides = array<i32>} : memref<640xf32, #tpu.memory_space<vmem>>, vector<16xf32>,
        %mul3A_224 = arith.constant 16 : i32
        %mul3A_225 = arith.muli %scan3A_219, %mul3A_224 : i32
        %get3A_226 = arith.index_cast %mul3A_225 : i32 to index
        %get3A_227 = tpu.vector_load %arg18[%get3A_226] {strides = array<i32>} : memref<640xf32, #tpu.memory_space<vmem>>, vector<16xf32>,
        %add3A_228 = arith.addf %get3A_223, %get3A_227 : vector<16xf32>
        %mul3A_229 = arith.constant 16 : i32
        %mul3A_230 = arith.muli %scan3A_219, %mul3A_229 : i32
        %swap3A = arith.index_cast %mul3A_230 : i32 to index
        %swap3A_231 = tpu.vector_load %arg17[%swap3A] {strides = array<i32>} : memref<640xf32, #tpu.memory_space<vmem>>, vector<16xf32>,
        tpu.vector_store %arg17[%swap3A], %add3A_228 {strides = array<i32>} : memref<640xf32, #tpu.memory_space<vmem>>, vector<16xf32>,
      }
      %scan3A_81 = arith.constant 40 : i32
      %mul3A_82 = arith.constant 624 : i32
      %mul3A_83 = arith.muli %arg1, %mul3A_82 : i32
      %add3A_84 = arith.constant 40000 : i32
      %add3A_85 = arith.addi %add3A_84, %mul3A_83 : i32
      %multiple_of3A_86 = tpu.assume_multiple %add3A_85, 8 : i32
      "tpu.region"() ({
        %run_scoped3A = tpu.sem_alloc : memref<!tpu.dma_semaphore, #tpu.memory_space<semaphore_mem>>
        %dma_start3A = tpu.memref_slice %arg22[%multiple_of3A_86] : memref<160000xf32, #tpu.memory_space<vmem_shared>> -> memref<640xf32, #tpu.memory_space<vmem_shared>>
        %dma_start3A_219 = tpu.memref_slice %arg22[%multiple_of3A_86] : memref<160000xf32, #tpu.memory_space<vmem_shared>> -> memref<640xf32, #tpu.memory_space<vmem_shared>>
        tpu.enqueue_dma source(%dma_start3A_219 : memref<640xf32, #tpu.memory_space<vmem_shared>>) target(%arg18 : memref<640xf32, #tpu.memory_space<vmem>>) target_semaphore(%run_scoped3A : memref<!tpu.dma_semaphore, #tpu.memory_space<semaphore_mem>>)
        %dma_wait3A = tpu.memref_slice %arg22[%multiple_of3A_86] : memref<160000xf32, #tpu.memory_space<vmem_shared>> -> memref<640xf32, #tpu.memory_space<vmem_shared>>
        %dma_wait3A_220 = tpu.memref_slice %arg22[%multiple_of3A_86] : memref<160000xf32, #tpu.memory_space<vmem_shared>> -> memref<640xf32, #tpu.memory_space<vmem_shared>>
        tpu.wait_dma2 semaphore(%run_scoped3A : memref<!tpu.dma_semaphore, #tpu.memory_space<semaphore_mem>>) src(%dma_wait3A_220 : memref<640xf32, #tpu.memory_space<vmem_shared>>) dst(%arg18 : memref<640xf32, #tpu.memory_space<vmem>>)
        tpu.yield
      }) : () -> ()
      %scan3A_87 = arith.constant 0 : i32
      %scan3A_88 = arith.constant 0 : i32
      %scan3A_89 = arith.constant 40 : i32
      %scan3A_90 = arith.addi %scan3A_88, %scan3A_89 : i32
      %scan3A_91 = arith.constant 1 : i32
      scf.for %scan3A_219 = %scan3A_88 to %scan3A_90 step %scan3A_91  : i32 {
        %mul3A_220 = arith.constant 16 : i32
        %mul3A_221 = arith.muli %scan3A_219, %mul3A_220 : i32
        %get3A_222 = arith.index_cast %mul3A_221 : i32 to index
        %get3A_223 = tpu.vector_load %arg17[%get3A_222] {strides = array<i32>} : memref<640xf32, #tpu.memory_space<vmem>>, vector<16xf32>,
        %mul3A_224 = arith.constant 16 : i32
        %mul3A_225 = arith.muli %scan3A_219, %mul3A_224 : i32
        %get3A_226 = arith.index_cast %mul3A_225 : i32 to index
        %get3A_227 = tpu.vector_load %arg18[%get3A_226] {strides = array<i32>} : memref<640xf32, #tpu.memory_space<vmem>>, vector<16xf32>,
        %add3A_228 = arith.addf %get3A_223, %get3A_227 : vector<16xf32>
        %mul3A_229 = arith.constant 16 : i32
        %mul3A_230 = arith.muli %scan3A_219, %mul3A_229 : i32
        %swap3A = arith.index_cast %mul3A_230 : i32 to index
        %swap3A_231 = tpu.vector_load %arg17[%swap3A] {strides = array<i32>} : memref<640xf32, #tpu.memory_space<vmem>>, vector<16xf32>,
        tpu.vector_store %arg17[%swap3A], %add3A_228 {strides = array<i32>} : memref<640xf32, #tpu.memory_space<vmem>>, vector<16xf32>,
      }
      %scan3A_92 = arith.constant 40 : i32
      %mul3A_93 = arith.constant 624 : i32
      %mul3A_94 = arith.muli %arg1, %mul3A_93 : i32
      %add3A_95 = arith.constant 50000 : i32
      %add3A_96 = arith.addi %add3A_95, %mul3A_94 : i32
      %multiple_of3A_97 = tpu.assume_multiple %add3A_96, 8 : i32
      "tpu.region"() ({
        %run_scoped3A = tpu.sem_alloc : memref<!tpu.dma_semaphore, #tpu.memory_space<semaphore_mem>>
        %dma_start3A = tpu.memref_slice %arg22[%multiple_of3A_97] : memref<160000xf32, #tpu.memory_space<vmem_shared>> -> memref<640xf32, #tpu.memory_space<vmem_shared>>
        %dma_start3A_219 = tpu.memref_slice %arg22[%multiple_of3A_97] : memref<160000xf32, #tpu.memory_space<vmem_shared>> -> memref<640xf32, #tpu.memory_space<vmem_shared>>
        tpu.enqueue_dma source(%dma_start3A_219 : memref<640xf32, #tpu.memory_space<vmem_shared>>) target(%arg18 : memref<640xf32, #tpu.memory_space<vmem>>) target_semaphore(%run_scoped3A : memref<!tpu.dma_semaphore, #tpu.memory_space<semaphore_mem>>)
        %dma_wait3A = tpu.memref_slice %arg22[%multiple_of3A_97] : memref<160000xf32, #tpu.memory_space<vmem_shared>> -> memref<640xf32, #tpu.memory_space<vmem_shared>>
        %dma_wait3A_220 = tpu.memref_slice %arg22[%multiple_of3A_97] : memref<160000xf32, #tpu.memory_space<vmem_shared>> -> memref<640xf32, #tpu.memory_space<vmem_shared>>
        tpu.wait_dma2 semaphore(%run_scoped3A : memref<!tpu.dma_semaphore, #tpu.memory_space<semaphore_mem>>) src(%dma_wait3A_220 : memref<640xf32, #tpu.memory_space<vmem_shared>>) dst(%arg18 : memref<640xf32, #tpu.memory_space<vmem>>)
        tpu.yield
      }) : () -> ()
      %scan3A_98 = arith.constant 0 : i32
      %scan3A_99 = arith.constant 0 : i32
      %scan3A_100 = arith.constant 40 : i32
      %scan3A_101 = arith.addi %scan3A_99, %scan3A_100 : i32
      %scan3A_102 = arith.constant 1 : i32
      scf.for %scan3A_219 = %scan3A_99 to %scan3A_101 step %scan3A_102  : i32 {
        %mul3A_220 = arith.constant 16 : i32
        %mul3A_221 = arith.muli %scan3A_219, %mul3A_220 : i32
        %get3A_222 = arith.index_cast %mul3A_221 : i32 to index
        %get3A_223 = tpu.vector_load %arg17[%get3A_222] {strides = array<i32>} : memref<640xf32, #tpu.memory_space<vmem>>, vector<16xf32>,
        %mul3A_224 = arith.constant 16 : i32
        %mul3A_225 = arith.muli %scan3A_219, %mul3A_224 : i32
        %get3A_226 = arith.index_cast %mul3A_225 : i32 to index
        %get3A_227 = tpu.vector_load %arg18[%get3A_226] {strides = array<i32>} : memref<640xf32, #tpu.memory_space<vmem>>, vector<16xf32>,
        %add3A_228 = arith.addf %get3A_223, %get3A_227 : vector<16xf32>
        %mul3A_229 = arith.constant 16 : i32
        %mul3A_230 = arith.muli %scan3A_219, %mul3A_229 : i32
        %swap3A = arith.index_cast %mul3A_230 : i32 to index
        %swap3A_231 = tpu.vector_load %arg17[%swap3A] {strides = array<i32>} : memref<640xf32, #tpu.memory_space<vmem>>, vector<16xf32>,
        tpu.vector_store %arg17[%swap3A], %add3A_228 {strides = array<i32>} : memref<640xf32, #tpu.memory_space<vmem>>, vector<16xf32>,
      }
      %scan3A_103 = arith.constant 40 : i32
      %mul3A_104 = arith.constant 624 : i32
      %mul3A_105 = arith.muli %arg1, %mul3A_104 : i32
      %add3A_106 = arith.constant 60000 : i32
      %add3A_107 = arith.addi %add3A_106, %mul3A_105 : i32
      %multiple_of3A_108 = tpu.assume_multiple %add3A_107, 8 : i32
      "tpu.region"() ({
        %run_scoped3A = tpu.sem_alloc : memref<!tpu.dma_semaphore, #tpu.memory_space<semaphore_mem>>
        %dma_start3A = tpu.memref_slice %arg22[%multiple_of3A_108] : memref<160000xf32, #tpu.memory_space<vmem_shared>> -> memref<640xf32, #tpu.memory_space<vmem_shared>>
        %dma_start3A_219 = tpu.memref_slice %arg22[%multiple_of3A_108] : memref<160000xf32, #tpu.memory_space<vmem_shared>> -> memref<640xf32, #tpu.memory_space<vmem_shared>>
        tpu.enqueue_dma source(%dma_start3A_219 : memref<640xf32, #tpu.memory_space<vmem_shared>>) target(%arg18 : memref<640xf32, #tpu.memory_space<vmem>>) target_semaphore(%run_scoped3A : memref<!tpu.dma_semaphore, #tpu.memory_space<semaphore_mem>>)
        %dma_wait3A = tpu.memref_slice %arg22[%multiple_of3A_108] : memref<160000xf32, #tpu.memory_space<vmem_shared>> -> memref<640xf32, #tpu.memory_space<vmem_shared>>
        %dma_wait3A_220 = tpu.memref_slice %arg22[%multiple_of3A_108] : memref<160000xf32, #tpu.memory_space<vmem_shared>> -> memref<640xf32, #tpu.memory_space<vmem_shared>>
        tpu.wait_dma2 semaphore(%run_scoped3A : memref<!tpu.dma_semaphore, #tpu.memory_space<semaphore_mem>>) src(%dma_wait3A_220 : memref<640xf32, #tpu.memory_space<vmem_shared>>) dst(%arg18 : memref<640xf32, #tpu.memory_space<vmem>>)
        tpu.yield
      }) : () -> ()
      %scan3A_109 = arith.constant 0 : i32
      %scan3A_110 = arith.constant 0 : i32
      %scan3A_111 = arith.constant 40 : i32
      %scan3A_112 = arith.addi %scan3A_110, %scan3A_111 : i32
      %scan3A_113 = arith.constant 1 : i32
      scf.for %scan3A_219 = %scan3A_110 to %scan3A_112 step %scan3A_113  : i32 {
        %mul3A_220 = arith.constant 16 : i32
        %mul3A_221 = arith.muli %scan3A_219, %mul3A_220 : i32
        %get3A_222 = arith.index_cast %mul3A_221 : i32 to index
        %get3A_223 = tpu.vector_load %arg17[%get3A_222] {strides = array<i32>} : memref<640xf32, #tpu.memory_space<vmem>>, vector<16xf32>,
        %mul3A_224 = arith.constant 16 : i32
        %mul3A_225 = arith.muli %scan3A_219, %mul3A_224 : i32
        %get3A_226 = arith.index_cast %mul3A_225 : i32 to index
        %get3A_227 = tpu.vector_load %arg18[%get3A_226] {strides = array<i32>} : memref<640xf32, #tpu.memory_space<vmem>>, vector<16xf32>,
        %add3A_228 = arith.addf %get3A_223, %get3A_227 : vector<16xf32>
        %mul3A_229 = arith.constant 16 : i32
        %mul3A_230 = arith.muli %scan3A_219, %mul3A_229 : i32
        %swap3A = arith.index_cast %mul3A_230 : i32 to index
        %swap3A_231 = tpu.vector_load %arg17[%swap3A] {strides = array<i32>} : memref<640xf32, #tpu.memory_space<vmem>>, vector<16xf32>,
        tpu.vector_store %arg17[%swap3A], %add3A_228 {strides = array<i32>} : memref<640xf32, #tpu.memory_space<vmem>>, vector<16xf32>,
      }
      %scan3A_114 = arith.constant 40 : i32
      %mul3A_115 = arith.constant 624 : i32
      %mul3A_116 = arith.muli %arg1, %mul3A_115 : i32
      %add3A_117 = arith.constant 70000 : i32
      %add3A_118 = arith.addi %add3A_117, %mul3A_116 : i32
      %multiple_of3A_119 = tpu.assume_multiple %add3A_118, 8 : i32
      "tpu.region"() ({
        %run_scoped3A = tpu.sem_alloc : memref<!tpu.dma_semaphore, #tpu.memory_space<semaphore_mem>>
        %dma_start3A = tpu.memref_slice %arg22[%multiple_of3A_119] : memref<160000xf32, #tpu.memory_space<vmem_shared>> -> memref<640xf32, #tpu.memory_space<vmem_shared>>
        %dma_start3A_219 = tpu.memref_slice %arg22[%multiple_of3A_119] : memref<160000xf32, #tpu.memory_space<vmem_shared>> -> memref<640xf32, #tpu.memory_space<vmem_shared>>
        tpu.enqueue_dma source(%dma_start3A_219 : memref<640xf32, #tpu.memory_space<vmem_shared>>) target(%arg18 : memref<640xf32, #tpu.memory_space<vmem>>) target_semaphore(%run_scoped3A : memref<!tpu.dma_semaphore, #tpu.memory_space<semaphore_mem>>)
        %dma_wait3A = tpu.memref_slice %arg22[%multiple_of3A_119] : memref<160000xf32, #tpu.memory_space<vmem_shared>> -> memref<640xf32, #tpu.memory_space<vmem_shared>>
        %dma_wait3A_220 = tpu.memref_slice %arg22[%multiple_of3A_119] : memref<160000xf32, #tpu.memory_space<vmem_shared>> -> memref<640xf32, #tpu.memory_space<vmem_shared>>
        tpu.wait_dma2 semaphore(%run_scoped3A : memref<!tpu.dma_semaphore, #tpu.memory_space<semaphore_mem>>) src(%dma_wait3A_220 : memref<640xf32, #tpu.memory_space<vmem_shared>>) dst(%arg18 : memref<640xf32, #tpu.memory_space<vmem>>)
        tpu.yield
      }) : () -> ()
      %scan3A_120 = arith.constant 0 : i32
      %scan3A_121 = arith.constant 0 : i32
      %scan3A_122 = arith.constant 40 : i32
      %scan3A_123 = arith.addi %scan3A_121, %scan3A_122 : i32
      %scan3A_124 = arith.constant 1 : i32
      scf.for %scan3A_219 = %scan3A_121 to %scan3A_123 step %scan3A_124  : i32 {
        %mul3A_220 = arith.constant 16 : i32
        %mul3A_221 = arith.muli %scan3A_219, %mul3A_220 : i32
        %get3A_222 = arith.index_cast %mul3A_221 : i32 to index
        %get3A_223 = tpu.vector_load %arg17[%get3A_222] {strides = array<i32>} : memref<640xf32, #tpu.memory_space<vmem>>, vector<16xf32>,
        %mul3A_224 = arith.constant 16 : i32
        %mul3A_225 = arith.muli %scan3A_219, %mul3A_224 : i32
        %get3A_226 = arith.index_cast %mul3A_225 : i32 to index
        %get3A_227 = tpu.vector_load %arg18[%get3A_226] {strides = array<i32>} : memref<640xf32, #tpu.memory_space<vmem>>, vector<16xf32>,
        %add3A_228 = arith.addf %get3A_223, %get3A_227 : vector<16xf32>
        %mul3A_229 = arith.constant 16 : i32
        %mul3A_230 = arith.muli %scan3A_219, %mul3A_229 : i32
        %swap3A = arith.index_cast %mul3A_230 : i32 to index
        %swap3A_231 = tpu.vector_load %arg17[%swap3A] {strides = array<i32>} : memref<640xf32, #tpu.memory_space<vmem>>, vector<16xf32>,
        tpu.vector_store %arg17[%swap3A], %add3A_228 {strides = array<i32>} : memref<640xf32, #tpu.memory_space<vmem>>, vector<16xf32>,
      }
      %scan3A_125 = arith.constant 40 : i32
      %mul3A_126 = arith.constant 624 : i32
      %mul3A_127 = arith.muli %arg1, %mul3A_126 : i32
      %add3A_128 = arith.constant 80000 : i32
      %add3A_129 = arith.addi %add3A_128, %mul3A_127 : i32
      %multiple_of3A_130 = tpu.assume_multiple %add3A_129, 8 : i32
      "tpu.region"() ({
        %run_scoped3A = tpu.sem_alloc : memref<!tpu.dma_semaphore, #tpu.memory_space<semaphore_mem>>
        %dma_start3A = tpu.memref_slice %arg22[%multiple_of3A_130] : memref<160000xf32, #tpu.memory_space<vmem_shared>> -> memref<640xf32, #tpu.memory_space<vmem_shared>>
        %dma_start3A_219 = tpu.memref_slice %arg22[%multiple_of3A_130] : memref<160000xf32, #tpu.memory_space<vmem_shared>> -> memref<640xf32, #tpu.memory_space<vmem_shared>>
        tpu.enqueue_dma source(%dma_start3A_219 : memref<640xf32, #tpu.memory_space<vmem_shared>>) target(%arg18 : memref<640xf32, #tpu.memory_space<vmem>>) target_semaphore(%run_scoped3A : memref<!tpu.dma_semaphore, #tpu.memory_space<semaphore_mem>>)
        %dma_wait3A = tpu.memref_slice %arg22[%multiple_of3A_130] : memref<160000xf32, #tpu.memory_space<vmem_shared>> -> memref<640xf32, #tpu.memory_space<vmem_shared>>
        %dma_wait3A_220 = tpu.memref_slice %arg22[%multiple_of3A_130] : memref<160000xf32, #tpu.memory_space<vmem_shared>> -> memref<640xf32, #tpu.memory_space<vmem_shared>>
        tpu.wait_dma2 semaphore(%run_scoped3A : memref<!tpu.dma_semaphore, #tpu.memory_space<semaphore_mem>>) src(%dma_wait3A_220 : memref<640xf32, #tpu.memory_space<vmem_shared>>) dst(%arg18 : memref<640xf32, #tpu.memory_space<vmem>>)
        tpu.yield
      }) : () -> ()
      %scan3A_131 = arith.constant 0 : i32
      %scan3A_132 = arith.constant 0 : i32
      %scan3A_133 = arith.constant 40 : i32
      %scan3A_134 = arith.addi %scan3A_132, %scan3A_133 : i32
      %scan3A_135 = arith.constant 1 : i32
      scf.for %scan3A_219 = %scan3A_132 to %scan3A_134 step %scan3A_135  : i32 {
        %mul3A_220 = arith.constant 16 : i32
        %mul3A_221 = arith.muli %scan3A_219, %mul3A_220 : i32
        %get3A_222 = arith.index_cast %mul3A_221 : i32 to index
        %get3A_223 = tpu.vector_load %arg17[%get3A_222] {strides = array<i32>} : memref<640xf32, #tpu.memory_space<vmem>>, vector<16xf32>,
        %mul3A_224 = arith.constant 16 : i32
        %mul3A_225 = arith.muli %scan3A_219, %mul3A_224 : i32
        %get3A_226 = arith.index_cast %mul3A_225 : i32 to index
        %get3A_227 = tpu.vector_load %arg18[%get3A_226] {strides = array<i32>} : memref<640xf32, #tpu.memory_space<vmem>>, vector<16xf32>,
        %add3A_228 = arith.addf %get3A_223, %get3A_227 : vector<16xf32>
        %mul3A_229 = arith.constant 16 : i32
        %mul3A_230 = arith.muli %scan3A_219, %mul3A_229 : i32
        %swap3A = arith.index_cast %mul3A_230 : i32 to index
        %swap3A_231 = tpu.vector_load %arg17[%swap3A] {strides = array<i32>} : memref<640xf32, #tpu.memory_space<vmem>>, vector<16xf32>,
        tpu.vector_store %arg17[%swap3A], %add3A_228 {strides = array<i32>} : memref<640xf32, #tpu.memory_space<vmem>>, vector<16xf32>,
      }
      %scan3A_136 = arith.constant 40 : i32
      %mul3A_137 = arith.constant 624 : i32
      %mul3A_138 = arith.muli %arg1, %mul3A_137 : i32
      %add3A_139 = arith.constant 90000 : i32
      %add3A_140 = arith.addi %add3A_139, %mul3A_138 : i32
      %multiple_of3A_141 = tpu.assume_multiple %add3A_140, 8 : i32
      "tpu.region"() ({
        %run_scoped3A = tpu.sem_alloc : memref<!tpu.dma_semaphore, #tpu.memory_space<semaphore_mem>>
        %dma_start3A = tpu.memref_slice %arg22[%multiple_of3A_141] : memref<160000xf32, #tpu.memory_space<vmem_shared>> -> memref<640xf32, #tpu.memory_space<vmem_shared>>
        %dma_start3A_219 = tpu.memref_slice %arg22[%multiple_of3A_141] : memref<160000xf32, #tpu.memory_space<vmem_shared>> -> memref<640xf32, #tpu.memory_space<vmem_shared>>
        tpu.enqueue_dma source(%dma_start3A_219 : memref<640xf32, #tpu.memory_space<vmem_shared>>) target(%arg18 : memref<640xf32, #tpu.memory_space<vmem>>) target_semaphore(%run_scoped3A : memref<!tpu.dma_semaphore, #tpu.memory_space<semaphore_mem>>)
        %dma_wait3A = tpu.memref_slice %arg22[%multiple_of3A_141] : memref<160000xf32, #tpu.memory_space<vmem_shared>> -> memref<640xf32, #tpu.memory_space<vmem_shared>>
        %dma_wait3A_220 = tpu.memref_slice %arg22[%multiple_of3A_141] : memref<160000xf32, #tpu.memory_space<vmem_shared>> -> memref<640xf32, #tpu.memory_space<vmem_shared>>
        tpu.wait_dma2 semaphore(%run_scoped3A : memref<!tpu.dma_semaphore, #tpu.memory_space<semaphore_mem>>) src(%dma_wait3A_220 : memref<640xf32, #tpu.memory_space<vmem_shared>>) dst(%arg18 : memref<640xf32, #tpu.memory_space<vmem>>)
        tpu.yield
      }) : () -> ()
      %scan3A_142 = arith.constant 0 : i32
      %scan3A_143 = arith.constant 0 : i32
      %scan3A_144 = arith.constant 40 : i32
      %scan3A_145 = arith.addi %scan3A_143, %scan3A_144 : i32
      %scan3A_146 = arith.constant 1 : i32
      scf.for %scan3A_219 = %scan3A_143 to %scan3A_145 step %scan3A_146  : i32 {
        %mul3A_220 = arith.constant 16 : i32
        %mul3A_221 = arith.muli %scan3A_219, %mul3A_220 : i32
        %get3A_222 = arith.index_cast %mul3A_221 : i32 to index
        %get3A_223 = tpu.vector_load %arg17[%get3A_222] {strides = array<i32>} : memref<640xf32, #tpu.memory_space<vmem>>, vector<16xf32>,
        %mul3A_224 = arith.constant 16 : i32
        %mul3A_225 = arith.muli %scan3A_219, %mul3A_224 : i32
        %get3A_226 = arith.index_cast %mul3A_225 : i32 to index
        %get3A_227 = tpu.vector_load %arg18[%get3A_226] {strides = array<i32>} : memref<640xf32, #tpu.memory_space<vmem>>, vector<16xf32>,
        %add3A_228 = arith.addf %get3A_223, %get3A_227 : vector<16xf32>
        %mul3A_229 = arith.constant 16 : i32
        %mul3A_230 = arith.muli %scan3A_219, %mul3A_229 : i32
        %swap3A = arith.index_cast %mul3A_230 : i32 to index
        %swap3A_231 = tpu.vector_load %arg17[%swap3A] {strides = array<i32>} : memref<640xf32, #tpu.memory_space<vmem>>, vector<16xf32>,
        tpu.vector_store %arg17[%swap3A], %add3A_228 {strides = array<i32>} : memref<640xf32, #tpu.memory_space<vmem>>, vector<16xf32>,
      }
      %scan3A_147 = arith.constant 40 : i32
      %mul3A_148 = arith.constant 624 : i32
      %mul3A_149 = arith.muli %arg1, %mul3A_148 : i32
      %add3A_150 = arith.constant 100000 : i32
      %add3A_151 = arith.addi %add3A_150, %mul3A_149 : i32
      %multiple_of3A_152 = tpu.assume_multiple %add3A_151, 8 : i32
      "tpu.region"() ({
        %run_scoped3A = tpu.sem_alloc : memref<!tpu.dma_semaphore, #tpu.memory_space<semaphore_mem>>
        %dma_start3A = tpu.memref_slice %arg22[%multiple_of3A_152] : memref<160000xf32, #tpu.memory_space<vmem_shared>> -> memref<640xf32, #tpu.memory_space<vmem_shared>>
        %dma_start3A_219 = tpu.memref_slice %arg22[%multiple_of3A_152] : memref<160000xf32, #tpu.memory_space<vmem_shared>> -> memref<640xf32, #tpu.memory_space<vmem_shared>>
        tpu.enqueue_dma source(%dma_start3A_219 : memref<640xf32, #tpu.memory_space<vmem_shared>>) target(%arg18 : memref<640xf32, #tpu.memory_space<vmem>>) target_semaphore(%run_scoped3A : memref<!tpu.dma_semaphore, #tpu.memory_space<semaphore_mem>>)
        %dma_wait3A = tpu.memref_slice %arg22[%multiple_of3A_152] : memref<160000xf32, #tpu.memory_space<vmem_shared>> -> memref<640xf32, #tpu.memory_space<vmem_shared>>
        %dma_wait3A_220 = tpu.memref_slice %arg22[%multiple_of3A_152] : memref<160000xf32, #tpu.memory_space<vmem_shared>> -> memref<640xf32, #tpu.memory_space<vmem_shared>>
        tpu.wait_dma2 semaphore(%run_scoped3A : memref<!tpu.dma_semaphore, #tpu.memory_space<semaphore_mem>>) src(%dma_wait3A_220 : memref<640xf32, #tpu.memory_space<vmem_shared>>) dst(%arg18 : memref<640xf32, #tpu.memory_space<vmem>>)
        tpu.yield
      }) : () -> ()
      %scan3A_153 = arith.constant 0 : i32
      %scan3A_154 = arith.constant 0 : i32
      %scan3A_155 = arith.constant 40 : i32
      %scan3A_156 = arith.addi %scan3A_154, %scan3A_155 : i32
      %scan3A_157 = arith.constant 1 : i32
      scf.for %scan3A_219 = %scan3A_154 to %scan3A_156 step %scan3A_157  : i32 {
        %mul3A_220 = arith.constant 16 : i32
        %mul3A_221 = arith.muli %scan3A_219, %mul3A_220 : i32
        %get3A_222 = arith.index_cast %mul3A_221 : i32 to index
        %get3A_223 = tpu.vector_load %arg17[%get3A_222] {strides = array<i32>} : memref<640xf32, #tpu.memory_space<vmem>>, vector<16xf32>,
        %mul3A_224 = arith.constant 16 : i32
        %mul3A_225 = arith.muli %scan3A_219, %mul3A_224 : i32
        %get3A_226 = arith.index_cast %mul3A_225 : i32 to index
        %get3A_227 = tpu.vector_load %arg18[%get3A_226] {strides = array<i32>} : memref<640xf32, #tpu.memory_space<vmem>>, vector<16xf32>,
        %add3A_228 = arith.addf %get3A_223, %get3A_227 : vector<16xf32>
        %mul3A_229 = arith.constant 16 : i32
        %mul3A_230 = arith.muli %scan3A_219, %mul3A_229 : i32
        %swap3A = arith.index_cast %mul3A_230 : i32 to index
        %swap3A_231 = tpu.vector_load %arg17[%swap3A] {strides = array<i32>} : memref<640xf32, #tpu.memory_space<vmem>>, vector<16xf32>,
        tpu.vector_store %arg17[%swap3A], %add3A_228 {strides = array<i32>} : memref<640xf32, #tpu.memory_space<vmem>>, vector<16xf32>,
      }
      %scan3A_158 = arith.constant 40 : i32
      %mul3A_159 = arith.constant 624 : i32
      %mul3A_160 = arith.muli %arg1, %mul3A_159 : i32
      %add3A_161 = arith.constant 110000 : i32
      %add3A_162 = arith.addi %add3A_161, %mul3A_160 : i32
      %multiple_of3A_163 = tpu.assume_multiple %add3A_162, 8 : i32
      "tpu.region"() ({
        %run_scoped3A = tpu.sem_alloc : memref<!tpu.dma_semaphore, #tpu.memory_space<semaphore_mem>>
        %dma_start3A = tpu.memref_slice %arg22[%multiple_of3A_163] : memref<160000xf32, #tpu.memory_space<vmem_shared>> -> memref<640xf32, #tpu.memory_space<vmem_shared>>
        %dma_start3A_219 = tpu.memref_slice %arg22[%multiple_of3A_163] : memref<160000xf32, #tpu.memory_space<vmem_shared>> -> memref<640xf32, #tpu.memory_space<vmem_shared>>
        tpu.enqueue_dma source(%dma_start3A_219 : memref<640xf32, #tpu.memory_space<vmem_shared>>) target(%arg18 : memref<640xf32, #tpu.memory_space<vmem>>) target_semaphore(%run_scoped3A : memref<!tpu.dma_semaphore, #tpu.memory_space<semaphore_mem>>)
        %dma_wait3A = tpu.memref_slice %arg22[%multiple_of3A_163] : memref<160000xf32, #tpu.memory_space<vmem_shared>> -> memref<640xf32, #tpu.memory_space<vmem_shared>>
        %dma_wait3A_220 = tpu.memref_slice %arg22[%multiple_of3A_163] : memref<160000xf32, #tpu.memory_space<vmem_shared>> -> memref<640xf32, #tpu.memory_space<vmem_shared>>
        tpu.wait_dma2 semaphore(%run_scoped3A : memref<!tpu.dma_semaphore, #tpu.memory_space<semaphore_mem>>) src(%dma_wait3A_220 : memref<640xf32, #tpu.memory_space<vmem_shared>>) dst(%arg18 : memref<640xf32, #tpu.memory_space<vmem>>)
        tpu.yield
      }) : () -> ()
      %scan3A_164 = arith.constant 0 : i32
      %scan3A_165 = arith.constant 0 : i32
      %scan3A_166 = arith.constant 40 : i32
      %scan3A_167 = arith.addi %scan3A_165, %scan3A_166 : i32
      %scan3A_168 = arith.constant 1 : i32
      scf.for %scan3A_219 = %scan3A_165 to %scan3A_167 step %scan3A_168  : i32 {
        %mul3A_220 = arith.constant 16 : i32
        %mul3A_221 = arith.muli %scan3A_219, %mul3A_220 : i32
        %get3A_222 = arith.index_cast %mul3A_221 : i32 to index
        %get3A_223 = tpu.vector_load %arg17[%get3A_222] {strides = array<i32>} : memref<640xf32, #tpu.memory_space<vmem>>, vector<16xf32>,
        %mul3A_224 = arith.constant 16 : i32
        %mul3A_225 = arith.muli %scan3A_219, %mul3A_224 : i32
        %get3A_226 = arith.index_cast %mul3A_225 : i32 to index
        %get3A_227 = tpu.vector_load %arg18[%get3A_226] {strides = array<i32>} : memref<640xf32, #tpu.memory_space<vmem>>, vector<16xf32>,
        %add3A_228 = arith.addf %get3A_223, %get3A_227 : vector<16xf32>
        %mul3A_229 = arith.constant 16 : i32
        %mul3A_230 = arith.muli %scan3A_219, %mul3A_229 : i32
        %swap3A = arith.index_cast %mul3A_230 : i32 to index
        %swap3A_231 = tpu.vector_load %arg17[%swap3A] {strides = array<i32>} : memref<640xf32, #tpu.memory_space<vmem>>, vector<16xf32>,
        tpu.vector_store %arg17[%swap3A], %add3A_228 {strides = array<i32>} : memref<640xf32, #tpu.memory_space<vmem>>, vector<16xf32>,
      }
      %scan3A_169 = arith.constant 40 : i32
      %mul3A_170 = arith.constant 624 : i32
      %mul3A_171 = arith.muli %arg1, %mul3A_170 : i32
      %add3A_172 = arith.constant 120000 : i32
      %add3A_173 = arith.addi %add3A_172, %mul3A_171 : i32
      %multiple_of3A_174 = tpu.assume_multiple %add3A_173, 8 : i32
      "tpu.region"() ({
        %run_scoped3A = tpu.sem_alloc : memref<!tpu.dma_semaphore, #tpu.memory_space<semaphore_mem>>
        %dma_start3A = tpu.memref_slice %arg22[%multiple_of3A_174] : memref<160000xf32, #tpu.memory_space<vmem_shared>> -> memref<640xf32, #tpu.memory_space<vmem_shared>>
        %dma_start3A_219 = tpu.memref_slice %arg22[%multiple_of3A_174] : memref<160000xf32, #tpu.memory_space<vmem_shared>> -> memref<640xf32, #tpu.memory_space<vmem_shared>>
        tpu.enqueue_dma source(%dma_start3A_219 : memref<640xf32, #tpu.memory_space<vmem_shared>>) target(%arg18 : memref<640xf32, #tpu.memory_space<vmem>>) target_semaphore(%run_scoped3A : memref<!tpu.dma_semaphore, #tpu.memory_space<semaphore_mem>>)
        %dma_wait3A = tpu.memref_slice %arg22[%multiple_of3A_174] : memref<160000xf32, #tpu.memory_space<vmem_shared>> -> memref<640xf32, #tpu.memory_space<vmem_shared>>
        %dma_wait3A_220 = tpu.memref_slice %arg22[%multiple_of3A_174] : memref<160000xf32, #tpu.memory_space<vmem_shared>> -> memref<640xf32, #tpu.memory_space<vmem_shared>>
        tpu.wait_dma2 semaphore(%run_scoped3A : memref<!tpu.dma_semaphore, #tpu.memory_space<semaphore_mem>>) src(%dma_wait3A_220 : memref<640xf32, #tpu.memory_space<vmem_shared>>) dst(%arg18 : memref<640xf32, #tpu.memory_space<vmem>>)
        tpu.yield
      }) : () -> ()
      %scan3A_175 = arith.constant 0 : i32
      %scan3A_176 = arith.constant 0 : i32
      %scan3A_177 = arith.constant 40 : i32
      %scan3A_178 = arith.addi %scan3A_176, %scan3A_177 : i32
      %scan3A_179 = arith.constant 1 : i32
      scf.for %scan3A_219 = %scan3A_176 to %scan3A_178 step %scan3A_179  : i32 {
        %mul3A_220 = arith.constant 16 : i32
        %mul3A_221 = arith.muli %scan3A_219, %mul3A_220 : i32
        %get3A_222 = arith.index_cast %mul3A_221 : i32 to index
        %get3A_223 = tpu.vector_load %arg17[%get3A_222] {strides = array<i32>} : memref<640xf32, #tpu.memory_space<vmem>>, vector<16xf32>,
        %mul3A_224 = arith.constant 16 : i32
        %mul3A_225 = arith.muli %scan3A_219, %mul3A_224 : i32
        %get3A_226 = arith.index_cast %mul3A_225 : i32 to index
        %get3A_227 = tpu.vector_load %arg18[%get3A_226] {strides = array<i32>} : memref<640xf32, #tpu.memory_space<vmem>>, vector<16xf32>,
        %add3A_228 = arith.addf %get3A_223, %get3A_227 : vector<16xf32>
        %mul3A_229 = arith.constant 16 : i32
        %mul3A_230 = arith.muli %scan3A_219, %mul3A_229 : i32
        %swap3A = arith.index_cast %mul3A_230 : i32 to index
        %swap3A_231 = tpu.vector_load %arg17[%swap3A] {strides = array<i32>} : memref<640xf32, #tpu.memory_space<vmem>>, vector<16xf32>,
        tpu.vector_store %arg17[%swap3A], %add3A_228 {strides = array<i32>} : memref<640xf32, #tpu.memory_space<vmem>>, vector<16xf32>,
      }
      %scan3A_180 = arith.constant 40 : i32
      %mul3A_181 = arith.constant 624 : i32
      %mul3A_182 = arith.muli %arg1, %mul3A_181 : i32
      %add3A_183 = arith.constant 130000 : i32
      %add3A_184 = arith.addi %add3A_183, %mul3A_182 : i32
      %multiple_of3A_185 = tpu.assume_multiple %add3A_184, 8 : i32
      "tpu.region"() ({
        %run_scoped3A = tpu.sem_alloc : memref<!tpu.dma_semaphore, #tpu.memory_space<semaphore_mem>>
        %dma_start3A = tpu.memref_slice %arg22[%multiple_of3A_185] : memref<160000xf32, #tpu.memory_space<vmem_shared>> -> memref<640xf32, #tpu.memory_space<vmem_shared>>
        %dma_start3A_219 = tpu.memref_slice %arg22[%multiple_of3A_185] : memref<160000xf32, #tpu.memory_space<vmem_shared>> -> memref<640xf32, #tpu.memory_space<vmem_shared>>
        tpu.enqueue_dma source(%dma_start3A_219 : memref<640xf32, #tpu.memory_space<vmem_shared>>) target(%arg18 : memref<640xf32, #tpu.memory_space<vmem>>) target_semaphore(%run_scoped3A : memref<!tpu.dma_semaphore, #tpu.memory_space<semaphore_mem>>)
        %dma_wait3A = tpu.memref_slice %arg22[%multiple_of3A_185] : memref<160000xf32, #tpu.memory_space<vmem_shared>> -> memref<640xf32, #tpu.memory_space<vmem_shared>>
        %dma_wait3A_220 = tpu.memref_slice %arg22[%multiple_of3A_185] : memref<160000xf32, #tpu.memory_space<vmem_shared>> -> memref<640xf32, #tpu.memory_space<vmem_shared>>
        tpu.wait_dma2 semaphore(%run_scoped3A : memref<!tpu.dma_semaphore, #tpu.memory_space<semaphore_mem>>) src(%dma_wait3A_220 : memref<640xf32, #tpu.memory_space<vmem_shared>>) dst(%arg18 : memref<640xf32, #tpu.memory_space<vmem>>)
        tpu.yield
      }) : () -> ()
      %scan3A_186 = arith.constant 0 : i32
      %scan3A_187 = arith.constant 0 : i32
      %scan3A_188 = arith.constant 40 : i32
      %scan3A_189 = arith.addi %scan3A_187, %scan3A_188 : i32
      %scan3A_190 = arith.constant 1 : i32
      scf.for %scan3A_219 = %scan3A_187 to %scan3A_189 step %scan3A_190  : i32 {
        %mul3A_220 = arith.constant 16 : i32
        %mul3A_221 = arith.muli %scan3A_219, %mul3A_220 : i32
        %get3A_222 = arith.index_cast %mul3A_221 : i32 to index
        %get3A_223 = tpu.vector_load %arg17[%get3A_222] {strides = array<i32>} : memref<640xf32, #tpu.memory_space<vmem>>, vector<16xf32>,
        %mul3A_224 = arith.constant 16 : i32
        %mul3A_225 = arith.muli %scan3A_219, %mul3A_224 : i32
        %get3A_226 = arith.index_cast %mul3A_225 : i32 to index
        %get3A_227 = tpu.vector_load %arg18[%get3A_226] {strides = array<i32>} : memref<640xf32, #tpu.memory_space<vmem>>, vector<16xf32>,
        %add3A_228 = arith.addf %get3A_223, %get3A_227 : vector<16xf32>
        %mul3A_229 = arith.constant 16 : i32
        %mul3A_230 = arith.muli %scan3A_219, %mul3A_229 : i32
        %swap3A = arith.index_cast %mul3A_230 : i32 to index
        %swap3A_231 = tpu.vector_load %arg17[%swap3A] {strides = array<i32>} : memref<640xf32, #tpu.memory_space<vmem>>, vector<16xf32>,
        tpu.vector_store %arg17[%swap3A], %add3A_228 {strides = array<i32>} : memref<640xf32, #tpu.memory_space<vmem>>, vector<16xf32>,
      }
      %scan3A_191 = arith.constant 40 : i32
      %mul3A_192 = arith.constant 624 : i32
      %mul3A_193 = arith.muli %arg1, %mul3A_192 : i32
      %add3A_194 = arith.constant 140000 : i32
      %add3A_195 = arith.addi %add3A_194, %mul3A_193 : i32
      %multiple_of3A_196 = tpu.assume_multiple %add3A_195, 8 : i32
      "tpu.region"() ({
        %run_scoped3A = tpu.sem_alloc : memref<!tpu.dma_semaphore, #tpu.memory_space<semaphore_mem>>
        %dma_start3A = tpu.memref_slice %arg22[%multiple_of3A_196] : memref<160000xf32, #tpu.memory_space<vmem_shared>> -> memref<640xf32, #tpu.memory_space<vmem_shared>>
        %dma_start3A_219 = tpu.memref_slice %arg22[%multiple_of3A_196] : memref<160000xf32, #tpu.memory_space<vmem_shared>> -> memref<640xf32, #tpu.memory_space<vmem_shared>>
        tpu.enqueue_dma source(%dma_start3A_219 : memref<640xf32, #tpu.memory_space<vmem_shared>>) target(%arg18 : memref<640xf32, #tpu.memory_space<vmem>>) target_semaphore(%run_scoped3A : memref<!tpu.dma_semaphore, #tpu.memory_space<semaphore_mem>>)
        %dma_wait3A = tpu.memref_slice %arg22[%multiple_of3A_196] : memref<160000xf32, #tpu.memory_space<vmem_shared>> -> memref<640xf32, #tpu.memory_space<vmem_shared>>
        %dma_wait3A_220 = tpu.memref_slice %arg22[%multiple_of3A_196] : memref<160000xf32, #tpu.memory_space<vmem_shared>> -> memref<640xf32, #tpu.memory_space<vmem_shared>>
        tpu.wait_dma2 semaphore(%run_scoped3A : memref<!tpu.dma_semaphore, #tpu.memory_space<semaphore_mem>>) src(%dma_wait3A_220 : memref<640xf32, #tpu.memory_space<vmem_shared>>) dst(%arg18 : memref<640xf32, #tpu.memory_space<vmem>>)
        tpu.yield
      }) : () -> ()
      %scan3A_197 = arith.constant 0 : i32
      %scan3A_198 = arith.constant 0 : i32
      %scan3A_199 = arith.constant 40 : i32
      %scan3A_200 = arith.addi %scan3A_198, %scan3A_199 : i32
      %scan3A_201 = arith.constant 1 : i32
      scf.for %scan3A_219 = %scan3A_198 to %scan3A_200 step %scan3A_201  : i32 {
        %mul3A_220 = arith.constant 16 : i32
        %mul3A_221 = arith.muli %scan3A_219, %mul3A_220 : i32
        %get3A_222 = arith.index_cast %mul3A_221 : i32 to index
        %get3A_223 = tpu.vector_load %arg17[%get3A_222] {strides = array<i32>} : memref<640xf32, #tpu.memory_space<vmem>>, vector<16xf32>,
        %mul3A_224 = arith.constant 16 : i32
        %mul3A_225 = arith.muli %scan3A_219, %mul3A_224 : i32
        %get3A_226 = arith.index_cast %mul3A_225 : i32 to index
        %get3A_227 = tpu.vector_load %arg18[%get3A_226] {strides = array<i32>} : memref<640xf32, #tpu.memory_space<vmem>>, vector<16xf32>,
        %add3A_228 = arith.addf %get3A_223, %get3A_227 : vector<16xf32>
        %mul3A_229 = arith.constant 16 : i32
        %mul3A_230 = arith.muli %scan3A_219, %mul3A_229 : i32
        %swap3A = arith.index_cast %mul3A_230 : i32 to index
        %swap3A_231 = tpu.vector_load %arg17[%swap3A] {strides = array<i32>} : memref<640xf32, #tpu.memory_space<vmem>>, vector<16xf32>,
        tpu.vector_store %arg17[%swap3A], %add3A_228 {strides = array<i32>} : memref<640xf32, #tpu.memory_space<vmem>>, vector<16xf32>,
      }
      %scan3A_202 = arith.constant 40 : i32
      %mul3A_203 = arith.constant 624 : i32
      %mul3A_204 = arith.muli %arg1, %mul3A_203 : i32
      %add3A_205 = arith.constant 150000 : i32
      %add3A_206 = arith.addi %add3A_205, %mul3A_204 : i32
      %multiple_of3A_207 = tpu.assume_multiple %add3A_206, 8 : i32
      "tpu.region"() ({
        %run_scoped3A = tpu.sem_alloc : memref<!tpu.dma_semaphore, #tpu.memory_space<semaphore_mem>>
        %dma_start3A = tpu.memref_slice %arg22[%multiple_of3A_207] : memref<160000xf32, #tpu.memory_space<vmem_shared>> -> memref<640xf32, #tpu.memory_space<vmem_shared>>
        %dma_start3A_219 = tpu.memref_slice %arg22[%multiple_of3A_207] : memref<160000xf32, #tpu.memory_space<vmem_shared>> -> memref<640xf32, #tpu.memory_space<vmem_shared>>
        tpu.enqueue_dma source(%dma_start3A_219 : memref<640xf32, #tpu.memory_space<vmem_shared>>) target(%arg18 : memref<640xf32, #tpu.memory_space<vmem>>) target_semaphore(%run_scoped3A : memref<!tpu.dma_semaphore, #tpu.memory_space<semaphore_mem>>)
        %dma_wait3A = tpu.memref_slice %arg22[%multiple_of3A_207] : memref<160000xf32, #tpu.memory_space<vmem_shared>> -> memref<640xf32, #tpu.memory_space<vmem_shared>>
        %dma_wait3A_220 = tpu.memref_slice %arg22[%multiple_of3A_207] : memref<160000xf32, #tpu.memory_space<vmem_shared>> -> memref<640xf32, #tpu.memory_space<vmem_shared>>
        tpu.wait_dma2 semaphore(%run_scoped3A : memref<!tpu.dma_semaphore, #tpu.memory_space<semaphore_mem>>) src(%dma_wait3A_220 : memref<640xf32, #tpu.memory_space<vmem_shared>>) dst(%arg18 : memref<640xf32, #tpu.memory_space<vmem>>)
        tpu.yield
      }) : () -> ()
      %scan3A_208 = arith.constant 0 : i32
      %scan3A_209 = arith.constant 0 : i32
      %scan3A_210 = arith.constant 40 : i32
      %scan3A_211 = arith.addi %scan3A_209, %scan3A_210 : i32
      %scan3A_212 = arith.constant 1 : i32
      scf.for %scan3A_219 = %scan3A_209 to %scan3A_211 step %scan3A_212  : i32 {
        %mul3A_220 = arith.constant 16 : i32
        %mul3A_221 = arith.muli %scan3A_219, %mul3A_220 : i32
        %get3A_222 = arith.index_cast %mul3A_221 : i32 to index
        %get3A_223 = tpu.vector_load %arg17[%get3A_222] {strides = array<i32>} : memref<640xf32, #tpu.memory_space<vmem>>, vector<16xf32>,
        %mul3A_224 = arith.constant 16 : i32
        %mul3A_225 = arith.muli %scan3A_219, %mul3A_224 : i32
        %get3A_226 = arith.index_cast %mul3A_225 : i32 to index
        %get3A_227 = tpu.vector_load %arg18[%get3A_226] {strides = array<i32>} : memref<640xf32, #tpu.memory_space<vmem>>, vector<16xf32>,
        %add3A_228 = arith.addf %get3A_223, %get3A_227 : vector<16xf32>
        %mul3A_229 = arith.constant 16 : i32
        %mul3A_230 = arith.muli %scan3A_219, %mul3A_229 : i32
        %swap3A = arith.index_cast %mul3A_230 : i32 to index
        %swap3A_231 = tpu.vector_load %arg17[%swap3A] {strides = array<i32>} : memref<640xf32, #tpu.memory_space<vmem>>, vector<16xf32>,
        tpu.vector_store %arg17[%swap3A], %add3A_228 {strides = array<i32>} : memref<640xf32, #tpu.memory_space<vmem>>, vector<16xf32>,
      }
      %scan3A_213 = arith.constant 40 : i32
      %get3A = arith.constant 16 : index
      %get3A_214 = tpu.vector_load %arg19[%get3A] {strides = array<i32>} : memref<32xf32, #tpu.memory_space<vmem>>, vector<16xf32>,
      %parallel_loop3A = arith.constant 0 : i32
      %parallel_loop3A_215 = arith.constant 40 : i32
      %parallel_loop3A_216 = arith.constant 1 : i32
      scf.for %parallel_loop3A_219 = %parallel_loop3A to %parallel_loop3A_215 step %parallel_loop3A_216  : i32 {
        %parallel_loop3A_220 = arith.constant 624 : i32
        %parallel_loop3A_221 = arith.muli %arg1, %parallel_loop3A_220 : i32
        %parallel_loop3A_222 = arith.constant 16 : i32
        %parallel_loop3A_223 = arith.muli %parallel_loop3A_219, %parallel_loop3A_222 : i32
        %parallel_loop3A_224 = arith.addi %parallel_loop3A_221, %parallel_loop3A_223 : i32
        %parallel_loop3A_225 = arith.index_cast %parallel_loop3A_224 : i32 to index
        %parallel_loop3A_226 = tpu.vector_load %arg13[%parallel_loop3A_225] {strides = array<i32>} : memref<10000xf32, #tpu.memory_space<vmem>>, vector<16xf32>,
        %parallel_loop3A_227 = arith.constant 624 : i32
        %parallel_loop3A_228 = arith.muli %arg1, %parallel_loop3A_227 : i32
        %parallel_loop3A_229 = arith.constant 16 : i32
        %parallel_loop3A_230 = arith.muli %parallel_loop3A_219, %parallel_loop3A_229 : i32
        %parallel_loop3A_231 = arith.addi %parallel_loop3A_228, %parallel_loop3A_230 : i32
        %parallel_loop3A_232 = arith.index_cast %parallel_loop3A_231 : i32 to index
        %parallel_loop3A_233 = tpu.vector_load %arg14[%parallel_loop3A_232] {strides = array<i32>} : memref<10000xf32, #tpu.memory_space<vmem>>, vector<16xf32>,
        %parallel_loop3A_234 = arith.constant 16 : i32
        %parallel_loop3A_235 = arith.muli %parallel_loop3A_219, %parallel_loop3A_234 : i32
        %parallel_loop3A_236 = arith.index_cast %parallel_loop3A_235 : i32 to index
        %parallel_loop3A_237 = tpu.vector_load %arg17[%parallel_loop3A_236] {strides = array<i32>} : memref<640xf32, #tpu.memory_space<vmem>>, vector<16xf32>,
        %parallel_loop3A_238 = arith.addf %parallel_loop3A_237, %parallel_loop3A_226 : vector<16xf32>
        %parallel_loop3A_239 = arith.mulf %parallel_loop3A_238, %parallel_loop3A_233 : vector<16xf32>
        %parallel_loop3A_240 = arith.addf %parallel_loop3A_239, %get3A_214 : vector<16xf32>
        %parallel_loop3A_241 = arith.constant 16 : i32
        %parallel_loop3A_242 = arith.muli %parallel_loop3A_219, %parallel_loop3A_241 : i32
        %parallel_loop3A_243 = arith.index_cast %parallel_loop3A_242 : i32 to index
        %parallel_loop3A_244 = tpu.vector_load %arg17[%parallel_loop3A_243] {strides = array<i32>} : memref<640xf32, #tpu.memory_space<vmem>>, vector<16xf32>,
        tpu.vector_store %arg17[%parallel_loop3A_243], %parallel_loop3A_240 {strides = array<i32>} : memref<640xf32, #tpu.memory_space<vmem>>, vector<16xf32>,
      } {sc.loop_unroll_factor = 4 : i64, sc.parallel_access}
      %mul3A_217 = arith.constant 624 : i32
      %mul3A_218 = arith.muli %arg1, %mul3A_217 : i32
      "tpu.region"() ({
        %run_scoped3A = tpu.sem_alloc : memref<!tpu.dma_semaphore, #tpu.memory_space<semaphore_mem>>
        %dma_start3A = tpu.memref_slice %arg9[%mul3A_218] : memref<10000xf32, #tpu.memory_space<hbm>> -> memref<640xf32, #tpu.memory_space<hbm>>
        %dma_start3A_219 = tpu.memref_slice %arg9[%mul3A_218] : memref<10000xf32, #tpu.memory_space<hbm>> -> memref<640xf32, #tpu.memory_space<hbm>>
        tpu.enqueue_dma source(%arg17 : memref<640xf32, #tpu.memory_space<vmem>>) target(%dma_start3A_219 : memref<640xf32, #tpu.memory_space<hbm>>) target_semaphore(%run_scoped3A : memref<!tpu.dma_semaphore, #tpu.memory_space<semaphore_mem>>)
        %dma_wait3A = tpu.memref_slice %arg9[%mul3A_218] : memref<10000xf32, #tpu.memory_space<hbm>> -> memref<640xf32, #tpu.memory_space<hbm>>
        %dma_wait3A_220 = tpu.memref_slice %arg9[%mul3A_218] : memref<10000xf32, #tpu.memory_space<hbm>> -> memref<640xf32, #tpu.memory_space<hbm>>
        tpu.wait_dma2 semaphore(%run_scoped3A : memref<!tpu.dma_semaphore, #tpu.memory_space<semaphore_mem>>) src(%arg17 : memref<640xf32, #tpu.memory_space<vmem>>) dst(%dma_wait3A_220 : memref<640xf32, #tpu.memory_space<hbm>>)
        tpu.yield
      }) : () -> ()
    } else {
    }
    return
  }
}

module attributes {stable_mosaic.version = 14 : i64} {
  func.func @_final_body(%arg0: i32, %arg1: memref<10000x512xf32, #tpu.memory_space<vmem>>, %arg2: memref<10000xf32, #tpu.memory_space<vmem>>, %arg3: memref<512x128xf32, #tpu.memory_space<vmem>>, %arg4: memref<1x128xf32, #tpu.memory_space<vmem>>, %arg5: memref<1x1xf32, #tpu.memory_space<vmem>>, %arg6: memref<1x512xf32, #tpu.memory_space<vmem>>) attributes {dimension_semantics = [#tpu.dimension_semantics<arbitrary>], iteration_bounds = array<i64: 8>, scalar_prefetch = 0 : i64, scratch_operands = 0 : i64, tpu.core_type = #tpu.core_type<tc>, window_params = [{transform_indices = @transform_0, window_bounds = array<i64: 10000, 512>}, {pipeline_mode = #tpu.pipeline_mode<synchronous>, transform_indices = @transform_1, window_bounds = array<i64: 10000>}, {transform_indices = @transform_2, window_bounds = array<i64: 512, 128>}, {pipeline_mode = #tpu.pipeline_mode<synchronous>, transform_indices = @transform_3, window_bounds = array<i64: 1, 128>}, {pipeline_mode = #tpu.pipeline_mode<synchronous>, transform_indices = @transform_4, window_bounds = array<i64: 1, 1>}, {transform_indices = @transform_5, window_bounds = array<i64: 1, 512>}]} {
    %get3A = arith.constant 0 : index
    %get3A_0 = vector.load %arg2[%get3A] : memref<10000xf32, #tpu.memory_space<vmem>>, vector<10000xf32>
    %reshape3A = vector.shape_cast %get3A_0 : vector<10000xf32> to vector<1x10000xf32>
    %get3A_1 = arith.constant 0 : index
    %get3A_2 = arith.constant 0 : index
    %get3A_3 = vector.load %arg1[%get3A_1, %get3A_2] : memref<10000x512xf32, #tpu.memory_space<vmem>>, vector<10000x512xf32>
    %dot_general3A = arith.constant dense<0.000000e+00> : vector<1x512xf32>
    %dot_general3A_4 = tpu.matmul %reshape3A, %get3A_3, %dot_general3A {dimension_numbers = #tpu.dot_dimension_numbers<[1], [0], [0], [1], [0, 0, 1, 1], [], []>, transpose_lhs_hint = false} : vector<1x10000xf32>, vector<10000x512xf32>, vector<1x512xf32> -> vector<1x512xf32>
    %get3A_5 = arith.constant 0 : index
    %get3A_6 = arith.constant 0 : index
    %get3A_7 = vector.load %arg4[%get3A_5, %get3A_6] : memref<1x128xf32, #tpu.memory_space<vmem>>, vector<1x128xf32>
    %get3A_8 = arith.constant 0 : index
    %get3A_9 = arith.constant 0 : index
    %get3A_10 = vector.load %arg3[%get3A_8, %get3A_9] : memref<512x128xf32, #tpu.memory_space<vmem>>, vector<512x128xf32>
    %dot_general3A_11 = arith.constant dense<0.000000e+00> : vector<1x512xf32>
    %dot_general3A_12 = tpu.matmul %get3A_7, %get3A_10, %dot_general3A_11 {dimension_numbers = #tpu.dot_dimension_numbers<[1], [1], [0], [0], [0, 0, 1, 0], [], []>, transpose_lhs_hint = false} : vector<1x128xf32>, vector<512x128xf32>, vector<1x512xf32> -> vector<1x512xf32>
    %add3A = arith.addf %dot_general3A_4, %dot_general3A_12 : vector<1x512xf32>
    %get3A_13 = arith.constant 0 : index
    %get3A_14 = arith.constant 0 : index
    %get3A_15 = vector.load %arg5[%get3A_13, %get3A_14] : memref<1x1xf32, #tpu.memory_space<vmem>>, vector<1x1xf32>
    %get3A_16 = vector.extract %get3A_15[0, 0] : f32 from vector<1x1xf32>
    %add3A_17 = vector.broadcast %get3A_16 : f32 to vector<1x512xf32>
    %add3A_18 = arith.addf %add3A, %add3A_17 : vector<1x512xf32>
    %logistic3A = arith.negf %add3A_18 : vector<1x512xf32>
    %logistic3A_19 = math.exp %logistic3A : vector<1x512xf32>
    %logistic3A_20 = arith.constant 1.000000e+00 : f32
    %logistic3A_21 = vector.broadcast %logistic3A_20 : f32 to vector<1x512xf32>
    %logistic3A_22 = arith.addf %logistic3A_21, %logistic3A_19 : vector<1x512xf32>
    %logistic3A_23 = arith.divf %logistic3A_21, %logistic3A_22 : vector<1x512xf32>
    %swap3A = arith.constant 0 : index
    %swap3A_24 = arith.constant 0 : index
    %swap3A_25 = vector.load %arg6[%swap3A, %swap3A_24] : memref<1x512xf32, #tpu.memory_space<vmem>>, vector<1x512xf32>
    tpu.vector_store %arg6[%swap3A, %swap3A_24], %logistic3A_23 {strides = array<i32>} : memref<1x512xf32, #tpu.memory_space<vmem>>, vector<1x512xf32>,
    return
  }
  func.func @transform_0(%arg0: i32) -> (i32, i32) {
    %c0_i32 = arith.constant 0 : i32
    %c0_i32_0 = arith.constant 0 : i32
    return %c0_i32, %arg0 : i32, i32
  }
  func.func @transform_1(%arg0: i32) -> i32 {
    %c0_i32 = arith.constant 0 : i32
    %c0_i32_0 = arith.constant 0 : i32
    return %c0_i32 : i32
  }
  func.func @transform_2(%arg0: i32) -> (i32, i32) {
    %c0_i32 = arith.constant 0 : i32
    %c0_i32_0 = arith.constant 0 : i32
    return %arg0, %c0_i32 : i32, i32
  }
  func.func @transform_3(%arg0: i32) -> (i32, i32) {
    %c0_i32 = arith.constant 0 : i32
    %c0_i32_0 = arith.constant 0 : i32
    %c0_i32_1 = arith.constant 0 : i32
    return %c0_i32, %c0_i32_0 : i32, i32
  }
  func.func @transform_4(%arg0: i32) -> (i32, i32) {
    %c0_i32 = arith.constant 0 : i32
    %c0_i32_0 = arith.constant 0 : i32
    %c0_i32_1 = arith.constant 0 : i32
    return %c0_i32, %c0_i32_0 : i32, i32
  }
  func.func @transform_5(%arg0: i32) -> (i32, i32) {
    %c0_i32 = arith.constant 0 : i32
    %c0_i32_0 = arith.constant 0 : i32
    return %c0_i32, %arg0 : i32, i32
  }
}

module attributes {stable_mosaic.version = 14 : i64} {
  func.func @_prep_body(%arg0: memref<10000x128xf32, #tpu.memory_space<vmem>>, %arg1: memref<128x128xf32, #tpu.memory_space<vmem>>, %arg2: memref<128x128xf32, #tpu.memory_space<vmem>>, %arg3: memref<1x256xf32, #tpu.memory_space<vmem>>, %arg4: memref<1x128xf32, #tpu.memory_space<vmem>>, %arg5: memref<1x128xf32, #tpu.memory_space<vmem>>, %arg6: memref<10000xf32, #tpu.memory_space<vmem>>, %arg7: memref<32xf32, #tpu.memory_space<vmem>>) attributes {dimension_semantics = [], scalar_prefetch = 0 : i64, scratch_operands = 0 : i64, tpu.core_type = #tpu.core_type<tc>} {
    %get3A = arith.constant 0 : index
    %get3A_0 = arith.constant 128 : index
    %get3A_1 = vector.load %arg3[%get3A, %get3A_0] : memref<1x256xf32, #tpu.memory_space<vmem>>, vector<1x128xf32>
    %get3A_2 = arith.constant 0 : index
    %get3A_3 = arith.constant 0 : index
    %get3A_4 = vector.load %arg2[%get3A_2, %get3A_3] : memref<128x128xf32, #tpu.memory_space<vmem>>, vector<128x128xf32>
    %dot_general3A = arith.constant dense<0.000000e+00> : vector<1x128xf32>
    %dot_general3A_5 = tpu.matmul %get3A_1, %get3A_4, %dot_general3A {dimension_numbers = #tpu.dot_dimension_numbers<[1], [1], [0], [0], [0, 0, 1, 0], [], []>, transpose_lhs_hint = false} : vector<1x128xf32>, vector<128x128xf32>, vector<1x128xf32> -> vector<1x128xf32>
    %get3A_6 = arith.constant 0 : index
    %get3A_7 = arith.constant 0 : index
    %get3A_8 = vector.load %arg1[%get3A_6, %get3A_7] : memref<128x128xf32, #tpu.memory_space<vmem>>, vector<128x128xf32>
    %dot_general3A_9 = arith.constant dense<0.000000e+00> : vector<1x128xf32>
    %dot_general3A_10 = tpu.matmul %dot_general3A_5, %get3A_8, %dot_general3A_9 {dimension_numbers = #tpu.dot_dimension_numbers<[1], [1], [0], [0], [0, 0, 1, 0], [], []>, transpose_lhs_hint = false} : vector<1x128xf32>, vector<128x128xf32>, vector<1x128xf32> -> vector<1x128xf32>
    %get3A_11 = arith.constant 0 : index
    %get3A_12 = arith.constant 0 : index
    %get3A_13 = vector.load %arg0[%get3A_11, %get3A_12] : memref<10000x128xf32, #tpu.memory_space<vmem>>, vector<10000x128xf32>
    %dot_general3A_14 = arith.constant dense<0.000000e+00> : vector<1x10000xf32>
    %dot_general3A_15 = tpu.matmul %dot_general3A_10, %get3A_13, %dot_general3A_14 {dimension_numbers = #tpu.dot_dimension_numbers<[1], [1], [0], [0], [0, 0, 1, 0], [], []>, transpose_lhs_hint = false} : vector<1x128xf32>, vector<10000x128xf32>, vector<1x10000xf32> -> vector<1x10000xf32>
    %reshape3A = vector.shape_cast %dot_general3A_15 : vector<1x10000xf32> to vector<10000xf32>
    %swap3A = arith.constant 0 : index
    %swap3A_16 = vector.load %arg6[%swap3A] : memref<10000xf32, #tpu.memory_space<vmem>>, vector<10000xf32>
    tpu.vector_store %arg6[%swap3A], %reshape3A {strides = array<i32>} : memref<10000xf32, #tpu.memory_space<vmem>>, vector<10000xf32>,
    %get3A_17 = arith.constant 0 : index
    %get3A_18 = arith.constant 0 : index
    %get3A_19 = vector.load %arg4[%get3A_17, %get3A_18] : memref<1x128xf32, #tpu.memory_space<vmem>>, vector<1x128xf32>
    %mul3A = arith.mulf %get3A_19, %dot_general3A_5 : vector<1x128xf32>
    %reduce_sum3A = vector.shape_cast %mul3A : vector<1x128xf32> to vector<1x1x128xf32>
    %reduce_sum3A_20 = arith.constant dense<0.000000e+00> : vector<1xf32>
    %reduce_sum3A_21 = vector.multi_reduction <add>, %reduce_sum3A, %reduce_sum3A_20 [1, 2] : vector<1x1x128xf32> to vector<1xf32>
    %reduce_sum3A_22 = vector.shape_cast %reduce_sum3A_21 : vector<1xf32> to vector<1x1x1xf32>
    %reduce_sum3A_23 = vector.extract %reduce_sum3A_22[0, 0, 0] : f32 from vector<1x1x1xf32>
    %get3A_24 = arith.constant 0 : index
    %get3A_25 = arith.constant 0 : index
    %get3A_26 = vector.load %arg5[%get3A_24, %get3A_25] : memref<1x128xf32, #tpu.memory_space<vmem>>, vector<1x128xf32>
    %mul3A_27 = arith.mulf %get3A_26, %get3A_1 : vector<1x128xf32>
    %reduce_sum3A_28 = vector.shape_cast %mul3A_27 : vector<1x128xf32> to vector<1x1x128xf32>
    %reduce_sum3A_29 = arith.constant dense<0.000000e+00> : vector<1xf32>
    %reduce_sum3A_30 = vector.multi_reduction <add>, %reduce_sum3A_28, %reduce_sum3A_29 [1, 2] : vector<1x1x128xf32> to vector<1xf32>
    %reduce_sum3A_31 = vector.shape_cast %reduce_sum3A_30 : vector<1xf32> to vector<1x1x1xf32>
    %reduce_sum3A_32 = vector.extract %reduce_sum3A_31[0, 0, 0] : f32 from vector<1x1x1xf32>
    %iota3A = tpu.iota {dimensions = array<i32: 1>} : vector<1x32xi32>
    %lt3A = arith.constant 16 : i32
    %lt3A_33 = vector.broadcast %lt3A : i32 to vector<1x32xi32>
    %lt3A_34 = arith.cmpi slt, %iota3A, %lt3A_33 : vector<1x32xi32>
    %broadcast_in_dim3A = vector.broadcast %reduce_sum3A_23 : f32 to vector<1x32xf32>
    %broadcast_in_dim3A_35 = vector.broadcast %reduce_sum3A_32 : f32 to vector<1x32xf32>
    %select_n3A = arith.select %lt3A_34, %broadcast_in_dim3A, %broadcast_in_dim3A_35 : vector<1x32xi1>, vector<1x32xf32>
    %reshape3A_36 = vector.shape_cast %select_n3A : vector<1x32xf32> to vector<32xf32>
    %swap3A_37 = arith.constant 0 : index
    %swap3A_38 = vector.load %arg7[%swap3A_37] : memref<32xf32, #tpu.memory_space<vmem>>, vector<32xf32>
    tpu.vector_store %arg7[%swap3A_37], %reshape3A_36 {strides = array<i32>} : memref<32xf32, #tpu.memory_space<vmem>>, vector<32xf32>,
    return
  }
}

</mosaic_0001>

<sc_bundles>
// kernel: kernel.5.cloned.1.call-start
scs
__scs_entry_jumppad:
0x0: {  	(pc) =	sbr.rel $0x88, $3  }
0x1: {  	(tag) =	ssettag $0x0;
	lr =	simm.s32 $0x1  }
0x2: {  	[smem:$0x3F95] =	sst lr;
	_ =	strace $0xD0000000  }
0x3: {  	_ = 	snop  }
0x4: {  	_ = 	snop  }
0x5: {  	_ = 	snop  }
0x6: {  	_ = 	snop  }
0x7: {  	_ = 	snop  }
__scs_overlays_trampoline_lowered:
0x8: {  	[smem:$0x3FA4] =	sst s0  }
0x9: {  	[smem:$0x3FA5] =	sst s1  }
0xa: {  	[smem:$0x3FA6] =	sst s2  }
0xb: {  	[smem:$0x3FA7] =	sst s3  }
0xc: {  	[smem:$0x3FA8] =	sst s4  }
0xd: {  	[smem:$0x3FA9] =	sst s5  }
0xe: {  	[smem:$0x3FAA] =	sst s6  }
0xf: {  	[smem:$0x3FAB] =	sst s7  }
0x10: {  	[smem:$0x3FAC] =	sst s8  }
0x11: {  	[smem:$0x3FAD] =	sst s9;
	s0 =	simm.s32 @!p0 $0x0  }
0x12: {  	s1 =	sld [smem:$0x3F93];
	s0 =	simm.s32 @p0 $0x1  }
0x13: {  	[smem:$0x3FAE] =	sst s0;
	s0 =	simm.s32 @!p1 $0x0  }
0x14: {  	s2 =	sld [smem:$0x3F92];
	s0 =	simm.s32 @p1 $0x1  }
0x15: {  	[smem:$0x3FAF] =	sst s0;
	s0 =	simm.s32 @!p2 $0x0  }
0x16: {  	s3 =	sld [smem:$0x3FDB];
	s0 =	simm.s32 @p2 $0x1  }
0x17: {  	s4 =	simm.s32 $0x1BF5;
	[smem:$0x3FB1] =	sst s0  }
0x18: {  	s0 =	sld [smem:$0x3F94];
	_ =	swait.ge [sflag:s4], $0x0  }
0x19: {  	s7 =	sld [smem:$0x3F95]  }
0x1a: {  	s8 =	sadd.s32 $0xFFFFE003, lr  }
0x1b: {  	s9 =	sadd.s32 $0xFFFFFEF7, lr;
	s5 =	simm.s32 $0xFFFFFFFF;
	p2 =	slt.u32 s8, $0xFFFFF086  }
0x1c: {  	p1 =	slt.u32 s9, $0xF7A;
	s5 =	simm.s32 @!p2 $0x0  }
0x1d: {  	s5 =	simm.s32 @p1 $0x1;
	p0 =	seq.s32 s7, s2  }
0x1e: {  	s7 =	smul.u32 @!p0 $0xF7A, s2;
	p2 =	seq.s32 @!p0 s5, $0x0  }
0x1f: {  	s9 =	smul.u32 $0xF7A, s1;
	s8 =	simm.s32 @!p0 $0x1BF5;
	p2 =	por !p2, p0  }
0x20: {  	[sflag:s8] =	ssyncset.s32 @!p0 $0xFFFFF086;
	s6 =	sadd.s32 @!p0 s3, s7;
	s7 =	simm.s32 @!p0 $0x108  }
0x21: {  	s3 =	sadd.s32 s3, s9;
	s6 =	sadd.s32 @!p0 $0x88, s6;
	s7 =	simm.s32 @p2 $0x1082  }
0x22: {  	[simem:s7], [sflag:s8] =	dma.local @!p0 [hbm:s6], $0xF7A  }
0x23: {  	s9 =	sor.u32 $0xD0000000, s2;
	s6 =	simm.s32 $0x108;
	_ =	swait.ge @!p0 [sflag:s8], $0x0  }
0x24: {  	s3 =	sadd.s32 $0x88, s3;
	s6 =	simm.s32 @!p1 $0x1082;
	[sflag:s4] =	ssyncset.s32 $0xFFFFF086  }
0x25: {  	[simem:s6], [sflag:s4] =	dma.local [hbm:s3], $0xF7A  }
0x26: {  	[smem:$0x3F95] =	sst s1;
	(tag) =	ssettag s2;
	_ =	strace s9  }
0x27: {  	s1 =	sld [smem:$0x3FA5]  }
0x28: {  	s2 =	sld [smem:$0x3FA6]  }
0x29: {  	s4 =	sld [smem:$0x3FA8]  }
0x2a: {  	p0 =	seq.s32 s5, $0x0;
	s5 =	sld [smem:$0x3FA9]  }
0x2b: {  	s6 =	sld [smem:$0x3FAA]  }
0x2c: {  	s7 =	sld [smem:$0x3FAB]  }
0x2d: {  	s3 =	simm.s32 $0x108;
	s8 =	sld [smem:$0x3FAC]  }
0x2e: {  	s3 =	simm.s32 @!p0 $0x1082;
	s9 =	sld [smem:$0x3FAD]  }
0x2f: {  	lr =	sadd.s32 s0, s3;
	s0 =	sld [smem:$0x3FA4]  }
0x30: {  	s3 =	sld [smem:$0x3FA7]  }
0x31: {  	[smem:$0x3FB0] =	sst s10  }
0x32: {  	s10 =	sld [smem:$0x3FAE];
	_ =	sdelay $0x3  }
0x33: {  	p0 =	seq.s32 s10, $0x1;
	s10 =	sld [smem:$0x3FB0];
	_ =	sdelay $0x3  }
0x34: {  	[smem:$0x3FB0] =	sst s10  }
0x35: {  	s10 =	sld [smem:$0x3FAF];
	_ =	sdelay $0x3  }
0x36: {  	p1 =	seq.s32 s10, $0x1;
	s10 =	sld [smem:$0x3FB0];
	_ =	sdelay $0x3  }
0x37: {  	[smem:$0x3FB0] =	sst s10  }
0x38: {  	s10 =	sld [smem:$0x3FB1]  }
0x39: {  	_ = 	snop;
	(pc) =	sbr.ind lr, $3  }
0x3a: {  	_ = 	snop  }
0x3b: {  	_ = 	snop  }
0x3c: {  	p2 =	seq.s32 s10, $0x1;
	s10 =	sld [smem:$0x3FB0]  }
0x3d: {  	_ =	shalt  }
0x3e: {  	_ =	shalt  }
0x3f: {  	_ =	shalt  }
0x40: {  	_ =	shalt  }
0x41: {  	_ =	shalt  }
0x42: {  	_ =	shalt  }
0x43: {  	_ =	shalt  }
0x44: {  	_ =	shalt  }
0x45: {  	_ =	shalt  }
0x46: {  	_ =	shalt  }
0x47: {  	_ =	shalt  }
0x48: {  	_ =	shalt  }
0x49: {  	_ =	shalt  }
0x4a: {  	_ =	shalt  }
0x4b: {  	_ =	shalt  }
0x4c: {  	_ =	shalt  }
0x4d: {  	_ =	shalt  }
0x4e: {  	_ =	shalt  }
0x4f: {  	_ =	shalt  }
0x50: {  	_ =	shalt  }
0x51: {  	_ =	shalt  }
0x52: {  	_ =	shalt  }
0x53: {  	_ =	shalt  }
0x54: {  	_ =	shalt  }
0x55: {  	_ =	shalt  }
0x56: {  	_ =	shalt  }
0x57: {  	_ =	shalt  }
0x58: {  	_ =	shalt  }
0x59: {  	_ =	shalt  }
0x5a: {  	_ =	shalt  }
0x5b: {  	_ =	shalt  }
0x5c: {  	_ =	shalt  }
0x5d: {  	_ =	shalt  }
0x5e: {  	_ =	shalt  }
0x5f: {  	_ =	shalt  }
0x60: {  	_ =	shalt  }
0x61: {  	_ =	shalt  }
0x62: {  	_ =	shalt  }
0x63: {  	_ =	shalt  }
0x64: {  	_ =	shalt  }
0x65: {  	_ =	shalt  }
0x66: {  	_ =	shalt  }
0x67: {  	_ =	shalt  }
0x68: {  	_ =	shalt  }
0x69: {  	_ =	shalt  }
0x6a: {  	_ =	shalt  }
0x6b: {  	_ =	shalt  }
0x6c: {  	_ =	shalt  }
0x6d: {  	_ =	shalt  }
0x6e: {  	_ =	shalt  }
0x6f: {  	_ =	shalt  }
0x70: {  	_ =	shalt  }
0x71: {  	_ =	shalt  }
0x72: {  	_ =	shalt  }
0x73: {  	_ =	shalt  }
0x74: {  	_ =	shalt  }
0x75: {  	_ =	shalt  }
0x76: {  	_ =	shalt  }
0x77: {  	_ =	shalt  }
0x78: {  	_ =	shalt  }
0x79: {  	_ =	shalt  }
0x7a: {  	_ =	shalt  }
0x7b: {  	_ =	shalt  }
0x7c: {  	_ =	shalt  }
0x7d: {  	_ =	shalt  }
0x7e: {  	_ =	shalt  }
0x7f: {  	_ =	shalt  }
0x80: {  	_ =	shalt  }
0x81: {  	_ =	shalt  }
0x82: {  	_ =	shalt  }
0x83: {  	_ =	shalt  }
0x84: {  	_ =	shalt  }
0x85: {  	_ =	shalt  }
0x86: {  	_ =	shalt  }
0x87: {  	_ =	shalt  }
.Lfunc_end0:
.L_simem_size_0:
called_computation_lowered:
.L_overlay_start_0:
0x88: {  	s2 =	sld [smem:$0x3FD9]  }
0x89: {  	s3 =	sld [smem:$0x3FFE];
	_ =	sdelay $0x1  }
0x8a: {  	s1 =	srdreg.scid  }
0x8b: {  	s0 =	sand.u32 $0x1, s1  }
0x8c: {  	s17 =	sshll.u32 s0, $0xA;
	s2 =	sadd.s32 s3, s2  }
0x8d: {  	s2 =	sadd.s32 s2, s17  }
0x8e: {  	[smem:$0x3FBC] =	sst s2  }
0x8f: {  	_ = 	snop  }
0x90: {  	s2 =	sld [smem:$0x3FC9]  }
0x91: {  	s18 =	sld [smem:$0x3FC7]  }
0x92: {  	s4 =	sld [smem:$0x3FC5]  }
0x93: {  	s5 =	sld [smem:$0x3FD0];
	(tm) =	ssettm $0x1  }
0x94: {  	s6 =	sld [smem:$0x3FFB];
	_ =	sdelay $0x3  }
0x95: {  	_ =	strace s6  }
0x96: {  	s6 =	sld [smem:$0x3FFC];
	_ =	sdelay $0x3  }
0x97: {  	_ =	strace s6  }
0x98: {  	s6 =	sld [smem:$0x3FFD];
	_ =	sdelay $0x3  }
0x99: {  	_ =	strace s6  }
0x9a: {  	_ =	strace $0x8FFFFFFF  }
0x9b: {  	s19 =	sld [smem:$0x3FDB];
	_ =	sdelay $0x1  }
0x9c: {  	s7 =	simm.s32 $_scs_section_size  }
0x9d: {  	s8 =	simm.s32 $_size__tile_overlayer_lowered;
	s9 =	simm.s32 $_tile_overlayer_lowered  }
0x9e: {  	s22 =	simm.s32 $0x1BFF;
	s21 =	sshll.u32 s9, $0x1;
	s6 =	sadd.s32 s7, s19  }
0x9f: {  	s10 =	simm.s32 $0x0;
	s20 =	sshll.u32 s8, $0x1;
	s8 =	sadd.s32 s21, s6  }
0xa0: {  	[timem:s10], [sflag:s22] =	dma.local [hbm:s8], s20  }
0xa1: {  	_ =	swait.ge [sflag:s22], s20  }
0xa2: {  	s7 =	ssub.s32 $0x0, s20;
	[sflag:s22] =	ssyncset.done $0x0  }
0xa3: {  	[sflag:s22] =	ssyncadd.s32 s7;
	_ =	sdelay $0x1  }
0xa4: {  	s23 =	simm.s32 $0x1B8B  }
0xa5: {  	_ =	swait.ge [sflag:s23], $0x1  }
0xa6: {  	[sflag:s23] =	ssyncset.done $0x0  }
0xa7: {  	s25 =	simm.s32 $0x1B8E;
	s24 =	sld [smem:$0x3FFE];
	[sflag:s23] =	ssyncadd.s32 $0xFFFFFFFF  }
0xa8: {  	s26 =	simm.s32 $execute0_lowered;
	[smem:$0x3FD2] =	sst s25  }
0xa9: {  	s8 =	sshll.u32 s26, $0x1;
	_ =	strace $0x80000046;
	[dreg:$0x1] =	wrdreg $0xFFFFFFFF  }
0xaa: {  	s28 =	simm.s32 $_size_execute0_lowered;
	s6 =	sadd.s32 s6, s8;
	[dreg:$0x0] =	wrdreg $0x0  }
0xab: {  	s8 =	sshll.u32 s28, $0x1;
	[dreg:$0x2] =	wrdreg s6  }
0xac: {  	[dreg:$0x3] =	wrdreg s8  }
0xad: {  	[dreg:$0x4] =	wrdreg $0xC0  }
0xae: {  	_ =	task [dreg:s10], $0x5FFFF  }
0xaf: {  	[dreg:$0x1] =	wrdreg $0xFFFFFFFF  }
0xb0: {  	[dreg:$0x0] =	wrdreg $0x60  }
0xb1: {  	[dreg:$0x2] =	wrdreg s24  }
0xb2: {  	[dreg:$0x3] =	wrdreg s18  }
0xb3: {  	[dreg:$0x4] =	wrdreg s5  }
0xb4: {  	[dreg:$0x5] =	wrdreg s2  }
0xb5: {  	[dreg:$0x6] =	wrdreg s4  }
0xb6: {  	[dreg:$0x7] =	wrdreg $0x19C800  }
0xb7: {  	[dreg:$0x8] =	wrdreg $0x1C3900  }
0xb8: {  	[dreg:$0x9] =	wrdreg $0x9  }
0xb9: {  	_ =	task.clear_ibuf [dreg:s10], $0xAFFFF;
	_ =	strace $0x90000046  }
0xba: {  	s29 =	simm.s32 $0x9;
	_ =	strace $0x80000048  }
0xbb: {  	_ =	swait.ge [sflag:s29], $0x1  }
0xbc: {  	[sflag:s29] =	ssyncadd.s32 $0xFFFFFFFF  }
0xbd: {  	_ =	strace $0x90000048  }
0xbe: {  	_ =	sfence  }
0xbf: {  	s30 =	sld [smem:$0x0];
	_ =	sdelay $0x2  }
0xc0: {  	s31 =	sshll.u32 s1, $0xD;
	s1 =	sshrl.u32 s1, $0x2  }
0xc1: {  	s3 =	sand.u32 $0x4000, s31;
	s1 =	sadd.s32 s1, s30  }
0xc2: {  	s0 =	sor.u32 s3, s0;
	s1 =	sshll.u32 s1, $0x11  }
0xc3: {  	s0 =	sor.u32 s1, s0  }
0xc4: {  	s0 =	sadd.s32 $0x8F2B, s0  }
0xc5: {  	[sflag:s0] =	ssyncadd.remote.s32 $0x1  }
0xc6: {  	_ =	sfence.sel $0xFFFF  }
0xc7: {  	[dreg:$0x0] =	wrdreg $0xFFFFFFFF;
	(pc) =	sbr.abs _section_cstart, $3  }
0xc8: {  	[dreg:$0x1] =	wrdreg $0xFFFFFFFF  }
0xc9: {  	_ =	task.clear_ibuf [dreg:s10], $0x2FFFF;
	_ =	strace $0x9FFFFFFF  }
0xca: {  	(tm) =	ssettm $0x7FFFFFFF  }
0xcb: {  	_ =	shalt  }
tec
execute0_lowered:
.L_overlay_start_1:
0x0: {  	(tag) =	ssettag $0x1  }
0x1: {  	s0 =	rddreg [dreg:$0x0]  }
0x2: {  	s1 =	rddreg [dreg:$0x1]  }
0x3: {  	s2 =	rddreg [dreg:$0x3]  }
0x4: {  	s3 =	rddreg [dreg:$0x5]  }
0x5: {  	s21 =	rddreg [dreg:$0x6];
	s19 =	stileid.u32  }
0x6: {  	s5 =	simm.s32 $0x0;
	s18 =	srdreg.scid;
	s4 =	smul.u32 $0x9C4, s19  }
0x7: {  	[smem:$0x7FF] =	sst s5;
	s6 =	smul.u32 $0x270, s19;
	s7 =	sadd.s32 $0x15200, s0  }
0x8: {  	s9 =	sshll.u32 s19, $0xC;
	s12 =	sshll.u32 s19, $0x5;
	s13 =	smul.u32 $0x9C40, s19  }
0x9: {  	s26 =	smul.u32 $0x9C0, s19;
	s19 =	simm.s32 $0x0;
	_ =	strace $0x80000047  }
0xa: {  	[dreg:$0x8] =	wrdreg s7;
	s7 =	sand.u32 $0x1, s18;
	s2 =	sadd.s32 s2, s12  }
0xb: {  	s4 =	sadd.s32 s4, s0;
	s8 =	sshrl.u32 s6, $0x3;
	s20 =	ssub.s32 $0x2, s7  }
0xc: {  	[dreg:$0x9] =	wrdreg s2;
	s23 =	sshrl.u32 s13, $0x2;
	s21 =	sadd.s32 s6, s21  }
0xd: {  	p0 =	sne.s32 s7, $0x0;
	s2 =	simm.s32 $0x2;
	s7 =	simm.s32 $0x11600  }
0xe: {  	s11 =	sadd.s32 s8, s0;
	s0 =	sadd.s32 s9, s0;
	s10 =	sshrl.u32 s20, $0x1  }
0xf: {  	s22 =	sadd.s32 $0xB400, s4;
	s24 =	sadd.s32 $0x1600, s4;
	s1 =	sadd.s32 s1, s8  }
0x10: {  	s8 =	simm.s32 $0x11880;
	s9 =	ssub.s32 s20, s10;
	[dreg:$0xb] =	wrdreg s22  }
0x11: {  	s0 =	sadd.s32 $0x15800, s0;
	s10 =	sadd.s32 s6, s3;
	[dreg:$0xc] =	wrdreg s24  }
0x12: {  	[dreg:$0xf] =	wrdreg s1;
	s29 =	sadd.s32 $0x25800, s11;
	s6 =	simm.s32 $0xEC00  }
0x13: {  	[dreg:$0xa] =	wrdreg s0;
	s0 =	sadd.s32 s23, s3;
	s25 =	sadd.s32 $0x2710, s10  }
0x14: {  	s14 =	sadd.s32 $0x4E20, s10;
	s15 =	sadd.s32 $0x7530, s10;
	s16 =	sadd.s32 $0x9C40, s10  }
0x15: {  	s17 =	sadd.s32 $0xC350, s10;
	s18 =	sadd.s32 $0xEA60, s10;
	s20 =	sadd.s32 $0x11170, s10  }
0x16: {  	[dreg:$0x10] =	wrdreg s29;
	s12 =	smax.u32 s9, $0x1;
	s11 =	sadd.s32 $0x13880, s10  }
.Ltmp0:
0x17: {  	s28 =	sadd.s32 $0x186A0, s10;
	s31 =	sadd.s32 $0x1ADB0, s10;
	(pc) =	sbr.rel .LBB2_1-.Ltmp0, $4  }
0x18: {  	s30 =	sadd.s32 $0x1D4C0, s10;
	s3 =	sadd.s32 $0x222E0, s10;
	[dreg:$0xd] =	wrdreg s0  }
0x19: {  	s1 =	sadd.s32 $0x249F0, s10;
	s9 =	simm.s32 $0x9D00;
	[dreg:$0xe] =	wrdreg s25  }
0x1a: {  	s0 =	sshrl.u32 s26, $0x2;
	s26 =	sadd.s32 $0x15F90, s10;
	[dreg:$0x11] =	wrdreg s12  }
0x1b: {  	v0 =	vimm.f32 $0.0e+00;
	v1 =	vimm.f32 $1.000000000e+00;
	s13 =	sadd.s32 $0xC4A0, s0;
	s25 =	sadd.s32 $0x9D20, s0;
	s0 =	sadd.s32 $0x1FBD0, s10  }
.LBB2_115:
0x1c: {  	s4 =	rddreg [dreg:$0x9]  }
0x1d: {  	s22 =	simm.s32 $0x11B80;
	s23 =	simm.s32 $0x80;
	s24 =	simm.s32 $0x11C80  }
0x1e: {  	s29 =	smov.u32 s26;
	s26 =	simm.s32 $0x1;
	s7 =	smov.u32 s1  }
0x1f: {  	[tilespmem:s22], [sflag:$0x2] =	stream.linear.gather [hbm4b:s4+s5], $0x100, $0x38;
	[tilespmem:$0x1C608] =	vst v63  }
0x20: {  	s1 =	smov.u32 s3;
	s3 =	smov.u32 s0;
	_ =	swait.ge [sflag:s2], $0x100  }
0x21: {  	s0 =	smov.u32 s30;
	s30 =	smov.u32 s28;
	[sflag:s2] =	ssyncset.done $0x0  }
0x22: {  	s28 =	smov.u32 s11;
	s11 =	smov.u32 s21;
	[sflag:s2] =	ssyncadd.s32 $0xFFFFFF00  }
0x23: {  	s21 =	smov.u32 s20;
	s20 =	smov.u32 s18;
	s4 =	rddreg [dreg:$0x4]  }
0x24: {  	[tilespmem:s24], [sflag:$0x1] =	stream.indirect.gather [hbm4b:s4+s23], $0x80, s22, s23, $0xb8;
	[tilespmem:$0x1C608] =	vst v63  }
0x25: {  	s18 =	smov.u32 s17;
	s17 =	smov.u32 s16;
	_ =	swait.ge [sflag:s26], $0x4000  }
0x26: {  	s16 =	smov.u32 s15;
	s15 =	smov.u32 s14;
	[sflag:s26] =	ssyncset.done $0x0  }
0x27: {  	s14 =	simm.s32 $0x15C80;
	s22 =	simm.s32 $0x11C00;
	[sflag:s26] =	ssyncadd.s32 $0xFFFFC000  }
0x28: {  	[tilespmem:s14], [sflag:$0x1] =	stream.indirect.gather [hbm4b:s4+s23], $0x80, s22, s23, $0xb8;
	[tilespmem:$0x1C608] =	vst v63  }
0x29: {  	_ =	swait.ge [sflag:s26], $0x4000  }
0x2a: {  	[sflag:s26] =	ssyncset.done $0x0  }
0x2b: {  	[sflag:s26] =	ssyncadd.s32 $0xFFFFC000;
	s26 =	smov.u32 s29;
	s29 =	rddreg [dreg:$0xa]  }
0x2c: {  	[hbm4b:s29+s5] =	stream.linear.scatter [tilespmem:s24], [sflag:$0x2], $0x8000, $0x38;
	[tilespmem:$0x1C608] =	vst v63  }
0x2d: {  	_ =	swait.ge [sflag:s2], $0x8000  }
0x2e: {  	[sflag:s2] =	ssyncset.done $0x0  }
0x2f: {  	[sflag:s2] =	ssyncadd.s32 $0xFFFF8000  }
0x30: {  	s14 =	smov.u32 s15;
	s15 =	smov.u32 s16;
	[bflag:$0x0] =	sbarrier.arrive $0xFFFF  }
0x31: {  	s16 =	smov.u32 s17;
	s17 =	smov.u32 s18;
	[bflag:$0x0] =	sbarrier.arrive $0xFFFF  }
0x32: {  	s18 =	smov.u32 s20;
	s20 =	smov.u32 s21;
	[bflag:$0x0] =	sbarrier.arrive $0xFFFF  }
0x33: {  	s21 =	smov.u32 s11;
	s11 =	smov.u32 s28;
	[bflag:$0x0] =	sbarrier.arrive $0xFFFF  }
0x34: {  	s28 =	smov.u32 s30;
	s30 =	smov.u32 s0;
	[bflag:$0x0] =	sbarrier.arrive $0xFFFF  }
0x35: {  	s0 =	smov.u32 s3;
	s3 =	smov.u32 s1;
	[bflag:$0x0] =	sbarrier.arrive $0xFFFF  }
0x36: {  	s1 =	smov.u32 s7;
	s7 =	simm.s32 $0x11600;
	[bflag:$0x0] =	sbarrier.arrive $0xFFFF  }
.LBB2_113:
0x37: {  	s19 =	sadd.s32 $0x1, s19  }
0x38: {  	p1 =	sne.s32 s19, s12  }
.Ltmp1:
0x39: {  	_ = 	snop;
	(pc) =	sbr.rel @!p1 .LBB2_114-.Ltmp1, $1  }
0x3a: {  	_ =	sdelay $0x3  }
.LBB2_1:
.Ltmp2:
0x3b: {  	(pc) =	sbr.rel @p0 .LBB2_115-.Ltmp2, $1  }
0x3c: {  	_ =	sdelay $0x3  }
0x3d: {  	s4 =	rddreg [dreg:$0xb]  }
0x3e: {  	[tilespmem:s5], [sflag:$0x2] =	stream.linear.gather [hbm4b:s4+s5], $0x4E20, $0x38;
	[tilespmem:$0x1C608] =	vst v63  }
0x3f: {  	_ =	swait.ge [sflag:s2], $0x4E20  }
0x40: {  	[sflag:s2] =	ssyncset.done $0x0  }
0x41: {  	s12 =	simm.s32 $0x4E80;
	s23 =	rddreg [dreg:$0xc];
	[sflag:s2] =	ssyncadd.s32 $0xFFFFB1E0  }
0x42: {  	[tilespmem:s12], [sflag:$0x2] =	stream.linear.gather [hbm4b:s23+s5], $0x4E20, $0x38;
	[tilespmem:$0x1C608] =	vst v63  }
0x43: {  	_ =	swait.ge [sflag:s2], $0x4E20  }
0x44: {  	[sflag:s2] =	ssyncset.done $0x0  }
0x45: {  	[sflag:s2] =	ssyncadd.s32 $0xFFFFB1E0  }
0x46: {  	s29 =	simm.s32 $0x11B00;
	s24 =	rddreg [dreg:$0x2]  }
0x47: {  	[tilespmem:s29], [sflag:$0x2] =	stream.linear.gather [hbm4b:s24+s5], $0x80, $0x38;
	[tilespmem:$0x1C608] =	vst v63  }
0x48: {  	_ =	swait.ge [sflag:s2], $0x80  }
0x49: {  	[sflag:s2] =	ssyncset.done $0x0  }
0x4a: {  	s4 =	simm.s32 $0xEC40;
	[sflag:s2] =	ssyncadd.s32 $0xFFFFFF80  }
0x4b: {  	[tilespmem:s4+$0xFFFFFFC0] =	vst v0  }
0x4c: {  	[tilespmem:s4+$0x30] =	vst v0  }
0x4d: {  	[tilespmem:s4+$0x20] =	vst v0  }
0x4e: {  	[tilespmem:s4+$0x10] =	vst v0  }
0x4f: {  	[tilespmem:s4+$0x0] =	vst v0  }
0x50: {  	[tilespmem:s4+$0xFFFFFFF0] =	vst v0  }
0x51: {  	s12 =	simm.s32 $0x0;
	[tilespmem:s4+$0xFFFFFFE0] =	vst v0  }
.LBB2_3:
0x52: {  	s12 =	sadd.s32 $0x8, s12;
	[tilespmem:s4+$0xFFFFFFD0] =	vst v0;
	s4 =	sadd.s32 $0x80, s4  }
0x53: {  	[tilespmem:s4+$0xFFFFFFC0] =	vst v0;
	p1 =	slt.u32 s12, $0x268  }
0x54: {  	[tilespmem:s4+$0x30] =	vst v0  }
.Ltmp3:
0x55: {  	[tilespmem:s4+$0x20] =	vst v0;
	(pc) =	sbr.rel @p1 .LBB2_3-.Ltmp3, $4  }
0x56: {  	[tilespmem:s4+$0x10] =	vst v0  }
0x57: {  	[tilespmem:s4+$0x0] =	vst v0  }
0x58: {  	[tilespmem:s4+$0xFFFFFFF0] =	vst v0  }
0x59: {  	[tilespmem:s4+$0xFFFFFFE0] =	vst v0  }
0x5a: {  	[tilespmem:s4+$0xFFFFFFD0] =	vst v0  }
0x5b: {  	s4 =	simm.s32 $0xFFFFFFF0;
	s12 =	simm.s32 $0x4F00;
	[tilespmem:$0x11300] =	vst v0  }
.LBB2_5:
0x5c: {  	v2 =	vld [tilespmem:s12+$0xFFFFFF80];
	_ =	sdelay $0x7  }
0x5d: {  	[tilespmem:v2+s6+$0x0] =	vst.idx.add.f32.msk $0xffff, v1  }
0x5e: {  	v2 =	vld [tilespmem:s12+$0xFFFFFF90];
	_ =	sdelay $0x7  }
0x5f: {  	[tilespmem:v2+s6+$0x0] =	vst.idx.add.f32.msk $0xffff, v1  }
0x60: {  	v2 =	vld [tilespmem:s12+$0xFFFFFFA0];
	_ =	sdelay $0x7  }
0x61: {  	[tilespmem:v2+s6+$0x0] =	vst.idx.add.f32.msk $0xffff, v1  }
0x62: {  	v2 =	vld [tilespmem:s12+$0xFFFFFFB0];
	_ =	sdelay $0x7  }
0x63: {  	[tilespmem:v2+s6+$0x0] =	vst.idx.add.f32.msk $0xffff, v1  }
0x64: {  	v2 =	vld [tilespmem:s12+$0xFFFFFFC0];
	_ =	sdelay $0x7  }
0x65: {  	[tilespmem:v2+s6+$0x0] =	vst.idx.add.f32.msk $0xffff, v1  }
0x66: {  	v2 =	vld [tilespmem:s12+$0xFFFFFFD0];
	_ =	sdelay $0x7  }
0x67: {  	[tilespmem:v2+s6+$0x0] =	vst.idx.add.f32.msk $0xffff, v1  }
0x68: {  	v2 =	vld [tilespmem:s12+$0xFFFFFFE0];
	_ =	sdelay $0x7  }
0x69: {  	[tilespmem:v2+s6+$0x0] =	vst.idx.add.f32.msk $0xffff, v1  }
0x6a: {  	v2 =	vld [tilespmem:s12+$0xFFFFFFF0];
	_ =	sdelay $0x7  }
0x6b: {  	[tilespmem:v2+s6+$0x0] =	vst.idx.add.f32.msk $0xffff, v1  }
0x6c: {  	v2 =	vld [tilespmem:s12+$0x0];
	_ =	sdelay $0x7  }
0x6d: {  	[tilespmem:v2+s6+$0x0] =	vst.idx.add.f32.msk $0xffff, v1  }
0x6e: {  	v2 =	vld [tilespmem:s12+$0x10];
	_ =	sdelay $0x7  }
0x6f: {  	[tilespmem:v2+s6+$0x0] =	vst.idx.add.f32.msk $0xffff, v1  }
0x70: {  	v2 =	vld [tilespmem:s12+$0x20];
	_ =	sdelay $0x7  }
0x71: {  	[tilespmem:v2+s6+$0x0] =	vst.idx.add.f32.msk $0xffff, v1  }
0x72: {  	v2 =	vld [tilespmem:s12+$0x30];
	_ =	sdelay $0x7  }
0x73: {  	[tilespmem:v2+s6+$0x0] =	vst.idx.add.f32.msk $0xffff, v1  }
0x74: {  	v2 =	vld [tilespmem:s12+$0x40];
	_ =	sdelay $0x7  }
0x75: {  	[tilespmem:v2+s6+$0x0] =	vst.idx.add.f32.msk $0xffff, v1  }
0x76: {  	v2 =	vld [tilespmem:s12+$0x50];
	_ =	sdelay $0x7  }
0x77: {  	[tilespmem:v2+s6+$0x0] =	vst.idx.add.f32.msk $0xffff, v1  }
0x78: {  	v2 =	vld [tilespmem:s12+$0x60];
	_ =	sdelay $0x7  }
0x79: {  	[tilespmem:v2+s6+$0x0] =	vst.idx.add.f32.msk $0xffff, v1  }
0x7a: {  	v2 =	vld [tilespmem:s12+$0x70];
	_ =	sdelay $0x1  }
0x7b: {  	s4 =	sadd.s32 $0x10, s4  }
0x7c: {  	p1 =	slt.u32 s4, $0x4D0  }
.Ltmp4:
0x7d: {  	_ = 	snop;
	(pc) =	sbr.rel @p1 .LBB2_5-.Ltmp4, $2  }
0x7e: {  	_ =	sdelay $0x2  }
0x7f: {  	s12 =	sadd.s32 $0x100, s12;
	[tilespmem:v2+s6+$0x0] =	vst.idx.add.f32.msk $0xffff, v1  }
0x80: {  	v2 =	vld [tilespmem:$0x9C80];
	_ =	sdelay $0x7  }
0x81: {  	[tilespmem:v2+s6+$0x0] =	vst.idx.add.f32.msk $0xffff, v1  }
0x82: {  	v2 =	vld [tilespmem:$0x9C90];
	_ =	sdelay $0x7  }
0x83: {  	s4 =	rddreg [dreg:$0xd];
	[tilespmem:v2+s6+$0x0] =	vst.idx.add.f32.msk $0xffff, v1  }
0x84: {  	[spmem:s4] =	stream.linear.scatter [tilespmem:s6], [sflag:$0x2], $0x2710, $0x38;
	[tilespmem:$0x1C608] =	vst v63  }
0x85: {  	_ =	swait.ge [sflag:s2], $0x2710  }
0x86: {  	[sflag:s2] =	ssyncset.done $0x0  }
0x87: {  	[sflag:s2] =	ssyncadd.s32 $0xFFFFD8F0  }
0x88: {  	[bflag:$0x0] =	sbarrier.arrive $0xFFFF  }
0x89: {  	[tilespmem:s7], [sflag:$0x2] =	stream.linear.gather [spmem:s10], $0x280, $0x38;
	[tilespmem:$0x1C608] =	vst v63  }
0x8a: {  	_ =	swait.ge [sflag:s2], $0x280  }
0x8b: {  	[sflag:s2] =	ssyncset.done $0x0  }
0x8c: {  	s29 =	rddreg [dreg:$0xe];
	[sflag:s2] =	ssyncadd.s32 $0xFFFFFD80  }
0x8d: {  	[tilespmem:s8], [sflag:$0x2] =	stream.linear.gather [spmem:s29], $0x280, $0x38;
	[tilespmem:$0x1C608] =	vst v63  }
0x8e: {  	_ =	swait.ge [sflag:s2], $0x280  }
0x8f: {  	[sflag:s2] =	ssyncset.done $0x0  }
0x90: {  	s4 =	simm.s32 $0x0;
	[sflag:s2] =	ssyncadd.s32 $0xFFFFFD80  }
0x91: {  	s12 =	simm.s32 $0x40;
	v2 =	vld [tilespmem:s4+$0x11880]  }
.LBB2_7:
0x92: {  	p1 =	sne.s32 s12, $0x9C0;
	v3 =	vld [tilespmem:s4+$0x11600];
	_ =	sdelay $0x2  }
.Ltmp5:
0x93: {  	(pc) =	sbr.rel @p1 .LBB2_7-.Ltmp5, $4  }
0x94: {  	_ = 	snop  }
0x95: {  	v3 =	vadd.f32 v2, v3  }
0x96: {  	s22 =	sshra.s32 s12, $0x2  }
0x97: {  	s12 =	sadd.s32 $0x40, s12;
	v2 =	vld [tilespmem:s22+$0x11880];
	[tilespmem:s4+$0x11600] =	vst v3;
	s4 =	smov.u32 s22  }
0x98: {  	v3 =	vld [tilespmem:s4+$0x11600];
	_ =	sdelay $0x4  }
0x99: {  	v2 =	vadd.f32 v2, v3;
	_ =	sdelay $0x1  }
0x9a: {  	[tilespmem:s4+$0x11600] =	vst v2  }
0x9b: {  	[tilespmem:s8], [sflag:$0x2] =	stream.linear.gather [spmem:s14], $0x280, $0x38;
	[tilespmem:$0x1C608] =	vst v63  }
0x9c: {  	_ =	swait.ge [sflag:s2], $0x280  }
0x9d: {  	[sflag:s2] =	ssyncset.done $0x0  }
0x9e: {  	s4 =	simm.s32 $0x0;
	[sflag:s2] =	ssyncadd.s32 $0xFFFFFD80  }
0x9f: {  	s12 =	simm.s32 $0x40;
	v2 =	vld [tilespmem:s4+$0x11880]  }
.LBB2_9:
0xa0: {  	p1 =	sne.s32 s12, $0x9C0;
	v3 =	vld [tilespmem:s4+$0x11600];
	_ =	sdelay $0x2  }
.Ltmp6:
0xa1: {  	(pc) =	sbr.rel @p1 .LBB2_9-.Ltmp6, $4  }
0xa2: {  	_ = 	snop  }
0xa3: {  	v3 =	vadd.f32 v2, v3  }
0xa4: {  	s22 =	sshra.s32 s12, $0x2  }
0xa5: {  	s12 =	sadd.s32 $0x40, s12;
	v2 =	vld [tilespmem:s22+$0x11880];
	[tilespmem:s4+$0x11600] =	vst v3;
	s4 =	smov.u32 s22  }
0xa6: {  	v3 =	vld [tilespmem:s4+$0x11600];
	_ =	sdelay $0x4  }
0xa7: {  	v2 =	vadd.f32 v2, v3;
	_ =	sdelay $0x1  }
0xa8: {  	[tilespmem:s4+$0x11600] =	vst v2  }
0xa9: {  	[tilespmem:s8], [sflag:$0x2] =	stream.linear.gather [spmem:s15], $0x280, $0x38;
	[tilespmem:$0x1C608] =	vst v63  }
0xaa: {  	_ =	swait.ge [sflag:s2], $0x280  }
0xab: {  	[sflag:s2] =	ssyncset.done $0x0  }
0xac: {  	s4 =	simm.s32 $0x0;
	[sflag:s2] =	ssyncadd.s32 $0xFFFFFD80  }
0xad: {  	s12 =	simm.s32 $0x40;
	v2 =	vld [tilespmem:s4+$0x11880]  }
.LBB2_11:
0xae: {  	p1 =	sne.s32 s12, $0x9C0;
	v3 =	vld [tilespmem:s4+$0x11600];
	_ =	sdelay $0x2  }
.Ltmp7:
0xaf: {  	(pc) =	sbr.rel @p1 .LBB2_11-.Ltmp7, $4  }
0xb0: {  	_ = 	snop  }
0xb1: {  	v3 =	vadd.f32 v2, v3  }
0xb2: {  	s22 =	sshra.s32 s12, $0x2  }
0xb3: {  	s12 =	sadd.s32 $0x40, s12;
	v2 =	vld [tilespmem:s22+$0x11880];
	[tilespmem:s4+$0x11600] =	vst v3;
	s4 =	smov.u32 s22  }
0xb4: {  	v3 =	vld [tilespmem:s4+$0x11600];
	_ =	sdelay $0x4  }
0xb5: {  	v2 =	vadd.f32 v2, v3;
	_ =	sdelay $0x1  }
0xb6: {  	[tilespmem:s4+$0x11600] =	vst v2  }
0xb7: {  	[tilespmem:s8], [sflag:$0x2] =	stream.linear.gather [spmem:s16], $0x280, $0x38;
	[tilespmem:$0x1C608] =	vst v63  }
0xb8: {  	_ =	swait.ge [sflag:s2], $0x280  }
0xb9: {  	[sflag:s2] =	ssyncset.done $0x0  }
0xba: {  	s4 =	simm.s32 $0x0;
	[sflag:s2] =	ssyncadd.s32 $0xFFFFFD80  }
0xbb: {  	s12 =	simm.s32 $0x40;
	v2 =	vld [tilespmem:s4+$0x11880]  }
.LBB2_13:
0xbc: {  	p1 =	sne.s32 s12, $0x9C0;
	v3 =	vld [tilespmem:s4+$0x11600];
	_ =	sdelay $0x2  }
.Ltmp8:
0xbd: {  	(pc) =	sbr.rel @p1 .LBB2_13-.Ltmp8, $4  }
0xbe: {  	_ = 	snop  }
0xbf: {  	v3 =	vadd.f32 v2, v3  }
0xc0: {  	s22 =	sshra.s32 s12, $0x2  }
0xc1: {  	s12 =	sadd.s32 $0x40, s12;
	v2 =	vld [tilespmem:s22+$0x11880];
	[tilespmem:s4+$0x11600] =	vst v3;
	s4 =	smov.u32 s22  }
0xc2: {  	v3 =	vld [tilespmem:s4+$0x11600];
	_ =	sdelay $0x4  }
0xc3: {  	v2 =	vadd.f32 v2, v3;
	_ =	sdelay $0x1  }
0xc4: {  	[tilespmem:s4+$0x11600] =	vst v2  }
0xc5: {  	[tilespmem:s8], [sflag:$0x2] =	stream.linear.gather [spmem:s17], $0x280, $0x38;
	[tilespmem:$0x1C608] =	vst v63  }
0xc6: {  	_ =	swait.ge [sflag:s2], $0x280  }
0xc7: {  	[sflag:s2] =	ssyncset.done $0x0  }
0xc8: {  	s4 =	simm.s32 $0x0;
	[sflag:s2] =	ssyncadd.s32 $0xFFFFFD80  }
0xc9: {  	s12 =	simm.s32 $0x40;
	v2 =	vld [tilespmem:s4+$0x11880]  }
.LBB2_15:
0xca: {  	p1 =	sne.s32 s12, $0x9C0;
	v3 =	vld [tilespmem:s4+$0x11600];
	_ =	sdelay $0x2  }
.Ltmp9:
0xcb: {  	(pc) =	sbr.rel @p1 .LBB2_15-.Ltmp9, $4  }
0xcc: {  	_ = 	snop  }
0xcd: {  	v3 =	vadd.f32 v2, v3  }
0xce: {  	s22 =	sshra.s32 s12, $0x2  }
0xcf: {  	s12 =	sadd.s32 $0x40, s12;
	v2 =	vld [tilespmem:s22+$0x11880];
	[tilespmem:s4+$0x11600] =	vst v3;
	s4 =	smov.u32 s22  }
0xd0: {  	v3 =	vld [tilespmem:s4+$0x11600];
	_ =	sdelay $0x4  }
0xd1: {  	v2 =	vadd.f32 v2, v3;
	_ =	sdelay $0x1  }
0xd2: {  	[tilespmem:s4+$0x11600] =	vst v2  }
0xd3: {  	[tilespmem:s8], [sflag:$0x2] =	stream.linear.gather [spmem:s18], $0x280, $0x38;
	[tilespmem:$0x1C608] =	vst v63  }
0xd4: {  	_ =	swait.ge [sflag:s2], $0x280  }
0xd5: {  	[sflag:s2] =	ssyncset.done $0x0  }
0xd6: {  	s4 =	simm.s32 $0x0;
	[sflag:s2] =	ssyncadd.s32 $0xFFFFFD80  }
0xd7: {  	s12 =	simm.s32 $0x40;
	v2 =	vld [tilespmem:s4+$0x11880]  }
.LBB2_17:
0xd8: {  	p1 =	sne.s32 s12, $0x9C0;
	v3 =	vld [tilespmem:s4+$0x11600];
	_ =	sdelay $0x2  }
.Ltmp10:
0xd9: {  	(pc) =	sbr.rel @p1 .LBB2_17-.Ltmp10, $4  }
0xda: {  	_ = 	snop  }
0xdb: {  	v3 =	vadd.f32 v2, v3  }
0xdc: {  	s22 =	sshra.s32 s12, $0x2  }
0xdd: {  	s12 =	sadd.s32 $0x40, s12;
	v2 =	vld [tilespmem:s22+$0x11880];
	[tilespmem:s4+$0x11600] =	vst v3;
	s4 =	smov.u32 s22  }
0xde: {  	v3 =	vld [tilespmem:s4+$0x11600];
	_ =	sdelay $0x4  }
0xdf: {  	v2 =	vadd.f32 v2, v3;
	_ =	sdelay $0x1  }
0xe0: {  	[tilespmem:s4+$0x11600] =	vst v2  }
0xe1: {  	[tilespmem:s8], [sflag:$0x2] =	stream.linear.gather [spmem:s20], $0x280, $0x38;
	[tilespmem:$0x1C608] =	vst v63  }
0xe2: {  	_ =	swait.ge [sflag:s2], $0x280  }
0xe3: {  	[sflag:s2] =	ssyncset.done $0x0  }
0xe4: {  	s4 =	simm.s32 $0x0;
	[sflag:s2] =	ssyncadd.s32 $0xFFFFFD80  }
0xe5: {  	s12 =	simm.s32 $0x40;
	v2 =	vld [tilespmem:s4+$0x11880]  }
.LBB2_19:
0xe6: {  	p1 =	sne.s32 s12, $0x9C0;
	v3 =	vld [tilespmem:s4+$0x11600];
	_ =	sdelay $0x2  }
.Ltmp11:
0xe7: {  	(pc) =	sbr.rel @p1 .LBB2_19-.Ltmp11, $4  }
0xe8: {  	_ = 	snop  }
0xe9: {  	v3 =	vadd.f32 v2, v3  }
0xea: {  	s22 =	sshra.s32 s12, $0x2  }
0xeb: {  	s12 =	sadd.s32 $0x40, s12;
	v2 =	vld [tilespmem:s22+$0x11880];
	[tilespmem:s4+$0x11600] =	vst v3;
	s4 =	smov.u32 s22  }
0xec: {  	v3 =	vld [tilespmem:s4+$0x11600];
	_ =	sdelay $0x4  }
0xed: {  	v2 =	vadd.f32 v2, v3;
	_ =	sdelay $0x1  }
0xee: {  	[tilespmem:s4+$0x11600] =	vst v2  }
0xef: {  	[tilespmem:s8], [sflag:$0x2] =	stream.linear.gather [spmem:s11], $0x280, $0x38;
	[tilespmem:$0x1C608] =	vst v63  }
0xf0: {  	_ =	swait.ge [sflag:s2], $0x280  }
0xf1: {  	[sflag:s2] =	ssyncset.done $0x0  }
0xf2: {  	s4 =	simm.s32 $0x0;
	[sflag:s2] =	ssyncadd.s32 $0xFFFFFD80  }
0xf3: {  	s12 =	simm.s32 $0x40;
	v2 =	vld [tilespmem:s4+$0x11880]  }
.LBB2_21:
0xf4: {  	p1 =	sne.s32 s12, $0x9C0;
	v3 =	vld [tilespmem:s4+$0x11600];
	_ =	sdelay $0x2  }
.Ltmp12:
0xf5: {  	(pc) =	sbr.rel @p1 .LBB2_21-.Ltmp12, $4  }
0xf6: {  	_ = 	snop  }
0xf7: {  	v3 =	vadd.f32 v2, v3  }
0xf8: {  	s22 =	sshra.s32 s12, $0x2  }
0xf9: {  	s12 =	sadd.s32 $0x40, s12;
	v2 =	vld [tilespmem:s22+$0x11880];
	[tilespmem:s4+$0x11600] =	vst v3;
	s4 =	smov.u32 s22  }
0xfa: {  	v3 =	vld [tilespmem:s4+$0x11600];
	_ =	sdelay $0x4  }
0xfb: {  	v2 =	vadd.f32 v2, v3;
	_ =	sdelay $0x1  }
0xfc: {  	[tilespmem:s4+$0x11600] =	vst v2  }
0xfd: {  	[tilespmem:s8], [sflag:$0x2] =	stream.linear.gather [spmem:s26], $0x280, $0x38;
	[tilespmem:$0x1C608] =	vst v63  }
0xfe: {  	_ =	swait.ge [sflag:s2], $0x280  }
0xff: {  	[sflag:s2] =	ssyncset.done $0x0  }
0x100: {  	s4 =	simm.s32 $0x0;
	[sflag:s2] =	ssyncadd.s32 $0xFFFFFD80  }
0x101: {  	s12 =	simm.s32 $0x40;
	v2 =	vld [tilespmem:s4+$0x11880]  }
.LBB2_23:
0x102: {  	p1 =	sne.s32 s12, $0x9C0;
	v3 =	vld [tilespmem:s4+$0x11600];
	_ =	sdelay $0x2  }
.Ltmp13:
0x103: {  	(pc) =	sbr.rel @p1 .LBB2_23-.Ltmp13, $4  }
0x104: {  	_ = 	snop  }
0x105: {  	v3 =	vadd.f32 v2, v3  }
0x106: {  	s22 =	sshra.s32 s12, $0x2  }
0x107: {  	s12 =	sadd.s32 $0x40, s12;
	v2 =	vld [tilespmem:s22+$0x11880];
	[tilespmem:s4+$0x11600] =	vst v3;
	s4 =	smov.u32 s22  }
0x108: {  	v3 =	vld [tilespmem:s4+$0x11600];
	_ =	sdelay $0x4  }
0x109: {  	v2 =	vadd.f32 v2, v3;
	_ =	sdelay $0x1  }
0x10a: {  	[tilespmem:s4+$0x11600] =	vst v2  }
0x10b: {  	[tilespmem:s8], [sflag:$0x2] =	stream.linear.gather [spmem:s28], $0x280, $0x38;
	[tilespmem:$0x1C608] =	vst v63  }
0x10c: {  	_ =	swait.ge [sflag:s2], $0x280  }
0x10d: {  	[sflag:s2] =	ssyncset.done $0x0  }
0x10e: {  	s4 =	simm.s32 $0x0;
	[sflag:s2] =	ssyncadd.s32 $0xFFFFFD80  }
0x10f: {  	s12 =	simm.s32 $0x40;
	v2 =	vld [tilespmem:s4+$0x11880]  }
.LBB2_25:
0x110: {  	p1 =	sne.s32 s12, $0x9C0;
	v3 =	vld [tilespmem:s4+$0x11600];
	_ =	sdelay $0x2  }
.Ltmp14:
0x111: {  	(pc) =	sbr.rel @p1 .LBB2_25-.Ltmp14, $4  }
0x112: {  	_ = 	snop  }
0x113: {  	v3 =	vadd.f32 v2, v3  }
0x114: {  	s22 =	sshra.s32 s12, $0x2  }
0x115: {  	s12 =	sadd.s32 $0x40, s12;
	v2 =	vld [tilespmem:s22+$0x11880];
	[tilespmem:s4+$0x11600] =	vst v3;
	s4 =	smov.u32 s22  }
0x116: {  	v3 =	vld [tilespmem:s4+$0x11600];
	_ =	sdelay $0x4  }
0x117: {  	v2 =	vadd.f32 v2, v3;
	_ =	sdelay $0x1  }
0x118: {  	[tilespmem:s4+$0x11600] =	vst v2  }
0x119: {  	[tilespmem:s8], [sflag:$0x2] =	stream.linear.gather [spmem:s31], $0x280, $0x38;
	[tilespmem:$0x1C608] =	vst v63  }
0x11a: {  	_ =	swait.ge [sflag:s2], $0x280  }
0x11b: {  	[sflag:s2] =	ssyncset.done $0x0  }
0x11c: {  	s4 =	simm.s32 $0x0;
	[sflag:s2] =	ssyncadd.s32 $0xFFFFFD80  }
0x11d: {  	s12 =	simm.s32 $0x40;
	v2 =	vld [tilespmem:s4+$0x11880]  }
.LBB2_27:
0x11e: {  	p1 =	sne.s32 s12, $0x9C0;
	v3 =	vld [tilespmem:s4+$0x11600];
	_ =	sdelay $0x2  }
.Ltmp15:
0x11f: {  	(pc) =	sbr.rel @p1 .LBB2_27-.Ltmp15, $4  }
0x120: {  	_ = 	snop  }
0x121: {  	v3 =	vadd.f32 v2, v3  }
0x122: {  	s22 =	sshra.s32 s12, $0x2  }
0x123: {  	s12 =	sadd.s32 $0x40, s12;
	v2 =	vld [tilespmem:s22+$0x11880];
	[tilespmem:s4+$0x11600] =	vst v3;
	s4 =	smov.u32 s22  }
0x124: {  	v3 =	vld [tilespmem:s4+$0x11600];
	_ =	sdelay $0x4  }
0x125: {  	v2 =	vadd.f32 v2, v3;
	_ =	sdelay $0x1  }
0x126: {  	[tilespmem:s4+$0x11600] =	vst v2  }
0x127: {  	[tilespmem:s8], [sflag:$0x2] =	stream.linear.gather [spmem:s30], $0x280, $0x38;
	[tilespmem:$0x1C608] =	vst v63  }
0x128: {  	_ =	swait.ge [sflag:s2], $0x280  }
0x129: {  	[sflag:s2] =	ssyncset.done $0x0  }
0x12a: {  	s4 =	simm.s32 $0x0;
	[sflag:s2] =	ssyncadd.s32 $0xFFFFFD80  }
0x12b: {  	s12 =	simm.s32 $0x40;
	v2 =	vld [tilespmem:s4+$0x11880]  }
.LBB2_29:
0x12c: {  	p1 =	sne.s32 s12, $0x9C0;
	v3 =	vld [tilespmem:s4+$0x11600];
	_ =	sdelay $0x2  }
.Ltmp16:
0x12d: {  	(pc) =	sbr.rel @p1 .LBB2_29-.Ltmp16, $4  }
0x12e: {  	_ = 	snop  }
0x12f: {  	v3 =	vadd.f32 v2, v3  }
0x130: {  	s22 =	sshra.s32 s12, $0x2  }
0x131: {  	s12 =	sadd.s32 $0x40, s12;
	v2 =	vld [tilespmem:s22+$0x11880];
	[tilespmem:s4+$0x11600] =	vst v3;
	s4 =	smov.u32 s22  }
0x132: {  	v3 =	vld [tilespmem:s4+$0x11600];
	_ =	sdelay $0x4  }
0x133: {  	v2 =	vadd.f32 v2, v3;
	_ =	sdelay $0x1  }
0x134: {  	[tilespmem:s4+$0x11600] =	vst v2  }
0x135: {  	[tilespmem:s8], [sflag:$0x2] =	stream.linear.gather [spmem:s0], $0x280, $0x38;
	[tilespmem:$0x1C608] =	vst v63  }
0x136: {  	_ =	swait.ge [sflag:s2], $0x280  }
0x137: {  	[sflag:s2] =	ssyncset.done $0x0  }
0x138: {  	s4 =	simm.s32 $0x0;
	[sflag:s2] =	ssyncadd.s32 $0xFFFFFD80  }
0x139: {  	s12 =	simm.s32 $0x40;
	v2 =	vld [tilespmem:s4+$0x11880]  }
.LBB2_31:
0x13a: {  	p1 =	sne.s32 s12, $0x9C0;
	v3 =	vld [tilespmem:s4+$0x11600];
	_ =	sdelay $0x2  }
.Ltmp17:
0x13b: {  	(pc) =	sbr.rel @p1 .LBB2_31-.Ltmp17, $4  }
0x13c: {  	_ = 	snop  }
0x13d: {  	v3 =	vadd.f32 v2, v3  }
0x13e: {  	s22 =	sshra.s32 s12, $0x2  }
0x13f: {  	s12 =	sadd.s32 $0x40, s12;
	v2 =	vld [tilespmem:s22+$0x11880];
	[tilespmem:s4+$0x11600] =	vst v3;
	s4 =	smov.u32 s22  }
0x140: {  	v3 =	vld [tilespmem:s4+$0x11600];
	_ =	sdelay $0x4  }
0x141: {  	v2 =	vadd.f32 v2, v3;
	_ =	sdelay $0x1  }
0x142: {  	[tilespmem:s4+$0x11600] =	vst v2  }
0x143: {  	[tilespmem:s8], [sflag:$0x2] =	stream.linear.gather [spmem:s3], $0x280, $0x38;
	[tilespmem:$0x1C608] =	vst v63  }
0x144: {  	_ =	swait.ge [sflag:s2], $0x280  }
0x145: {  	[sflag:s2] =	ssyncset.done $0x0  }
0x146: {  	s4 =	simm.s32 $0x0;
	[sflag:s2] =	ssyncadd.s32 $0xFFFFFD80  }
0x147: {  	s12 =	simm.s32 $0x40;
	v2 =	vld [tilespmem:s4+$0x11880]  }
.LBB2_33:
0x148: {  	p1 =	sne.s32 s12, $0x9C0;
	v3 =	vld [tilespmem:s4+$0x11600];
	_ =	sdelay $0x2  }
.Ltmp18:
0x149: {  	(pc) =	sbr.rel @p1 .LBB2_33-.Ltmp18, $4  }
0x14a: {  	_ = 	snop  }
0x14b: {  	v3 =	vadd.f32 v2, v3  }
0x14c: {  	s22 =	sshra.s32 s12, $0x2  }
0x14d: {  	s12 =	sadd.s32 $0x40, s12;
	v2 =	vld [tilespmem:s22+$0x11880];
	[tilespmem:s4+$0x11600] =	vst v3;
	s4 =	smov.u32 s22  }
0x14e: {  	v3 =	vld [tilespmem:s4+$0x11600];
	_ =	sdelay $0x4  }
0x14f: {  	v2 =	vadd.f32 v2, v3;
	_ =	sdelay $0x1  }
0x150: {  	[tilespmem:s4+$0x11600] =	vst v2  }
0x151: {  	[tilespmem:s8], [sflag:$0x2] =	stream.linear.gather [spmem:s1], $0x280, $0x38;
	[tilespmem:$0x1C608] =	vst v63  }
0x152: {  	_ =	swait.ge [sflag:s2], $0x280  }
0x153: {  	[sflag:s2] =	ssyncset.done $0x0  }
0x154: {  	s22 =	simm.s32 $0x0;
	[sflag:s2] =	ssyncadd.s32 $0xFFFFFD80  }
0x155: {  	s12 =	simm.s32 $0x40;
	s4 =	simm.s32 $0x0;
	v2 =	vld [tilespmem:s22+$0x11880]  }
.LBB2_35:
0x156: {  	p1 =	sne.s32 s12, $0x9C0;
	v3 =	vld [tilespmem:s4+$0x11600];
	_ =	sdelay $0x2  }
.Ltmp19:
0x157: {  	(pc) =	sbr.rel @p1 .LBB2_35-.Ltmp19, $4  }
0x158: {  	_ = 	snop  }
0x159: {  	v3 =	vadd.f32 v2, v3  }
0x15a: {  	s23 =	sshra.s32 s12, $0x2  }
0x15b: {  	s12 =	sadd.s32 $0x40, s12;
	v2 =	vld [tilespmem:s23+$0x11880];
	[tilespmem:s4+$0x11600] =	vst v3;
	s4 =	smov.u32 s23  }
0x15c: {  	v3 =	vld [tilespmem:s4+$0x11600];
	_ =	sdelay $0x4  }
0x15d: {  	v2 =	vadd.f32 v2, v3;
	_ =	sdelay $0x1  }
0x15e: {  	[tilespmem:s4+$0x11600] =	vst v2;
	s4 =	simm.s32 $0x40  }
.LBB2_37:
0x15f: {  	p1 =	seq.s32 s4, $0x9C0;
	v2 =	vld [tilespmem:s22+$0x11600];
	_ =	sdelay $0x4  }
0x160: {  	v2 =	vadd.f32 $1.000000000e+00, v2;
	_ =	sdelay $0x1  }
0x161: {  	v3 =	vshra.s32 v2, $0x1;
	v2 =	vmul.f32 $5.000000000e-01, v2  }
0x162: {  	v3 =	vsub.s32 $0x5F3759DF, v3  }
0x163: {  	v4 =	vmul.f32 v3, v2;
	_ =	sdelay $0x1  }
0x164: {  	v4 =	vmul.f32 v3, v4;
	_ =	sdelay $0x1  }
0x165: {  	v4 =	vsub.f32 $1.500000000e+00, v4;
	_ =	sdelay $0x1  }
0x166: {  	v3 =	vmul.f32 v3, v4;
	_ =	sdelay $0x1  }
0x167: {  	v4 =	vmul.f32 v3, v2;
	_ =	sdelay $0x1  }
0x168: {  	v4 =	vmul.f32 v4, v3;
	_ =	sdelay $0x1  }
0x169: {  	v4 =	vsub.f32 $1.500000000e+00, v4;
	_ =	sdelay $0x1  }
0x16a: {  	v3 =	vmul.f32 v4, v3;
	_ =	sdelay $0x1  }
0x16b: {  	v2 =	vmul.f32 v3, v2;
	_ =	sdelay $0x1  }
0x16c: {  	v2 =	vmul.f32 v2, v3;
	_ =	sdelay $0x1  }
.Ltmp20:
0x16d: {  	v2 =	vsub.f32 $1.500000000e+00, v2;
	(pc) =	sbr.rel @!p1 .LBB2_37-.Ltmp20, $3  }
0x16e: {  	_ = 	snop  }
0x16f: {  	v2 =	vmul.f32 v2, v3;
	_ =	sdelay $0x1  }
0x170: {  	[tilespmem:s22+$0x11600] =	vst v2;
	s22 =	sshra.s32 s4, $0x2;
	s4 =	sadd.s32 $0x40, s4  }
0x171: {  	v2 =	vld [tilespmem:s22+$0x11600];
	_ =	sdelay $0x4  }
0x172: {  	v2 =	vadd.f32 $1.000000000e+00, v2;
	_ =	sdelay $0x1  }
0x173: {  	v3 =	vshra.s32 v2, $0x1;
	v2 =	vmul.f32 $5.000000000e-01, v2  }
0x174: {  	v3 =	vsub.s32 $0x5F3759DF, v3  }
0x175: {  	v4 =	vmul.f32 v3, v2;
	_ =	sdelay $0x1  }
0x176: {  	v4 =	vmul.f32 v3, v4;
	_ =	sdelay $0x1  }
0x177: {  	v4 =	vsub.f32 $1.500000000e+00, v4;
	_ =	sdelay $0x1  }
0x178: {  	v3 =	vmul.f32 v3, v4;
	_ =	sdelay $0x1  }
0x179: {  	v4 =	vmul.f32 v3, v2;
	_ =	sdelay $0x1  }
0x17a: {  	v4 =	vmul.f32 v4, v3;
	_ =	sdelay $0x1  }
0x17b: {  	v4 =	vsub.f32 $1.500000000e+00, v4;
	_ =	sdelay $0x1  }
0x17c: {  	v3 =	vmul.f32 v4, v3;
	_ =	sdelay $0x1  }
0x17d: {  	v2 =	vmul.f32 v3, v2;
	_ =	sdelay $0x1  }
0x17e: {  	v2 =	vmul.f32 v2, v3;
	_ =	sdelay $0x1  }
0x17f: {  	v2 =	vsub.f32 $1.500000000e+00, v2;
	_ =	sdelay $0x1  }
0x180: {  	v2 =	vmul.f32 v2, v3;
	_ =	sdelay $0x1  }
0x181: {  	[tilespmem:s22+$0x11600] =	vst v2  }
0x182: {  	[spmem:s21] =	stream.linear.scatter [tilespmem:s7], [sflag:$0x2], $0x280, $0x38;
	[tilespmem:$0x1C608] =	vst v63  }
0x183: {  	_ =	swait.ge [sflag:s2], $0x280  }
0x184: {  	[sflag:s2] =	ssyncset.done $0x0  }
0x185: {  	[sflag:s2] =	ssyncadd.s32 $0xFFFFFD80  }
0x186: {  	[bflag:$0x0] =	sbarrier.arrive $0xFFFF  }
0x187: {  	s12 =	simm.s32 $0xC480;
	s4 =	rddreg [dreg:$0x6]  }
0x188: {  	[tilespmem:s12], [sflag:$0x2] =	stream.linear.gather [spmem:s4], $0x2780, $0x38;
	[tilespmem:$0x1C608] =	vst v63  }
0x189: {  	_ =	swait.ge [sflag:s2], $0x2780  }
0x18a: {  	[sflag:s2] =	ssyncset.done $0x0  }
0x18b: {  	[sflag:s2] =	ssyncadd.s32 $0xFFFFD880  }
0x18c: {  	[bflag:$0x0] =	sbarrier.arrive $0xFFFF  }
0x18d: {  	s12 =	rddreg [dreg:$0x8]  }
0x18e: {  	[tilespmem:s9], [sflag:$0x2] =	stream.linear.gather [hbm4b:s12+s5], $0x2780, $0x38;
	[tilespmem:$0x1C608] =	vst v63  }
0x18f: {  	_ =	swait.ge [sflag:s2], $0x2780  }
0x190: {  	[sflag:s2] =	ssyncset.done $0x0  }
0x191: {  	s23 =	simm.s32 $0x11380;
	s22 =	rddreg [dreg:$0xf];
	[sflag:s2] =	ssyncadd.s32 $0xFFFFD880  }
0x192: {  	[tilespmem:s23], [sflag:$0x2] =	stream.linear.gather [hbm4b:s22+s5], $0x280, $0x38;
	[tilespmem:$0x1C608] =	vst v63  }
0x193: {  	_ =	swait.ge [sflag:s2], $0x280  }
0x194: {  	[sflag:s2] =	ssyncset.done $0x0  }
0x195: {  	s24 =	simm.s32 $0x113A0;
	[sflag:s2] =	ssyncadd.s32 $0xFFFFFD80  }
0x196: {  	v2 =	vld [tilespmem:s24+$0x10]  }
0x197: {  	v3 =	vld [tilespmem:s24+$0xFFFFFFF0]  }
0x198: {  	v4 =	vld [tilespmem:s24+$0xFFFFFFE0]  }
0x199: {  	v5 =	vld [tilespmem:s24+$0x0]  }
0x19a: {  	s29 =	simm.s32 $0x113E0;
	v8 =	vld [tilespmem:s13+$0x10]  }
0x19b: {  	v6 =	vld [tilespmem:s29+$0x10]  }
0x19c: {  	v11 =	vld [tilespmem:s29+$0xFFFFFFF0]  }
0x19d: {  	v12 =	vld [tilespmem:s29+$0xFFFFFFE0]  }
0x19e: {  	v13 =	vld [tilespmem:s13+$0xFFFFFFE0]  }
0x19f: {  	v14 =	vld [tilespmem:s13+$0xFFFFFFF0]  }
0x1a0: {  	v7 =	vld [tilespmem:s13+$0x0]  }
0x1a1: {  	v2 =	vld.idx.msk [tilespmem:v2+s9+$0x0], $0xffff  }
0x1a2: {  	v10 =	vld.idx.msk [tilespmem:v3+s9+$0x0], $0xffff  }
0x1a3: {  	v9 =	vld.idx.msk [tilespmem:v4+s9+$0x0], $0xffff  }
0x1a4: {  	v3 =	vld [tilespmem:s29+$0x0]  }
0x1a5: {  	v4 =	vld.idx.msk [tilespmem:v5+s9+$0x0], $0xffff  }
0x1a6: {  	s22 =	sadd.s32 $0x40, s13;
	v6 =	vld.idx.msk [tilespmem:v6+s9+$0x0], $0xffff  }
0x1a7: {  	v2 =	vmul.f32 v2, v8;
	v8 =	vld [tilespmem:s22+$0x10]  }
0x1a8: {  	s4 =	simm.s32 $0x11620;
	v5 =	vld.idx.msk [tilespmem:v11+s9+$0x0], $0xffff;
	v9 =	vmul.f32 v9, v13  }
0x1a9: {  	s12 =	simm.s32 $0x4;
	s23 =	simm.s32 $0x11420;
	v10 =	vmul.f32 v10, v14;
	[tilespmem:s4+$0x10] =	vst v2;
	v2 =	vld.idx.msk [tilespmem:v12+s9+$0x0], $0xffff  }
.LBB2_39:
0x1aa: {  	v11 =	vld [tilespmem:s23+$0x10];
	s12 =	sadd.s32 $0x4, s12;
	[tilespmem:s4+$0xFFFFFFE0] =	vst v9;
	v4 =	vmul.f32 v4, v7  }
0x1ab: {  	v9 =	vld [tilespmem:s23+$0xFFFFFFF0];
	p1 =	slt.u32 s12, $0x24;
	[tilespmem:s4+$0xFFFFFFF0] =	vst v10  }
0x1ac: {  	v10 =	vld [tilespmem:s23+$0x0];
	v6 =	vmul.f32 v6, v8;
	[tilespmem:s4+$0x0] =	vst v4  }
0x1ad: {  	s4 =	sadd.s32 $0x40, s4;
	v12 =	vld [tilespmem:s23+$0xFFFFFFE0]  }
0x1ae: {  	v13 =	vmov v5;
	v4 =	vld.idx.msk [tilespmem:v3+s9+$0x0], $0xffff;
	[tilespmem:s4+$0x10] =	vst v6  }
0x1af: {  	v14 =	vld [tilespmem:s22+$0xFFFFFFE0]  }
0x1b0: {  	v15 =	vld [tilespmem:s22+$0xFFFFFFF0]  }
.Ltmp21:
0x1b1: {  	v7 =	vld [tilespmem:s22+$0x0];
	v3 =	vmov v10;
	(pc) =	sbr.rel @p1 .LBB2_39-.Ltmp21, $4  }
0x1b2: {  	s22 =	sadd.s32 $0x40, s22;
	v6 =	vld.idx.msk [tilespmem:v11+s9+$0x0], $0xffff  }
0x1b3: {  	v8 =	vld [tilespmem:s22+$0x10]  }
0x1b4: {  	v5 =	vld.idx.msk [tilespmem:v9+s9+$0x0], $0xffff;
	v9 =	vmul.f32 v2, v14  }
0x1b5: {  	s23 =	sadd.s32 $0x40, s23;
	v2 =	vld.idx.msk [tilespmem:v12+s9+$0x0], $0xffff;
	v10 =	vmul.f32 v13, v15  }
0x1b6: {  	_ =	sdelay $0x3  }
0x1b7: {  	v3 =	vld.idx.msk [tilespmem:v3+s9+$0x0], $0xffff  }
0x1b8: {  	v11 =	vld [tilespmem:s22+$0xFFFFFFE0]  }
0x1b9: {  	v12 =	vld [tilespmem:s22+$0xFFFFFFF0]  }
0x1ba: {  	v13 =	vld [tilespmem:s22+$0x0]  }
0x1bb: {  	[tilespmem:s4+$0xFFFFFFE0] =	vst v9;
	v4 =	vmul.f32 v4, v7  }
0x1bc: {  	[tilespmem:s4+$0xFFFFFFF0] =	vst v10;
	v6 =	vmul.f32 v6, v8  }
0x1bd: {  	s24 =	sadd.s32 $0x40, s4;
	[tilespmem:s4+$0x0] =	vst v4;
	v2 =	vmul.f32 v2, v11  }
0x1be: {  	[tilespmem:s24+$0x10] =	vst v6;
	v63 =	vmul.f32 v5, v12  }
0x1bf: {  	[tilespmem:s24+$0xFFFFFFE0] =	vst v2;
	v2 =	vmul.f32 v3, v13  }
0x1c0: {  	[tilespmem:s24+$0xFFFFFFF0] =	vst v63  }
0x1c1: {  	[tilespmem:s24+$0x0] =	vst v2  }
0x1c2: {  	[spmem:s21] =	stream.linear.scatter [tilespmem:s7], [sflag:$0x2], $0x280, $0x38;
	[tilespmem:$0x1C608] =	vst v63  }
0x1c3: {  	_ =	swait.ge [sflag:s2], $0x280  }
0x1c4: {  	[sflag:s2] =	ssyncset.done $0x0  }
0x1c5: {  	[sflag:s2] =	ssyncadd.s32 $0xFFFFFD80  }
0x1c6: {  	[bflag:$0x0] =	sbarrier.arrive $0xFFFF  }
0x1c7: {  	s29 =	rddreg [dreg:$0x6]  }
0x1c8: {  	[tilespmem:s9], [sflag:$0x2] =	stream.linear.gather [spmem:s29], $0x2780, $0x38;
	[tilespmem:$0x1C608] =	vst v63  }
0x1c9: {  	_ =	swait.ge [sflag:s2], $0x2780  }
0x1ca: {  	[sflag:s2] =	ssyncset.done $0x0  }
0x1cb: {  	s4 =	simm.s32 $0xEC40;
	[sflag:s2] =	ssyncadd.s32 $0xFFFFD880  }
0x1cc: {  	[tilespmem:s4+$0xFFFFFFC0] =	vst v0  }
0x1cd: {  	[tilespmem:s4+$0x30] =	vst v0  }
0x1ce: {  	[tilespmem:s4+$0x20] =	vst v0  }
0x1cf: {  	[tilespmem:s4+$0x10] =	vst v0  }
0x1d0: {  	[tilespmem:s4+$0x0] =	vst v0  }
0x1d1: {  	[tilespmem:s4+$0xFFFFFFF0] =	vst v0  }
0x1d2: {  	s12 =	simm.s32 $0x0;
	[tilespmem:s4+$0xFFFFFFE0] =	vst v0  }
.LBB2_41:
0x1d3: {  	s12 =	sadd.s32 $0x8, s12;
	[tilespmem:s4+$0xFFFFFFD0] =	vst v0;
	s4 =	sadd.s32 $0x80, s4  }
0x1d4: {  	[tilespmem:s4+$0xFFFFFFC0] =	vst v0;
	p1 =	slt.u32 s12, $0x268  }
0x1d5: {  	[tilespmem:s4+$0x30] =	vst v0  }
.Ltmp22:
0x1d6: {  	[tilespmem:s4+$0x20] =	vst v0;
	(pc) =	sbr.rel @p1 .LBB2_41-.Ltmp22, $4  }
0x1d7: {  	[tilespmem:s4+$0x10] =	vst v0  }
0x1d8: {  	[tilespmem:s4+$0x0] =	vst v0  }
0x1d9: {  	[tilespmem:s4+$0xFFFFFFF0] =	vst v0  }
0x1da: {  	[tilespmem:s4+$0xFFFFFFE0] =	vst v0  }
0x1db: {  	[tilespmem:s4+$0xFFFFFFD0] =	vst v0  }
0x1dc: {  	s22 =	simm.s32 $0xFFFFFFF0;
	s4 =	simm.s32 $0x4F00;
	s23 =	simm.s32 $0x80;
	[tilespmem:$0x11300] =	vst v0  }
.LBB2_43:
0x1dd: {  	v2 =	vld [tilespmem:s23+$0xFFFFFF80];
	_ =	sdelay $0x4  }
0x1de: {  	v3 =	vld [tilespmem:s4+$0xFFFFFF80];
	_ =	sdelay $0x2  }
0x1df: {  	v2 =	vld.idx.msk [tilespmem:v2+s9+$0x0], $0xffff;
	_ =	sdelay $0x4  }
0x1e0: {  	[tilespmem:v3+s6+$0x0] =	vst.idx.add.f32.msk $0xffff, v2  }
0x1e1: {  	v2 =	vld [tilespmem:s23+$0xFFFFFF90];
	_ =	sdelay $0x4  }
0x1e2: {  	v3 =	vld [tilespmem:s4+$0xFFFFFF90];
	_ =	sdelay $0x2  }
0x1e3: {  	v2 =	vld.idx.msk [tilespmem:v2+s9+$0x0], $0xffff;
	_ =	sdelay $0x4  }
0x1e4: {  	[tilespmem:v3+s6+$0x0] =	vst.idx.add.f32.msk $0xffff, v2  }
0x1e5: {  	v2 =	vld [tilespmem:s23+$0xFFFFFFA0];
	_ =	sdelay $0x4  }
0x1e6: {  	v3 =	vld [tilespmem:s4+$0xFFFFFFA0];
	_ =	sdelay $0x2  }
0x1e7: {  	v2 =	vld.idx.msk [tilespmem:v2+s9+$0x0], $0xffff;
	_ =	sdelay $0x4  }
0x1e8: {  	[tilespmem:v3+s6+$0x0] =	vst.idx.add.f32.msk $0xffff, v2  }
0x1e9: {  	v2 =	vld [tilespmem:s23+$0xFFFFFFB0];
	_ =	sdelay $0x4  }
0x1ea: {  	v3 =	vld [tilespmem:s4+$0xFFFFFFB0];
	_ =	sdelay $0x2  }
0x1eb: {  	v2 =	vld.idx.msk [tilespmem:v2+s9+$0x0], $0xffff;
	_ =	sdelay $0x4  }
0x1ec: {  	[tilespmem:v3+s6+$0x0] =	vst.idx.add.f32.msk $0xffff, v2  }
0x1ed: {  	v2 =	vld [tilespmem:s23+$0xFFFFFFC0];
	_ =	sdelay $0x4  }
0x1ee: {  	v3 =	vld [tilespmem:s4+$0xFFFFFFC0];
	_ =	sdelay $0x2  }
0x1ef: {  	v2 =	vld.idx.msk [tilespmem:v2+s9+$0x0], $0xffff;
	_ =	sdelay $0x4  }
0x1f0: {  	[tilespmem:v3+s6+$0x0] =	vst.idx.add.f32.msk $0xffff, v2  }
0x1f1: {  	v2 =	vld [tilespmem:s23+$0xFFFFFFD0];
	_ =	sdelay $0x4  }
0x1f2: {  	v3 =	vld [tilespmem:s4+$0xFFFFFFD0];
	_ =	sdelay $0x2  }
0x1f3: {  	v2 =	vld.idx.msk [tilespmem:v2+s9+$0x0], $0xffff;
	_ =	sdelay $0x4  }
0x1f4: {  	[tilespmem:v3+s6+$0x0] =	vst.idx.add.f32.msk $0xffff, v2  }
0x1f5: {  	v2 =	vld [tilespmem:s23+$0xFFFFFFE0];
	_ =	sdelay $0x4  }
0x1f6: {  	v3 =	vld [tilespmem:s4+$0xFFFFFFE0];
	_ =	sdelay $0x2  }
0x1f7: {  	v2 =	vld.idx.msk [tilespmem:v2+s9+$0x0], $0xffff;
	_ =	sdelay $0x4  }
0x1f8: {  	[tilespmem:v3+s6+$0x0] =	vst.idx.add.f32.msk $0xffff, v2  }
0x1f9: {  	v2 =	vld [tilespmem:s23+$0xFFFFFFF0];
	_ =	sdelay $0x4  }
0x1fa: {  	v3 =	vld [tilespmem:s4+$0xFFFFFFF0];
	_ =	sdelay $0x2  }
0x1fb: {  	v2 =	vld.idx.msk [tilespmem:v2+s9+$0x0], $0xffff;
	_ =	sdelay $0x4  }
0x1fc: {  	[tilespmem:v3+s6+$0x0] =	vst.idx.add.f32.msk $0xffff, v2  }
0x1fd: {  	v2 =	vld [tilespmem:s23+$0x0];
	_ =	sdelay $0x4  }
0x1fe: {  	v3 =	vld [tilespmem:s4+$0x0];
	_ =	sdelay $0x2  }
0x1ff: {  	v2 =	vld.idx.msk [tilespmem:v2+s9+$0x0], $0xffff;
	_ =	sdelay $0x4  }
0x200: {  	[tilespmem:v3+s6+$0x0] =	vst.idx.add.f32.msk $0xffff, v2  }
0x201: {  	v2 =	vld [tilespmem:s23+$0x10];
	_ =	sdelay $0x4  }
0x202: {  	v3 =	vld [tilespmem:s4+$0x10];
	_ =	sdelay $0x2  }
0x203: {  	v2 =	vld.idx.msk [tilespmem:v2+s9+$0x0], $0xffff;
	_ =	sdelay $0x4  }
0x204: {  	[tilespmem:v3+s6+$0x0] =	vst.idx.add.f32.msk $0xffff, v2  }
0x205: {  	v2 =	vld [tilespmem:s23+$0x20];
	_ =	sdelay $0x4  }
0x206: {  	v3 =	vld [tilespmem:s4+$0x20];
	_ =	sdelay $0x2  }
0x207: {  	v2 =	vld.idx.msk [tilespmem:v2+s9+$0x0], $0xffff;
	_ =	sdelay $0x4  }
0x208: {  	[tilespmem:v3+s6+$0x0] =	vst.idx.add.f32.msk $0xffff, v2  }
0x209: {  	v2 =	vld [tilespmem:s23+$0x30];
	_ =	sdelay $0x4  }
0x20a: {  	v3 =	vld [tilespmem:s4+$0x30];
	_ =	sdelay $0x2  }
0x20b: {  	v2 =	vld.idx.msk [tilespmem:v2+s9+$0x0], $0xffff;
	_ =	sdelay $0x4  }
0x20c: {  	[tilespmem:v3+s6+$0x0] =	vst.idx.add.f32.msk $0xffff, v2  }
0x20d: {  	v2 =	vld [tilespmem:s23+$0x40];
	_ =	sdelay $0x4  }
0x20e: {  	v3 =	vld [tilespmem:s4+$0x40];
	_ =	sdelay $0x2  }
0x20f: {  	v2 =	vld.idx.msk [tilespmem:v2+s9+$0x0], $0xffff;
	_ =	sdelay $0x4  }
0x210: {  	[tilespmem:v3+s6+$0x0] =	vst.idx.add.f32.msk $0xffff, v2  }
0x211: {  	v2 =	vld [tilespmem:s23+$0x50];
	_ =	sdelay $0x4  }
0x212: {  	v3 =	vld [tilespmem:s4+$0x50];
	_ =	sdelay $0x2  }
0x213: {  	v2 =	vld.idx.msk [tilespmem:v2+s9+$0x0], $0xffff;
	_ =	sdelay $0x4  }
0x214: {  	[tilespmem:v3+s6+$0x0] =	vst.idx.add.f32.msk $0xffff, v2  }
0x215: {  	v2 =	vld [tilespmem:s23+$0x60];
	_ =	sdelay $0x4  }
0x216: {  	v3 =	vld [tilespmem:s4+$0x60];
	_ =	sdelay $0x2  }
0x217: {  	v2 =	vld.idx.msk [tilespmem:v2+s9+$0x0], $0xffff;
	_ =	sdelay $0x4  }
0x218: {  	[tilespmem:v3+s6+$0x0] =	vst.idx.add.f32.msk $0xffff, v2  }
0x219: {  	v2 =	vld [tilespmem:s23+$0x70];
	_ =	sdelay $0x4  }
0x21a: {  	v3 =	vld [tilespmem:s4+$0x70];
	_ =	sdelay $0x1  }
0x21b: {  	s22 =	sadd.s32 $0x10, s22  }
0x21c: {  	p1 =	slt.u32 s22, $0x4D0;
	v2 =	vld.idx.msk [tilespmem:v2+s9+$0x0], $0xffff  }
.Ltmp23:
0x21d: {  	_ = 	snop;
	(pc) =	sbr.rel @p1 .LBB2_43-.Ltmp23, $2  }
0x21e: {  	_ =	sdelay $0x2  }
0x21f: {  	s4 =	sadd.s32 $0x100, s4;
	s23 =	sadd.s32 $0x100, s23;
	[tilespmem:v3+s6+$0x0] =	vst.idx.add.f32.msk $0xffff, v2  }
0x220: {  	v2 =	vld [tilespmem:$0x4E00];
	_ =	sdelay $0x4  }
0x221: {  	v3 =	vld [tilespmem:$0x9C80];
	_ =	sdelay $0x2  }
0x222: {  	v2 =	vld.idx.msk [tilespmem:v2+s9+$0x0], $0xffff;
	_ =	sdelay $0x4  }
0x223: {  	[tilespmem:v3+s6+$0x0] =	vst.idx.add.f32.msk $0xffff, v2  }
0x224: {  	v2 =	vld [tilespmem:$0x4E10];
	_ =	sdelay $0x4  }
0x225: {  	v3 =	vld [tilespmem:$0x9C90];
	_ =	sdelay $0x2  }
0x226: {  	v2 =	vld.idx.msk [tilespmem:v2+s9+$0x0], $0xffff;
	_ =	sdelay $0x4  }
0x227: {  	s4 =	rddreg [dreg:$0xd];
	[tilespmem:v3+s6+$0x0] =	vst.idx.add.f32.msk $0xffff, v2  }
0x228: {  	[spmem:s4] =	stream.linear.scatter [tilespmem:s6], [sflag:$0x2], $0x2710, $0x38;
	[tilespmem:$0x1C608] =	vst v63  }
0x229: {  	_ =	swait.ge [sflag:s2], $0x2710  }
0x22a: {  	[sflag:s2] =	ssyncset.done $0x0  }
0x22b: {  	[sflag:s2] =	ssyncadd.s32 $0xFFFFD8F0  }
0x22c: {  	[bflag:$0x0] =	sbarrier.arrive $0xFFFF  }
0x22d: {  	[tilespmem:s7], [sflag:$0x2] =	stream.linear.gather [spmem:s10], $0x280, $0x38;
	[tilespmem:$0x1C608] =	vst v63  }
0x22e: {  	_ =	swait.ge [sflag:s2], $0x280  }
0x22f: {  	[sflag:s2] =	ssyncset.done $0x0  }
0x230: {  	s29 =	rddreg [dreg:$0xe];
	[sflag:s2] =	ssyncadd.s32 $0xFFFFFD80  }
0x231: {  	[tilespmem:s8], [sflag:$0x2] =	stream.linear.gather [spmem:s29], $0x280, $0x38;
	[tilespmem:$0x1C608] =	vst v63  }
0x232: {  	_ =	swait.ge [sflag:s2], $0x280  }
0x233: {  	[sflag:s2] =	ssyncset.done $0x0  }
0x234: {  	s4 =	simm.s32 $0x0;
	[sflag:s2] =	ssyncadd.s32 $0xFFFFFD80  }
0x235: {  	s12 =	simm.s32 $0x40;
	v2 =	vld [tilespmem:s4+$0x11880]  }
.LBB2_45:
0x236: {  	p1 =	sne.s32 s12, $0x9C0;
	v3 =	vld [tilespmem:s4+$0x11600];
	_ =	sdelay $0x2  }
.Ltmp24:
0x237: {  	(pc) =	sbr.rel @p1 .LBB2_45-.Ltmp24, $4  }
0x238: {  	_ = 	snop  }
0x239: {  	v3 =	vadd.f32 v2, v3  }
0x23a: {  	s22 =	sshra.s32 s12, $0x2  }
0x23b: {  	s12 =	sadd.s32 $0x40, s12;
	v2 =	vld [tilespmem:s22+$0x11880];
	[tilespmem:s4+$0x11600] =	vst v3;
	s4 =	smov.u32 s22  }
0x23c: {  	v3 =	vld [tilespmem:s4+$0x11600];
	_ =	sdelay $0x4  }
0x23d: {  	v2 =	vadd.f32 v2, v3;
	_ =	sdelay $0x1  }
0x23e: {  	[tilespmem:s4+$0x11600] =	vst v2  }
0x23f: {  	[tilespmem:s8], [sflag:$0x2] =	stream.linear.gather [spmem:s14], $0x280, $0x38;
	[tilespmem:$0x1C608] =	vst v63  }
0x240: {  	_ =	swait.ge [sflag:s2], $0x280  }
0x241: {  	[sflag:s2] =	ssyncset.done $0x0  }
0x242: {  	s4 =	simm.s32 $0x0;
	[sflag:s2] =	ssyncadd.s32 $0xFFFFFD80  }
0x243: {  	s12 =	simm.s32 $0x40;
	v2 =	vld [tilespmem:s4+$0x11880]  }
.LBB2_47:
0x244: {  	p1 =	sne.s32 s12, $0x9C0;
	v3 =	vld [tilespmem:s4+$0x11600];
	_ =	sdelay $0x2  }
.Ltmp25:
0x245: {  	(pc) =	sbr.rel @p1 .LBB2_47-.Ltmp25, $4  }
0x246: {  	_ = 	snop  }
0x247: {  	v3 =	vadd.f32 v2, v3  }
0x248: {  	s22 =	sshra.s32 s12, $0x2  }
0x249: {  	s12 =	sadd.s32 $0x40, s12;
	v2 =	vld [tilespmem:s22+$0x11880];
	[tilespmem:s4+$0x11600] =	vst v3;
	s4 =	smov.u32 s22  }
0x24a: {  	v3 =	vld [tilespmem:s4+$0x11600];
	_ =	sdelay $0x4  }
0x24b: {  	v2 =	vadd.f32 v2, v3;
	_ =	sdelay $0x1  }
0x24c: {  	[tilespmem:s4+$0x11600] =	vst v2  }
0x24d: {  	[tilespmem:s8], [sflag:$0x2] =	stream.linear.gather [spmem:s15], $0x280, $0x38;
	[tilespmem:$0x1C608] =	vst v63  }
0x24e: {  	_ =	swait.ge [sflag:s2], $0x280  }
0x24f: {  	[sflag:s2] =	ssyncset.done $0x0  }
0x250: {  	s4 =	simm.s32 $0x0;
	[sflag:s2] =	ssyncadd.s32 $0xFFFFFD80  }
0x251: {  	s12 =	simm.s32 $0x40;
	v2 =	vld [tilespmem:s4+$0x11880]  }
.LBB2_49:
0x252: {  	p1 =	sne.s32 s12, $0x9C0;
	v3 =	vld [tilespmem:s4+$0x11600];
	_ =	sdelay $0x2  }
.Ltmp26:
0x253: {  	(pc) =	sbr.rel @p1 .LBB2_49-.Ltmp26, $4  }
0x254: {  	_ = 	snop  }
0x255: {  	v3 =	vadd.f32 v2, v3  }
0x256: {  	s22 =	sshra.s32 s12, $0x2  }
0x257: {  	s12 =	sadd.s32 $0x40, s12;
	v2 =	vld [tilespmem:s22+$0x11880];
	[tilespmem:s4+$0x11600] =	vst v3;
	s4 =	smov.u32 s22  }
0x258: {  	v3 =	vld [tilespmem:s4+$0x11600];
	_ =	sdelay $0x4  }
0x259: {  	v2 =	vadd.f32 v2, v3;
	_ =	sdelay $0x1  }
0x25a: {  	[tilespmem:s4+$0x11600] =	vst v2  }
0x25b: {  	[tilespmem:s8], [sflag:$0x2] =	stream.linear.gather [spmem:s16], $0x280, $0x38;
	[tilespmem:$0x1C608] =	vst v63  }
0x25c: {  	_ =	swait.ge [sflag:s2], $0x280  }
0x25d: {  	[sflag:s2] =	ssyncset.done $0x0  }
0x25e: {  	s4 =	simm.s32 $0x0;
	[sflag:s2] =	ssyncadd.s32 $0xFFFFFD80  }
0x25f: {  	s12 =	simm.s32 $0x40;
	v2 =	vld [tilespmem:s4+$0x11880]  }
.LBB2_51:
0x260: {  	p1 =	sne.s32 s12, $0x9C0;
	v3 =	vld [tilespmem:s4+$0x11600];
	_ =	sdelay $0x2  }
.Ltmp27:
0x261: {  	(pc) =	sbr.rel @p1 .LBB2_51-.Ltmp27, $4  }
0x262: {  	_ = 	snop  }
0x263: {  	v3 =	vadd.f32 v2, v3  }
0x264: {  	s22 =	sshra.s32 s12, $0x2  }
0x265: {  	s12 =	sadd.s32 $0x40, s12;
	v2 =	vld [tilespmem:s22+$0x11880];
	[tilespmem:s4+$0x11600] =	vst v3;
	s4 =	smov.u32 s22  }
0x266: {  	v3 =	vld [tilespmem:s4+$0x11600];
	_ =	sdelay $0x4  }
0x267: {  	v2 =	vadd.f32 v2, v3;
	_ =	sdelay $0x1  }
0x268: {  	[tilespmem:s4+$0x11600] =	vst v2  }
0x269: {  	[tilespmem:s8], [sflag:$0x2] =	stream.linear.gather [spmem:s17], $0x280, $0x38;
	[tilespmem:$0x1C608] =	vst v63  }
0x26a: {  	_ =	swait.ge [sflag:s2], $0x280  }
0x26b: {  	[sflag:s2] =	ssyncset.done $0x0  }
0x26c: {  	s4 =	simm.s32 $0x0;
	[sflag:s2] =	ssyncadd.s32 $0xFFFFFD80  }
0x26d: {  	s12 =	simm.s32 $0x40;
	v2 =	vld [tilespmem:s4+$0x11880]  }
.LBB2_53:
0x26e: {  	p1 =	sne.s32 s12, $0x9C0;
	v3 =	vld [tilespmem:s4+$0x11600];
	_ =	sdelay $0x2  }
.Ltmp28:
0x26f: {  	(pc) =	sbr.rel @p1 .LBB2_53-.Ltmp28, $4  }
0x270: {  	_ = 	snop  }
0x271: {  	v3 =	vadd.f32 v2, v3  }
0x272: {  	s22 =	sshra.s32 s12, $0x2  }
0x273: {  	s12 =	sadd.s32 $0x40, s12;
	v2 =	vld [tilespmem:s22+$0x11880];
	[tilespmem:s4+$0x11600] =	vst v3;
	s4 =	smov.u32 s22  }
0x274: {  	v3 =	vld [tilespmem:s4+$0x11600];
	_ =	sdelay $0x4  }
0x275: {  	v2 =	vadd.f32 v2, v3;
	_ =	sdelay $0x1  }
0x276: {  	[tilespmem:s4+$0x11600] =	vst v2  }
0x277: {  	[tilespmem:s8], [sflag:$0x2] =	stream.linear.gather [spmem:s18], $0x280, $0x38;
	[tilespmem:$0x1C608] =	vst v63  }
0x278: {  	_ =	swait.ge [sflag:s2], $0x280  }
0x279: {  	[sflag:s2] =	ssyncset.done $0x0  }
0x27a: {  	s4 =	simm.s32 $0x0;
	[sflag:s2] =	ssyncadd.s32 $0xFFFFFD80  }
0x27b: {  	s12 =	simm.s32 $0x40;
	v2 =	vld [tilespmem:s4+$0x11880]  }
.LBB2_55:
0x27c: {  	p1 =	sne.s32 s12, $0x9C0;
	v3 =	vld [tilespmem:s4+$0x11600];
	_ =	sdelay $0x2  }
.Ltmp29:
0x27d: {  	(pc) =	sbr.rel @p1 .LBB2_55-.Ltmp29, $4  }
0x27e: {  	_ = 	snop  }
0x27f: {  	v3 =	vadd.f32 v2, v3  }
0x280: {  	s22 =	sshra.s32 s12, $0x2  }
0x281: {  	s12 =	sadd.s32 $0x40, s12;
	v2 =	vld [tilespmem:s22+$0x11880];
	[tilespmem:s4+$0x11600] =	vst v3;
	s4 =	smov.u32 s22  }
0x282: {  	v3 =	vld [tilespmem:s4+$0x11600];
	_ =	sdelay $0x4  }
0x283: {  	v2 =	vadd.f32 v2, v3;
	_ =	sdelay $0x1  }
0x284: {  	[tilespmem:s4+$0x11600] =	vst v2  }
0x285: {  	[tilespmem:s8], [sflag:$0x2] =	stream.linear.gather [spmem:s20], $0x280, $0x38;
	[tilespmem:$0x1C608] =	vst v63  }
0x286: {  	_ =	swait.ge [sflag:s2], $0x280  }
0x287: {  	[sflag:s2] =	ssyncset.done $0x0  }
0x288: {  	s4 =	simm.s32 $0x0;
	[sflag:s2] =	ssyncadd.s32 $0xFFFFFD80  }
0x289: {  	s12 =	simm.s32 $0x40;
	v2 =	vld [tilespmem:s4+$0x11880]  }
.LBB2_57:
0x28a: {  	p1 =	sne.s32 s12, $0x9C0;
	v3 =	vld [tilespmem:s4+$0x11600];
	_ =	sdelay $0x2  }
.Ltmp30:
0x28b: {  	(pc) =	sbr.rel @p1 .LBB2_57-.Ltmp30, $4  }
0x28c: {  	_ = 	snop  }
0x28d: {  	v3 =	vadd.f32 v2, v3  }
0x28e: {  	s22 =	sshra.s32 s12, $0x2  }
0x28f: {  	s12 =	sadd.s32 $0x40, s12;
	v2 =	vld [tilespmem:s22+$0x11880];
	[tilespmem:s4+$0x11600] =	vst v3;
	s4 =	smov.u32 s22  }
0x290: {  	v3 =	vld [tilespmem:s4+$0x11600];
	_ =	sdelay $0x4  }
0x291: {  	v2 =	vadd.f32 v2, v3;
	_ =	sdelay $0x1  }
0x292: {  	[tilespmem:s4+$0x11600] =	vst v2  }
0x293: {  	[tilespmem:s8], [sflag:$0x2] =	stream.linear.gather [spmem:s11], $0x280, $0x38;
	[tilespmem:$0x1C608] =	vst v63  }
0x294: {  	_ =	swait.ge [sflag:s2], $0x280  }
0x295: {  	[sflag:s2] =	ssyncset.done $0x0  }
0x296: {  	s4 =	simm.s32 $0x0;
	[sflag:s2] =	ssyncadd.s32 $0xFFFFFD80  }
0x297: {  	s12 =	simm.s32 $0x40;
	v2 =	vld [tilespmem:s4+$0x11880]  }
.LBB2_59:
0x298: {  	p1 =	sne.s32 s12, $0x9C0;
	v3 =	vld [tilespmem:s4+$0x11600];
	_ =	sdelay $0x2  }
.Ltmp31:
0x299: {  	(pc) =	sbr.rel @p1 .LBB2_59-.Ltmp31, $4  }
0x29a: {  	_ = 	snop  }
0x29b: {  	v3 =	vadd.f32 v2, v3  }
0x29c: {  	s22 =	sshra.s32 s12, $0x2  }
0x29d: {  	s12 =	sadd.s32 $0x40, s12;
	v2 =	vld [tilespmem:s22+$0x11880];
	[tilespmem:s4+$0x11600] =	vst v3;
	s4 =	smov.u32 s22  }
0x29e: {  	v3 =	vld [tilespmem:s4+$0x11600];
	_ =	sdelay $0x4  }
0x29f: {  	v2 =	vadd.f32 v2, v3;
	_ =	sdelay $0x1  }
0x2a0: {  	[tilespmem:s4+$0x11600] =	vst v2  }
0x2a1: {  	[tilespmem:s8], [sflag:$0x2] =	stream.linear.gather [spmem:s26], $0x280, $0x38;
	[tilespmem:$0x1C608] =	vst v63  }
0x2a2: {  	_ =	swait.ge [sflag:s2], $0x280  }
0x2a3: {  	[sflag:s2] =	ssyncset.done $0x0  }
0x2a4: {  	s4 =	simm.s32 $0x0;
	[sflag:s2] =	ssyncadd.s32 $0xFFFFFD80  }
0x2a5: {  	s12 =	simm.s32 $0x40;
	v2 =	vld [tilespmem:s4+$0x11880]  }
.LBB2_61:
0x2a6: {  	p1 =	sne.s32 s12, $0x9C0;
	v3 =	vld [tilespmem:s4+$0x11600];
	_ =	sdelay $0x2  }
.Ltmp32:
0x2a7: {  	(pc) =	sbr.rel @p1 .LBB2_61-.Ltmp32, $4  }
0x2a8: {  	_ = 	snop  }
0x2a9: {  	v3 =	vadd.f32 v2, v3  }
0x2aa: {  	s22 =	sshra.s32 s12, $0x2  }
0x2ab: {  	s12 =	sadd.s32 $0x40, s12;
	v2 =	vld [tilespmem:s22+$0x11880];
	[tilespmem:s4+$0x11600] =	vst v3;
	s4 =	smov.u32 s22  }
0x2ac: {  	v3 =	vld [tilespmem:s4+$0x11600];
	_ =	sdelay $0x4  }
0x2ad: {  	v2 =	vadd.f32 v2, v3;
	_ =	sdelay $0x1  }
0x2ae: {  	[tilespmem:s4+$0x11600] =	vst v2  }
0x2af: {  	[tilespmem:s8], [sflag:$0x2] =	stream.linear.gather [spmem:s28], $0x280, $0x38;
	[tilespmem:$0x1C608] =	vst v63  }
0x2b0: {  	_ =	swait.ge [sflag:s2], $0x280  }
0x2b1: {  	[sflag:s2] =	ssyncset.done $0x0  }
0x2b2: {  	s4 =	simm.s32 $0x0;
	[sflag:s2] =	ssyncadd.s32 $0xFFFFFD80  }
0x2b3: {  	s12 =	simm.s32 $0x40;
	v2 =	vld [tilespmem:s4+$0x11880]  }
.LBB2_63:
0x2b4: {  	p1 =	sne.s32 s12, $0x9C0;
	v3 =	vld [tilespmem:s4+$0x11600];
	_ =	sdelay $0x2  }
.Ltmp33:
0x2b5: {  	(pc) =	sbr.rel @p1 .LBB2_63-.Ltmp33, $4  }
0x2b6: {  	_ = 	snop  }
0x2b7: {  	v3 =	vadd.f32 v2, v3  }
0x2b8: {  	s22 =	sshra.s32 s12, $0x2  }
0x2b9: {  	s12 =	sadd.s32 $0x40, s12;
	v2 =	vld [tilespmem:s22+$0x11880];
	[tilespmem:s4+$0x11600] =	vst v3;
	s4 =	smov.u32 s22  }
0x2ba: {  	v3 =	vld [tilespmem:s4+$0x11600];
	_ =	sdelay $0x4  }
0x2bb: {  	v2 =	vadd.f32 v2, v3;
	_ =	sdelay $0x1  }
0x2bc: {  	[tilespmem:s4+$0x11600] =	vst v2  }
0x2bd: {  	[tilespmem:s8], [sflag:$0x2] =	stream.linear.gather [spmem:s31], $0x280, $0x38;
	[tilespmem:$0x1C608] =	vst v63  }
0x2be: {  	_ =	swait.ge [sflag:s2], $0x280  }
0x2bf: {  	[sflag:s2] =	ssyncset.done $0x0  }
0x2c0: {  	s4 =	simm.s32 $0x0;
	[sflag:s2] =	ssyncadd.s32 $0xFFFFFD80  }
0x2c1: {  	s12 =	simm.s32 $0x40;
	v2 =	vld [tilespmem:s4+$0x11880]  }
.LBB2_65:
0x2c2: {  	p1 =	sne.s32 s12, $0x9C0;
	v3 =	vld [tilespmem:s4+$0x11600];
	_ =	sdelay $0x2  }
.Ltmp34:
0x2c3: {  	(pc) =	sbr.rel @p1 .LBB2_65-.Ltmp34, $4  }
0x2c4: {  	_ = 	snop  }
0x2c5: {  	v3 =	vadd.f32 v2, v3  }
0x2c6: {  	s22 =	sshra.s32 s12, $0x2  }
0x2c7: {  	s12 =	sadd.s32 $0x40, s12;
	v2 =	vld [tilespmem:s22+$0x11880];
	[tilespmem:s4+$0x11600] =	vst v3;
	s4 =	smov.u32 s22  }
0x2c8: {  	v3 =	vld [tilespmem:s4+$0x11600];
	_ =	sdelay $0x4  }
0x2c9: {  	v2 =	vadd.f32 v2, v3;
	_ =	sdelay $0x1  }
0x2ca: {  	[tilespmem:s4+$0x11600] =	vst v2  }
0x2cb: {  	[tilespmem:s8], [sflag:$0x2] =	stream.linear.gather [spmem:s30], $0x280, $0x38;
	[tilespmem:$0x1C608] =	vst v63  }
0x2cc: {  	_ =	swait.ge [sflag:s2], $0x280  }
0x2cd: {  	[sflag:s2] =	ssyncset.done $0x0  }
0x2ce: {  	s4 =	simm.s32 $0x0;
	[sflag:s2] =	ssyncadd.s32 $0xFFFFFD80  }
0x2cf: {  	s12 =	simm.s32 $0x40;
	v2 =	vld [tilespmem:s4+$0x11880]  }
.LBB2_67:
0x2d0: {  	p1 =	sne.s32 s12, $0x9C0;
	v3 =	vld [tilespmem:s4+$0x11600];
	_ =	sdelay $0x2  }
.Ltmp35:
0x2d1: {  	(pc) =	sbr.rel @p1 .LBB2_67-.Ltmp35, $4  }
0x2d2: {  	_ = 	snop  }
0x2d3: {  	v3 =	vadd.f32 v2, v3  }
0x2d4: {  	s22 =	sshra.s32 s12, $0x2  }
0x2d5: {  	s12 =	sadd.s32 $0x40, s12;
	v2 =	vld [tilespmem:s22+$0x11880];
	[tilespmem:s4+$0x11600] =	vst v3;
	s4 =	smov.u32 s22  }
0x2d6: {  	v3 =	vld [tilespmem:s4+$0x11600];
	_ =	sdelay $0x4  }
0x2d7: {  	v2 =	vadd.f32 v2, v3;
	_ =	sdelay $0x1  }
0x2d8: {  	[tilespmem:s4+$0x11600] =	vst v2  }
0x2d9: {  	[tilespmem:s8], [sflag:$0x2] =	stream.linear.gather [spmem:s0], $0x280, $0x38;
	[tilespmem:$0x1C608] =	vst v63  }
0x2da: {  	_ =	swait.ge [sflag:s2], $0x280  }
0x2db: {  	[sflag:s2] =	ssyncset.done $0x0  }
0x2dc: {  	s4 =	simm.s32 $0x0;
	[sflag:s2] =	ssyncadd.s32 $0xFFFFFD80  }
0x2dd: {  	s12 =	simm.s32 $0x40;
	v2 =	vld [tilespmem:s4+$0x11880]  }
.LBB2_69:
0x2de: {  	p1 =	sne.s32 s12, $0x9C0;
	v3 =	vld [tilespmem:s4+$0x11600];
	_ =	sdelay $0x2  }
.Ltmp36:
0x2df: {  	(pc) =	sbr.rel @p1 .LBB2_69-.Ltmp36, $4  }
0x2e0: {  	_ = 	snop  }
0x2e1: {  	v3 =	vadd.f32 v2, v3  }
0x2e2: {  	s22 =	sshra.s32 s12, $0x2  }
0x2e3: {  	s12 =	sadd.s32 $0x40, s12;
	v2 =	vld [tilespmem:s22+$0x11880];
	[tilespmem:s4+$0x11600] =	vst v3;
	s4 =	smov.u32 s22  }
0x2e4: {  	v3 =	vld [tilespmem:s4+$0x11600];
	_ =	sdelay $0x4  }
0x2e5: {  	v2 =	vadd.f32 v2, v3;
	_ =	sdelay $0x1  }
0x2e6: {  	[tilespmem:s4+$0x11600] =	vst v2  }
0x2e7: {  	[tilespmem:s8], [sflag:$0x2] =	stream.linear.gather [spmem:s3], $0x280, $0x38;
	[tilespmem:$0x1C608] =	vst v63  }
0x2e8: {  	_ =	swait.ge [sflag:s2], $0x280  }
0x2e9: {  	[sflag:s2] =	ssyncset.done $0x0  }
0x2ea: {  	s4 =	simm.s32 $0x0;
	[sflag:s2] =	ssyncadd.s32 $0xFFFFFD80  }
0x2eb: {  	s12 =	simm.s32 $0x40;
	v2 =	vld [tilespmem:s4+$0x11880]  }
.LBB2_71:
0x2ec: {  	p1 =	sne.s32 s12, $0x9C0;
	v3 =	vld [tilespmem:s4+$0x11600];
	_ =	sdelay $0x2  }
.Ltmp37:
0x2ed: {  	(pc) =	sbr.rel @p1 .LBB2_71-.Ltmp37, $4  }
0x2ee: {  	_ = 	snop  }
0x2ef: {  	v3 =	vadd.f32 v2, v3  }
0x2f0: {  	s22 =	sshra.s32 s12, $0x2  }
0x2f1: {  	s12 =	sadd.s32 $0x40, s12;
	v2 =	vld [tilespmem:s22+$0x11880];
	[tilespmem:s4+$0x11600] =	vst v3;
	s4 =	smov.u32 s22  }
0x2f2: {  	v3 =	vld [tilespmem:s4+$0x11600];
	_ =	sdelay $0x4  }
0x2f3: {  	v2 =	vadd.f32 v2, v3;
	_ =	sdelay $0x1  }
0x2f4: {  	[tilespmem:s4+$0x11600] =	vst v2  }
0x2f5: {  	[tilespmem:s8], [sflag:$0x2] =	stream.linear.gather [spmem:s1], $0x280, $0x38;
	[tilespmem:$0x1C608] =	vst v63  }
0x2f6: {  	_ =	swait.ge [sflag:s2], $0x280  }
0x2f7: {  	[sflag:s2] =	ssyncset.done $0x0  }
0x2f8: {  	s4 =	simm.s32 $0x0;
	[sflag:s2] =	ssyncadd.s32 $0xFFFFFD80  }
0x2f9: {  	s12 =	simm.s32 $0x40;
	v2 =	vld [tilespmem:s4+$0x11880]  }
.LBB2_73:
0x2fa: {  	p1 =	sne.s32 s12, $0x9C0;
	v3 =	vld [tilespmem:s4+$0x11600];
	_ =	sdelay $0x2  }
.Ltmp38:
0x2fb: {  	(pc) =	sbr.rel @p1 .LBB2_73-.Ltmp38, $4  }
0x2fc: {  	_ = 	snop  }
0x2fd: {  	v3 =	vadd.f32 v2, v3  }
0x2fe: {  	s22 =	sshra.s32 s12, $0x2  }
0x2ff: {  	s12 =	sadd.s32 $0x40, s12;
	v2 =	vld [tilespmem:s22+$0x11880];
	[tilespmem:s4+$0x11600] =	vst v3;
	s4 =	smov.u32 s22  }
0x300: {  	v3 =	vld [tilespmem:s4+$0x11600];
	_ =	sdelay $0x4  }
0x301: {  	v2 =	vadd.f32 v2, v3;
	_ =	sdelay $0x1  }
0x302: {  	[tilespmem:s4+$0x11600] =	vst v2  }
0x303: {  	v2 =	vld [tilespmem:$0x11B00]  }
0x304: {  	s22 =	simm.s32 $0x11620;
	v5 =	vld [tilespmem:s25+$0x10]  }
0x305: {  	v6 =	vld [tilespmem:s22+$0x10]  }
0x306: {  	v3 =	vld [tilespmem:s22+$0xFFFFFFE0]  }
0x307: {  	v4 =	vld [tilespmem:s13+$0x10]  }
0x308: {  	v7 =	vld [tilespmem:s25+$0xFFFFFFF0]  }
0x309: {  	v11 =	vld [tilespmem:s22+$0xFFFFFFF0]  }
0x30a: {  	v8 =	vld [tilespmem:s25+$0x0];
	v5 =	vadd.f32 v6, v5  }
0x30b: {  	v9 =	vld [tilespmem:s22+$0x0]  }
0x30c: {  	v10 =	vld [tilespmem:s25+$0xFFFFFFE0];
	v12 =	vmul.f32 v5, v4  }
0x30d: {  	v6 =	vld [tilespmem:s13+$0xFFFFFFF0]  }
0x30e: {  	s23 =	simm.s32 $0x0;
	v5 =	vld [tilespmem:s13+$0xFFFFFFE0];
	v12 =	vadd.f32 v12, v2  }
0x30f: {  	s12 =	sadd.s32 $0x40, s25;
	s24 =	smov.u32 s13;
	s4 =	simm.s32 $0x11620;
	v11 =	vadd.f32 v11, v7;
	v7 =	vld [tilespmem:s13+$0x0]  }
.LBB2_75:
0x310: {  	v13 =	vld [tilespmem:s12+$0x10];
	v8 =	vadd.f32 v9, v8;
	v4 =	vmul.f32 v12, v4;
	s22 =	sadd.s32 $0x40, s22  }
0x311: {  	s23 =	sadd.s32 $0x4, s23;
	v9 =	vld [tilespmem:s22+$0x10];
	v10 =	vadd.f32 v3, v10  }
0x312: {  	s24 =	sadd.s32 $0x40, s24;
	p1 =	slt.u32 s23, $0x24;
	v3 =	vld [tilespmem:s22+$0xFFFFFFE0];
	[tilespmem:s4+$0x10] =	vst v4  }
0x313: {  	v4 =	vld [tilespmem:s24+$0x10];
	v10 =	vmul.f32 v10, v5;
	v11 =	vmul.f32 v11, v6  }
0x314: {  	v12 =	vld [tilespmem:s12+$0xFFFFFFF0];
	v14 =	vmul.f32 v8, v7  }
0x315: {  	v15 =	vld [tilespmem:s22+$0xFFFFFFF0];
	v10 =	vadd.f32 v10, v2;
	v11 =	vadd.f32 v11, v2  }
0x316: {  	v8 =	vld [tilespmem:s12+$0x0];
	v13 =	vadd.f32 v9, v13;
	v14 =	vadd.f32 v14, v2  }
.Ltmp39:
0x317: {  	v9 =	vld [tilespmem:s22+$0x0];
	v16 =	vmul.f32 v10, v5;
	v17 =	vmul.f32 v11, v6;
	(pc) =	sbr.rel @p1 .LBB2_75-.Ltmp39, $4  }
0x318: {  	v10 =	vld [tilespmem:s12+$0xFFFFFFE0];
	v13 =	vmul.f32 v13, v4;
	v14 =	vmul.f32 v14, v7  }
0x319: {  	v5 =	vld [tilespmem:s24+$0xFFFFFFE0];
	[tilespmem:s4+$0xFFFFFFE0] =	vst v16  }
0x31a: {  	v6 =	vld [tilespmem:s24+$0xFFFFFFF0];
	v11 =	vadd.f32 v15, v12;
	v12 =	vadd.f32 v13, v2;
	[tilespmem:s4+$0xFFFFFFF0] =	vst v17  }
0x31b: {  	s12 =	sadd.s32 $0x40, s12;
	v7 =	vld [tilespmem:s24+$0x0];
	[tilespmem:s4+$0x0] =	vst v14;
	s4 =	smov.u32 s22  }
0x31c: {  	_ = 	snop  }
0x31d: {  	v3 =	vadd.f32 v3, v10;
	_ =	sdelay $0x1  }
0x31e: {  	v8 =	vadd.f32 v9, v8;
	v3 =	vmul.f32 v3, v5  }
0x31f: {  	v62 =	vmul.f32 v11, v6  }
0x320: {  	v8 =	vmul.f32 v8, v7;
	v3 =	vadd.f32 v3, v2  }
0x321: {  	v4 =	vmul.f32 v12, v4;
	v9 =	vadd.f32 v62, v2  }
0x322: {  	v2 =	vadd.f32 v8, v2;
	v3 =	vmul.f32 v3, v5  }
0x323: {  	[tilespmem:s4+$0x10] =	vst v4;
	v63 =	vmul.f32 v9, v6  }
0x324: {  	v2 =	vmul.f32 v2, v7;
	[tilespmem:s4+$0xFFFFFFE0] =	vst v3  }
0x325: {  	[tilespmem:s4+$0xFFFFFFF0] =	vst v63  }
0x326: {  	[tilespmem:s4+$0x0] =	vst v2  }
0x327: {  	[spmem:s21] =	stream.linear.scatter [tilespmem:s7], [sflag:$0x2], $0x280, $0x38;
	[tilespmem:$0x1C608] =	vst v63  }
0x328: {  	_ =	swait.ge [sflag:s2], $0x280  }
0x329: {  	[sflag:s2] =	ssyncset.done $0x0  }
0x32a: {  	[sflag:s2] =	ssyncadd.s32 $0xFFFFFD80  }
0x32b: {  	[bflag:$0x0] =	sbarrier.arrive $0xFFFF  }
0x32c: {  	s29 =	rddreg [dreg:$0x6]  }
0x32d: {  	[tilespmem:s9], [sflag:$0x2] =	stream.linear.gather [spmem:s29], $0x2780, $0x38;
	[tilespmem:$0x1C608] =	vst v63  }
0x32e: {  	_ =	swait.ge [sflag:s2], $0x2780  }
0x32f: {  	[sflag:s2] =	ssyncset.done $0x0  }
0x330: {  	s4 =	simm.s32 $0xEC40;
	[sflag:s2] =	ssyncadd.s32 $0xFFFFD880  }
0x331: {  	[tilespmem:s4+$0xFFFFFFC0] =	vst v0  }
0x332: {  	[tilespmem:s4+$0x30] =	vst v0  }
0x333: {  	[tilespmem:s4+$0x20] =	vst v0  }
0x334: {  	[tilespmem:s4+$0x10] =	vst v0  }
0x335: {  	[tilespmem:s4+$0x0] =	vst v0  }
0x336: {  	[tilespmem:s4+$0xFFFFFFF0] =	vst v0  }
0x337: {  	s12 =	simm.s32 $0x0;
	[tilespmem:s4+$0xFFFFFFE0] =	vst v0  }
.LBB2_77:
0x338: {  	s12 =	sadd.s32 $0x8, s12;
	[tilespmem:s4+$0xFFFFFFD0] =	vst v0;
	s4 =	sadd.s32 $0x80, s4  }
0x339: {  	[tilespmem:s4+$0xFFFFFFC0] =	vst v0;
	p1 =	slt.u32 s12, $0x268  }
0x33a: {  	[tilespmem:s4+$0x30] =	vst v0  }
.Ltmp40:
0x33b: {  	[tilespmem:s4+$0x20] =	vst v0;
	(pc) =	sbr.rel @p1 .LBB2_77-.Ltmp40, $4  }
0x33c: {  	[tilespmem:s4+$0x10] =	vst v0  }
0x33d: {  	[tilespmem:s4+$0x0] =	vst v0  }
0x33e: {  	[tilespmem:s4+$0xFFFFFFF0] =	vst v0  }
0x33f: {  	[tilespmem:s4+$0xFFFFFFE0] =	vst v0  }
0x340: {  	[tilespmem:s4+$0xFFFFFFD0] =	vst v0  }
0x341: {  	s22 =	simm.s32 $0xFFFFFFF0;
	s4 =	simm.s32 $0x4F00;
	s23 =	simm.s32 $0x80;
	[tilespmem:$0x11300] =	vst v0  }
.LBB2_79:
0x342: {  	v2 =	vld [tilespmem:s23+$0xFFFFFF80];
	_ =	sdelay $0x4  }
0x343: {  	v3 =	vld [tilespmem:s4+$0xFFFFFF80];
	_ =	sdelay $0x2  }
0x344: {  	v2 =	vld.idx.msk [tilespmem:v2+s9+$0x0], $0xffff;
	_ =	sdelay $0x4  }
0x345: {  	[tilespmem:v3+s6+$0x0] =	vst.idx.add.f32.msk $0xffff, v2  }
0x346: {  	v2 =	vld [tilespmem:s23+$0xFFFFFF90];
	_ =	sdelay $0x4  }
0x347: {  	v3 =	vld [tilespmem:s4+$0xFFFFFF90];
	_ =	sdelay $0x2  }
0x348: {  	v2 =	vld.idx.msk [tilespmem:v2+s9+$0x0], $0xffff;
	_ =	sdelay $0x4  }
0x349: {  	[tilespmem:v3+s6+$0x0] =	vst.idx.add.f32.msk $0xffff, v2  }
0x34a: {  	v2 =	vld [tilespmem:s23+$0xFFFFFFA0];
	_ =	sdelay $0x4  }
0x34b: {  	v3 =	vld [tilespmem:s4+$0xFFFFFFA0];
	_ =	sdelay $0x2  }
0x34c: {  	v2 =	vld.idx.msk [tilespmem:v2+s9+$0x0], $0xffff;
	_ =	sdelay $0x4  }
0x34d: {  	[tilespmem:v3+s6+$0x0] =	vst.idx.add.f32.msk $0xffff, v2  }
0x34e: {  	v2 =	vld [tilespmem:s23+$0xFFFFFFB0];
	_ =	sdelay $0x4  }
0x34f: {  	v3 =	vld [tilespmem:s4+$0xFFFFFFB0];
	_ =	sdelay $0x2  }
0x350: {  	v2 =	vld.idx.msk [tilespmem:v2+s9+$0x0], $0xffff;
	_ =	sdelay $0x4  }
0x351: {  	[tilespmem:v3+s6+$0x0] =	vst.idx.add.f32.msk $0xffff, v2  }
0x352: {  	v2 =	vld [tilespmem:s23+$0xFFFFFFC0];
	_ =	sdelay $0x4  }
0x353: {  	v3 =	vld [tilespmem:s4+$0xFFFFFFC0];
	_ =	sdelay $0x2  }
0x354: {  	v2 =	vld.idx.msk [tilespmem:v2+s9+$0x0], $0xffff;
	_ =	sdelay $0x4  }
0x355: {  	[tilespmem:v3+s6+$0x0] =	vst.idx.add.f32.msk $0xffff, v2  }
0x356: {  	v2 =	vld [tilespmem:s23+$0xFFFFFFD0];
	_ =	sdelay $0x4  }
0x357: {  	v3 =	vld [tilespmem:s4+$0xFFFFFFD0];
	_ =	sdelay $0x2  }
0x358: {  	v2 =	vld.idx.msk [tilespmem:v2+s9+$0x0], $0xffff;
	_ =	sdelay $0x4  }
0x359: {  	[tilespmem:v3+s6+$0x0] =	vst.idx.add.f32.msk $0xffff, v2  }
0x35a: {  	v2 =	vld [tilespmem:s23+$0xFFFFFFE0];
	_ =	sdelay $0x4  }
0x35b: {  	v3 =	vld [tilespmem:s4+$0xFFFFFFE0];
	_ =	sdelay $0x2  }
0x35c: {  	v2 =	vld.idx.msk [tilespmem:v2+s9+$0x0], $0xffff;
	_ =	sdelay $0x4  }
0x35d: {  	[tilespmem:v3+s6+$0x0] =	vst.idx.add.f32.msk $0xffff, v2  }
0x35e: {  	v2 =	vld [tilespmem:s23+$0xFFFFFFF0];
	_ =	sdelay $0x4  }
0x35f: {  	v3 =	vld [tilespmem:s4+$0xFFFFFFF0];
	_ =	sdelay $0x2  }
0x360: {  	v2 =	vld.idx.msk [tilespmem:v2+s9+$0x0], $0xffff;
	_ =	sdelay $0x4  }
0x361: {  	[tilespmem:v3+s6+$0x0] =	vst.idx.add.f32.msk $0xffff, v2  }
0x362: {  	v2 =	vld [tilespmem:s23+$0x0];
	_ =	sdelay $0x4  }
0x363: {  	v3 =	vld [tilespmem:s4+$0x0];
	_ =	sdelay $0x2  }
0x364: {  	v2 =	vld.idx.msk [tilespmem:v2+s9+$0x0], $0xffff;
	_ =	sdelay $0x4  }
0x365: {  	[tilespmem:v3+s6+$0x0] =	vst.idx.add.f32.msk $0xffff, v2  }
0x366: {  	v2 =	vld [tilespmem:s23+$0x10];
	_ =	sdelay $0x4  }
0x367: {  	v3 =	vld [tilespmem:s4+$0x10];
	_ =	sdelay $0x2  }
0x368: {  	v2 =	vld.idx.msk [tilespmem:v2+s9+$0x0], $0xffff;
	_ =	sdelay $0x4  }
0x369: {  	[tilespmem:v3+s6+$0x0] =	vst.idx.add.f32.msk $0xffff, v2  }
0x36a: {  	v2 =	vld [tilespmem:s23+$0x20];
	_ =	sdelay $0x4  }
0x36b: {  	v3 =	vld [tilespmem:s4+$0x20];
	_ =	sdelay $0x2  }
0x36c: {  	v2 =	vld.idx.msk [tilespmem:v2+s9+$0x0], $0xffff;
	_ =	sdelay $0x4  }
0x36d: {  	[tilespmem:v3+s6+$0x0] =	vst.idx.add.f32.msk $0xffff, v2  }
0x36e: {  	v2 =	vld [tilespmem:s23+$0x30];
	_ =	sdelay $0x4  }
0x36f: {  	v3 =	vld [tilespmem:s4+$0x30];
	_ =	sdelay $0x2  }
0x370: {  	v2 =	vld.idx.msk [tilespmem:v2+s9+$0x0], $0xffff;
	_ =	sdelay $0x4  }
0x371: {  	[tilespmem:v3+s6+$0x0] =	vst.idx.add.f32.msk $0xffff, v2  }
0x372: {  	v2 =	vld [tilespmem:s23+$0x40];
	_ =	sdelay $0x4  }
0x373: {  	v3 =	vld [tilespmem:s4+$0x40];
	_ =	sdelay $0x2  }
0x374: {  	v2 =	vld.idx.msk [tilespmem:v2+s9+$0x0], $0xffff;
	_ =	sdelay $0x4  }
0x375: {  	[tilespmem:v3+s6+$0x0] =	vst.idx.add.f32.msk $0xffff, v2  }
0x376: {  	v2 =	vld [tilespmem:s23+$0x50];
	_ =	sdelay $0x4  }
0x377: {  	v3 =	vld [tilespmem:s4+$0x50];
	_ =	sdelay $0x2  }
0x378: {  	v2 =	vld.idx.msk [tilespmem:v2+s9+$0x0], $0xffff;
	_ =	sdelay $0x4  }
0x379: {  	[tilespmem:v3+s6+$0x0] =	vst.idx.add.f32.msk $0xffff, v2  }
0x37a: {  	v2 =	vld [tilespmem:s23+$0x60];
	_ =	sdelay $0x4  }
0x37b: {  	v3 =	vld [tilespmem:s4+$0x60];
	_ =	sdelay $0x2  }
0x37c: {  	v2 =	vld.idx.msk [tilespmem:v2+s9+$0x0], $0xffff;
	_ =	sdelay $0x4  }
0x37d: {  	[tilespmem:v3+s6+$0x0] =	vst.idx.add.f32.msk $0xffff, v2  }
0x37e: {  	v2 =	vld [tilespmem:s23+$0x70];
	_ =	sdelay $0x4  }
0x37f: {  	v3 =	vld [tilespmem:s4+$0x70];
	_ =	sdelay $0x1  }
0x380: {  	s22 =	sadd.s32 $0x10, s22  }
0x381: {  	p1 =	slt.u32 s22, $0x4D0;
	v2 =	vld.idx.msk [tilespmem:v2+s9+$0x0], $0xffff  }
.Ltmp41:
0x382: {  	_ = 	snop;
	(pc) =	sbr.rel @p1 .LBB2_79-.Ltmp41, $2  }
0x383: {  	_ =	sdelay $0x2  }
0x384: {  	s4 =	sadd.s32 $0x100, s4;
	s23 =	sadd.s32 $0x100, s23;
	[tilespmem:v3+s6+$0x0] =	vst.idx.add.f32.msk $0xffff, v2  }
0x385: {  	v2 =	vld [tilespmem:$0x4E00];
	_ =	sdelay $0x4  }
0x386: {  	v3 =	vld [tilespmem:$0x9C80];
	_ =	sdelay $0x2  }
0x387: {  	v2 =	vld.idx.msk [tilespmem:v2+s9+$0x0], $0xffff;
	_ =	sdelay $0x4  }
0x388: {  	[tilespmem:v3+s6+$0x0] =	vst.idx.add.f32.msk $0xffff, v2  }
0x389: {  	v2 =	vld [tilespmem:$0x4E10];
	_ =	sdelay $0x4  }
0x38a: {  	v3 =	vld [tilespmem:$0x9C90];
	_ =	sdelay $0x2  }
0x38b: {  	v2 =	vld.idx.msk [tilespmem:v2+s9+$0x0], $0xffff;
	_ =	sdelay $0x4  }
0x38c: {  	s4 =	rddreg [dreg:$0xd];
	[tilespmem:v3+s6+$0x0] =	vst.idx.add.f32.msk $0xffff, v2  }
0x38d: {  	[spmem:s4] =	stream.linear.scatter [tilespmem:s6], [sflag:$0x2], $0x2710, $0x38;
	[tilespmem:$0x1C608] =	vst v63  }
0x38e: {  	_ =	swait.ge [sflag:s2], $0x2710  }
0x38f: {  	[sflag:s2] =	ssyncset.done $0x0  }
0x390: {  	[sflag:s2] =	ssyncadd.s32 $0xFFFFD8F0  }
0x391: {  	[bflag:$0x0] =	sbarrier.arrive $0xFFFF  }
0x392: {  	[tilespmem:s7], [sflag:$0x2] =	stream.linear.gather [spmem:s10], $0x280, $0x38;
	[tilespmem:$0x1C608] =	vst v63  }
0x393: {  	_ =	swait.ge [sflag:s2], $0x280  }
0x394: {  	[sflag:s2] =	ssyncset.done $0x0  }
0x395: {  	s29 =	rddreg [dreg:$0xe];
	[sflag:s2] =	ssyncadd.s32 $0xFFFFFD80  }
0x396: {  	[tilespmem:s8], [sflag:$0x2] =	stream.linear.gather [spmem:s29], $0x280, $0x38;
	[tilespmem:$0x1C608] =	vst v63  }
0x397: {  	_ =	swait.ge [sflag:s2], $0x280  }
0x398: {  	[sflag:s2] =	ssyncset.done $0x0  }
0x399: {  	s4 =	simm.s32 $0x0;
	[sflag:s2] =	ssyncadd.s32 $0xFFFFFD80  }
0x39a: {  	s12 =	simm.s32 $0x40;
	v2 =	vld [tilespmem:s4+$0x11880]  }
.LBB2_81:
0x39b: {  	p1 =	sne.s32 s12, $0x9C0;
	v3 =	vld [tilespmem:s4+$0x11600];
	_ =	sdelay $0x2  }
.Ltmp42:
0x39c: {  	(pc) =	sbr.rel @p1 .LBB2_81-.Ltmp42, $4  }
0x39d: {  	_ = 	snop  }
0x39e: {  	v3 =	vadd.f32 v2, v3  }
0x39f: {  	s22 =	sshra.s32 s12, $0x2  }
0x3a0: {  	s12 =	sadd.s32 $0x40, s12;
	v2 =	vld [tilespmem:s22+$0x11880];
	[tilespmem:s4+$0x11600] =	vst v3;
	s4 =	smov.u32 s22  }
0x3a1: {  	v3 =	vld [tilespmem:s4+$0x11600];
	_ =	sdelay $0x4  }
0x3a2: {  	v2 =	vadd.f32 v2, v3;
	_ =	sdelay $0x1  }
0x3a3: {  	[tilespmem:s4+$0x11600] =	vst v2  }
0x3a4: {  	[tilespmem:s8], [sflag:$0x2] =	stream.linear.gather [spmem:s14], $0x280, $0x38;
	[tilespmem:$0x1C608] =	vst v63  }
0x3a5: {  	_ =	swait.ge [sflag:s2], $0x280  }
0x3a6: {  	[sflag:s2] =	ssyncset.done $0x0  }
0x3a7: {  	s4 =	simm.s32 $0x0;
	[sflag:s2] =	ssyncadd.s32 $0xFFFFFD80  }
0x3a8: {  	s12 =	simm.s32 $0x40;
	v2 =	vld [tilespmem:s4+$0x11880]  }
.LBB2_83:
0x3a9: {  	p1 =	sne.s32 s12, $0x9C0;
	v3 =	vld [tilespmem:s4+$0x11600];
	_ =	sdelay $0x2  }
.Ltmp43:
0x3aa: {  	(pc) =	sbr.rel @p1 .LBB2_83-.Ltmp43, $4  }
0x3ab: {  	_ = 	snop  }
0x3ac: {  	v3 =	vadd.f32 v2, v3  }
0x3ad: {  	s22 =	sshra.s32 s12, $0x2  }
0x3ae: {  	s12 =	sadd.s32 $0x40, s12;
	v2 =	vld [tilespmem:s22+$0x11880];
	[tilespmem:s4+$0x11600] =	vst v3;
	s4 =	smov.u32 s22  }
0x3af: {  	v3 =	vld [tilespmem:s4+$0x11600];
	_ =	sdelay $0x4  }
0x3b0: {  	v2 =	vadd.f32 v2, v3;
	_ =	sdelay $0x1  }
0x3b1: {  	[tilespmem:s4+$0x11600] =	vst v2  }
0x3b2: {  	[tilespmem:s8], [sflag:$0x2] =	stream.linear.gather [spmem:s15], $0x280, $0x38;
	[tilespmem:$0x1C608] =	vst v63  }
0x3b3: {  	_ =	swait.ge [sflag:s2], $0x280  }
0x3b4: {  	[sflag:s2] =	ssyncset.done $0x0  }
0x3b5: {  	s4 =	simm.s32 $0x0;
	[sflag:s2] =	ssyncadd.s32 $0xFFFFFD80  }
0x3b6: {  	s12 =	simm.s32 $0x40;
	v2 =	vld [tilespmem:s4+$0x11880]  }
.LBB2_85:
0x3b7: {  	p1 =	sne.s32 s12, $0x9C0;
	v3 =	vld [tilespmem:s4+$0x11600];
	_ =	sdelay $0x2  }
.Ltmp44:
0x3b8: {  	(pc) =	sbr.rel @p1 .LBB2_85-.Ltmp44, $4  }
0x3b9: {  	_ = 	snop  }
0x3ba: {  	v3 =	vadd.f32 v2, v3  }
0x3bb: {  	s22 =	sshra.s32 s12, $0x2  }
0x3bc: {  	s12 =	sadd.s32 $0x40, s12;
	v2 =	vld [tilespmem:s22+$0x11880];
	[tilespmem:s4+$0x11600] =	vst v3;
	s4 =	smov.u32 s22  }
0x3bd: {  	v3 =	vld [tilespmem:s4+$0x11600];
	_ =	sdelay $0x4  }
0x3be: {  	v2 =	vadd.f32 v2, v3;
	_ =	sdelay $0x1  }
0x3bf: {  	[tilespmem:s4+$0x11600] =	vst v2  }
0x3c0: {  	[tilespmem:s8], [sflag:$0x2] =	stream.linear.gather [spmem:s16], $0x280, $0x38;
	[tilespmem:$0x1C608] =	vst v63  }
0x3c1: {  	_ =	swait.ge [sflag:s2], $0x280  }
0x3c2: {  	[sflag:s2] =	ssyncset.done $0x0  }
0x3c3: {  	s4 =	simm.s32 $0x0;
	[sflag:s2] =	ssyncadd.s32 $0xFFFFFD80  }
0x3c4: {  	s12 =	simm.s32 $0x40;
	v2 =	vld [tilespmem:s4+$0x11880]  }
.LBB2_87:
0x3c5: {  	p1 =	sne.s32 s12, $0x9C0;
	v3 =	vld [tilespmem:s4+$0x11600];
	_ =	sdelay $0x2  }
.Ltmp45:
0x3c6: {  	(pc) =	sbr.rel @p1 .LBB2_87-.Ltmp45, $4  }
0x3c7: {  	_ = 	snop  }
0x3c8: {  	v3 =	vadd.f32 v2, v3  }
0x3c9: {  	s22 =	sshra.s32 s12, $0x2  }
0x3ca: {  	s12 =	sadd.s32 $0x40, s12;
	v2 =	vld [tilespmem:s22+$0x11880];
	[tilespmem:s4+$0x11600] =	vst v3;
	s4 =	smov.u32 s22  }
0x3cb: {  	v3 =	vld [tilespmem:s4+$0x11600];
	_ =	sdelay $0x4  }
0x3cc: {  	v2 =	vadd.f32 v2, v3;
	_ =	sdelay $0x1  }
0x3cd: {  	[tilespmem:s4+$0x11600] =	vst v2  }
0x3ce: {  	[tilespmem:s8], [sflag:$0x2] =	stream.linear.gather [spmem:s17], $0x280, $0x38;
	[tilespmem:$0x1C608] =	vst v63  }
0x3cf: {  	_ =	swait.ge [sflag:s2], $0x280  }
0x3d0: {  	[sflag:s2] =	ssyncset.done $0x0  }
0x3d1: {  	s4 =	simm.s32 $0x0;
	[sflag:s2] =	ssyncadd.s32 $0xFFFFFD80  }
0x3d2: {  	s12 =	simm.s32 $0x40;
	v2 =	vld [tilespmem:s4+$0x11880]  }
.LBB2_89:
0x3d3: {  	p1 =	sne.s32 s12, $0x9C0;
	v3 =	vld [tilespmem:s4+$0x11600];
	_ =	sdelay $0x2  }
.Ltmp46:
0x3d4: {  	(pc) =	sbr.rel @p1 .LBB2_89-.Ltmp46, $4  }
0x3d5: {  	_ = 	snop  }
0x3d6: {  	v3 =	vadd.f32 v2, v3  }
0x3d7: {  	s22 =	sshra.s32 s12, $0x2  }
0x3d8: {  	s12 =	sadd.s32 $0x40, s12;
	v2 =	vld [tilespmem:s22+$0x11880];
	[tilespmem:s4+$0x11600] =	vst v3;
	s4 =	smov.u32 s22  }
0x3d9: {  	v3 =	vld [tilespmem:s4+$0x11600];
	_ =	sdelay $0x4  }
0x3da: {  	v2 =	vadd.f32 v2, v3;
	_ =	sdelay $0x1  }
0x3db: {  	[tilespmem:s4+$0x11600] =	vst v2  }
0x3dc: {  	[tilespmem:s8], [sflag:$0x2] =	stream.linear.gather [spmem:s18], $0x280, $0x38;
	[tilespmem:$0x1C608] =	vst v63  }
0x3dd: {  	_ =	swait.ge [sflag:s2], $0x280  }
0x3de: {  	[sflag:s2] =	ssyncset.done $0x0  }
0x3df: {  	s4 =	simm.s32 $0x0;
	[sflag:s2] =	ssyncadd.s32 $0xFFFFFD80  }
0x3e0: {  	s12 =	simm.s32 $0x40;
	v2 =	vld [tilespmem:s4+$0x11880]  }
.LBB2_91:
0x3e1: {  	p1 =	sne.s32 s12, $0x9C0;
	v3 =	vld [tilespmem:s4+$0x11600];
	_ =	sdelay $0x2  }
.Ltmp47:
0x3e2: {  	(pc) =	sbr.rel @p1 .LBB2_91-.Ltmp47, $4  }
0x3e3: {  	_ = 	snop  }
0x3e4: {  	v3 =	vadd.f32 v2, v3  }
0x3e5: {  	s22 =	sshra.s32 s12, $0x2  }
0x3e6: {  	s12 =	sadd.s32 $0x40, s12;
	v2 =	vld [tilespmem:s22+$0x11880];
	[tilespmem:s4+$0x11600] =	vst v3;
	s4 =	smov.u32 s22  }
0x3e7: {  	v3 =	vld [tilespmem:s4+$0x11600];
	_ =	sdelay $0x4  }
0x3e8: {  	v2 =	vadd.f32 v2, v3;
	_ =	sdelay $0x1  }
0x3e9: {  	[tilespmem:s4+$0x11600] =	vst v2  }
0x3ea: {  	[tilespmem:s8], [sflag:$0x2] =	stream.linear.gather [spmem:s20], $0x280, $0x38;
	[tilespmem:$0x1C608] =	vst v63  }
0x3eb: {  	_ =	swait.ge [sflag:s2], $0x280  }
0x3ec: {  	[sflag:s2] =	ssyncset.done $0x0  }
0x3ed: {  	s4 =	simm.s32 $0x0;
	[sflag:s2] =	ssyncadd.s32 $0xFFFFFD80  }
0x3ee: {  	s12 =	simm.s32 $0x40;
	v2 =	vld [tilespmem:s4+$0x11880]  }
.LBB2_93:
0x3ef: {  	p1 =	sne.s32 s12, $0x9C0;
	v3 =	vld [tilespmem:s4+$0x11600];
	_ =	sdelay $0x2  }
.Ltmp48:
0x3f0: {  	(pc) =	sbr.rel @p1 .LBB2_93-.Ltmp48, $4  }
0x3f1: {  	_ = 	snop  }
0x3f2: {  	v3 =	vadd.f32 v2, v3  }
0x3f3: {  	s22 =	sshra.s32 s12, $0x2  }
0x3f4: {  	s12 =	sadd.s32 $0x40, s12;
	v2 =	vld [tilespmem:s22+$0x11880];
	[tilespmem:s4+$0x11600] =	vst v3;
	s4 =	smov.u32 s22  }
0x3f5: {  	v3 =	vld [tilespmem:s4+$0x11600];
	_ =	sdelay $0x4  }
0x3f6: {  	v2 =	vadd.f32 v2, v3;
	_ =	sdelay $0x1  }
0x3f7: {  	[tilespmem:s4+$0x11600] =	vst v2  }
0x3f8: {  	[tilespmem:s8], [sflag:$0x2] =	stream.linear.gather [spmem:s11], $0x280, $0x38;
	[tilespmem:$0x1C608] =	vst v63  }
0x3f9: {  	_ =	swait.ge [sflag:s2], $0x280  }
0x3fa: {  	[sflag:s2] =	ssyncset.done $0x0  }
0x3fb: {  	s4 =	simm.s32 $0x0;
	[sflag:s2] =	ssyncadd.s32 $0xFFFFFD80  }
0x3fc: {  	s12 =	simm.s32 $0x40;
	v2 =	vld [tilespmem:s4+$0x11880]  }
.LBB2_95:
0x3fd: {  	p1 =	sne.s32 s12, $0x9C0;
	v3 =	vld [tilespmem:s4+$0x11600];
	_ =	sdelay $0x2  }
.Ltmp49:
0x3fe: {  	(pc) =	sbr.rel @p1 .LBB2_95-.Ltmp49, $4  }
0x3ff: {  	_ = 	snop  }
0x400: {  	v3 =	vadd.f32 v2, v3  }
0x401: {  	s22 =	sshra.s32 s12, $0x2  }
0x402: {  	s12 =	sadd.s32 $0x40, s12;
	v2 =	vld [tilespmem:s22+$0x11880];
	[tilespmem:s4+$0x11600] =	vst v3;
	s4 =	smov.u32 s22  }
0x403: {  	v3 =	vld [tilespmem:s4+$0x11600];
	_ =	sdelay $0x4  }
0x404: {  	v2 =	vadd.f32 v2, v3;
	_ =	sdelay $0x1  }
0x405: {  	[tilespmem:s4+$0x11600] =	vst v2  }
0x406: {  	[tilespmem:s8], [sflag:$0x2] =	stream.linear.gather [spmem:s26], $0x280, $0x38;
	[tilespmem:$0x1C608] =	vst v63  }
0x407: {  	_ =	swait.ge [sflag:s2], $0x280  }
0x408: {  	[sflag:s2] =	ssyncset.done $0x0  }
0x409: {  	s4 =	simm.s32 $0x0;
	[sflag:s2] =	ssyncadd.s32 $0xFFFFFD80  }
0x40a: {  	s12 =	simm.s32 $0x40;
	v2 =	vld [tilespmem:s4+$0x11880]  }
.LBB2_97:
0x40b: {  	p1 =	sne.s32 s12, $0x9C0;
	v3 =	vld [tilespmem:s4+$0x11600];
	_ =	sdelay $0x2  }
.Ltmp50:
0x40c: {  	(pc) =	sbr.rel @p1 .LBB2_97-.Ltmp50, $4  }
0x40d: {  	_ = 	snop  }
0x40e: {  	v3 =	vadd.f32 v2, v3  }
0x40f: {  	s22 =	sshra.s32 s12, $0x2  }
0x410: {  	s12 =	sadd.s32 $0x40, s12;
	v2 =	vld [tilespmem:s22+$0x11880];
	[tilespmem:s4+$0x11600] =	vst v3;
	s4 =	smov.u32 s22  }
0x411: {  	v3 =	vld [tilespmem:s4+$0x11600];
	_ =	sdelay $0x4  }
0x412: {  	v2 =	vadd.f32 v2, v3;
	_ =	sdelay $0x1  }
0x413: {  	[tilespmem:s4+$0x11600] =	vst v2  }
0x414: {  	[tilespmem:s8], [sflag:$0x2] =	stream.linear.gather [spmem:s28], $0x280, $0x38;
	[tilespmem:$0x1C608] =	vst v63  }
0x415: {  	_ =	swait.ge [sflag:s2], $0x280  }
0x416: {  	[sflag:s2] =	ssyncset.done $0x0  }
0x417: {  	s4 =	simm.s32 $0x0;
	[sflag:s2] =	ssyncadd.s32 $0xFFFFFD80  }
0x418: {  	s12 =	simm.s32 $0x40;
	v2 =	vld [tilespmem:s4+$0x11880]  }
.LBB2_99:
0x419: {  	p1 =	sne.s32 s12, $0x9C0;
	v3 =	vld [tilespmem:s4+$0x11600];
	_ =	sdelay $0x2  }
.Ltmp51:
0x41a: {  	(pc) =	sbr.rel @p1 .LBB2_99-.Ltmp51, $4  }
0x41b: {  	_ = 	snop  }
0x41c: {  	v3 =	vadd.f32 v2, v3  }
0x41d: {  	s22 =	sshra.s32 s12, $0x2  }
0x41e: {  	s12 =	sadd.s32 $0x40, s12;
	v2 =	vld [tilespmem:s22+$0x11880];
	[tilespmem:s4+$0x11600] =	vst v3;
	s4 =	smov.u32 s22  }
0x41f: {  	v3 =	vld [tilespmem:s4+$0x11600];
	_ =	sdelay $0x4  }
0x420: {  	v2 =	vadd.f32 v2, v3;
	_ =	sdelay $0x1  }
0x421: {  	[tilespmem:s4+$0x11600] =	vst v2  }
0x422: {  	[tilespmem:s8], [sflag:$0x2] =	stream.linear.gather [spmem:s31], $0x280, $0x38;
	[tilespmem:$0x1C608] =	vst v63  }
0x423: {  	_ =	swait.ge [sflag:s2], $0x280  }
0x424: {  	[sflag:s2] =	ssyncset.done $0x0  }
0x425: {  	s4 =	simm.s32 $0x0;
	[sflag:s2] =	ssyncadd.s32 $0xFFFFFD80  }
0x426: {  	s12 =	simm.s32 $0x40;
	v2 =	vld [tilespmem:s4+$0x11880]  }
.LBB2_101:
0x427: {  	p1 =	sne.s32 s12, $0x9C0;
	v3 =	vld [tilespmem:s4+$0x11600];
	_ =	sdelay $0x2  }
.Ltmp52:
0x428: {  	(pc) =	sbr.rel @p1 .LBB2_101-.Ltmp52, $4  }
0x429: {  	_ = 	snop  }
0x42a: {  	v3 =	vadd.f32 v2, v3  }
0x42b: {  	s22 =	sshra.s32 s12, $0x2  }
0x42c: {  	s12 =	sadd.s32 $0x40, s12;
	v2 =	vld [tilespmem:s22+$0x11880];
	[tilespmem:s4+$0x11600] =	vst v3;
	s4 =	smov.u32 s22  }
0x42d: {  	v3 =	vld [tilespmem:s4+$0x11600];
	_ =	sdelay $0x4  }
0x42e: {  	v2 =	vadd.f32 v2, v3;
	_ =	sdelay $0x1  }
0x42f: {  	[tilespmem:s4+$0x11600] =	vst v2  }
0x430: {  	[tilespmem:s8], [sflag:$0x2] =	stream.linear.gather [spmem:s30], $0x280, $0x38;
	[tilespmem:$0x1C608] =	vst v63  }
0x431: {  	_ =	swait.ge [sflag:s2], $0x280  }
0x432: {  	[sflag:s2] =	ssyncset.done $0x0  }
0x433: {  	s4 =	simm.s32 $0x0;
	[sflag:s2] =	ssyncadd.s32 $0xFFFFFD80  }
0x434: {  	s12 =	simm.s32 $0x40;
	v2 =	vld [tilespmem:s4+$0x11880]  }
.LBB2_103:
0x435: {  	p1 =	sne.s32 s12, $0x9C0;
	v3 =	vld [tilespmem:s4+$0x11600];
	_ =	sdelay $0x2  }
.Ltmp53:
0x436: {  	(pc) =	sbr.rel @p1 .LBB2_103-.Ltmp53, $4  }
0x437: {  	_ = 	snop  }
0x438: {  	v3 =	vadd.f32 v2, v3  }
0x439: {  	s22 =	sshra.s32 s12, $0x2  }
0x43a: {  	s12 =	sadd.s32 $0x40, s12;
	v2 =	vld [tilespmem:s22+$0x11880];
	[tilespmem:s4+$0x11600] =	vst v3;
	s4 =	smov.u32 s22  }
0x43b: {  	v3 =	vld [tilespmem:s4+$0x11600];
	_ =	sdelay $0x4  }
0x43c: {  	v2 =	vadd.f32 v2, v3;
	_ =	sdelay $0x1  }
0x43d: {  	[tilespmem:s4+$0x11600] =	vst v2  }
0x43e: {  	[tilespmem:s8], [sflag:$0x2] =	stream.linear.gather [spmem:s0], $0x280, $0x38;
	[tilespmem:$0x1C608] =	vst v63  }
0x43f: {  	_ =	swait.ge [sflag:s2], $0x280  }
0x440: {  	[sflag:s2] =	ssyncset.done $0x0  }
0x441: {  	s4 =	simm.s32 $0x0;
	[sflag:s2] =	ssyncadd.s32 $0xFFFFFD80  }
0x442: {  	s12 =	simm.s32 $0x40;
	v2 =	vld [tilespmem:s4+$0x11880]  }
.LBB2_105:
0x443: {  	p1 =	sne.s32 s12, $0x9C0;
	v3 =	vld [tilespmem:s4+$0x11600];
	_ =	sdelay $0x2  }
.Ltmp54:
0x444: {  	(pc) =	sbr.rel @p1 .LBB2_105-.Ltmp54, $4  }
0x445: {  	_ = 	snop  }
0x446: {  	v3 =	vadd.f32 v2, v3  }
0x447: {  	s22 =	sshra.s32 s12, $0x2  }
0x448: {  	s12 =	sadd.s32 $0x40, s12;
	v2 =	vld [tilespmem:s22+$0x11880];
	[tilespmem:s4+$0x11600] =	vst v3;
	s4 =	smov.u32 s22  }
0x449: {  	v3 =	vld [tilespmem:s4+$0x11600];
	_ =	sdelay $0x4  }
0x44a: {  	v2 =	vadd.f32 v2, v3;
	_ =	sdelay $0x1  }
0x44b: {  	[tilespmem:s4+$0x11600] =	vst v2  }
0x44c: {  	[tilespmem:s8], [sflag:$0x2] =	stream.linear.gather [spmem:s3], $0x280, $0x38;
	[tilespmem:$0x1C608] =	vst v63  }
0x44d: {  	_ =	swait.ge [sflag:s2], $0x280  }
0x44e: {  	[sflag:s2] =	ssyncset.done $0x0  }
0x44f: {  	s4 =	simm.s32 $0x0;
	[sflag:s2] =	ssyncadd.s32 $0xFFFFFD80  }
0x450: {  	s12 =	simm.s32 $0x40;
	v2 =	vld [tilespmem:s4+$0x11880]  }
.LBB2_107:
0x451: {  	p1 =	sne.s32 s12, $0x9C0;
	v3 =	vld [tilespmem:s4+$0x11600];
	_ =	sdelay $0x2  }
.Ltmp55:
0x452: {  	(pc) =	sbr.rel @p1 .LBB2_107-.Ltmp55, $4  }
0x453: {  	_ = 	snop  }
0x454: {  	v3 =	vadd.f32 v2, v3  }
0x455: {  	s22 =	sshra.s32 s12, $0x2  }
0x456: {  	s12 =	sadd.s32 $0x40, s12;
	v2 =	vld [tilespmem:s22+$0x11880];
	[tilespmem:s4+$0x11600] =	vst v3;
	s4 =	smov.u32 s22  }
0x457: {  	v3 =	vld [tilespmem:s4+$0x11600];
	_ =	sdelay $0x4  }
0x458: {  	v2 =	vadd.f32 v2, v3;
	_ =	sdelay $0x1  }
0x459: {  	[tilespmem:s4+$0x11600] =	vst v2  }
0x45a: {  	[tilespmem:s8], [sflag:$0x2] =	stream.linear.gather [spmem:s1], $0x280, $0x38;
	[tilespmem:$0x1C608] =	vst v63  }
0x45b: {  	_ =	swait.ge [sflag:s2], $0x280  }
0x45c: {  	[sflag:s2] =	ssyncset.done $0x0  }
0x45d: {  	s4 =	simm.s32 $0x0;
	[sflag:s2] =	ssyncadd.s32 $0xFFFFFD80  }
0x45e: {  	s12 =	simm.s32 $0x40;
	v2 =	vld [tilespmem:s4+$0x11880]  }
.LBB2_109:
0x45f: {  	p1 =	sne.s32 s12, $0x9C0;
	v3 =	vld [tilespmem:s4+$0x11600];
	_ =	sdelay $0x2  }
.Ltmp56:
0x460: {  	(pc) =	sbr.rel @p1 .LBB2_109-.Ltmp56, $4  }
0x461: {  	_ = 	snop  }
0x462: {  	v3 =	vadd.f32 v2, v3  }
0x463: {  	s22 =	sshra.s32 s12, $0x2  }
0x464: {  	s12 =	sadd.s32 $0x40, s12;
	v2 =	vld [tilespmem:s22+$0x11880];
	[tilespmem:s4+$0x11600] =	vst v3;
	s4 =	smov.u32 s22  }
0x465: {  	v3 =	vld [tilespmem:s4+$0x11600];
	_ =	sdelay $0x4  }
0x466: {  	v2 =	vadd.f32 v2, v3;
	_ =	sdelay $0x1  }
0x467: {  	[tilespmem:s4+$0x11600] =	vst v2  }
0x468: {  	v2 =	vld [tilespmem:$0x11B10]  }
0x469: {  	s22 =	simm.s32 $0x11620;
	v5 =	vld [tilespmem:s25+$0x10]  }
0x46a: {  	v6 =	vld [tilespmem:s22+$0x10]  }
0x46b: {  	v3 =	vld [tilespmem:s22+$0xFFFFFFE0]  }
0x46c: {  	v7 =	vld [tilespmem:s13+$0x10]  }
0x46d: {  	v9 =	vld [tilespmem:s25+$0xFFFFFFF0]  }
0x46e: {  	v10 =	vld [tilespmem:s22+$0xFFFFFFF0]  }
0x46f: {  	v4 =	vld [tilespmem:s25+$0x0];
	v5 =	vadd.f32 v6, v5  }
0x470: {  	v8 =	vld [tilespmem:s22+$0x0]  }
0x471: {  	v6 =	vld [tilespmem:s25+$0xFFFFFFE0];
	v11 =	vmul.f32 v5, v7  }
0x472: {  	v5 =	vld [tilespmem:s13+$0xFFFFFFE0]  }
0x473: {  	s12 =	sadd.s32 $0x40, s25;
	v7 =	vld [tilespmem:s13+$0xFFFFFFF0];
	v11 =	vadd.f32 v11, v2  }
0x474: {  	s23 =	simm.s32 $0x11620;
	s24 =	smov.u32 s13;
	s4 =	simm.s32 $0x0;
	v9 =	vadd.f32 v10, v9;
	v10 =	vld [tilespmem:s13+$0x0]  }
.LBB2_111:
0x475: {  	v12 =	vld [tilespmem:s12+$0x10];
	v4 =	vadd.f32 v8, v4;
	[tilespmem:s22+$0x10] =	vst v11;
	s23 =	sadd.s32 $0x40, s23  }
0x476: {  	s4 =	sadd.s32 $0x4, s4;
	v8 =	vld [tilespmem:s23+$0x10];
	v6 =	vadd.f32 v3, v6  }
0x477: {  	s24 =	sadd.s32 $0x40, s24;
	p1 =	slt.u32 s4, $0x24;
	v3 =	vld [tilespmem:s23+$0xFFFFFFE0]  }
0x478: {  	v11 =	vld [tilespmem:s24+$0x10];
	v5 =	vmul.f32 v6, v5;
	v6 =	vmul.f32 v9, v7  }
0x479: {  	v9 =	vld [tilespmem:s12+$0xFFFFFFF0];
	v7 =	vmul.f32 v4, v10  }
0x47a: {  	v10 =	vld [tilespmem:s23+$0xFFFFFFF0];
	v5 =	vadd.f32 v5, v2;
	v13 =	vadd.f32 v6, v2  }
0x47b: {  	v4 =	vld [tilespmem:s12+$0x0];
	v12 =	vadd.f32 v8, v12;
	v7 =	vadd.f32 v7, v2  }
.Ltmp57:
0x47c: {  	v8 =	vld [tilespmem:s23+$0x0];
	[tilespmem:s22+$0xFFFFFFE0] =	vst v5;
	(pc) =	sbr.rel @p1 .LBB2_111-.Ltmp57, $4  }
0x47d: {  	v6 =	vld [tilespmem:s12+$0xFFFFFFE0];
	v11 =	vmul.f32 v12, v11;
	[tilespmem:s22+$0xFFFFFFF0] =	vst v13  }
0x47e: {  	v5 =	vld [tilespmem:s24+$0xFFFFFFE0];
	[tilespmem:s22+$0x0] =	vst v7;
	s22 =	smov.u32 s23  }
0x47f: {  	v7 =	vld [tilespmem:s24+$0xFFFFFFF0];
	v9 =	vadd.f32 v10, v9;
	v11 =	vadd.f32 v11, v2  }
0x480: {  	s12 =	sadd.s32 $0x40, s12;
	v10 =	vld [tilespmem:s24+$0x0]  }
0x481: {  	_ = 	snop  }
0x482: {  	v3 =	vadd.f32 v3, v6;
	_ =	sdelay $0x1  }
0x483: {  	v4 =	vadd.f32 v8, v4;
	v3 =	vmul.f32 v3, v5  }
0x484: {  	v63 =	vmul.f32 v9, v7  }
0x485: {  	v4 =	vmul.f32 v4, v10;
	v3 =	vadd.f32 v3, v2  }
0x486: {  	[tilespmem:s22+$0x10] =	vst v11;
	v5 =	vadd.f32 v63, v2  }
0x487: {  	v2 =	vadd.f32 v4, v2;
	[tilespmem:s22+$0xFFFFFFE0] =	vst v3  }
0x488: {  	[tilespmem:s22+$0xFFFFFFF0] =	vst v5  }
0x489: {  	[tilespmem:s22+$0x0] =	vst v2  }
.Ltmp58:
0x48a: {  	s4 =	rddreg [dreg:$0x10];
	(pc) =	sbr.rel .LBB2_113-.Ltmp58, $4  }
0x48b: {  	[hbm4b:s4+s5] =	stream.linear.scatter [tilespmem:s7], [sflag:$0x2], $0x280, $0x38;
	[tilespmem:$0x1C608] =	vst v63  }
0x48c: {  	_ =	swait.ge [sflag:s2], $0x280  }
0x48d: {  	[sflag:s2] =	ssyncset.done $0x0  }
0x48e: {  	s12 =	rddreg [dreg:$0x11];
	[sflag:s2] =	ssyncadd.s32 $0xFFFFFD80  }
.LBB2_114:
0x48f: {  	_ =	sfence.sel $0x180000  }
0x490: {  	[bflag:$0x0] =	sbarrier.arrive $0xFFFF  }
0x491: {  	_ =	strace $0x90000047  }
0x492: {  	s0 =	stileid.u32;
	[bflag:$0x2] =	sbarrier.arrive $0xFFFF  }
0x493: {  	p0 =	sne.s32 s0, $0x0;
	s0 =	rddreg [dreg:$0x7]  }
0x494: {  	s0 =	sadd.s32 @!p0 $0x100000, s0  }
0x495: {  	[sflag:s0] =	ssyncadd.tile.s32 @!p0 $0x1;
	_ =	shalt  }
.Lfunc_end2:
_tile_overlayer_lowered:
.L_overlay_start_2:
0x496: {  	(tag) =	ssettag $0x2  }
0x497: {  	s0 =	rddreg [dreg:$0x0];
	s2 =	stileid.u32  }
0x498: {  	s1 =	rddreg [dreg:$0x1];
	p0 =	sne.s32 s2, $0x0  }
0x499: {  	s3 =	rddreg [dreg:$0x2];
	[bflag:$0x3] =	sbarrier.arrive $0xFFFF;
	s2 =	simm.s32 @!p0 $0x1C02  }
0x49a: {  	[timem:s3], [sflag:s2] =	dma.local @!p0 [hbm:s0], s1  }
0x49b: {  	s0 =	simm.s32 @!p0 $0x2  }
0x49c: {  	_ =	swait.ge @!p0 [sflag:s0], s1  }
0x49d: {  	s1 =	ssub.s32 @!p0 $0x0, s1;
	[sflag:s0] =	ssyncset.done @!p0 $0x0  }
0x49e: {  	[sflag:s0] =	ssyncadd.s32 @!p0 s1  }
0x49f: {  	[bflag:$0x3] =	sbarrier.arrive $0xFFFF  }
0x4a0: {  	_ =	shalt  }

</sc_bundles>
